<compile_context>
chip_gen: v7x
topology: tpu7x:2x2x1
jax: 0.10.2.dev20260603
libtpu: 0.0.44.dev20260713+nightly
codegen_flags: <defaults>
</compile_context>

<pallas_src>
import functools
import math

import jax
import jax.numpy as jnp
from jax import lax
from jax.experimental import pallas as pl
from jax.experimental.pallas import tpu as pltpu
from jax.experimental.pallas import tpu_sc as plsc

NC = 2
NS = 16
L = 16
NW = NC * NS

VOCAB = 1000
D = 128
NUM_TABLES = 3
SCALE = math.sqrt(128.0)

BBLK = 128
CB = 64
NP = 4
STAGE_ROWS = 32


def _body(ph_t, onset, rhyme, tone, out, sh0, sh1, sh2, stg, *rest):
    cid = lax.axis_index("c")
    sid = lax.axis_index("s")
    wid = sid * NC + cid

    seq = out.shape[0]
    nch = 2 * seq
    b0 = wid * BBLK
    shared = (sh0, sh1, sh2)
    ibuf = rest[0:NP]
    rows = tuple(tuple(rest[NP + j * NP + p] for p in range(NP))
                 for j in range(NUM_TABLES))
    sems = rest[NP + NUM_TABLES * NP:]
    semg = tuple(sems[j * NP:(j + 1) * NP] for j in range(NUM_TABLES))
    semw = tuple(sems[(NUM_TABLES + j) * NP:(NUM_TABLES + j + 1) * NP]
                 for j in range(NUM_TABLES))
    semi = sems[2 * NUM_TABLES * NP:]

    def chunk_pos(c):
        return c // 2, b0 + (c % 2) * CB

    def fire_idx(p, c):
        s, _ = chunk_pos(c)
        pltpu.async_copy(ph_t.at[:, s, pl.ds(b0, BBLK)], ibuf[p], semi[p])

    def wait_idx(p, c):
        s, _ = chunk_pos(c)
        pltpu.make_async_copy(ph_t.at[:, s, pl.ds(b0, BBLK)], ibuf[p],
                              semi[p]).wait()

    def idx_run(j, p, c):
        return ibuf[p].at[j, pl.ds((c % 2) * CB, CB)]

    def fire_gather(j, p, c):
        pltpu.async_copy(shared[j].at[idx_run(j, p, c)], rows[j][p],
                         semg[j][p])

    def wait_gather(j, p, c):
        pltpu.make_async_copy(shared[j].at[idx_run(j, p, c)], rows[j][p],
                              semg[j][p]).wait()

    def out_slice(j, c):
        s, bc = chunk_pos(c)
        return out.at[s, pl.ds(bc, CB), pl.ds(j * D, D)]

    def fire_write(j, p, c):
        pltpu.async_copy(rows[j][p], out_slice(j, c), semw[j][p])

    def wait_write(j, p, c):
        pltpu.make_async_copy(rows[j][p], out_slice(j, c),
                              semw[j][p]).wait()

    for p in range(NP):
        fire_idx(p, jnp.int32(p))

    for j, tab in enumerate((onset, rhyme, tone)):
        for k in range(2):
            t0 = jnp.minimum(sid * (2 * STAGE_ROWS), VOCAB - 2 * STAGE_ROWS) \
                + k * STAGE_ROWS
            pltpu.sync_copy(tab.at[pl.ds(t0, STAGE_ROWS)], stg)

            def scale_row(i, _):
                for h in range(D // L):
                    stg[i, pl.ds(h * L, L)] = stg[i, pl.ds(h * L, L)] * SCALE
                return 0

            lax.fori_loop(0, STAGE_ROWS, scale_row, 0)
            pltpu.sync_copy(stg, shared[j].at[pl.ds(t0, STAGE_ROWS)])
    plsc.subcore_barrier()

    for p in range(NP):
        c = jnp.int32(p)
        wait_idx(p, c)
        for j in range(NUM_TABLES):
            fire_gather(j, p, c)

    def quad_body(i, _):
        base = NP * i
        for p in range(NP):
            c_old = base + p
            for j in range(NUM_TABLES):
                wait_gather(j, p, c_old)
            for j in range(NUM_TABLES):
                fire_write(j, p, c_old)
            fire_idx(p, c_old + NP)
        for p in range(NP):
            c_old = base + p
            wait_idx(p, c_old + NP)
            for j in range(NUM_TABLES):
                wait_write(j, p, c_old)
                fire_gather(j, p, c_old + NP)
        return 0

    lax.fori_loop(0, nch // NP - 1, quad_body, 0)

    for p in range(NP):
        c = jnp.int32(nch - NP + p)
        for j in range(NUM_TABLES):
            wait_gather(j, p, c)
        for j in range(NUM_TABLES):
            fire_write(j, p, c)
    for p in range(NP):
        c = jnp.int32(nch - NP + p)
        for j in range(NUM_TABLES):
            wait_write(j, p, c)


def _make(n_batch, seq):
    mesh = plsc.VectorSubcoreMesh(core_axis_name="c", subcore_axis_name="s")
    return pl.kernel(
        _body,
        out_type=jax.ShapeDtypeStruct((seq, n_batch, NUM_TABLES * D),
                                      jnp.float32),
        mesh=mesh,
        compiler_params=pltpu.CompilerParams(needs_layout_passes=False),
        scratch_types=[
            pltpu.VMEM_SHARED((VOCAB, D), jnp.float32),
            pltpu.VMEM_SHARED((VOCAB, D), jnp.float32),
            pltpu.VMEM_SHARED((VOCAB, D), jnp.float32),
            pltpu.VMEM((STAGE_ROWS, D), jnp.float32),
        ] + [pltpu.VMEM((NUM_TABLES, BBLK), jnp.int32)] * NP
          + [pltpu.VMEM((CB, D), jnp.float32)] * (NUM_TABLES * NP)
          + [pltpu.SemaphoreType.DMA] * (2 * NUM_TABLES * NP + NP),
    )


@jax.jit
def kernel(phoneme_tensor, onset_table, rhyme_table, tone_table):
    b, s, _ = phoneme_tensor.shape
    ph_t = phoneme_tensor.astype(jnp.int32).transpose(2, 1, 0)
    out3 = _make(b, s)(ph_t, onset_table, rhyme_table, tone_table)
    return out3.transpose(1, 0, 2)

# --- scband reference (transcript-rebuilt; emitter-appended) ---
"""Pipeline reference for scband-phoneme-embedding-43147241455975 (READ-ONLY COPY).

The authoritative reference and input builder live on the scoring server;
editing this copy changes nothing except your own understanding.
"""

import jax, jax.numpy as jnp
import numpy as np
import math

ONSET_VOCAB = 1000
RHYME_VOCAB = 1000
TONE_VOCAB = 1000
ONSET_DIM = 128
RHYME_TONE_DIM = 128
BATCH = 4096
SEQ = 50


def setup_inputs(seed: int = 0) -> dict:
    key = jax.random.key(seed)
    k_idx, k_onset, k_rhyme, k_tone = jax.random.split(key, 4)
    phoneme_tensor = jax.random.randint(k_idx, (BATCH, SEQ, 3), 0, ONSET_VOCAB, dtype=jnp.int64 if jax.config.jax_enable_x64 else jnp.int32)
    onset_table = jax.random.normal(k_onset, (ONSET_VOCAB, ONSET_DIM), dtype=jnp.float32)
    rhyme_table = jax.random.normal(k_rhyme, (RHYME_VOCAB, RHYME_TONE_DIM), dtype=jnp.float32)
    tone_table = jax.random.normal(k_tone, (TONE_VOCAB, RHYME_TONE_DIM), dtype=jnp.float32)
    return {
        "phoneme_tensor": phoneme_tensor,
        "onset_table": onset_table,
        "rhyme_table": rhyme_table,
        "tone_table": tone_table,
    }


def reference(phoneme_tensor, onset_table, rhyme_table, tone_table):
    onset_indices = phoneme_tensor[:, :, 0]
    rhyme_indices = phoneme_tensor[:, :, 1]
    tone_indices = phoneme_tensor[:, :, 2]
    onset_emb = jnp.take(onset_table, onset_indices, axis=0) * math.sqrt(ONSET_DIM)
    rhyme_emb = jnp.take(rhyme_table, rhyme_indices, axis=0) * math.sqrt(RHYME_TONE_DIM)
    tone_emb = jnp.take(tone_table, tone_indices, axis=0) * math.sqrt(RHYME_TONE_DIM)
    word_embeddings = jnp.concatenate((onset_emb, rhyme_emb, tone_emb), axis=-1)
    return word_embeddings

if __name__ == "__main__":
    import jax
    _d = setup_inputs()
    print(jax.jit(kernel)(*tuple(_d.values())))

</pallas_src>

<mosaic_0001>
#map = affine_map<(d0, d1) -> (0, 0, 0)>
#map1 = affine_map<(d0, d1) -> (0, 0)>
module attributes {stable_mosaic.version = 14 : i64} {
  func.func @_body(%arg0: i32, %arg1: i32, %arg2: memref<3x50x4096xi32, #tpu.memory_space<hbm>>, %arg3: memref<1000x128xf32, #tpu.memory_space<hbm>>, %arg4: memref<1000x128xf32, #tpu.memory_space<hbm>>, %arg5: memref<1000x128xf32, #tpu.memory_space<hbm>>, %arg6: memref<50x4096x384xf32, #tpu.memory_space<hbm>>, %arg7: memref<1000x128xf32, #tpu.memory_space<vmem_shared>>, %arg8: memref<1000x128xf32, #tpu.memory_space<vmem_shared>>, %arg9: memref<1000x128xf32, #tpu.memory_space<vmem_shared>>, %arg10: memref<32x128xf32, #tpu.memory_space<vmem>>, %arg11: memref<3x128xi32, #tpu.memory_space<vmem>>, %arg12: memref<3x128xi32, #tpu.memory_space<vmem>>, %arg13: memref<3x128xi32, #tpu.memory_space<vmem>>, %arg14: memref<3x128xi32, #tpu.memory_space<vmem>>, %arg15: memref<64x128xf32, #tpu.memory_space<vmem>>, %arg16: memref<64x128xf32, #tpu.memory_space<vmem>>, %arg17: memref<64x128xf32, #tpu.memory_space<vmem>>, %arg18: memref<64x128xf32, #tpu.memory_space<vmem>>, %arg19: memref<64x128xf32, #tpu.memory_space<vmem>>, %arg20: memref<64x128xf32, #tpu.memory_space<vmem>>, %arg21: memref<64x128xf32, #tpu.memory_space<vmem>>, %arg22: memref<64x128xf32, #tpu.memory_space<vmem>>, %arg23: memref<64x128xf32, #tpu.memory_space<vmem>>, %arg24: memref<64x128xf32, #tpu.memory_space<vmem>>, %arg25: memref<64x128xf32, #tpu.memory_space<vmem>>, %arg26: memref<64x128xf32, #tpu.memory_space<vmem>>, %arg27: memref<!tpu.dma_semaphore, #tpu.memory_space<semaphore_mem>>, %arg28: memref<!tpu.dma_semaphore, #tpu.memory_space<semaphore_mem>>, %arg29: memref<!tpu.dma_semaphore, #tpu.memory_space<semaphore_mem>>, %arg30: memref<!tpu.dma_semaphore, #tpu.memory_space<semaphore_mem>>, %arg31: memref<!tpu.dma_semaphore, #tpu.memory_space<semaphore_mem>>, %arg32: memref<!tpu.dma_semaphore, #tpu.memory_space<semaphore_mem>>, %arg33: memref<!tpu.dma_semaphore, #tpu.memory_space<semaphore_mem>>, %arg34: memref<!tpu.dma_semaphore, #tpu.memory_space<semaphore_mem>>, %arg35: memref<!tpu.dma_semaphore, #tpu.memory_space<semaphore_mem>>, %arg36: memref<!tpu.dma_semaphore, #tpu.memory_space<semaphore_mem>>, %arg37: memref<!tpu.dma_semaphore, #tpu.memory_space<semaphore_mem>>, %arg38: memref<!tpu.dma_semaphore, #tpu.memory_space<semaphore_mem>>, %arg39: memref<!tpu.dma_semaphore, #tpu.memory_space<semaphore_mem>>, %arg40: memref<!tpu.dma_semaphore, #tpu.memory_space<semaphore_mem>>, %arg41: memref<!tpu.dma_semaphore, #tpu.memory_space<semaphore_mem>>, %arg42: memref<!tpu.dma_semaphore, #tpu.memory_space<semaphore_mem>>, %arg43: memref<!tpu.dma_semaphore, #tpu.memory_space<semaphore_mem>>, %arg44: memref<!tpu.dma_semaphore, #tpu.memory_space<semaphore_mem>>, %arg45: memref<!tpu.dma_semaphore, #tpu.memory_space<semaphore_mem>>, %arg46: memref<!tpu.dma_semaphore, #tpu.memory_space<semaphore_mem>>, %arg47: memref<!tpu.dma_semaphore, #tpu.memory_space<semaphore_mem>>, %arg48: memref<!tpu.dma_semaphore, #tpu.memory_space<semaphore_mem>>, %arg49: memref<!tpu.dma_semaphore, #tpu.memory_space<semaphore_mem>>, %arg50: memref<!tpu.dma_semaphore, #tpu.memory_space<semaphore_mem>>, %arg51: memref<!tpu.dma_semaphore, #tpu.memory_space<semaphore_mem>>, %arg52: memref<!tpu.dma_semaphore, #tpu.memory_space<semaphore_mem>>, %arg53: memref<!tpu.dma_semaphore, #tpu.memory_space<semaphore_mem>>, %arg54: memref<!tpu.dma_semaphore, #tpu.memory_space<semaphore_mem>>) attributes {dimension_semantics = [#tpu.dimension_semantics<core_parallel>, #tpu.dimension_semantics<subcore_parallel>], iteration_bounds = array<i64: 2, 16>, scalar_prefetch = 0 : i64, scratch_operands = 48 : i64, tpu.core_type = #tpu.core_type<sc_vector_subcore>, window_params = [{transform_indices = #map}, {transform_indices = #map1}, {transform_indices = #map1}, {transform_indices = #map1}, {transform_indices = #map}]} {
    %mul3A = arith.constant 2 : i32
    %mul3A_0 = arith.muli %arg1, %mul3A : i32
    %add3A = arith.addi %mul3A_0, %arg0 : i32
    %mul3A_1 = arith.constant 128 : i32
    %mul3A_2 = arith.muli %add3A, %mul3A_1 : i32
    %jit3A = arith.constant 0 : i32
    %jit3A_3 = arith.constant 2 : i32
    %div3A = arith.divsi %jit3A, %jit3A_3 : i32
    %sign3A = arith.constant 0 : i32
    %sign3A_4 = arith.cmpi sgt, %jit3A, %sign3A : i32
    %sign3A_5 = arith.extui %sign3A_4 : i1 to i32
    %sign3A_6 = arith.constant 0 : i32
    %sign3A_7 = arith.cmpi slt, %jit3A, %sign3A_6 : i32
    %sign3A_8 = arith.extui %sign3A_7 : i1 to i32
    %sign3A_9 = arith.subi %sign3A_5, %sign3A_8 : i32
    %sign3A_10 = arith.constant 0 : i32
    %sign3A_11 = arith.cmpi sgt, %jit3A_3, %sign3A_10 : i32
    %sign3A_12 = arith.extui %sign3A_11 : i1 to i32
    %sign3A_13 = arith.constant 0 : i32
    %sign3A_14 = arith.cmpi slt, %jit3A_3, %sign3A_13 : i32
    %sign3A_15 = arith.extui %sign3A_14 : i1 to i32
    %sign3A_16 = arith.subi %sign3A_12, %sign3A_15 : i32
    %ne3A = arith.cmpi ne, %sign3A_9, %sign3A_16 : i32
    %rem3A = arith.remsi %jit3A, %jit3A_3 : i32
    %ne3A_17 = arith.constant 0 : i32
    %ne3A_18 = arith.cmpi ne, %rem3A, %ne3A_17 : i32
    %and3A = arith.andi %ne3A, %ne3A_18 : i1
    %sub3A = arith.constant 1 : i32
    %sub3A_19 = arith.subi %div3A, %sub3A : i32
    %select_n3A = arith.select %and3A, %sub3A_19, %div3A : i32
    %jit3A_20 = arith.constant 0 : i32
    %jit3A_21 = arith.constant 2 : i32
    %eq3A = arith.constant 0 : i32
    %eq3A_22 = arith.cmpi eq, %jit3A_21, %eq3A : i32
    %jit3A_23 = arith.constant 1 : i32
    %select_n3A_24 = arith.select %eq3A_22, %jit3A_23, %jit3A_21 : i32
    %rem3A_25 = arith.remsi %jit3A_20, %select_n3A_24 : i32
    %ne3A_26 = arith.constant 0 : i32
    %ne3A_27 = arith.cmpi ne, %rem3A_25, %ne3A_26 : i32
    %lt3A = arith.constant 0 : i32
    %lt3A_28 = arith.cmpi slt, %rem3A_25, %lt3A : i32
    %lt3A_29 = arith.constant 0 : i32
    %lt3A_30 = arith.cmpi slt, %select_n3A_24, %lt3A_29 : i32
    %ne3A_31 = arith.xori %lt3A_28, %lt3A_30 : i1
    %and3A_32 = arith.andi %ne3A_31, %ne3A_27 : i1
    %add3A_33 = arith.addi %rem3A_25, %select_n3A_24 : i32
    %select_n3A_34 = arith.select %and3A_32, %add3A_33, %rem3A_25 : i32
    %mul3A_35 = arith.constant 64 : i32
    %mul3A_36 = arith.muli %select_n3A_34, %mul3A_35 : i32
    %add3A_37 = arith.addi %mul3A_2, %mul3A_36 : i32
    %dma_start3A = arith.constant 0 : i32
    %dma_start3A_38 = tpu.memref_slice %arg2[%dma_start3A, %select_n3A, %mul3A_2] : memref<3x50x4096xi32, #tpu.memory_space<hbm>> -> memref<3x1x128xi32, #tpu.memory_space<hbm>>
    %dma_start3A_39 = tpu.memref_squeeze %dma_start3A_38 : memref<3x1x128xi32, #tpu.memory_space<hbm>> -> memref<3x128xi32, #tpu.memory_space<hbm>>
    %dma_start3A_40 = arith.constant 0 : i32
    %dma_start3A_41 = tpu.memref_slice %arg2[%dma_start3A_40, %select_n3A, %mul3A_2] : memref<3x50x4096xi32, #tpu.memory_space<hbm>> -> memref<3x1x128xi32, #tpu.memory_space<hbm>>
    %dma_start3A_42 = tpu.memref_squeeze %dma_start3A_41 : memref<3x1x128xi32, #tpu.memory_space<hbm>> -> memref<3x128xi32, #tpu.memory_space<hbm>>
    tpu.enqueue_dma source(%dma_start3A_42 : memref<3x128xi32, #tpu.memory_space<hbm>>) target(%arg11 : memref<3x128xi32, #tpu.memory_space<vmem>>) target_semaphore(%arg51 : memref<!tpu.dma_semaphore, #tpu.memory_space<semaphore_mem>>)
    %jit3A_43 = arith.constant 1 : i32
    %jit3A_44 = arith.constant 2 : i32
    %div3A_45 = arith.divsi %jit3A_43, %jit3A_44 : i32
    %sign3A_46 = arith.constant 0 : i32
    %sign3A_47 = arith.cmpi sgt, %jit3A_43, %sign3A_46 : i32
    %sign3A_48 = arith.extui %sign3A_47 : i1 to i32
    %sign3A_49 = arith.constant 0 : i32
    %sign3A_50 = arith.cmpi slt, %jit3A_43, %sign3A_49 : i32
    %sign3A_51 = arith.extui %sign3A_50 : i1 to i32
    %sign3A_52 = arith.subi %sign3A_48, %sign3A_51 : i32
    %sign3A_53 = arith.constant 0 : i32
    %sign3A_54 = arith.cmpi sgt, %jit3A_44, %sign3A_53 : i32
    %sign3A_55 = arith.extui %sign3A_54 : i1 to i32
    %sign3A_56 = arith.constant 0 : i32
    %sign3A_57 = arith.cmpi slt, %jit3A_44, %sign3A_56 : i32
    %sign3A_58 = arith.extui %sign3A_57 : i1 to i32
    %sign3A_59 = arith.subi %sign3A_55, %sign3A_58 : i32
    %ne3A_60 = arith.cmpi ne, %sign3A_52, %sign3A_59 : i32
    %rem3A_61 = arith.remsi %jit3A_43, %jit3A_44 : i32
    %ne3A_62 = arith.constant 0 : i32
    %ne3A_63 = arith.cmpi ne, %rem3A_61, %ne3A_62 : i32
    %and3A_64 = arith.andi %ne3A_60, %ne3A_63 : i1
    %sub3A_65 = arith.constant 1 : i32
    %sub3A_66 = arith.subi %div3A_45, %sub3A_65 : i32
    %select_n3A_67 = arith.select %and3A_64, %sub3A_66, %div3A_45 : i32
    %jit3A_68 = arith.constant 1 : i32
    %jit3A_69 = arith.constant 2 : i32
    %eq3A_70 = arith.constant 0 : i32
    %eq3A_71 = arith.cmpi eq, %jit3A_69, %eq3A_70 : i32
    %jit3A_72 = arith.constant 1 : i32
    %select_n3A_73 = arith.select %eq3A_71, %jit3A_72, %jit3A_69 : i32
    %rem3A_74 = arith.remsi %jit3A_68, %select_n3A_73 : i32
    %ne3A_75 = arith.constant 0 : i32
    %ne3A_76 = arith.cmpi ne, %rem3A_74, %ne3A_75 : i32
    %lt3A_77 = arith.constant 0 : i32
    %lt3A_78 = arith.cmpi slt, %rem3A_74, %lt3A_77 : i32
    %lt3A_79 = arith.constant 0 : i32
    %lt3A_80 = arith.cmpi slt, %select_n3A_73, %lt3A_79 : i32
    %ne3A_81 = arith.xori %lt3A_78, %lt3A_80 : i1
    %and3A_82 = arith.andi %ne3A_81, %ne3A_76 : i1
    %add3A_83 = arith.addi %rem3A_74, %select_n3A_73 : i32
    %select_n3A_84 = arith.select %and3A_82, %add3A_83, %rem3A_74 : i32
    %mul3A_85 = arith.constant 64 : i32
    %mul3A_86 = arith.muli %select_n3A_84, %mul3A_85 : i32
    %add3A_87 = arith.addi %mul3A_2, %mul3A_86 : i32
    %dma_start3A_88 = arith.constant 0 : i32
    %dma_start3A_89 = tpu.memref_slice %arg2[%dma_start3A_88, %select_n3A_67, %mul3A_2] : memref<3x50x4096xi32, #tpu.memory_space<hbm>> -> memref<3x1x128xi32, #tpu.memory_space<hbm>>
    %dma_start3A_90 = tpu.memref_squeeze %dma_start3A_89 : memref<3x1x128xi32, #tpu.memory_space<hbm>> -> memref<3x128xi32, #tpu.memory_space<hbm>>
    %dma_start3A_91 = arith.constant 0 : i32
    %dma_start3A_92 = tpu.memref_slice %arg2[%dma_start3A_91, %select_n3A_67, %mul3A_2] : memref<3x50x4096xi32, #tpu.memory_space<hbm>> -> memref<3x1x128xi32, #tpu.memory_space<hbm>>
    %dma_start3A_93 = tpu.memref_squeeze %dma_start3A_92 : memref<3x1x128xi32, #tpu.memory_space<hbm>> -> memref<3x128xi32, #tpu.memory_space<hbm>>
    tpu.enqueue_dma source(%dma_start3A_93 : memref<3x128xi32, #tpu.memory_space<hbm>>) target(%arg12 : memref<3x128xi32, #tpu.memory_space<vmem>>) target_semaphore(%arg52 : memref<!tpu.dma_semaphore, #tpu.memory_space<semaphore_mem>>)
    %jit3A_94 = arith.constant 2 : i32
    %jit3A_95 = arith.constant 2 : i32
    %div3A_96 = arith.divsi %jit3A_94, %jit3A_95 : i32
    %sign3A_97 = arith.constant 0 : i32
    %sign3A_98 = arith.cmpi sgt, %jit3A_94, %sign3A_97 : i32
    %sign3A_99 = arith.extui %sign3A_98 : i1 to i32
    %sign3A_100 = arith.constant 0 : i32
    %sign3A_101 = arith.cmpi slt, %jit3A_94, %sign3A_100 : i32
    %sign3A_102 = arith.extui %sign3A_101 : i1 to i32
    %sign3A_103 = arith.subi %sign3A_99, %sign3A_102 : i32
    %sign3A_104 = arith.constant 0 : i32
    %sign3A_105 = arith.cmpi sgt, %jit3A_95, %sign3A_104 : i32
    %sign3A_106 = arith.extui %sign3A_105 : i1 to i32
    %sign3A_107 = arith.constant 0 : i32
    %sign3A_108 = arith.cmpi slt, %jit3A_95, %sign3A_107 : i32
    %sign3A_109 = arith.extui %sign3A_108 : i1 to i32
    %sign3A_110 = arith.subi %sign3A_106, %sign3A_109 : i32
    %ne3A_111 = arith.cmpi ne, %sign3A_103, %sign3A_110 : i32
    %rem3A_112 = arith.remsi %jit3A_94, %jit3A_95 : i32
    %ne3A_113 = arith.constant 0 : i32
    %ne3A_114 = arith.cmpi ne, %rem3A_112, %ne3A_113 : i32
    %and3A_115 = arith.andi %ne3A_111, %ne3A_114 : i1
    %sub3A_116 = arith.constant 1 : i32
    %sub3A_117 = arith.subi %div3A_96, %sub3A_116 : i32
    %select_n3A_118 = arith.select %and3A_115, %sub3A_117, %div3A_96 : i32
    %jit3A_119 = arith.constant 2 : i32
    %jit3A_120 = arith.constant 2 : i32
    %eq3A_121 = arith.constant 0 : i32
    %eq3A_122 = arith.cmpi eq, %jit3A_120, %eq3A_121 : i32
    %jit3A_123 = arith.constant 1 : i32
    %select_n3A_124 = arith.select %eq3A_122, %jit3A_123, %jit3A_120 : i32
    %rem3A_125 = arith.remsi %jit3A_119, %select_n3A_124 : i32
    %ne3A_126 = arith.constant 0 : i32
    %ne3A_127 = arith.cmpi ne, %rem3A_125, %ne3A_126 : i32
    %lt3A_128 = arith.constant 0 : i32
    %lt3A_129 = arith.cmpi slt, %rem3A_125, %lt3A_128 : i32
    %lt3A_130 = arith.constant 0 : i32
    %lt3A_131 = arith.cmpi slt, %select_n3A_124, %lt3A_130 : i32
    %ne3A_132 = arith.xori %lt3A_129, %lt3A_131 : i1
    %and3A_133 = arith.andi %ne3A_132, %ne3A_127 : i1
    %add3A_134 = arith.addi %rem3A_125, %select_n3A_124 : i32
    %select_n3A_135 = arith.select %and3A_133, %add3A_134, %rem3A_125 : i32
    %mul3A_136 = arith.constant 64 : i32
    %mul3A_137 = arith.muli %select_n3A_135, %mul3A_136 : i32
    %add3A_138 = arith.addi %mul3A_2, %mul3A_137 : i32
    %dma_start3A_139 = arith.constant 0 : i32
    %dma_start3A_140 = tpu.memref_slice %arg2[%dma_start3A_139, %select_n3A_118, %mul3A_2] : memref<3x50x4096xi32, #tpu.memory_space<hbm>> -> memref<3x1x128xi32, #tpu.memory_space<hbm>>
    %dma_start3A_141 = tpu.memref_squeeze %dma_start3A_140 : memref<3x1x128xi32, #tpu.memory_space<hbm>> -> memref<3x128xi32, #tpu.memory_space<hbm>>
    %dma_start3A_142 = arith.constant 0 : i32
    %dma_start3A_143 = tpu.memref_slice %arg2[%dma_start3A_142, %select_n3A_118, %mul3A_2] : memref<3x50x4096xi32, #tpu.memory_space<hbm>> -> memref<3x1x128xi32, #tpu.memory_space<hbm>>
    %dma_start3A_144 = tpu.memref_squeeze %dma_start3A_143 : memref<3x1x128xi32, #tpu.memory_space<hbm>> -> memref<3x128xi32, #tpu.memory_space<hbm>>
    tpu.enqueue_dma source(%dma_start3A_144 : memref<3x128xi32, #tpu.memory_space<hbm>>) target(%arg13 : memref<3x128xi32, #tpu.memory_space<vmem>>) target_semaphore(%arg53 : memref<!tpu.dma_semaphore, #tpu.memory_space<semaphore_mem>>)
    %jit3A_145 = arith.constant 3 : i32
    %jit3A_146 = arith.constant 2 : i32
    %div3A_147 = arith.divsi %jit3A_145, %jit3A_146 : i32
    %sign3A_148 = arith.constant 0 : i32
    %sign3A_149 = arith.cmpi sgt, %jit3A_145, %sign3A_148 : i32
    %sign3A_150 = arith.extui %sign3A_149 : i1 to i32
    %sign3A_151 = arith.constant 0 : i32
    %sign3A_152 = arith.cmpi slt, %jit3A_145, %sign3A_151 : i32
    %sign3A_153 = arith.extui %sign3A_152 : i1 to i32
    %sign3A_154 = arith.subi %sign3A_150, %sign3A_153 : i32
    %sign3A_155 = arith.constant 0 : i32
    %sign3A_156 = arith.cmpi sgt, %jit3A_146, %sign3A_155 : i32
    %sign3A_157 = arith.extui %sign3A_156 : i1 to i32
    %sign3A_158 = arith.constant 0 : i32
    %sign3A_159 = arith.cmpi slt, %jit3A_146, %sign3A_158 : i32
    %sign3A_160 = arith.extui %sign3A_159 : i1 to i32
    %sign3A_161 = arith.subi %sign3A_157, %sign3A_160 : i32
    %ne3A_162 = arith.cmpi ne, %sign3A_154, %sign3A_161 : i32
    %rem3A_163 = arith.remsi %jit3A_145, %jit3A_146 : i32
    %ne3A_164 = arith.constant 0 : i32
    %ne3A_165 = arith.cmpi ne, %rem3A_163, %ne3A_164 : i32
    %and3A_166 = arith.andi %ne3A_162, %ne3A_165 : i1
    %sub3A_167 = arith.constant 1 : i32
    %sub3A_168 = arith.subi %div3A_147, %sub3A_167 : i32
    %select_n3A_169 = arith.select %and3A_166, %sub3A_168, %div3A_147 : i32
    %jit3A_170 = arith.constant 3 : i32
    %jit3A_171 = arith.constant 2 : i32
    %eq3A_172 = arith.constant 0 : i32
    %eq3A_173 = arith.cmpi eq, %jit3A_171, %eq3A_172 : i32
    %jit3A_174 = arith.constant 1 : i32
    %select_n3A_175 = arith.select %eq3A_173, %jit3A_174, %jit3A_171 : i32
    %rem3A_176 = arith.remsi %jit3A_170, %select_n3A_175 : i32
    %ne3A_177 = arith.constant 0 : i32
    %ne3A_178 = arith.cmpi ne, %rem3A_176, %ne3A_177 : i32
    %lt3A_179 = arith.constant 0 : i32
    %lt3A_180 = arith.cmpi slt, %rem3A_176, %lt3A_179 : i32
    %lt3A_181 = arith.constant 0 : i32
    %lt3A_182 = arith.cmpi slt, %select_n3A_175, %lt3A_181 : i32
    %ne3A_183 = arith.xori %lt3A_180, %lt3A_182 : i1
    %and3A_184 = arith.andi %ne3A_183, %ne3A_178 : i1
    %add3A_185 = arith.addi %rem3A_176, %select_n3A_175 : i32
    %select_n3A_186 = arith.select %and3A_184, %add3A_185, %rem3A_176 : i32
    %mul3A_187 = arith.constant 64 : i32
    %mul3A_188 = arith.muli %select_n3A_186, %mul3A_187 : i32
    %add3A_189 = arith.addi %mul3A_2, %mul3A_188 : i32
    %dma_start3A_190 = arith.constant 0 : i32
    %dma_start3A_191 = tpu.memref_slice %arg2[%dma_start3A_190, %select_n3A_169, %mul3A_2] : memref<3x50x4096xi32, #tpu.memory_space<hbm>> -> memref<3x1x128xi32, #tpu.memory_space<hbm>>
    %dma_start3A_192 = tpu.memref_squeeze %dma_start3A_191 : memref<3x1x128xi32, #tpu.memory_space<hbm>> -> memref<3x128xi32, #tpu.memory_space<hbm>>
    %dma_start3A_193 = arith.constant 0 : i32
    %dma_start3A_194 = tpu.memref_slice %arg2[%dma_start3A_193, %select_n3A_169, %mul3A_2] : memref<3x50x4096xi32, #tpu.memory_space<hbm>> -> memref<3x1x128xi32, #tpu.memory_space<hbm>>
    %dma_start3A_195 = tpu.memref_squeeze %dma_start3A_194 : memref<3x1x128xi32, #tpu.memory_space<hbm>> -> memref<3x128xi32, #tpu.memory_space<hbm>>
    tpu.enqueue_dma source(%dma_start3A_195 : memref<3x128xi32, #tpu.memory_space<hbm>>) target(%arg14 : memref<3x128xi32, #tpu.memory_space<vmem>>) target_semaphore(%arg54 : memref<!tpu.dma_semaphore, #tpu.memory_space<semaphore_mem>>)
    %mul3A_196 = arith.constant 64 : i32
    %mul3A_197 = arith.muli %arg1, %mul3A_196 : i32
    %min3A = arith.constant 936 : i32
    %min3A_198 = arith.minsi %mul3A_197, %min3A : i32
    %add3A_199 = arith.constant 0 : i32
    %add3A_200 = arith.addi %min3A_198, %add3A_199 : i32
    "tpu.region"() ({
      %run_scoped3A = tpu.sem_alloc : memref<!tpu.dma_semaphore, #tpu.memory_space<semaphore_mem>>
      %dma_start3A_2306 = arith.constant 0 : i32
      %dma_start3A_2307 = tpu.memref_slice %arg3[%add3A_200, %dma_start3A_2306] : memref<1000x128xf32, #tpu.memory_space<hbm>> -> memref<32x128xf32, #tpu.memory_space<hbm>>
      %dma_start3A_2308 = arith.constant 0 : i32
      %dma_start3A_2309 = tpu.memref_slice %arg3[%add3A_200, %dma_start3A_2308] : memref<1000x128xf32, #tpu.memory_space<hbm>> -> memref<32x128xf32, #tpu.memory_space<hbm>>
      tpu.enqueue_dma source(%dma_start3A_2309 : memref<32x128xf32, #tpu.memory_space<hbm>>) target(%arg10 : memref<32x128xf32, #tpu.memory_space<vmem>>) target_semaphore(%run_scoped3A : memref<!tpu.dma_semaphore, #tpu.memory_space<semaphore_mem>>)
      %dma_wait3A_2310 = arith.constant 0 : i32
      %dma_wait3A_2311 = tpu.memref_slice %arg3[%add3A_200, %dma_wait3A_2310] : memref<1000x128xf32, #tpu.memory_space<hbm>> -> memref<32x128xf32, #tpu.memory_space<hbm>>
      %dma_wait3A_2312 = arith.constant 0 : i32
      %dma_wait3A_2313 = tpu.memref_slice %arg3[%add3A_200, %dma_wait3A_2312] : memref<1000x128xf32, #tpu.memory_space<hbm>> -> memref<32x128xf32, #tpu.memory_space<hbm>>
      tpu.wait_dma2 semaphore(%run_scoped3A : memref<!tpu.dma_semaphore, #tpu.memory_space<semaphore_mem>>) src(%dma_wait3A_2313 : memref<32x128xf32, #tpu.memory_space<hbm>>) dst(%arg10 : memref<32x128xf32, #tpu.memory_space<vmem>>)
      tpu.yield
    }) : () -> ()
    %scan3A = arith.constant 0 : i32
    %scan3A_201 = arith.constant 0 : i32
    %scan3A_202 = arith.constant 32 : i32
    %scan3A_203 = arith.addi %scan3A_201, %scan3A_202 : i32
    %scan3A_204 = arith.constant 1 : i32
    %scan3A_205 = scf.for %scan3A_2306 = %scan3A_201 to %scan3A_203 step %scan3A_204 iter_args(%scan3A_2307 = %scan3A) -> (i32)  : i32 {
      %get3A = arith.index_cast %scan3A_2306 : i32 to index
      %get3A_2308 = arith.constant 0 : index
      %get3A_2309 = tpu.vector_load %arg10[%get3A, %get3A_2308] {strides = array<i32>} : memref<32x128xf32, #tpu.memory_space<vmem>>, vector<16xf32>,
      %mul3A_2310 = arith.constant 11.3137083 : f32
      %mul3A_2311 = vector.broadcast %mul3A_2310 : f32 to vector<16xf32>
      %mul3A_2312 = arith.mulf %get3A_2309, %mul3A_2311 : vector<16xf32>
      %swap3A = arith.index_cast %scan3A_2306 : i32 to index
      %swap3A_2313 = arith.constant 0 : index
      %swap3A_2314 = tpu.vector_load %arg10[%swap3A, %swap3A_2313] {strides = array<i32>} : memref<32x128xf32, #tpu.memory_space<vmem>>, vector<16xf32>,
      tpu.vector_store %arg10[%swap3A, %swap3A_2313], %mul3A_2312 {strides = array<i32>} : memref<32x128xf32, #tpu.memory_space<vmem>>, vector<16xf32>,
      %get3A_2315 = arith.index_cast %scan3A_2306 : i32 to index
      %get3A_2316 = arith.constant 16 : index
      %get3A_2317 = tpu.vector_load %arg10[%get3A_2315, %get3A_2316] {strides = array<i32>} : memref<32x128xf32, #tpu.memory_space<vmem>>, vector<16xf32>,
      %mul3A_2318 = arith.constant 11.3137083 : f32
      %mul3A_2319 = vector.broadcast %mul3A_2318 : f32 to vector<16xf32>
      %mul3A_2320 = arith.mulf %get3A_2317, %mul3A_2319 : vector<16xf32>
      %swap3A_2321 = arith.index_cast %scan3A_2306 : i32 to index
      %swap3A_2322 = arith.constant 16 : index
      %swap3A_2323 = tpu.vector_load %arg10[%swap3A_2321, %swap3A_2322] {strides = array<i32>} : memref<32x128xf32, #tpu.memory_space<vmem>>, vector<16xf32>,
      tpu.vector_store %arg10[%swap3A_2321, %swap3A_2322], %mul3A_2320 {strides = array<i32>} : memref<32x128xf32, #tpu.memory_space<vmem>>, vector<16xf32>,
      %get3A_2324 = arith.index_cast %scan3A_2306 : i32 to index
      %get3A_2325 = arith.constant 32 : index
      %get3A_2326 = tpu.vector_load %arg10[%get3A_2324, %get3A_2325] {strides = array<i32>} : memref<32x128xf32, #tpu.memory_space<vmem>>, vector<16xf32>,
      %mul3A_2327 = arith.constant 11.3137083 : f32
      %mul3A_2328 = vector.broadcast %mul3A_2327 : f32 to vector<16xf32>
      %mul3A_2329 = arith.mulf %get3A_2326, %mul3A_2328 : vector<16xf32>
      %swap3A_2330 = arith.index_cast %scan3A_2306 : i32 to index
      %swap3A_2331 = arith.constant 32 : index
      %swap3A_2332 = tpu.vector_load %arg10[%swap3A_2330, %swap3A_2331] {strides = array<i32>} : memref<32x128xf32, #tpu.memory_space<vmem>>, vector<16xf32>,
      tpu.vector_store %arg10[%swap3A_2330, %swap3A_2331], %mul3A_2329 {strides = array<i32>} : memref<32x128xf32, #tpu.memory_space<vmem>>, vector<16xf32>,
      %get3A_2333 = arith.index_cast %scan3A_2306 : i32 to index
      %get3A_2334 = arith.constant 48 : index
      %get3A_2335 = tpu.vector_load %arg10[%get3A_2333, %get3A_2334] {strides = array<i32>} : memref<32x128xf32, #tpu.memory_space<vmem>>, vector<16xf32>,
      %mul3A_2336 = arith.constant 11.3137083 : f32
      %mul3A_2337 = vector.broadcast %mul3A_2336 : f32 to vector<16xf32>
      %mul3A_2338 = arith.mulf %get3A_2335, %mul3A_2337 : vector<16xf32>
      %swap3A_2339 = arith.index_cast %scan3A_2306 : i32 to index
      %swap3A_2340 = arith.constant 48 : index
      %swap3A_2341 = tpu.vector_load %arg10[%swap3A_2339, %swap3A_2340] {strides = array<i32>} : memref<32x128xf32, #tpu.memory_space<vmem>>, vector<16xf32>,
      tpu.vector_store %arg10[%swap3A_2339, %swap3A_2340], %mul3A_2338 {strides = array<i32>} : memref<32x128xf32, #tpu.memory_space<vmem>>, vector<16xf32>,
      %get3A_2342 = arith.index_cast %scan3A_2306 : i32 to index
      %get3A_2343 = arith.constant 64 : index
      %get3A_2344 = tpu.vector_load %arg10[%get3A_2342, %get3A_2343] {strides = array<i32>} : memref<32x128xf32, #tpu.memory_space<vmem>>, vector<16xf32>,
      %mul3A_2345 = arith.constant 11.3137083 : f32
      %mul3A_2346 = vector.broadcast %mul3A_2345 : f32 to vector<16xf32>
      %mul3A_2347 = arith.mulf %get3A_2344, %mul3A_2346 : vector<16xf32>
      %swap3A_2348 = arith.index_cast %scan3A_2306 : i32 to index
      %swap3A_2349 = arith.constant 64 : index
      %swap3A_2350 = tpu.vector_load %arg10[%swap3A_2348, %swap3A_2349] {strides = array<i32>} : memref<32x128xf32, #tpu.memory_space<vmem>>, vector<16xf32>,
      tpu.vector_store %arg10[%swap3A_2348, %swap3A_2349], %mul3A_2347 {strides = array<i32>} : memref<32x128xf32, #tpu.memory_space<vmem>>, vector<16xf32>,
      %get3A_2351 = arith.index_cast %scan3A_2306 : i32 to index
      %get3A_2352 = arith.constant 80 : index
      %get3A_2353 = tpu.vector_load %arg10[%get3A_2351, %get3A_2352] {strides = array<i32>} : memref<32x128xf32, #tpu.memory_space<vmem>>, vector<16xf32>,
      %mul3A_2354 = arith.constant 11.3137083 : f32
      %mul3A_2355 = vector.broadcast %mul3A_2354 : f32 to vector<16xf32>
      %mul3A_2356 = arith.mulf %get3A_2353, %mul3A_2355 : vector<16xf32>
      %swap3A_2357 = arith.index_cast %scan3A_2306 : i32 to index
      %swap3A_2358 = arith.constant 80 : index
      %swap3A_2359 = tpu.vector_load %arg10[%swap3A_2357, %swap3A_2358] {strides = array<i32>} : memref<32x128xf32, #tpu.memory_space<vmem>>, vector<16xf32>,
      tpu.vector_store %arg10[%swap3A_2357, %swap3A_2358], %mul3A_2356 {strides = array<i32>} : memref<32x128xf32, #tpu.memory_space<vmem>>, vector<16xf32>,
      %get3A_2360 = arith.index_cast %scan3A_2306 : i32 to index
      %get3A_2361 = arith.constant 96 : index
      %get3A_2362 = tpu.vector_load %arg10[%get3A_2360, %get3A_2361] {strides = array<i32>} : memref<32x128xf32, #tpu.memory_space<vmem>>, vector<16xf32>,
      %mul3A_2363 = arith.constant 11.3137083 : f32
      %mul3A_2364 = vector.broadcast %mul3A_2363 : f32 to vector<16xf32>
      %mul3A_2365 = arith.mulf %get3A_2362, %mul3A_2364 : vector<16xf32>
      %swap3A_2366 = arith.index_cast %scan3A_2306 : i32 to index
      %swap3A_2367 = arith.constant 96 : index
      %swap3A_2368 = tpu.vector_load %arg10[%swap3A_2366, %swap3A_2367] {strides = array<i32>} : memref<32x128xf32, #tpu.memory_space<vmem>>, vector<16xf32>,
      tpu.vector_store %arg10[%swap3A_2366, %swap3A_2367], %mul3A_2365 {strides = array<i32>} : memref<32x128xf32, #tpu.memory_space<vmem>>, vector<16xf32>,
      %get3A_2369 = arith.index_cast %scan3A_2306 : i32 to index
      %get3A_2370 = arith.constant 112 : index
      %get3A_2371 = tpu.vector_load %arg10[%get3A_2369, %get3A_2370] {strides = array<i32>} : memref<32x128xf32, #tpu.memory_space<vmem>>, vector<16xf32>,
      %mul3A_2372 = arith.constant 11.3137083 : f32
      %mul3A_2373 = vector.broadcast %mul3A_2372 : f32 to vector<16xf32>
      %mul3A_2374 = arith.mulf %get3A_2371, %mul3A_2373 : vector<16xf32>
      %swap3A_2375 = arith.index_cast %scan3A_2306 : i32 to index
      %swap3A_2376 = arith.constant 112 : index
      %swap3A_2377 = tpu.vector_load %arg10[%swap3A_2375, %swap3A_2376] {strides = array<i32>} : memref<32x128xf32, #tpu.memory_space<vmem>>, vector<16xf32>,
      tpu.vector_store %arg10[%swap3A_2375, %swap3A_2376], %mul3A_2374 {strides = array<i32>} : memref<32x128xf32, #tpu.memory_space<vmem>>, vector<16xf32>,
      %scan3A_2378 = arith.constant 0 : i32
      scf.yield %scan3A_2378 : i32
    }
    %scan3A_206 = arith.constant 32 : i32
    "tpu.region"() ({
      %run_scoped3A = tpu.sem_alloc : memref<!tpu.dma_semaphore, #tpu.memory_space<semaphore_mem>>
      %dma_start3A_2306 = arith.constant 0 : i32
      %dma_start3A_2307 = tpu.memref_slice %arg7[%add3A_200, %dma_start3A_2306] : memref<1000x128xf32, #tpu.memory_space<vmem_shared>> -> memref<32x128xf32, #tpu.memory_space<vmem_shared>>
      %dma_start3A_2308 = arith.constant 0 : i32
      %dma_start3A_2309 = tpu.memref_slice %arg7[%add3A_200, %dma_start3A_2308] : memref<1000x128xf32, #tpu.memory_space<vmem_shared>> -> memref<32x128xf32, #tpu.memory_space<vmem_shared>>
      tpu.enqueue_dma source(%arg10 : memref<32x128xf32, #tpu.memory_space<vmem>>) target(%dma_start3A_2309 : memref<32x128xf32, #tpu.memory_space<vmem_shared>>) target_semaphore(%run_scoped3A : memref<!tpu.dma_semaphore, #tpu.memory_space<semaphore_mem>>)
      %dma_wait3A_2310 = arith.constant 0 : i32
      %dma_wait3A_2311 = tpu.memref_slice %arg7[%add3A_200, %dma_wait3A_2310] : memref<1000x128xf32, #tpu.memory_space<vmem_shared>> -> memref<32x128xf32, #tpu.memory_space<vmem_shared>>
      %dma_wait3A_2312 = arith.constant 0 : i32
      %dma_wait3A_2313 = tpu.memref_slice %arg7[%add3A_200, %dma_wait3A_2312] : memref<1000x128xf32, #tpu.memory_space<vmem_shared>> -> memref<32x128xf32, #tpu.memory_space<vmem_shared>>
      tpu.wait_dma2 semaphore(%run_scoped3A : memref<!tpu.dma_semaphore, #tpu.memory_space<semaphore_mem>>) src(%arg10 : memref<32x128xf32, #tpu.memory_space<vmem>>) dst(%dma_wait3A_2313 : memref<32x128xf32, #tpu.memory_space<vmem_shared>>)
      tpu.yield
    }) : () -> ()
    %mul3A_207 = arith.constant 64 : i32
    %mul3A_208 = arith.muli %arg1, %mul3A_207 : i32
    %min3A_209 = arith.constant 936 : i32
    %min3A_210 = arith.minsi %mul3A_208, %min3A_209 : i32
    %add3A_211 = arith.constant 32 : i32
    %add3A_212 = arith.addi %min3A_210, %add3A_211 : i32
    "tpu.region"() ({
      %run_scoped3A = tpu.sem_alloc : memref<!tpu.dma_semaphore, #tpu.memory_space<semaphore_mem>>
      %dma_start3A_2306 = arith.constant 0 : i32
      %dma_start3A_2307 = tpu.memref_slice %arg3[%add3A_212, %dma_start3A_2306] : memref<1000x128xf32, #tpu.memory_space<hbm>> -> memref<32x128xf32, #tpu.memory_space<hbm>>
      %dma_start3A_2308 = arith.constant 0 : i32
      %dma_start3A_2309 = tpu.memref_slice %arg3[%add3A_212, %dma_start3A_2308] : memref<1000x128xf32, #tpu.memory_space<hbm>> -> memref<32x128xf32, #tpu.memory_space<hbm>>
      tpu.enqueue_dma source(%dma_start3A_2309 : memref<32x128xf32, #tpu.memory_space<hbm>>) target(%arg10 : memref<32x128xf32, #tpu.memory_space<vmem>>) target_semaphore(%run_scoped3A : memref<!tpu.dma_semaphore, #tpu.memory_space<semaphore_mem>>)
      %dma_wait3A_2310 = arith.constant 0 : i32
      %dma_wait3A_2311 = tpu.memref_slice %arg3[%add3A_212, %dma_wait3A_2310] : memref<1000x128xf32, #tpu.memory_space<hbm>> -> memref<32x128xf32, #tpu.memory_space<hbm>>
      %dma_wait3A_2312 = arith.constant 0 : i32
      %dma_wait3A_2313 = tpu.memref_slice %arg3[%add3A_212, %dma_wait3A_2312] : memref<1000x128xf32, #tpu.memory_space<hbm>> -> memref<32x128xf32, #tpu.memory_space<hbm>>
      tpu.wait_dma2 semaphore(%run_scoped3A : memref<!tpu.dma_semaphore, #tpu.memory_space<semaphore_mem>>) src(%dma_wait3A_2313 : memref<32x128xf32, #tpu.memory_space<hbm>>) dst(%arg10 : memref<32x128xf32, #tpu.memory_space<vmem>>)
      tpu.yield
    }) : () -> ()
    %scan3A_213 = arith.constant 0 : i32
    %scan3A_214 = arith.constant 0 : i32
    %scan3A_215 = arith.constant 32 : i32
    %scan3A_216 = arith.addi %scan3A_214, %scan3A_215 : i32
    %scan3A_217 = arith.constant 1 : i32
    %scan3A_218 = scf.for %scan3A_2306 = %scan3A_214 to %scan3A_216 step %scan3A_217 iter_args(%scan3A_2307 = %scan3A_213) -> (i32)  : i32 {
      %get3A = arith.index_cast %scan3A_2306 : i32 to index
      %get3A_2308 = arith.constant 0 : index
      %get3A_2309 = tpu.vector_load %arg10[%get3A, %get3A_2308] {strides = array<i32>} : memref<32x128xf32, #tpu.memory_space<vmem>>, vector<16xf32>,
      %mul3A_2310 = arith.constant 11.3137083 : f32
      %mul3A_2311 = vector.broadcast %mul3A_2310 : f32 to vector<16xf32>
      %mul3A_2312 = arith.mulf %get3A_2309, %mul3A_2311 : vector<16xf32>
      %swap3A = arith.index_cast %scan3A_2306 : i32 to index
      %swap3A_2313 = arith.constant 0 : index
      %swap3A_2314 = tpu.vector_load %arg10[%swap3A, %swap3A_2313] {strides = array<i32>} : memref<32x128xf32, #tpu.memory_space<vmem>>, vector<16xf32>,
      tpu.vector_store %arg10[%swap3A, %swap3A_2313], %mul3A_2312 {strides = array<i32>} : memref<32x128xf32, #tpu.memory_space<vmem>>, vector<16xf32>,
      %get3A_2315 = arith.index_cast %scan3A_2306 : i32 to index
      %get3A_2316 = arith.constant 16 : index
      %get3A_2317 = tpu.vector_load %arg10[%get3A_2315, %get3A_2316] {strides = array<i32>} : memref<32x128xf32, #tpu.memory_space<vmem>>, vector<16xf32>,
      %mul3A_2318 = arith.constant 11.3137083 : f32
      %mul3A_2319 = vector.broadcast %mul3A_2318 : f32 to vector<16xf32>
      %mul3A_2320 = arith.mulf %get3A_2317, %mul3A_2319 : vector<16xf32>
      %swap3A_2321 = arith.index_cast %scan3A_2306 : i32 to index
      %swap3A_2322 = arith.constant 16 : index
      %swap3A_2323 = tpu.vector_load %arg10[%swap3A_2321, %swap3A_2322] {strides = array<i32>} : memref<32x128xf32, #tpu.memory_space<vmem>>, vector<16xf32>,
      tpu.vector_store %arg10[%swap3A_2321, %swap3A_2322], %mul3A_2320 {strides = array<i32>} : memref<32x128xf32, #tpu.memory_space<vmem>>, vector<16xf32>,
      %get3A_2324 = arith.index_cast %scan3A_2306 : i32 to index
      %get3A_2325 = arith.constant 32 : index
      %get3A_2326 = tpu.vector_load %arg10[%get3A_2324, %get3A_2325] {strides = array<i32>} : memref<32x128xf32, #tpu.memory_space<vmem>>, vector<16xf32>,
      %mul3A_2327 = arith.constant 11.3137083 : f32
      %mul3A_2328 = vector.broadcast %mul3A_2327 : f32 to vector<16xf32>
      %mul3A_2329 = arith.mulf %get3A_2326, %mul3A_2328 : vector<16xf32>
      %swap3A_2330 = arith.index_cast %scan3A_2306 : i32 to index
      %swap3A_2331 = arith.constant 32 : index
      %swap3A_2332 = tpu.vector_load %arg10[%swap3A_2330, %swap3A_2331] {strides = array<i32>} : memref<32x128xf32, #tpu.memory_space<vmem>>, vector<16xf32>,
      tpu.vector_store %arg10[%swap3A_2330, %swap3A_2331], %mul3A_2329 {strides = array<i32>} : memref<32x128xf32, #tpu.memory_space<vmem>>, vector<16xf32>,
      %get3A_2333 = arith.index_cast %scan3A_2306 : i32 to index
      %get3A_2334 = arith.constant 48 : index
      %get3A_2335 = tpu.vector_load %arg10[%get3A_2333, %get3A_2334] {strides = array<i32>} : memref<32x128xf32, #tpu.memory_space<vmem>>, vector<16xf32>,
      %mul3A_2336 = arith.constant 11.3137083 : f32
      %mul3A_2337 = vector.broadcast %mul3A_2336 : f32 to vector<16xf32>
      %mul3A_2338 = arith.mulf %get3A_2335, %mul3A_2337 : vector<16xf32>
      %swap3A_2339 = arith.index_cast %scan3A_2306 : i32 to index
      %swap3A_2340 = arith.constant 48 : index
      %swap3A_2341 = tpu.vector_load %arg10[%swap3A_2339, %swap3A_2340] {strides = array<i32>} : memref<32x128xf32, #tpu.memory_space<vmem>>, vector<16xf32>,
      tpu.vector_store %arg10[%swap3A_2339, %swap3A_2340], %mul3A_2338 {strides = array<i32>} : memref<32x128xf32, #tpu.memory_space<vmem>>, vector<16xf32>,
      %get3A_2342 = arith.index_cast %scan3A_2306 : i32 to index
      %get3A_2343 = arith.constant 64 : index
      %get3A_2344 = tpu.vector_load %arg10[%get3A_2342, %get3A_2343] {strides = array<i32>} : memref<32x128xf32, #tpu.memory_space<vmem>>, vector<16xf32>,
      %mul3A_2345 = arith.constant 11.3137083 : f32
      %mul3A_2346 = vector.broadcast %mul3A_2345 : f32 to vector<16xf32>
      %mul3A_2347 = arith.mulf %get3A_2344, %mul3A_2346 : vector<16xf32>
      %swap3A_2348 = arith.index_cast %scan3A_2306 : i32 to index
      %swap3A_2349 = arith.constant 64 : index
      %swap3A_2350 = tpu.vector_load %arg10[%swap3A_2348, %swap3A_2349] {strides = array<i32>} : memref<32x128xf32, #tpu.memory_space<vmem>>, vector<16xf32>,
      tpu.vector_store %arg10[%swap3A_2348, %swap3A_2349], %mul3A_2347 {strides = array<i32>} : memref<32x128xf32, #tpu.memory_space<vmem>>, vector<16xf32>,
      %get3A_2351 = arith.index_cast %scan3A_2306 : i32 to index
      %get3A_2352 = arith.constant 80 : index
      %get3A_2353 = tpu.vector_load %arg10[%get3A_2351, %get3A_2352] {strides = array<i32>} : memref<32x128xf32, #tpu.memory_space<vmem>>, vector<16xf32>,
      %mul3A_2354 = arith.constant 11.3137083 : f32
      %mul3A_2355 = vector.broadcast %mul3A_2354 : f32 to vector<16xf32>
      %mul3A_2356 = arith.mulf %get3A_2353, %mul3A_2355 : vector<16xf32>
      %swap3A_2357 = arith.index_cast %scan3A_2306 : i32 to index
      %swap3A_2358 = arith.constant 80 : index
      %swap3A_2359 = tpu.vector_load %arg10[%swap3A_2357, %swap3A_2358] {strides = array<i32>} : memref<32x128xf32, #tpu.memory_space<vmem>>, vector<16xf32>,
      tpu.vector_store %arg10[%swap3A_2357, %swap3A_2358], %mul3A_2356 {strides = array<i32>} : memref<32x128xf32, #tpu.memory_space<vmem>>, vector<16xf32>,
      %get3A_2360 = arith.index_cast %scan3A_2306 : i32 to index
      %get3A_2361 = arith.constant 96 : index
      %get3A_2362 = tpu.vector_load %arg10[%get3A_2360, %get3A_2361] {strides = array<i32>} : memref<32x128xf32, #tpu.memory_space<vmem>>, vector<16xf32>,
      %mul3A_2363 = arith.constant 11.3137083 : f32
      %mul3A_2364 = vector.broadcast %mul3A_2363 : f32 to vector<16xf32>
      %mul3A_2365 = arith.mulf %get3A_2362, %mul3A_2364 : vector<16xf32>
      %swap3A_2366 = arith.index_cast %scan3A_2306 : i32 to index
      %swap3A_2367 = arith.constant 96 : index
      %swap3A_2368 = tpu.vector_load %arg10[%swap3A_2366, %swap3A_2367] {strides = array<i32>} : memref<32x128xf32, #tpu.memory_space<vmem>>, vector<16xf32>,
      tpu.vector_store %arg10[%swap3A_2366, %swap3A_2367], %mul3A_2365 {strides = array<i32>} : memref<32x128xf32, #tpu.memory_space<vmem>>, vector<16xf32>,
      %get3A_2369 = arith.index_cast %scan3A_2306 : i32 to index
      %get3A_2370 = arith.constant 112 : index
      %get3A_2371 = tpu.vector_load %arg10[%get3A_2369, %get3A_2370] {strides = array<i32>} : memref<32x128xf32, #tpu.memory_space<vmem>>, vector<16xf32>,
      %mul3A_2372 = arith.constant 11.3137083 : f32
      %mul3A_2373 = vector.broadcast %mul3A_2372 : f32 to vector<16xf32>
      %mul3A_2374 = arith.mulf %get3A_2371, %mul3A_2373 : vector<16xf32>
      %swap3A_2375 = arith.index_cast %scan3A_2306 : i32 to index
      %swap3A_2376 = arith.constant 112 : index
      %swap3A_2377 = tpu.vector_load %arg10[%swap3A_2375, %swap3A_2376] {strides = array<i32>} : memref<32x128xf32, #tpu.memory_space<vmem>>, vector<16xf32>,
      tpu.vector_store %arg10[%swap3A_2375, %swap3A_2376], %mul3A_2374 {strides = array<i32>} : memref<32x128xf32, #tpu.memory_space<vmem>>, vector<16xf32>,
      %scan3A_2378 = arith.constant 0 : i32
      scf.yield %scan3A_2378 : i32
    }
    %scan3A_219 = arith.constant 32 : i32
    "tpu.region"() ({
      %run_scoped3A = tpu.sem_alloc : memref<!tpu.dma_semaphore, #tpu.memory_space<semaphore_mem>>
      %dma_start3A_2306 = arith.constant 0 : i32
      %dma_start3A_2307 = tpu.memref_slice %arg7[%add3A_212, %dma_start3A_2306] : memref<1000x128xf32, #tpu.memory_space<vmem_shared>> -> memref<32x128xf32, #tpu.memory_space<vmem_shared>>
      %dma_start3A_2308 = arith.constant 0 : i32
      %dma_start3A_2309 = tpu.memref_slice %arg7[%add3A_212, %dma_start3A_2308] : memref<1000x128xf32, #tpu.memory_space<vmem_shared>> -> memref<32x128xf32, #tpu.memory_space<vmem_shared>>
      tpu.enqueue_dma source(%arg10 : memref<32x128xf32, #tpu.memory_space<vmem>>) target(%dma_start3A_2309 : memref<32x128xf32, #tpu.memory_space<vmem_shared>>) target_semaphore(%run_scoped3A : memref<!tpu.dma_semaphore, #tpu.memory_space<semaphore_mem>>)
      %dma_wait3A_2310 = arith.constant 0 : i32
      %dma_wait3A_2311 = tpu.memref_slice %arg7[%add3A_212, %dma_wait3A_2310] : memref<1000x128xf32, #tpu.memory_space<vmem_shared>> -> memref<32x128xf32, #tpu.memory_space<vmem_shared>>
      %dma_wait3A_2312 = arith.constant 0 : i32
      %dma_wait3A_2313 = tpu.memref_slice %arg7[%add3A_212, %dma_wait3A_2312] : memref<1000x128xf32, #tpu.memory_space<vmem_shared>> -> memref<32x128xf32, #tpu.memory_space<vmem_shared>>
      tpu.wait_dma2 semaphore(%run_scoped3A : memref<!tpu.dma_semaphore, #tpu.memory_space<semaphore_mem>>) src(%arg10 : memref<32x128xf32, #tpu.memory_space<vmem>>) dst(%dma_wait3A_2313 : memref<32x128xf32, #tpu.memory_space<vmem_shared>>)
      tpu.yield
    }) : () -> ()
    %mul3A_220 = arith.constant 64 : i32
    %mul3A_221 = arith.muli %arg1, %mul3A_220 : i32
    %min3A_222 = arith.constant 936 : i32
    %min3A_223 = arith.minsi %mul3A_221, %min3A_222 : i32
    %add3A_224 = arith.constant 0 : i32
    %add3A_225 = arith.addi %min3A_223, %add3A_224 : i32
    "tpu.region"() ({
      %run_scoped3A = tpu.sem_alloc : memref<!tpu.dma_semaphore, #tpu.memory_space<semaphore_mem>>
      %dma_start3A_2306 = arith.constant 0 : i32
      %dma_start3A_2307 = tpu.memref_slice %arg4[%add3A_225, %dma_start3A_2306] : memref<1000x128xf32, #tpu.memory_space<hbm>> -> memref<32x128xf32, #tpu.memory_space<hbm>>
      %dma_start3A_2308 = arith.constant 0 : i32
      %dma_start3A_2309 = tpu.memref_slice %arg4[%add3A_225, %dma_start3A_2308] : memref<1000x128xf32, #tpu.memory_space<hbm>> -> memref<32x128xf32, #tpu.memory_space<hbm>>
      tpu.enqueue_dma source(%dma_start3A_2309 : memref<32x128xf32, #tpu.memory_space<hbm>>) target(%arg10 : memref<32x128xf32, #tpu.memory_space<vmem>>) target_semaphore(%run_scoped3A : memref<!tpu.dma_semaphore, #tpu.memory_space<semaphore_mem>>)
      %dma_wait3A_2310 = arith.constant 0 : i32
      %dma_wait3A_2311 = tpu.memref_slice %arg4[%add3A_225, %dma_wait3A_2310] : memref<1000x128xf32, #tpu.memory_space<hbm>> -> memref<32x128xf32, #tpu.memory_space<hbm>>
      %dma_wait3A_2312 = arith.constant 0 : i32
      %dma_wait3A_2313 = tpu.memref_slice %arg4[%add3A_225, %dma_wait3A_2312] : memref<1000x128xf32, #tpu.memory_space<hbm>> -> memref<32x128xf32, #tpu.memory_space<hbm>>
      tpu.wait_dma2 semaphore(%run_scoped3A : memref<!tpu.dma_semaphore, #tpu.memory_space<semaphore_mem>>) src(%dma_wait3A_2313 : memref<32x128xf32, #tpu.memory_space<hbm>>) dst(%arg10 : memref<32x128xf32, #tpu.memory_space<vmem>>)
      tpu.yield
    }) : () -> ()
    %scan3A_226 = arith.constant 0 : i32
    %scan3A_227 = arith.constant 0 : i32
    %scan3A_228 = arith.constant 32 : i32
    %scan3A_229 = arith.addi %scan3A_227, %scan3A_228 : i32
    %scan3A_230 = arith.constant 1 : i32
    %scan3A_231 = scf.for %scan3A_2306 = %scan3A_227 to %scan3A_229 step %scan3A_230 iter_args(%scan3A_2307 = %scan3A_226) -> (i32)  : i32 {
      %get3A = arith.index_cast %scan3A_2306 : i32 to index
      %get3A_2308 = arith.constant 0 : index
      %get3A_2309 = tpu.vector_load %arg10[%get3A, %get3A_2308] {strides = array<i32>} : memref<32x128xf32, #tpu.memory_space<vmem>>, vector<16xf32>,
      %mul3A_2310 = arith.constant 11.3137083 : f32
      %mul3A_2311 = vector.broadcast %mul3A_2310 : f32 to vector<16xf32>
      %mul3A_2312 = arith.mulf %get3A_2309, %mul3A_2311 : vector<16xf32>
      %swap3A = arith.index_cast %scan3A_2306 : i32 to index
      %swap3A_2313 = arith.constant 0 : index
      %swap3A_2314 = tpu.vector_load %arg10[%swap3A, %swap3A_2313] {strides = array<i32>} : memref<32x128xf32, #tpu.memory_space<vmem>>, vector<16xf32>,
      tpu.vector_store %arg10[%swap3A, %swap3A_2313], %mul3A_2312 {strides = array<i32>} : memref<32x128xf32, #tpu.memory_space<vmem>>, vector<16xf32>,
      %get3A_2315 = arith.index_cast %scan3A_2306 : i32 to index
      %get3A_2316 = arith.constant 16 : index
      %get3A_2317 = tpu.vector_load %arg10[%get3A_2315, %get3A_2316] {strides = array<i32>} : memref<32x128xf32, #tpu.memory_space<vmem>>, vector<16xf32>,
      %mul3A_2318 = arith.constant 11.3137083 : f32
      %mul3A_2319 = vector.broadcast %mul3A_2318 : f32 to vector<16xf32>
      %mul3A_2320 = arith.mulf %get3A_2317, %mul3A_2319 : vector<16xf32>
      %swap3A_2321 = arith.index_cast %scan3A_2306 : i32 to index
      %swap3A_2322 = arith.constant 16 : index
      %swap3A_2323 = tpu.vector_load %arg10[%swap3A_2321, %swap3A_2322] {strides = array<i32>} : memref<32x128xf32, #tpu.memory_space<vmem>>, vector<16xf32>,
      tpu.vector_store %arg10[%swap3A_2321, %swap3A_2322], %mul3A_2320 {strides = array<i32>} : memref<32x128xf32, #tpu.memory_space<vmem>>, vector<16xf32>,
      %get3A_2324 = arith.index_cast %scan3A_2306 : i32 to index
      %get3A_2325 = arith.constant 32 : index
      %get3A_2326 = tpu.vector_load %arg10[%get3A_2324, %get3A_2325] {strides = array<i32>} : memref<32x128xf32, #tpu.memory_space<vmem>>, vector<16xf32>,
      %mul3A_2327 = arith.constant 11.3137083 : f32
      %mul3A_2328 = vector.broadcast %mul3A_2327 : f32 to vector<16xf32>
      %mul3A_2329 = arith.mulf %get3A_2326, %mul3A_2328 : vector<16xf32>
      %swap3A_2330 = arith.index_cast %scan3A_2306 : i32 to index
      %swap3A_2331 = arith.constant 32 : index
      %swap3A_2332 = tpu.vector_load %arg10[%swap3A_2330, %swap3A_2331] {strides = array<i32>} : memref<32x128xf32, #tpu.memory_space<vmem>>, vector<16xf32>,
      tpu.vector_store %arg10[%swap3A_2330, %swap3A_2331], %mul3A_2329 {strides = array<i32>} : memref<32x128xf32, #tpu.memory_space<vmem>>, vector<16xf32>,
      %get3A_2333 = arith.index_cast %scan3A_2306 : i32 to index
      %get3A_2334 = arith.constant 48 : index
      %get3A_2335 = tpu.vector_load %arg10[%get3A_2333, %get3A_2334] {strides = array<i32>} : memref<32x128xf32, #tpu.memory_space<vmem>>, vector<16xf32>,
      %mul3A_2336 = arith.constant 11.3137083 : f32
      %mul3A_2337 = vector.broadcast %mul3A_2336 : f32 to vector<16xf32>
      %mul3A_2338 = arith.mulf %get3A_2335, %mul3A_2337 : vector<16xf32>
      %swap3A_2339 = arith.index_cast %scan3A_2306 : i32 to index
      %swap3A_2340 = arith.constant 48 : index
      %swap3A_2341 = tpu.vector_load %arg10[%swap3A_2339, %swap3A_2340] {strides = array<i32>} : memref<32x128xf32, #tpu.memory_space<vmem>>, vector<16xf32>,
      tpu.vector_store %arg10[%swap3A_2339, %swap3A_2340], %mul3A_2338 {strides = array<i32>} : memref<32x128xf32, #tpu.memory_space<vmem>>, vector<16xf32>,
      %get3A_2342 = arith.index_cast %scan3A_2306 : i32 to index
      %get3A_2343 = arith.constant 64 : index
      %get3A_2344 = tpu.vector_load %arg10[%get3A_2342, %get3A_2343] {strides = array<i32>} : memref<32x128xf32, #tpu.memory_space<vmem>>, vector<16xf32>,
      %mul3A_2345 = arith.constant 11.3137083 : f32
      %mul3A_2346 = vector.broadcast %mul3A_2345 : f32 to vector<16xf32>
      %mul3A_2347 = arith.mulf %get3A_2344, %mul3A_2346 : vector<16xf32>
      %swap3A_2348 = arith.index_cast %scan3A_2306 : i32 to index
      %swap3A_2349 = arith.constant 64 : index
      %swap3A_2350 = tpu.vector_load %arg10[%swap3A_2348, %swap3A_2349] {strides = array<i32>} : memref<32x128xf32, #tpu.memory_space<vmem>>, vector<16xf32>,
      tpu.vector_store %arg10[%swap3A_2348, %swap3A_2349], %mul3A_2347 {strides = array<i32>} : memref<32x128xf32, #tpu.memory_space<vmem>>, vector<16xf32>,
      %get3A_2351 = arith.index_cast %scan3A_2306 : i32 to index
      %get3A_2352 = arith.constant 80 : index
      %get3A_2353 = tpu.vector_load %arg10[%get3A_2351, %get3A_2352] {strides = array<i32>} : memref<32x128xf32, #tpu.memory_space<vmem>>, vector<16xf32>,
      %mul3A_2354 = arith.constant 11.3137083 : f32
      %mul3A_2355 = vector.broadcast %mul3A_2354 : f32 to vector<16xf32>
      %mul3A_2356 = arith.mulf %get3A_2353, %mul3A_2355 : vector<16xf32>
      %swap3A_2357 = arith.index_cast %scan3A_2306 : i32 to index
      %swap3A_2358 = arith.constant 80 : index
      %swap3A_2359 = tpu.vector_load %arg10[%swap3A_2357, %swap3A_2358] {strides = array<i32>} : memref<32x128xf32, #tpu.memory_space<vmem>>, vector<16xf32>,
      tpu.vector_store %arg10[%swap3A_2357, %swap3A_2358], %mul3A_2356 {strides = array<i32>} : memref<32x128xf32, #tpu.memory_space<vmem>>, vector<16xf32>,
      %get3A_2360 = arith.index_cast %scan3A_2306 : i32 to index
      %get3A_2361 = arith.constant 96 : index
      %get3A_2362 = tpu.vector_load %arg10[%get3A_2360, %get3A_2361] {strides = array<i32>} : memref<32x128xf32, #tpu.memory_space<vmem>>, vector<16xf32>,
      %mul3A_2363 = arith.constant 11.3137083 : f32
      %mul3A_2364 = vector.broadcast %mul3A_2363 : f32 to vector<16xf32>
      %mul3A_2365 = arith.mulf %get3A_2362, %mul3A_2364 : vector<16xf32>
      %swap3A_2366 = arith.index_cast %scan3A_2306 : i32 to index
      %swap3A_2367 = arith.constant 96 : index
      %swap3A_2368 = tpu.vector_load %arg10[%swap3A_2366, %swap3A_2367] {strides = array<i32>} : memref<32x128xf32, #tpu.memory_space<vmem>>, vector<16xf32>,
      tpu.vector_store %arg10[%swap3A_2366, %swap3A_2367], %mul3A_2365 {strides = array<i32>} : memref<32x128xf32, #tpu.memory_space<vmem>>, vector<16xf32>,
      %get3A_2369 = arith.index_cast %scan3A_2306 : i32 to index
      %get3A_2370 = arith.constant 112 : index
      %get3A_2371 = tpu.vector_load %arg10[%get3A_2369, %get3A_2370] {strides = array<i32>} : memref<32x128xf32, #tpu.memory_space<vmem>>, vector<16xf32>,
      %mul3A_2372 = arith.constant 11.3137083 : f32
      %mul3A_2373 = vector.broadcast %mul3A_2372 : f32 to vector<16xf32>
      %mul3A_2374 = arith.mulf %get3A_2371, %mul3A_2373 : vector<16xf32>
      %swap3A_2375 = arith.index_cast %scan3A_2306 : i32 to index
      %swap3A_2376 = arith.constant 112 : index
      %swap3A_2377 = tpu.vector_load %arg10[%swap3A_2375, %swap3A_2376] {strides = array<i32>} : memref<32x128xf32, #tpu.memory_space<vmem>>, vector<16xf32>,
      tpu.vector_store %arg10[%swap3A_2375, %swap3A_2376], %mul3A_2374 {strides = array<i32>} : memref<32x128xf32, #tpu.memory_space<vmem>>, vector<16xf32>,
      %scan3A_2378 = arith.constant 0 : i32
      scf.yield %scan3A_2378 : i32
    }
    %scan3A_232 = arith.constant 32 : i32
    "tpu.region"() ({
      %run_scoped3A = tpu.sem_alloc : memref<!tpu.dma_semaphore, #tpu.memory_space<semaphore_mem>>
      %dma_start3A_2306 = arith.constant 0 : i32
      %dma_start3A_2307 = tpu.memref_slice %arg8[%add3A_225, %dma_start3A_2306] : memref<1000x128xf32, #tpu.memory_space<vmem_shared>> -> memref<32x128xf32, #tpu.memory_space<vmem_shared>>
      %dma_start3A_2308 = arith.constant 0 : i32
      %dma_start3A_2309 = tpu.memref_slice %arg8[%add3A_225, %dma_start3A_2308] : memref<1000x128xf32, #tpu.memory_space<vmem_shared>> -> memref<32x128xf32, #tpu.memory_space<vmem_shared>>
      tpu.enqueue_dma source(%arg10 : memref<32x128xf32, #tpu.memory_space<vmem>>) target(%dma_start3A_2309 : memref<32x128xf32, #tpu.memory_space<vmem_shared>>) target_semaphore(%run_scoped3A : memref<!tpu.dma_semaphore, #tpu.memory_space<semaphore_mem>>)
      %dma_wait3A_2310 = arith.constant 0 : i32
      %dma_wait3A_2311 = tpu.memref_slice %arg8[%add3A_225, %dma_wait3A_2310] : memref<1000x128xf32, #tpu.memory_space<vmem_shared>> -> memref<32x128xf32, #tpu.memory_space<vmem_shared>>
      %dma_wait3A_2312 = arith.constant 0 : i32
      %dma_wait3A_2313 = tpu.memref_slice %arg8[%add3A_225, %dma_wait3A_2312] : memref<1000x128xf32, #tpu.memory_space<vmem_shared>> -> memref<32x128xf32, #tpu.memory_space<vmem_shared>>
      tpu.wait_dma2 semaphore(%run_scoped3A : memref<!tpu.dma_semaphore, #tpu.memory_space<semaphore_mem>>) src(%arg10 : memref<32x128xf32, #tpu.memory_space<vmem>>) dst(%dma_wait3A_2313 : memref<32x128xf32, #tpu.memory_space<vmem_shared>>)
      tpu.yield
    }) : () -> ()
    %mul3A_233 = arith.constant 64 : i32
    %mul3A_234 = arith.muli %arg1, %mul3A_233 : i32
    %min3A_235 = arith.constant 936 : i32
    %min3A_236 = arith.minsi %mul3A_234, %min3A_235 : i32
    %add3A_237 = arith.constant 32 : i32
    %add3A_238 = arith.addi %min3A_236, %add3A_237 : i32
    "tpu.region"() ({
      %run_scoped3A = tpu.sem_alloc : memref<!tpu.dma_semaphore, #tpu.memory_space<semaphore_mem>>
      %dma_start3A_2306 = arith.constant 0 : i32
      %dma_start3A_2307 = tpu.memref_slice %arg4[%add3A_238, %dma_start3A_2306] : memref<1000x128xf32, #tpu.memory_space<hbm>> -> memref<32x128xf32, #tpu.memory_space<hbm>>
      %dma_start3A_2308 = arith.constant 0 : i32
      %dma_start3A_2309 = tpu.memref_slice %arg4[%add3A_238, %dma_start3A_2308] : memref<1000x128xf32, #tpu.memory_space<hbm>> -> memref<32x128xf32, #tpu.memory_space<hbm>>
      tpu.enqueue_dma source(%dma_start3A_2309 : memref<32x128xf32, #tpu.memory_space<hbm>>) target(%arg10 : memref<32x128xf32, #tpu.memory_space<vmem>>) target_semaphore(%run_scoped3A : memref<!tpu.dma_semaphore, #tpu.memory_space<semaphore_mem>>)
      %dma_wait3A_2310 = arith.constant 0 : i32
      %dma_wait3A_2311 = tpu.memref_slice %arg4[%add3A_238, %dma_wait3A_2310] : memref<1000x128xf32, #tpu.memory_space<hbm>> -> memref<32x128xf32, #tpu.memory_space<hbm>>
      %dma_wait3A_2312 = arith.constant 0 : i32
      %dma_wait3A_2313 = tpu.memref_slice %arg4[%add3A_238, %dma_wait3A_2312] : memref<1000x128xf32, #tpu.memory_space<hbm>> -> memref<32x128xf32, #tpu.memory_space<hbm>>
      tpu.wait_dma2 semaphore(%run_scoped3A : memref<!tpu.dma_semaphore, #tpu.memory_space<semaphore_mem>>) src(%dma_wait3A_2313 : memref<32x128xf32, #tpu.memory_space<hbm>>) dst(%arg10 : memref<32x128xf32, #tpu.memory_space<vmem>>)
      tpu.yield
    }) : () -> ()
    %scan3A_239 = arith.constant 0 : i32
    %scan3A_240 = arith.constant 0 : i32
    %scan3A_241 = arith.constant 32 : i32
    %scan3A_242 = arith.addi %scan3A_240, %scan3A_241 : i32
    %scan3A_243 = arith.constant 1 : i32
    %scan3A_244 = scf.for %scan3A_2306 = %scan3A_240 to %scan3A_242 step %scan3A_243 iter_args(%scan3A_2307 = %scan3A_239) -> (i32)  : i32 {
      %get3A = arith.index_cast %scan3A_2306 : i32 to index
      %get3A_2308 = arith.constant 0 : index
      %get3A_2309 = tpu.vector_load %arg10[%get3A, %get3A_2308] {strides = array<i32>} : memref<32x128xf32, #tpu.memory_space<vmem>>, vector<16xf32>,
      %mul3A_2310 = arith.constant 11.3137083 : f32
      %mul3A_2311 = vector.broadcast %mul3A_2310 : f32 to vector<16xf32>
      %mul3A_2312 = arith.mulf %get3A_2309, %mul3A_2311 : vector<16xf32>
      %swap3A = arith.index_cast %scan3A_2306 : i32 to index
      %swap3A_2313 = arith.constant 0 : index
      %swap3A_2314 = tpu.vector_load %arg10[%swap3A, %swap3A_2313] {strides = array<i32>} : memref<32x128xf32, #tpu.memory_space<vmem>>, vector<16xf32>,
      tpu.vector_store %arg10[%swap3A, %swap3A_2313], %mul3A_2312 {strides = array<i32>} : memref<32x128xf32, #tpu.memory_space<vmem>>, vector<16xf32>,
      %get3A_2315 = arith.index_cast %scan3A_2306 : i32 to index
      %get3A_2316 = arith.constant 16 : index
      %get3A_2317 = tpu.vector_load %arg10[%get3A_2315, %get3A_2316] {strides = array<i32>} : memref<32x128xf32, #tpu.memory_space<vmem>>, vector<16xf32>,
      %mul3A_2318 = arith.constant 11.3137083 : f32
      %mul3A_2319 = vector.broadcast %mul3A_2318 : f32 to vector<16xf32>
      %mul3A_2320 = arith.mulf %get3A_2317, %mul3A_2319 : vector<16xf32>
      %swap3A_2321 = arith.index_cast %scan3A_2306 : i32 to index
      %swap3A_2322 = arith.constant 16 : index
      %swap3A_2323 = tpu.vector_load %arg10[%swap3A_2321, %swap3A_2322] {strides = array<i32>} : memref<32x128xf32, #tpu.memory_space<vmem>>, vector<16xf32>,
      tpu.vector_store %arg10[%swap3A_2321, %swap3A_2322], %mul3A_2320 {strides = array<i32>} : memref<32x128xf32, #tpu.memory_space<vmem>>, vector<16xf32>,
      %get3A_2324 = arith.index_cast %scan3A_2306 : i32 to index
      %get3A_2325 = arith.constant 32 : index
      %get3A_2326 = tpu.vector_load %arg10[%get3A_2324, %get3A_2325] {strides = array<i32>} : memref<32x128xf32, #tpu.memory_space<vmem>>, vector<16xf32>,
      %mul3A_2327 = arith.constant 11.3137083 : f32
      %mul3A_2328 = vector.broadcast %mul3A_2327 : f32 to vector<16xf32>
      %mul3A_2329 = arith.mulf %get3A_2326, %mul3A_2328 : vector<16xf32>
      %swap3A_2330 = arith.index_cast %scan3A_2306 : i32 to index
      %swap3A_2331 = arith.constant 32 : index
      %swap3A_2332 = tpu.vector_load %arg10[%swap3A_2330, %swap3A_2331] {strides = array<i32>} : memref<32x128xf32, #tpu.memory_space<vmem>>, vector<16xf32>,
      tpu.vector_store %arg10[%swap3A_2330, %swap3A_2331], %mul3A_2329 {strides = array<i32>} : memref<32x128xf32, #tpu.memory_space<vmem>>, vector<16xf32>,
      %get3A_2333 = arith.index_cast %scan3A_2306 : i32 to index
      %get3A_2334 = arith.constant 48 : index
      %get3A_2335 = tpu.vector_load %arg10[%get3A_2333, %get3A_2334] {strides = array<i32>} : memref<32x128xf32, #tpu.memory_space<vmem>>, vector<16xf32>,
      %mul3A_2336 = arith.constant 11.3137083 : f32
      %mul3A_2337 = vector.broadcast %mul3A_2336 : f32 to vector<16xf32>
      %mul3A_2338 = arith.mulf %get3A_2335, %mul3A_2337 : vector<16xf32>
      %swap3A_2339 = arith.index_cast %scan3A_2306 : i32 to index
      %swap3A_2340 = arith.constant 48 : index
      %swap3A_2341 = tpu.vector_load %arg10[%swap3A_2339, %swap3A_2340] {strides = array<i32>} : memref<32x128xf32, #tpu.memory_space<vmem>>, vector<16xf32>,
      tpu.vector_store %arg10[%swap3A_2339, %swap3A_2340], %mul3A_2338 {strides = array<i32>} : memref<32x128xf32, #tpu.memory_space<vmem>>, vector<16xf32>,
      %get3A_2342 = arith.index_cast %scan3A_2306 : i32 to index
      %get3A_2343 = arith.constant 64 : index
      %get3A_2344 = tpu.vector_load %arg10[%get3A_2342, %get3A_2343] {strides = array<i32>} : memref<32x128xf32, #tpu.memory_space<vmem>>, vector<16xf32>,
      %mul3A_2345 = arith.constant 11.3137083 : f32
      %mul3A_2346 = vector.broadcast %mul3A_2345 : f32 to vector<16xf32>
      %mul3A_2347 = arith.mulf %get3A_2344, %mul3A_2346 : vector<16xf32>
      %swap3A_2348 = arith.index_cast %scan3A_2306 : i32 to index
      %swap3A_2349 = arith.constant 64 : index
      %swap3A_2350 = tpu.vector_load %arg10[%swap3A_2348, %swap3A_2349] {strides = array<i32>} : memref<32x128xf32, #tpu.memory_space<vmem>>, vector<16xf32>,
      tpu.vector_store %arg10[%swap3A_2348, %swap3A_2349], %mul3A_2347 {strides = array<i32>} : memref<32x128xf32, #tpu.memory_space<vmem>>, vector<16xf32>,
      %get3A_2351 = arith.index_cast %scan3A_2306 : i32 to index
      %get3A_2352 = arith.constant 80 : index
      %get3A_2353 = tpu.vector_load %arg10[%get3A_2351, %get3A_2352] {strides = array<i32>} : memref<32x128xf32, #tpu.memory_space<vmem>>, vector<16xf32>,
      %mul3A_2354 = arith.constant 11.3137083 : f32
      %mul3A_2355 = vector.broadcast %mul3A_2354 : f32 to vector<16xf32>
      %mul3A_2356 = arith.mulf %get3A_2353, %mul3A_2355 : vector<16xf32>
      %swap3A_2357 = arith.index_cast %scan3A_2306 : i32 to index
      %swap3A_2358 = arith.constant 80 : index
      %swap3A_2359 = tpu.vector_load %arg10[%swap3A_2357, %swap3A_2358] {strides = array<i32>} : memref<32x128xf32, #tpu.memory_space<vmem>>, vector<16xf32>,
      tpu.vector_store %arg10[%swap3A_2357, %swap3A_2358], %mul3A_2356 {strides = array<i32>} : memref<32x128xf32, #tpu.memory_space<vmem>>, vector<16xf32>,
      %get3A_2360 = arith.index_cast %scan3A_2306 : i32 to index
      %get3A_2361 = arith.constant 96 : index
      %get3A_2362 = tpu.vector_load %arg10[%get3A_2360, %get3A_2361] {strides = array<i32>} : memref<32x128xf32, #tpu.memory_space<vmem>>, vector<16xf32>,
      %mul3A_2363 = arith.constant 11.3137083 : f32
      %mul3A_2364 = vector.broadcast %mul3A_2363 : f32 to vector<16xf32>
      %mul3A_2365 = arith.mulf %get3A_2362, %mul3A_2364 : vector<16xf32>
      %swap3A_2366 = arith.index_cast %scan3A_2306 : i32 to index
      %swap3A_2367 = arith.constant 96 : index
      %swap3A_2368 = tpu.vector_load %arg10[%swap3A_2366, %swap3A_2367] {strides = array<i32>} : memref<32x128xf32, #tpu.memory_space<vmem>>, vector<16xf32>,
      tpu.vector_store %arg10[%swap3A_2366, %swap3A_2367], %mul3A_2365 {strides = array<i32>} : memref<32x128xf32, #tpu.memory_space<vmem>>, vector<16xf32>,
      %get3A_2369 = arith.index_cast %scan3A_2306 : i32 to index
      %get3A_2370 = arith.constant 112 : index
      %get3A_2371 = tpu.vector_load %arg10[%get3A_2369, %get3A_2370] {strides = array<i32>} : memref<32x128xf32, #tpu.memory_space<vmem>>, vector<16xf32>,
      %mul3A_2372 = arith.constant 11.3137083 : f32
      %mul3A_2373 = vector.broadcast %mul3A_2372 : f32 to vector<16xf32>
      %mul3A_2374 = arith.mulf %get3A_2371, %mul3A_2373 : vector<16xf32>
      %swap3A_2375 = arith.index_cast %scan3A_2306 : i32 to index
      %swap3A_2376 = arith.constant 112 : index
      %swap3A_2377 = tpu.vector_load %arg10[%swap3A_2375, %swap3A_2376] {strides = array<i32>} : memref<32x128xf32, #tpu.memory_space<vmem>>, vector<16xf32>,
      tpu.vector_store %arg10[%swap3A_2375, %swap3A_2376], %mul3A_2374 {strides = array<i32>} : memref<32x128xf32, #tpu.memory_space<vmem>>, vector<16xf32>,
      %scan3A_2378 = arith.constant 0 : i32
      scf.yield %scan3A_2378 : i32
    }
    %scan3A_245 = arith.constant 32 : i32
    "tpu.region"() ({
      %run_scoped3A = tpu.sem_alloc : memref<!tpu.dma_semaphore, #tpu.memory_space<semaphore_mem>>
      %dma_start3A_2306 = arith.constant 0 : i32
      %dma_start3A_2307 = tpu.memref_slice %arg8[%add3A_238, %dma_start3A_2306] : memref<1000x128xf32, #tpu.memory_space<vmem_shared>> -> memref<32x128xf32, #tpu.memory_space<vmem_shared>>
      %dma_start3A_2308 = arith.constant 0 : i32
      %dma_start3A_2309 = tpu.memref_slice %arg8[%add3A_238, %dma_start3A_2308] : memref<1000x128xf32, #tpu.memory_space<vmem_shared>> -> memref<32x128xf32, #tpu.memory_space<vmem_shared>>
      tpu.enqueue_dma source(%arg10 : memref<32x128xf32, #tpu.memory_space<vmem>>) target(%dma_start3A_2309 : memref<32x128xf32, #tpu.memory_space<vmem_shared>>) target_semaphore(%run_scoped3A : memref<!tpu.dma_semaphore, #tpu.memory_space<semaphore_mem>>)
      %dma_wait3A_2310 = arith.constant 0 : i32
      %dma_wait3A_2311 = tpu.memref_slice %arg8[%add3A_238, %dma_wait3A_2310] : memref<1000x128xf32, #tpu.memory_space<vmem_shared>> -> memref<32x128xf32, #tpu.memory_space<vmem_shared>>
      %dma_wait3A_2312 = arith.constant 0 : i32
      %dma_wait3A_2313 = tpu.memref_slice %arg8[%add3A_238, %dma_wait3A_2312] : memref<1000x128xf32, #tpu.memory_space<vmem_shared>> -> memref<32x128xf32, #tpu.memory_space<vmem_shared>>
      tpu.wait_dma2 semaphore(%run_scoped3A : memref<!tpu.dma_semaphore, #tpu.memory_space<semaphore_mem>>) src(%arg10 : memref<32x128xf32, #tpu.memory_space<vmem>>) dst(%dma_wait3A_2313 : memref<32x128xf32, #tpu.memory_space<vmem_shared>>)
      tpu.yield
    }) : () -> ()
    %mul3A_246 = arith.constant 64 : i32
    %mul3A_247 = arith.muli %arg1, %mul3A_246 : i32
    %min3A_248 = arith.constant 936 : i32
    %min3A_249 = arith.minsi %mul3A_247, %min3A_248 : i32
    %add3A_250 = arith.constant 0 : i32
    %add3A_251 = arith.addi %min3A_249, %add3A_250 : i32
    "tpu.region"() ({
      %run_scoped3A = tpu.sem_alloc : memref<!tpu.dma_semaphore, #tpu.memory_space<semaphore_mem>>
      %dma_start3A_2306 = arith.constant 0 : i32
      %dma_start3A_2307 = tpu.memref_slice %arg5[%add3A_251, %dma_start3A_2306] : memref<1000x128xf32, #tpu.memory_space<hbm>> -> memref<32x128xf32, #tpu.memory_space<hbm>>
      %dma_start3A_2308 = arith.constant 0 : i32
      %dma_start3A_2309 = tpu.memref_slice %arg5[%add3A_251, %dma_start3A_2308] : memref<1000x128xf32, #tpu.memory_space<hbm>> -> memref<32x128xf32, #tpu.memory_space<hbm>>
      tpu.enqueue_dma source(%dma_start3A_2309 : memref<32x128xf32, #tpu.memory_space<hbm>>) target(%arg10 : memref<32x128xf32, #tpu.memory_space<vmem>>) target_semaphore(%run_scoped3A : memref<!tpu.dma_semaphore, #tpu.memory_space<semaphore_mem>>)
      %dma_wait3A_2310 = arith.constant 0 : i32
      %dma_wait3A_2311 = tpu.memref_slice %arg5[%add3A_251, %dma_wait3A_2310] : memref<1000x128xf32, #tpu.memory_space<hbm>> -> memref<32x128xf32, #tpu.memory_space<hbm>>
      %dma_wait3A_2312 = arith.constant 0 : i32
      %dma_wait3A_2313 = tpu.memref_slice %arg5[%add3A_251, %dma_wait3A_2312] : memref<1000x128xf32, #tpu.memory_space<hbm>> -> memref<32x128xf32, #tpu.memory_space<hbm>>
      tpu.wait_dma2 semaphore(%run_scoped3A : memref<!tpu.dma_semaphore, #tpu.memory_space<semaphore_mem>>) src(%dma_wait3A_2313 : memref<32x128xf32, #tpu.memory_space<hbm>>) dst(%arg10 : memref<32x128xf32, #tpu.memory_space<vmem>>)
      tpu.yield
    }) : () -> ()
    %scan3A_252 = arith.constant 0 : i32
    %scan3A_253 = arith.constant 0 : i32
    %scan3A_254 = arith.constant 32 : i32
    %scan3A_255 = arith.addi %scan3A_253, %scan3A_254 : i32
    %scan3A_256 = arith.constant 1 : i32
    %scan3A_257 = scf.for %scan3A_2306 = %scan3A_253 to %scan3A_255 step %scan3A_256 iter_args(%scan3A_2307 = %scan3A_252) -> (i32)  : i32 {
      %get3A = arith.index_cast %scan3A_2306 : i32 to index
      %get3A_2308 = arith.constant 0 : index
      %get3A_2309 = tpu.vector_load %arg10[%get3A, %get3A_2308] {strides = array<i32>} : memref<32x128xf32, #tpu.memory_space<vmem>>, vector<16xf32>,
      %mul3A_2310 = arith.constant 11.3137083 : f32
      %mul3A_2311 = vector.broadcast %mul3A_2310 : f32 to vector<16xf32>
      %mul3A_2312 = arith.mulf %get3A_2309, %mul3A_2311 : vector<16xf32>
      %swap3A = arith.index_cast %scan3A_2306 : i32 to index
      %swap3A_2313 = arith.constant 0 : index
      %swap3A_2314 = tpu.vector_load %arg10[%swap3A, %swap3A_2313] {strides = array<i32>} : memref<32x128xf32, #tpu.memory_space<vmem>>, vector<16xf32>,
      tpu.vector_store %arg10[%swap3A, %swap3A_2313], %mul3A_2312 {strides = array<i32>} : memref<32x128xf32, #tpu.memory_space<vmem>>, vector<16xf32>,
      %get3A_2315 = arith.index_cast %scan3A_2306 : i32 to index
      %get3A_2316 = arith.constant 16 : index
      %get3A_2317 = tpu.vector_load %arg10[%get3A_2315, %get3A_2316] {strides = array<i32>} : memref<32x128xf32, #tpu.memory_space<vmem>>, vector<16xf32>,
      %mul3A_2318 = arith.constant 11.3137083 : f32
      %mul3A_2319 = vector.broadcast %mul3A_2318 : f32 to vector<16xf32>
      %mul3A_2320 = arith.mulf %get3A_2317, %mul3A_2319 : vector<16xf32>
      %swap3A_2321 = arith.index_cast %scan3A_2306 : i32 to index
      %swap3A_2322 = arith.constant 16 : index
      %swap3A_2323 = tpu.vector_load %arg10[%swap3A_2321, %swap3A_2322] {strides = array<i32>} : memref<32x128xf32, #tpu.memory_space<vmem>>, vector<16xf32>,
      tpu.vector_store %arg10[%swap3A_2321, %swap3A_2322], %mul3A_2320 {strides = array<i32>} : memref<32x128xf32, #tpu.memory_space<vmem>>, vector<16xf32>,
      %get3A_2324 = arith.index_cast %scan3A_2306 : i32 to index
      %get3A_2325 = arith.constant 32 : index
      %get3A_2326 = tpu.vector_load %arg10[%get3A_2324, %get3A_2325] {strides = array<i32>} : memref<32x128xf32, #tpu.memory_space<vmem>>, vector<16xf32>,
      %mul3A_2327 = arith.constant 11.3137083 : f32
      %mul3A_2328 = vector.broadcast %mul3A_2327 : f32 to vector<16xf32>
      %mul3A_2329 = arith.mulf %get3A_2326, %mul3A_2328 : vector<16xf32>
      %swap3A_2330 = arith.index_cast %scan3A_2306 : i32 to index
      %swap3A_2331 = arith.constant 32 : index
      %swap3A_2332 = tpu.vector_load %arg10[%swap3A_2330, %swap3A_2331] {strides = array<i32>} : memref<32x128xf32, #tpu.memory_space<vmem>>, vector<16xf32>,
      tpu.vector_store %arg10[%swap3A_2330, %swap3A_2331], %mul3A_2329 {strides = array<i32>} : memref<32x128xf32, #tpu.memory_space<vmem>>, vector<16xf32>,
      %get3A_2333 = arith.index_cast %scan3A_2306 : i32 to index
      %get3A_2334 = arith.constant 48 : index
      %get3A_2335 = tpu.vector_load %arg10[%get3A_2333, %get3A_2334] {strides = array<i32>} : memref<32x128xf32, #tpu.memory_space<vmem>>, vector<16xf32>,
      %mul3A_2336 = arith.constant 11.3137083 : f32
      %mul3A_2337 = vector.broadcast %mul3A_2336 : f32 to vector<16xf32>
      %mul3A_2338 = arith.mulf %get3A_2335, %mul3A_2337 : vector<16xf32>
      %swap3A_2339 = arith.index_cast %scan3A_2306 : i32 to index
      %swap3A_2340 = arith.constant 48 : index
      %swap3A_2341 = tpu.vector_load %arg10[%swap3A_2339, %swap3A_2340] {strides = array<i32>} : memref<32x128xf32, #tpu.memory_space<vmem>>, vector<16xf32>,
      tpu.vector_store %arg10[%swap3A_2339, %swap3A_2340], %mul3A_2338 {strides = array<i32>} : memref<32x128xf32, #tpu.memory_space<vmem>>, vector<16xf32>,
      %get3A_2342 = arith.index_cast %scan3A_2306 : i32 to index
      %get3A_2343 = arith.constant 64 : index
      %get3A_2344 = tpu.vector_load %arg10[%get3A_2342, %get3A_2343] {strides = array<i32>} : memref<32x128xf32, #tpu.memory_space<vmem>>, vector<16xf32>,
      %mul3A_2345 = arith.constant 11.3137083 : f32
      %mul3A_2346 = vector.broadcast %mul3A_2345 : f32 to vector<16xf32>
      %mul3A_2347 = arith.mulf %get3A_2344, %mul3A_2346 : vector<16xf32>
      %swap3A_2348 = arith.index_cast %scan3A_2306 : i32 to index
      %swap3A_2349 = arith.constant 64 : index
      %swap3A_2350 = tpu.vector_load %arg10[%swap3A_2348, %swap3A_2349] {strides = array<i32>} : memref<32x128xf32, #tpu.memory_space<vmem>>, vector<16xf32>,
      tpu.vector_store %arg10[%swap3A_2348, %swap3A_2349], %mul3A_2347 {strides = array<i32>} : memref<32x128xf32, #tpu.memory_space<vmem>>, vector<16xf32>,
      %get3A_2351 = arith.index_cast %scan3A_2306 : i32 to index
      %get3A_2352 = arith.constant 80 : index
      %get3A_2353 = tpu.vector_load %arg10[%get3A_2351, %get3A_2352] {strides = array<i32>} : memref<32x128xf32, #tpu.memory_space<vmem>>, vector<16xf32>,
      %mul3A_2354 = arith.constant 11.3137083 : f32
      %mul3A_2355 = vector.broadcast %mul3A_2354 : f32 to vector<16xf32>
      %mul3A_2356 = arith.mulf %get3A_2353, %mul3A_2355 : vector<16xf32>
      %swap3A_2357 = arith.index_cast %scan3A_2306 : i32 to index
      %swap3A_2358 = arith.constant 80 : index
      %swap3A_2359 = tpu.vector_load %arg10[%swap3A_2357, %swap3A_2358] {strides = array<i32>} : memref<32x128xf32, #tpu.memory_space<vmem>>, vector<16xf32>,
      tpu.vector_store %arg10[%swap3A_2357, %swap3A_2358], %mul3A_2356 {strides = array<i32>} : memref<32x128xf32, #tpu.memory_space<vmem>>, vector<16xf32>,
      %get3A_2360 = arith.index_cast %scan3A_2306 : i32 to index
      %get3A_2361 = arith.constant 96 : index
      %get3A_2362 = tpu.vector_load %arg10[%get3A_2360, %get3A_2361] {strides = array<i32>} : memref<32x128xf32, #tpu.memory_space<vmem>>, vector<16xf32>,
      %mul3A_2363 = arith.constant 11.3137083 : f32
      %mul3A_2364 = vector.broadcast %mul3A_2363 : f32 to vector<16xf32>
      %mul3A_2365 = arith.mulf %get3A_2362, %mul3A_2364 : vector<16xf32>
      %swap3A_2366 = arith.index_cast %scan3A_2306 : i32 to index
      %swap3A_2367 = arith.constant 96 : index
      %swap3A_2368 = tpu.vector_load %arg10[%swap3A_2366, %swap3A_2367] {strides = array<i32>} : memref<32x128xf32, #tpu.memory_space<vmem>>, vector<16xf32>,
      tpu.vector_store %arg10[%swap3A_2366, %swap3A_2367], %mul3A_2365 {strides = array<i32>} : memref<32x128xf32, #tpu.memory_space<vmem>>, vector<16xf32>,
      %get3A_2369 = arith.index_cast %scan3A_2306 : i32 to index
      %get3A_2370 = arith.constant 112 : index
      %get3A_2371 = tpu.vector_load %arg10[%get3A_2369, %get3A_2370] {strides = array<i32>} : memref<32x128xf32, #tpu.memory_space<vmem>>, vector<16xf32>,
      %mul3A_2372 = arith.constant 11.3137083 : f32
      %mul3A_2373 = vector.broadcast %mul3A_2372 : f32 to vector<16xf32>
      %mul3A_2374 = arith.mulf %get3A_2371, %mul3A_2373 : vector<16xf32>
      %swap3A_2375 = arith.index_cast %scan3A_2306 : i32 to index
      %swap3A_2376 = arith.constant 112 : index
      %swap3A_2377 = tpu.vector_load %arg10[%swap3A_2375, %swap3A_2376] {strides = array<i32>} : memref<32x128xf32, #tpu.memory_space<vmem>>, vector<16xf32>,
      tpu.vector_store %arg10[%swap3A_2375, %swap3A_2376], %mul3A_2374 {strides = array<i32>} : memref<32x128xf32, #tpu.memory_space<vmem>>, vector<16xf32>,
      %scan3A_2378 = arith.constant 0 : i32
      scf.yield %scan3A_2378 : i32
    }
    %scan3A_258 = arith.constant 32 : i32
    "tpu.region"() ({
      %run_scoped3A = tpu.sem_alloc : memref<!tpu.dma_semaphore, #tpu.memory_space<semaphore_mem>>
      %dma_start3A_2306 = arith.constant 0 : i32
      %dma_start3A_2307 = tpu.memref_slice %arg9[%add3A_251, %dma_start3A_2306] : memref<1000x128xf32, #tpu.memory_space<vmem_shared>> -> memref<32x128xf32, #tpu.memory_space<vmem_shared>>
      %dma_start3A_2308 = arith.constant 0 : i32
      %dma_start3A_2309 = tpu.memref_slice %arg9[%add3A_251, %dma_start3A_2308] : memref<1000x128xf32, #tpu.memory_space<vmem_shared>> -> memref<32x128xf32, #tpu.memory_space<vmem_shared>>
      tpu.enqueue_dma source(%arg10 : memref<32x128xf32, #tpu.memory_space<vmem>>) target(%dma_start3A_2309 : memref<32x128xf32, #tpu.memory_space<vmem_shared>>) target_semaphore(%run_scoped3A : memref<!tpu.dma_semaphore, #tpu.memory_space<semaphore_mem>>)
      %dma_wait3A_2310 = arith.constant 0 : i32
      %dma_wait3A_2311 = tpu.memref_slice %arg9[%add3A_251, %dma_wait3A_2310] : memref<1000x128xf32, #tpu.memory_space<vmem_shared>> -> memref<32x128xf32, #tpu.memory_space<vmem_shared>>
      %dma_wait3A_2312 = arith.constant 0 : i32
      %dma_wait3A_2313 = tpu.memref_slice %arg9[%add3A_251, %dma_wait3A_2312] : memref<1000x128xf32, #tpu.memory_space<vmem_shared>> -> memref<32x128xf32, #tpu.memory_space<vmem_shared>>
      tpu.wait_dma2 semaphore(%run_scoped3A : memref<!tpu.dma_semaphore, #tpu.memory_space<semaphore_mem>>) src(%arg10 : memref<32x128xf32, #tpu.memory_space<vmem>>) dst(%dma_wait3A_2313 : memref<32x128xf32, #tpu.memory_space<vmem_shared>>)
      tpu.yield
    }) : () -> ()
    %mul3A_259 = arith.constant 64 : i32
    %mul3A_260 = arith.muli %arg1, %mul3A_259 : i32
    %min3A_261 = arith.constant 936 : i32
    %min3A_262 = arith.minsi %mul3A_260, %min3A_261 : i32
    %add3A_263 = arith.constant 32 : i32
    %add3A_264 = arith.addi %min3A_262, %add3A_263 : i32
    "tpu.region"() ({
      %run_scoped3A = tpu.sem_alloc : memref<!tpu.dma_semaphore, #tpu.memory_space<semaphore_mem>>
      %dma_start3A_2306 = arith.constant 0 : i32
      %dma_start3A_2307 = tpu.memref_slice %arg5[%add3A_264, %dma_start3A_2306] : memref<1000x128xf32, #tpu.memory_space<hbm>> -> memref<32x128xf32, #tpu.memory_space<hbm>>
      %dma_start3A_2308 = arith.constant 0 : i32
      %dma_start3A_2309 = tpu.memref_slice %arg5[%add3A_264, %dma_start3A_2308] : memref<1000x128xf32, #tpu.memory_space<hbm>> -> memref<32x128xf32, #tpu.memory_space<hbm>>
      tpu.enqueue_dma source(%dma_start3A_2309 : memref<32x128xf32, #tpu.memory_space<hbm>>) target(%arg10 : memref<32x128xf32, #tpu.memory_space<vmem>>) target_semaphore(%run_scoped3A : memref<!tpu.dma_semaphore, #tpu.memory_space<semaphore_mem>>)
      %dma_wait3A_2310 = arith.constant 0 : i32
      %dma_wait3A_2311 = tpu.memref_slice %arg5[%add3A_264, %dma_wait3A_2310] : memref<1000x128xf32, #tpu.memory_space<hbm>> -> memref<32x128xf32, #tpu.memory_space<hbm>>
      %dma_wait3A_2312 = arith.constant 0 : i32
      %dma_wait3A_2313 = tpu.memref_slice %arg5[%add3A_264, %dma_wait3A_2312] : memref<1000x128xf32, #tpu.memory_space<hbm>> -> memref<32x128xf32, #tpu.memory_space<hbm>>
      tpu.wait_dma2 semaphore(%run_scoped3A : memref<!tpu.dma_semaphore, #tpu.memory_space<semaphore_mem>>) src(%dma_wait3A_2313 : memref<32x128xf32, #tpu.memory_space<hbm>>) dst(%arg10 : memref<32x128xf32, #tpu.memory_space<vmem>>)
      tpu.yield
    }) : () -> ()
    %scan3A_265 = arith.constant 0 : i32
    %scan3A_266 = arith.constant 0 : i32
    %scan3A_267 = arith.constant 32 : i32
    %scan3A_268 = arith.addi %scan3A_266, %scan3A_267 : i32
    %scan3A_269 = arith.constant 1 : i32
    %scan3A_270 = scf.for %scan3A_2306 = %scan3A_266 to %scan3A_268 step %scan3A_269 iter_args(%scan3A_2307 = %scan3A_265) -> (i32)  : i32 {
      %get3A = arith.index_cast %scan3A_2306 : i32 to index
      %get3A_2308 = arith.constant 0 : index
      %get3A_2309 = tpu.vector_load %arg10[%get3A, %get3A_2308] {strides = array<i32>} : memref<32x128xf32, #tpu.memory_space<vmem>>, vector<16xf32>,
      %mul3A_2310 = arith.constant 11.3137083 : f32
      %mul3A_2311 = vector.broadcast %mul3A_2310 : f32 to vector<16xf32>
      %mul3A_2312 = arith.mulf %get3A_2309, %mul3A_2311 : vector<16xf32>
      %swap3A = arith.index_cast %scan3A_2306 : i32 to index
      %swap3A_2313 = arith.constant 0 : index
      %swap3A_2314 = tpu.vector_load %arg10[%swap3A, %swap3A_2313] {strides = array<i32>} : memref<32x128xf32, #tpu.memory_space<vmem>>, vector<16xf32>,
      tpu.vector_store %arg10[%swap3A, %swap3A_2313], %mul3A_2312 {strides = array<i32>} : memref<32x128xf32, #tpu.memory_space<vmem>>, vector<16xf32>,
      %get3A_2315 = arith.index_cast %scan3A_2306 : i32 to index
      %get3A_2316 = arith.constant 16 : index
      %get3A_2317 = tpu.vector_load %arg10[%get3A_2315, %get3A_2316] {strides = array<i32>} : memref<32x128xf32, #tpu.memory_space<vmem>>, vector<16xf32>,
      %mul3A_2318 = arith.constant 11.3137083 : f32
      %mul3A_2319 = vector.broadcast %mul3A_2318 : f32 to vector<16xf32>
      %mul3A_2320 = arith.mulf %get3A_2317, %mul3A_2319 : vector<16xf32>
      %swap3A_2321 = arith.index_cast %scan3A_2306 : i32 to index
      %swap3A_2322 = arith.constant 16 : index
      %swap3A_2323 = tpu.vector_load %arg10[%swap3A_2321, %swap3A_2322] {strides = array<i32>} : memref<32x128xf32, #tpu.memory_space<vmem>>, vector<16xf32>,
      tpu.vector_store %arg10[%swap3A_2321, %swap3A_2322], %mul3A_2320 {strides = array<i32>} : memref<32x128xf32, #tpu.memory_space<vmem>>, vector<16xf32>,
      %get3A_2324 = arith.index_cast %scan3A_2306 : i32 to index
      %get3A_2325 = arith.constant 32 : index
      %get3A_2326 = tpu.vector_load %arg10[%get3A_2324, %get3A_2325] {strides = array<i32>} : memref<32x128xf32, #tpu.memory_space<vmem>>, vector<16xf32>,
      %mul3A_2327 = arith.constant 11.3137083 : f32
      %mul3A_2328 = vector.broadcast %mul3A_2327 : f32 to vector<16xf32>
      %mul3A_2329 = arith.mulf %get3A_2326, %mul3A_2328 : vector<16xf32>
      %swap3A_2330 = arith.index_cast %scan3A_2306 : i32 to index
      %swap3A_2331 = arith.constant 32 : index
      %swap3A_2332 = tpu.vector_load %arg10[%swap3A_2330, %swap3A_2331] {strides = array<i32>} : memref<32x128xf32, #tpu.memory_space<vmem>>, vector<16xf32>,
      tpu.vector_store %arg10[%swap3A_2330, %swap3A_2331], %mul3A_2329 {strides = array<i32>} : memref<32x128xf32, #tpu.memory_space<vmem>>, vector<16xf32>,
      %get3A_2333 = arith.index_cast %scan3A_2306 : i32 to index
      %get3A_2334 = arith.constant 48 : index
      %get3A_2335 = tpu.vector_load %arg10[%get3A_2333, %get3A_2334] {strides = array<i32>} : memref<32x128xf32, #tpu.memory_space<vmem>>, vector<16xf32>,
      %mul3A_2336 = arith.constant 11.3137083 : f32
      %mul3A_2337 = vector.broadcast %mul3A_2336 : f32 to vector<16xf32>
      %mul3A_2338 = arith.mulf %get3A_2335, %mul3A_2337 : vector<16xf32>
      %swap3A_2339 = arith.index_cast %scan3A_2306 : i32 to index
      %swap3A_2340 = arith.constant 48 : index
      %swap3A_2341 = tpu.vector_load %arg10[%swap3A_2339, %swap3A_2340] {strides = array<i32>} : memref<32x128xf32, #tpu.memory_space<vmem>>, vector<16xf32>,
      tpu.vector_store %arg10[%swap3A_2339, %swap3A_2340], %mul3A_2338 {strides = array<i32>} : memref<32x128xf32, #tpu.memory_space<vmem>>, vector<16xf32>,
      %get3A_2342 = arith.index_cast %scan3A_2306 : i32 to index
      %get3A_2343 = arith.constant 64 : index
      %get3A_2344 = tpu.vector_load %arg10[%get3A_2342, %get3A_2343] {strides = array<i32>} : memref<32x128xf32, #tpu.memory_space<vmem>>, vector<16xf32>,
      %mul3A_2345 = arith.constant 11.3137083 : f32
      %mul3A_2346 = vector.broadcast %mul3A_2345 : f32 to vector<16xf32>
      %mul3A_2347 = arith.mulf %get3A_2344, %mul3A_2346 : vector<16xf32>
      %swap3A_2348 = arith.index_cast %scan3A_2306 : i32 to index
      %swap3A_2349 = arith.constant 64 : index
      %swap3A_2350 = tpu.vector_load %arg10[%swap3A_2348, %swap3A_2349] {strides = array<i32>} : memref<32x128xf32, #tpu.memory_space<vmem>>, vector<16xf32>,
      tpu.vector_store %arg10[%swap3A_2348, %swap3A_2349], %mul3A_2347 {strides = array<i32>} : memref<32x128xf32, #tpu.memory_space<vmem>>, vector<16xf32>,
      %get3A_2351 = arith.index_cast %scan3A_2306 : i32 to index
      %get3A_2352 = arith.constant 80 : index
      %get3A_2353 = tpu.vector_load %arg10[%get3A_2351, %get3A_2352] {strides = array<i32>} : memref<32x128xf32, #tpu.memory_space<vmem>>, vector<16xf32>,
      %mul3A_2354 = arith.constant 11.3137083 : f32
      %mul3A_2355 = vector.broadcast %mul3A_2354 : f32 to vector<16xf32>
      %mul3A_2356 = arith.mulf %get3A_2353, %mul3A_2355 : vector<16xf32>
      %swap3A_2357 = arith.index_cast %scan3A_2306 : i32 to index
      %swap3A_2358 = arith.constant 80 : index
      %swap3A_2359 = tpu.vector_load %arg10[%swap3A_2357, %swap3A_2358] {strides = array<i32>} : memref<32x128xf32, #tpu.memory_space<vmem>>, vector<16xf32>,
      tpu.vector_store %arg10[%swap3A_2357, %swap3A_2358], %mul3A_2356 {strides = array<i32>} : memref<32x128xf32, #tpu.memory_space<vmem>>, vector<16xf32>,
      %get3A_2360 = arith.index_cast %scan3A_2306 : i32 to index
      %get3A_2361 = arith.constant 96 : index
      %get3A_2362 = tpu.vector_load %arg10[%get3A_2360, %get3A_2361] {strides = array<i32>} : memref<32x128xf32, #tpu.memory_space<vmem>>, vector<16xf32>,
      %mul3A_2363 = arith.constant 11.3137083 : f32
      %mul3A_2364 = vector.broadcast %mul3A_2363 : f32 to vector<16xf32>
      %mul3A_2365 = arith.mulf %get3A_2362, %mul3A_2364 : vector<16xf32>
      %swap3A_2366 = arith.index_cast %scan3A_2306 : i32 to index
      %swap3A_2367 = arith.constant 96 : index
      %swap3A_2368 = tpu.vector_load %arg10[%swap3A_2366, %swap3A_2367] {strides = array<i32>} : memref<32x128xf32, #tpu.memory_space<vmem>>, vector<16xf32>,
      tpu.vector_store %arg10[%swap3A_2366, %swap3A_2367], %mul3A_2365 {strides = array<i32>} : memref<32x128xf32, #tpu.memory_space<vmem>>, vector<16xf32>,
      %get3A_2369 = arith.index_cast %scan3A_2306 : i32 to index
      %get3A_2370 = arith.constant 112 : index
      %get3A_2371 = tpu.vector_load %arg10[%get3A_2369, %get3A_2370] {strides = array<i32>} : memref<32x128xf32, #tpu.memory_space<vmem>>, vector<16xf32>,
      %mul3A_2372 = arith.constant 11.3137083 : f32
      %mul3A_2373 = vector.broadcast %mul3A_2372 : f32 to vector<16xf32>
      %mul3A_2374 = arith.mulf %get3A_2371, %mul3A_2373 : vector<16xf32>
      %swap3A_2375 = arith.index_cast %scan3A_2306 : i32 to index
      %swap3A_2376 = arith.constant 112 : index
      %swap3A_2377 = tpu.vector_load %arg10[%swap3A_2375, %swap3A_2376] {strides = array<i32>} : memref<32x128xf32, #tpu.memory_space<vmem>>, vector<16xf32>,
      tpu.vector_store %arg10[%swap3A_2375, %swap3A_2376], %mul3A_2374 {strides = array<i32>} : memref<32x128xf32, #tpu.memory_space<vmem>>, vector<16xf32>,
      %scan3A_2378 = arith.constant 0 : i32
      scf.yield %scan3A_2378 : i32
    }
    %scan3A_271 = arith.constant 32 : i32
    "tpu.region"() ({
      %run_scoped3A = tpu.sem_alloc : memref<!tpu.dma_semaphore, #tpu.memory_space<semaphore_mem>>
      %dma_start3A_2306 = arith.constant 0 : i32
      %dma_start3A_2307 = tpu.memref_slice %arg9[%add3A_264, %dma_start3A_2306] : memref<1000x128xf32, #tpu.memory_space<vmem_shared>> -> memref<32x128xf32, #tpu.memory_space<vmem_shared>>
      %dma_start3A_2308 = arith.constant 0 : i32
      %dma_start3A_2309 = tpu.memref_slice %arg9[%add3A_264, %dma_start3A_2308] : memref<1000x128xf32, #tpu.memory_space<vmem_shared>> -> memref<32x128xf32, #tpu.memory_space<vmem_shared>>
      tpu.enqueue_dma source(%arg10 : memref<32x128xf32, #tpu.memory_space<vmem>>) target(%dma_start3A_2309 : memref<32x128xf32, #tpu.memory_space<vmem_shared>>) target_semaphore(%run_scoped3A : memref<!tpu.dma_semaphore, #tpu.memory_space<semaphore_mem>>)
      %dma_wait3A_2310 = arith.constant 0 : i32
      %dma_wait3A_2311 = tpu.memref_slice %arg9[%add3A_264, %dma_wait3A_2310] : memref<1000x128xf32, #tpu.memory_space<vmem_shared>> -> memref<32x128xf32, #tpu.memory_space<vmem_shared>>
      %dma_wait3A_2312 = arith.constant 0 : i32
      %dma_wait3A_2313 = tpu.memref_slice %arg9[%add3A_264, %dma_wait3A_2312] : memref<1000x128xf32, #tpu.memory_space<vmem_shared>> -> memref<32x128xf32, #tpu.memory_space<vmem_shared>>
      tpu.wait_dma2 semaphore(%run_scoped3A : memref<!tpu.dma_semaphore, #tpu.memory_space<semaphore_mem>>) src(%arg10 : memref<32x128xf32, #tpu.memory_space<vmem>>) dst(%dma_wait3A_2313 : memref<32x128xf32, #tpu.memory_space<vmem_shared>>)
      tpu.yield
    }) : () -> ()
    %barrier3A = arith.constant 0 : index
    tpu.barrier barrier_id(%barrier3A)
    %jit3A_272 = arith.constant 0 : i32
    %jit3A_273 = arith.constant 2 : i32
    %div3A_274 = arith.divsi %jit3A_272, %jit3A_273 : i32
    %sign3A_275 = arith.constant 0 : i32
    %sign3A_276 = arith.cmpi sgt, %jit3A_272, %sign3A_275 : i32
    %sign3A_277 = arith.extui %sign3A_276 : i1 to i32
    %sign3A_278 = arith.constant 0 : i32
    %sign3A_279 = arith.cmpi slt, %jit3A_272, %sign3A_278 : i32
    %sign3A_280 = arith.extui %sign3A_279 : i1 to i32
    %sign3A_281 = arith.subi %sign3A_277, %sign3A_280 : i32
    %sign3A_282 = arith.constant 0 : i32
    %sign3A_283 = arith.cmpi sgt, %jit3A_273, %sign3A_282 : i32
    %sign3A_284 = arith.extui %sign3A_283 : i1 to i32
    %sign3A_285 = arith.constant 0 : i32
    %sign3A_286 = arith.cmpi slt, %jit3A_273, %sign3A_285 : i32
    %sign3A_287 = arith.extui %sign3A_286 : i1 to i32
    %sign3A_288 = arith.subi %sign3A_284, %sign3A_287 : i32
    %ne3A_289 = arith.cmpi ne, %sign3A_281, %sign3A_288 : i32
    %rem3A_290 = arith.remsi %jit3A_272, %jit3A_273 : i32
    %ne3A_291 = arith.constant 0 : i32
    %ne3A_292 = arith.cmpi ne, %rem3A_290, %ne3A_291 : i32
    %and3A_293 = arith.andi %ne3A_289, %ne3A_292 : i1
    %sub3A_294 = arith.constant 1 : i32
    %sub3A_295 = arith.subi %div3A_274, %sub3A_294 : i32
    %select_n3A_296 = arith.select %and3A_293, %sub3A_295, %div3A_274 : i32
    %jit3A_297 = arith.constant 0 : i32
    %jit3A_298 = arith.constant 2 : i32
    %eq3A_299 = arith.constant 0 : i32
    %eq3A_300 = arith.cmpi eq, %jit3A_298, %eq3A_299 : i32
    %jit3A_301 = arith.constant 1 : i32
    %select_n3A_302 = arith.select %eq3A_300, %jit3A_301, %jit3A_298 : i32
    %rem3A_303 = arith.remsi %jit3A_297, %select_n3A_302 : i32
    %ne3A_304 = arith.constant 0 : i32
    %ne3A_305 = arith.cmpi ne, %rem3A_303, %ne3A_304 : i32
    %lt3A_306 = arith.constant 0 : i32
    %lt3A_307 = arith.cmpi slt, %rem3A_303, %lt3A_306 : i32
    %lt3A_308 = arith.constant 0 : i32
    %lt3A_309 = arith.cmpi slt, %select_n3A_302, %lt3A_308 : i32
    %ne3A_310 = arith.xori %lt3A_307, %lt3A_309 : i1
    %and3A_311 = arith.andi %ne3A_310, %ne3A_305 : i1
    %add3A_312 = arith.addi %rem3A_303, %select_n3A_302 : i32
    %select_n3A_313 = arith.select %and3A_311, %add3A_312, %rem3A_303 : i32
    %mul3A_314 = arith.constant 64 : i32
    %mul3A_315 = arith.muli %select_n3A_313, %mul3A_314 : i32
    %add3A_316 = arith.addi %mul3A_2, %mul3A_315 : i32
    %dma_wait3A = arith.constant 0 : i32
    %dma_wait3A_317 = tpu.memref_slice %arg2[%dma_wait3A, %select_n3A_296, %mul3A_2] : memref<3x50x4096xi32, #tpu.memory_space<hbm>> -> memref<3x1x128xi32, #tpu.memory_space<hbm>>
    %dma_wait3A_318 = tpu.memref_squeeze %dma_wait3A_317 : memref<3x1x128xi32, #tpu.memory_space<hbm>> -> memref<3x128xi32, #tpu.memory_space<hbm>>
    %dma_wait3A_319 = arith.constant 0 : i32
    %dma_wait3A_320 = tpu.memref_slice %arg2[%dma_wait3A_319, %select_n3A_296, %mul3A_2] : memref<3x50x4096xi32, #tpu.memory_space<hbm>> -> memref<3x1x128xi32, #tpu.memory_space<hbm>>
    %dma_wait3A_321 = tpu.memref_squeeze %dma_wait3A_320 : memref<3x1x128xi32, #tpu.memory_space<hbm>> -> memref<3x128xi32, #tpu.memory_space<hbm>>
    tpu.wait_dma2 semaphore(%arg51 : memref<!tpu.dma_semaphore, #tpu.memory_space<semaphore_mem>>) src(%dma_wait3A_321 : memref<3x128xi32, #tpu.memory_space<hbm>>) dst(%arg11 : memref<3x128xi32, #tpu.memory_space<vmem>>)
    %jit3A_322 = arith.constant 0 : i32
    %jit3A_323 = arith.constant 2 : i32
    %eq3A_324 = arith.constant 0 : i32
    %eq3A_325 = arith.cmpi eq, %jit3A_323, %eq3A_324 : i32
    %jit3A_326 = arith.constant 1 : i32
    %select_n3A_327 = arith.select %eq3A_325, %jit3A_326, %jit3A_323 : i32
    %rem3A_328 = arith.remsi %jit3A_322, %select_n3A_327 : i32
    %ne3A_329 = arith.constant 0 : i32
    %ne3A_330 = arith.cmpi ne, %rem3A_328, %ne3A_329 : i32
    %lt3A_331 = arith.constant 0 : i32
    %lt3A_332 = arith.cmpi slt, %rem3A_328, %lt3A_331 : i32
    %lt3A_333 = arith.constant 0 : i32
    %lt3A_334 = arith.cmpi slt, %select_n3A_327, %lt3A_333 : i32
    %ne3A_335 = arith.xori %lt3A_332, %lt3A_334 : i1
    %and3A_336 = arith.andi %ne3A_335, %ne3A_330 : i1
    %add3A_337 = arith.addi %rem3A_328, %select_n3A_327 : i32
    %select_n3A_338 = arith.select %and3A_336, %add3A_337, %rem3A_328 : i32
    %mul3A_339 = arith.constant 64 : i32
    %mul3A_340 = arith.muli %select_n3A_338, %mul3A_339 : i32
    %dma_start3A_341 = arith.constant 0 : i32
    %dma_start3A_342 = tpu.memref_slice %arg11[%dma_start3A_341, %mul3A_340] : memref<3x128xi32, #tpu.memory_space<vmem>> -> memref<1x64xi32, #tpu.memory_space<vmem>>
    %dma_start3A_343 = tpu.memref_squeeze %dma_start3A_342 : memref<1x64xi32, #tpu.memory_space<vmem>> -> memref<64xi32, #tpu.memory_space<vmem>>
    %dma_start3A_344 = arith.constant 0 : i32
    %dma_start3A_345 = arith.constant 0 : i32
    %dma_start3A_346 = tpu.memref_slice %arg7[%dma_start3A_344, %dma_start3A_345] : memref<1000x128xf32, #tpu.memory_space<vmem_shared>> -> memref<1000x128xf32, #tpu.memory_space<vmem_shared>>
    tpu.enqueue_indirect_dma source(%dma_start3A_346 : memref<1000x128xf32, #tpu.memory_space<vmem_shared>>) target(%arg15 : memref<64x128xf32, #tpu.memory_space<vmem>>) offsets(%dma_start3A_343 : memref<64xi32, #tpu.memory_space<vmem>>) semaphore(%arg27 : memref<!tpu.dma_semaphore, #tpu.memory_space<semaphore_mem>>)
    %jit3A_347 = arith.constant 0 : i32
    %jit3A_348 = arith.constant 2 : i32
    %eq3A_349 = arith.constant 0 : i32
    %eq3A_350 = arith.cmpi eq, %jit3A_348, %eq3A_349 : i32
    %jit3A_351 = arith.constant 1 : i32
    %select_n3A_352 = arith.select %eq3A_350, %jit3A_351, %jit3A_348 : i32
    %rem3A_353 = arith.remsi %jit3A_347, %select_n3A_352 : i32
    %ne3A_354 = arith.constant 0 : i32
    %ne3A_355 = arith.cmpi ne, %rem3A_353, %ne3A_354 : i32
    %lt3A_356 = arith.constant 0 : i32
    %lt3A_357 = arith.cmpi slt, %rem3A_353, %lt3A_356 : i32
    %lt3A_358 = arith.constant 0 : i32
    %lt3A_359 = arith.cmpi slt, %select_n3A_352, %lt3A_358 : i32
    %ne3A_360 = arith.xori %lt3A_357, %lt3A_359 : i1
    %and3A_361 = arith.andi %ne3A_360, %ne3A_355 : i1
    %add3A_362 = arith.addi %rem3A_353, %select_n3A_352 : i32
    %select_n3A_363 = arith.select %and3A_361, %add3A_362, %rem3A_353 : i32
    %mul3A_364 = arith.constant 64 : i32
    %mul3A_365 = arith.muli %select_n3A_363, %mul3A_364 : i32
    %dma_start3A_366 = arith.constant 1 : i32
    %dma_start3A_367 = tpu.memref_slice %arg11[%dma_start3A_366, %mul3A_365] : memref<3x128xi32, #tpu.memory_space<vmem>> -> memref<1x64xi32, #tpu.memory_space<vmem>>
    %dma_start3A_368 = tpu.memref_squeeze %dma_start3A_367 : memref<1x64xi32, #tpu.memory_space<vmem>> -> memref<64xi32, #tpu.memory_space<vmem>>
    %dma_start3A_369 = arith.constant 0 : i32
    %dma_start3A_370 = arith.constant 0 : i32
    %dma_start3A_371 = tpu.memref_slice %arg8[%dma_start3A_369, %dma_start3A_370] : memref<1000x128xf32, #tpu.memory_space<vmem_shared>> -> memref<1000x128xf32, #tpu.memory_space<vmem_shared>>
    tpu.enqueue_indirect_dma source(%dma_start3A_371 : memref<1000x128xf32, #tpu.memory_space<vmem_shared>>) target(%arg19 : memref<64x128xf32, #tpu.memory_space<vmem>>) offsets(%dma_start3A_368 : memref<64xi32, #tpu.memory_space<vmem>>) semaphore(%arg31 : memref<!tpu.dma_semaphore, #tpu.memory_space<semaphore_mem>>)
    %jit3A_372 = arith.constant 0 : i32
    %jit3A_373 = arith.constant 2 : i32
    %eq3A_374 = arith.constant 0 : i32
    %eq3A_375 = arith.cmpi eq, %jit3A_373, %eq3A_374 : i32
    %jit3A_376 = arith.constant 1 : i32
    %select_n3A_377 = arith.select %eq3A_375, %jit3A_376, %jit3A_373 : i32
    %rem3A_378 = arith.remsi %jit3A_372, %select_n3A_377 : i32
    %ne3A_379 = arith.constant 0 : i32
    %ne3A_380 = arith.cmpi ne, %rem3A_378, %ne3A_379 : i32
    %lt3A_381 = arith.constant 0 : i32
    %lt3A_382 = arith.cmpi slt, %rem3A_378, %lt3A_381 : i32
    %lt3A_383 = arith.constant 0 : i32
    %lt3A_384 = arith.cmpi slt, %select_n3A_377, %lt3A_383 : i32
    %ne3A_385 = arith.xori %lt3A_382, %lt3A_384 : i1
    %and3A_386 = arith.andi %ne3A_385, %ne3A_380 : i1
    %add3A_387 = arith.addi %rem3A_378, %select_n3A_377 : i32
    %select_n3A_388 = arith.select %and3A_386, %add3A_387, %rem3A_378 : i32
    %mul3A_389 = arith.constant 64 : i32
    %mul3A_390 = arith.muli %select_n3A_388, %mul3A_389 : i32
    %dma_start3A_391 = arith.constant 2 : i32
    %dma_start3A_392 = tpu.memref_slice %arg11[%dma_start3A_391, %mul3A_390] : memref<3x128xi32, #tpu.memory_space<vmem>> -> memref<1x64xi32, #tpu.memory_space<vmem>>
    %dma_start3A_393 = tpu.memref_squeeze %dma_start3A_392 : memref<1x64xi32, #tpu.memory_space<vmem>> -> memref<64xi32, #tpu.memory_space<vmem>>
    %dma_start3A_394 = arith.constant 0 : i32
    %dma_start3A_395 = arith.constant 0 : i32
    %dma_start3A_396 = tpu.memref_slice %arg9[%dma_start3A_394, %dma_start3A_395] : memref<1000x128xf32, #tpu.memory_space<vmem_shared>> -> memref<1000x128xf32, #tpu.memory_space<vmem_shared>>
    tpu.enqueue_indirect_dma source(%dma_start3A_396 : memref<1000x128xf32, #tpu.memory_space<vmem_shared>>) target(%arg23 : memref<64x128xf32, #tpu.memory_space<vmem>>) offsets(%dma_start3A_393 : memref<64xi32, #tpu.memory_space<vmem>>) semaphore(%arg35 : memref<!tpu.dma_semaphore, #tpu.memory_space<semaphore_mem>>)
    %jit3A_397 = arith.constant 1 : i32
    %jit3A_398 = arith.constant 2 : i32
    %div3A_399 = arith.divsi %jit3A_397, %jit3A_398 : i32
    %sign3A_400 = arith.constant 0 : i32
    %sign3A_401 = arith.cmpi sgt, %jit3A_397, %sign3A_400 : i32
    %sign3A_402 = arith.extui %sign3A_401 : i1 to i32
    %sign3A_403 = arith.constant 0 : i32
    %sign3A_404 = arith.cmpi slt, %jit3A_397, %sign3A_403 : i32
    %sign3A_405 = arith.extui %sign3A_404 : i1 to i32
    %sign3A_406 = arith.subi %sign3A_402, %sign3A_405 : i32
    %sign3A_407 = arith.constant 0 : i32
    %sign3A_408 = arith.cmpi sgt, %jit3A_398, %sign3A_407 : i32
    %sign3A_409 = arith.extui %sign3A_408 : i1 to i32
    %sign3A_410 = arith.constant 0 : i32
    %sign3A_411 = arith.cmpi slt, %jit3A_398, %sign3A_410 : i32
    %sign3A_412 = arith.extui %sign3A_411 : i1 to i32
    %sign3A_413 = arith.subi %sign3A_409, %sign3A_412 : i32
    %ne3A_414 = arith.cmpi ne, %sign3A_406, %sign3A_413 : i32
    %rem3A_415 = arith.remsi %jit3A_397, %jit3A_398 : i32
    %ne3A_416 = arith.constant 0 : i32
    %ne3A_417 = arith.cmpi ne, %rem3A_415, %ne3A_416 : i32
    %and3A_418 = arith.andi %ne3A_414, %ne3A_417 : i1
    %sub3A_419 = arith.constant 1 : i32
    %sub3A_420 = arith.subi %div3A_399, %sub3A_419 : i32
    %select_n3A_421 = arith.select %and3A_418, %sub3A_420, %div3A_399 : i32
    %jit3A_422 = arith.constant 1 : i32
    %jit3A_423 = arith.constant 2 : i32
    %eq3A_424 = arith.constant 0 : i32
    %eq3A_425 = arith.cmpi eq, %jit3A_423, %eq3A_424 : i32
    %jit3A_426 = arith.constant 1 : i32
    %select_n3A_427 = arith.select %eq3A_425, %jit3A_426, %jit3A_423 : i32
    %rem3A_428 = arith.remsi %jit3A_422, %select_n3A_427 : i32
    %ne3A_429 = arith.constant 0 : i32
    %ne3A_430 = arith.cmpi ne, %rem3A_428, %ne3A_429 : i32
    %lt3A_431 = arith.constant 0 : i32
    %lt3A_432 = arith.cmpi slt, %rem3A_428, %lt3A_431 : i32
    %lt3A_433 = arith.constant 0 : i32
    %lt3A_434 = arith.cmpi slt, %select_n3A_427, %lt3A_433 : i32
    %ne3A_435 = arith.xori %lt3A_432, %lt3A_434 : i1
    %and3A_436 = arith.andi %ne3A_435, %ne3A_430 : i1
    %add3A_437 = arith.addi %rem3A_428, %select_n3A_427 : i32
    %select_n3A_438 = arith.select %and3A_436, %add3A_437, %rem3A_428 : i32
    %mul3A_439 = arith.constant 64 : i32
    %mul3A_440 = arith.muli %select_n3A_438, %mul3A_439 : i32
    %add3A_441 = arith.addi %mul3A_2, %mul3A_440 : i32
    %dma_wait3A_442 = arith.constant 0 : i32
    %dma_wait3A_443 = tpu.memref_slice %arg2[%dma_wait3A_442, %select_n3A_421, %mul3A_2] : memref<3x50x4096xi32, #tpu.memory_space<hbm>> -> memref<3x1x128xi32, #tpu.memory_space<hbm>>
    %dma_wait3A_444 = tpu.memref_squeeze %dma_wait3A_443 : memref<3x1x128xi32, #tpu.memory_space<hbm>> -> memref<3x128xi32, #tpu.memory_space<hbm>>
    %dma_wait3A_445 = arith.constant 0 : i32
    %dma_wait3A_446 = tpu.memref_slice %arg2[%dma_wait3A_445, %select_n3A_421, %mul3A_2] : memref<3x50x4096xi32, #tpu.memory_space<hbm>> -> memref<3x1x128xi32, #tpu.memory_space<hbm>>
    %dma_wait3A_447 = tpu.memref_squeeze %dma_wait3A_446 : memref<3x1x128xi32, #tpu.memory_space<hbm>> -> memref<3x128xi32, #tpu.memory_space<hbm>>
    tpu.wait_dma2 semaphore(%arg52 : memref<!tpu.dma_semaphore, #tpu.memory_space<semaphore_mem>>) src(%dma_wait3A_447 : memref<3x128xi32, #tpu.memory_space<hbm>>) dst(%arg12 : memref<3x128xi32, #tpu.memory_space<vmem>>)
    %jit3A_448 = arith.constant 1 : i32
    %jit3A_449 = arith.constant 2 : i32
    %eq3A_450 = arith.constant 0 : i32
    %eq3A_451 = arith.cmpi eq, %jit3A_449, %eq3A_450 : i32
    %jit3A_452 = arith.constant 1 : i32
    %select_n3A_453 = arith.select %eq3A_451, %jit3A_452, %jit3A_449 : i32
    %rem3A_454 = arith.remsi %jit3A_448, %select_n3A_453 : i32
    %ne3A_455 = arith.constant 0 : i32
    %ne3A_456 = arith.cmpi ne, %rem3A_454, %ne3A_455 : i32
    %lt3A_457 = arith.constant 0 : i32
    %lt3A_458 = arith.cmpi slt, %rem3A_454, %lt3A_457 : i32
    %lt3A_459 = arith.constant 0 : i32
    %lt3A_460 = arith.cmpi slt, %select_n3A_453, %lt3A_459 : i32
    %ne3A_461 = arith.xori %lt3A_458, %lt3A_460 : i1
    %and3A_462 = arith.andi %ne3A_461, %ne3A_456 : i1
    %add3A_463 = arith.addi %rem3A_454, %select_n3A_453 : i32
    %select_n3A_464 = arith.select %and3A_462, %add3A_463, %rem3A_454 : i32
    %mul3A_465 = arith.constant 64 : i32
    %mul3A_466 = arith.muli %select_n3A_464, %mul3A_465 : i32
    %dma_start3A_467 = arith.constant 0 : i32
    %dma_start3A_468 = tpu.memref_slice %arg12[%dma_start3A_467, %mul3A_466] : memref<3x128xi32, #tpu.memory_space<vmem>> -> memref<1x64xi32, #tpu.memory_space<vmem>>
    %dma_start3A_469 = tpu.memref_squeeze %dma_start3A_468 : memref<1x64xi32, #tpu.memory_space<vmem>> -> memref<64xi32, #tpu.memory_space<vmem>>
    %dma_start3A_470 = arith.constant 0 : i32
    %dma_start3A_471 = arith.constant 0 : i32
    %dma_start3A_472 = tpu.memref_slice %arg7[%dma_start3A_470, %dma_start3A_471] : memref<1000x128xf32, #tpu.memory_space<vmem_shared>> -> memref<1000x128xf32, #tpu.memory_space<vmem_shared>>
    tpu.enqueue_indirect_dma source(%dma_start3A_472 : memref<1000x128xf32, #tpu.memory_space<vmem_shared>>) target(%arg16 : memref<64x128xf32, #tpu.memory_space<vmem>>) offsets(%dma_start3A_469 : memref<64xi32, #tpu.memory_space<vmem>>) semaphore(%arg28 : memref<!tpu.dma_semaphore, #tpu.memory_space<semaphore_mem>>)
    %jit3A_473 = arith.constant 1 : i32
    %jit3A_474 = arith.constant 2 : i32
    %eq3A_475 = arith.constant 0 : i32
    %eq3A_476 = arith.cmpi eq, %jit3A_474, %eq3A_475 : i32
    %jit3A_477 = arith.constant 1 : i32
    %select_n3A_478 = arith.select %eq3A_476, %jit3A_477, %jit3A_474 : i32
    %rem3A_479 = arith.remsi %jit3A_473, %select_n3A_478 : i32
    %ne3A_480 = arith.constant 0 : i32
    %ne3A_481 = arith.cmpi ne, %rem3A_479, %ne3A_480 : i32
    %lt3A_482 = arith.constant 0 : i32
    %lt3A_483 = arith.cmpi slt, %rem3A_479, %lt3A_482 : i32
    %lt3A_484 = arith.constant 0 : i32
    %lt3A_485 = arith.cmpi slt, %select_n3A_478, %lt3A_484 : i32
    %ne3A_486 = arith.xori %lt3A_483, %lt3A_485 : i1
    %and3A_487 = arith.andi %ne3A_486, %ne3A_481 : i1
    %add3A_488 = arith.addi %rem3A_479, %select_n3A_478 : i32
    %select_n3A_489 = arith.select %and3A_487, %add3A_488, %rem3A_479 : i32
    %mul3A_490 = arith.constant 64 : i32
    %mul3A_491 = arith.muli %select_n3A_489, %mul3A_490 : i32
    %dma_start3A_492 = arith.constant 1 : i32
    %dma_start3A_493 = tpu.memref_slice %arg12[%dma_start3A_492, %mul3A_491] : memref<3x128xi32, #tpu.memory_space<vmem>> -> memref<1x64xi32, #tpu.memory_space<vmem>>
    %dma_start3A_494 = tpu.memref_squeeze %dma_start3A_493 : memref<1x64xi32, #tpu.memory_space<vmem>> -> memref<64xi32, #tpu.memory_space<vmem>>
    %dma_start3A_495 = arith.constant 0 : i32
    %dma_start3A_496 = arith.constant 0 : i32
    %dma_start3A_497 = tpu.memref_slice %arg8[%dma_start3A_495, %dma_start3A_496] : memref<1000x128xf32, #tpu.memory_space<vmem_shared>> -> memref<1000x128xf32, #tpu.memory_space<vmem_shared>>
    tpu.enqueue_indirect_dma source(%dma_start3A_497 : memref<1000x128xf32, #tpu.memory_space<vmem_shared>>) target(%arg20 : memref<64x128xf32, #tpu.memory_space<vmem>>) offsets(%dma_start3A_494 : memref<64xi32, #tpu.memory_space<vmem>>) semaphore(%arg32 : memref<!tpu.dma_semaphore, #tpu.memory_space<semaphore_mem>>)
    %jit3A_498 = arith.constant 1 : i32
    %jit3A_499 = arith.constant 2 : i32
    %eq3A_500 = arith.constant 0 : i32
    %eq3A_501 = arith.cmpi eq, %jit3A_499, %eq3A_500 : i32
    %jit3A_502 = arith.constant 1 : i32
    %select_n3A_503 = arith.select %eq3A_501, %jit3A_502, %jit3A_499 : i32
    %rem3A_504 = arith.remsi %jit3A_498, %select_n3A_503 : i32
    %ne3A_505 = arith.constant 0 : i32
    %ne3A_506 = arith.cmpi ne, %rem3A_504, %ne3A_505 : i32
    %lt3A_507 = arith.constant 0 : i32
    %lt3A_508 = arith.cmpi slt, %rem3A_504, %lt3A_507 : i32
    %lt3A_509 = arith.constant 0 : i32
    %lt3A_510 = arith.cmpi slt, %select_n3A_503, %lt3A_509 : i32
    %ne3A_511 = arith.xori %lt3A_508, %lt3A_510 : i1
    %and3A_512 = arith.andi %ne3A_511, %ne3A_506 : i1
    %add3A_513 = arith.addi %rem3A_504, %select_n3A_503 : i32
    %select_n3A_514 = arith.select %and3A_512, %add3A_513, %rem3A_504 : i32
    %mul3A_515 = arith.constant 64 : i32
    %mul3A_516 = arith.muli %select_n3A_514, %mul3A_515 : i32
    %dma_start3A_517 = arith.constant 2 : i32
    %dma_start3A_518 = tpu.memref_slice %arg12[%dma_start3A_517, %mul3A_516] : memref<3x128xi32, #tpu.memory_space<vmem>> -> memref<1x64xi32, #tpu.memory_space<vmem>>
    %dma_start3A_519 = tpu.memref_squeeze %dma_start3A_518 : memref<1x64xi32, #tpu.memory_space<vmem>> -> memref<64xi32, #tpu.memory_space<vmem>>
    %dma_start3A_520 = arith.constant 0 : i32
    %dma_start3A_521 = arith.constant 0 : i32
    %dma_start3A_522 = tpu.memref_slice %arg9[%dma_start3A_520, %dma_start3A_521] : memref<1000x128xf32, #tpu.memory_space<vmem_shared>> -> memref<1000x128xf32, #tpu.memory_space<vmem_shared>>
    tpu.enqueue_indirect_dma source(%dma_start3A_522 : memref<1000x128xf32, #tpu.memory_space<vmem_shared>>) target(%arg24 : memref<64x128xf32, #tpu.memory_space<vmem>>) offsets(%dma_start3A_519 : memref<64xi32, #tpu.memory_space<vmem>>) semaphore(%arg36 : memref<!tpu.dma_semaphore, #tpu.memory_space<semaphore_mem>>)
    %jit3A_523 = arith.constant 2 : i32
    %jit3A_524 = arith.constant 2 : i32
    %div3A_525 = arith.divsi %jit3A_523, %jit3A_524 : i32
    %sign3A_526 = arith.constant 0 : i32
    %sign3A_527 = arith.cmpi sgt, %jit3A_523, %sign3A_526 : i32
    %sign3A_528 = arith.extui %sign3A_527 : i1 to i32
    %sign3A_529 = arith.constant 0 : i32
    %sign3A_530 = arith.cmpi slt, %jit3A_523, %sign3A_529 : i32
    %sign3A_531 = arith.extui %sign3A_530 : i1 to i32
    %sign3A_532 = arith.subi %sign3A_528, %sign3A_531 : i32
    %sign3A_533 = arith.constant 0 : i32
    %sign3A_534 = arith.cmpi sgt, %jit3A_524, %sign3A_533 : i32
    %sign3A_535 = arith.extui %sign3A_534 : i1 to i32
    %sign3A_536 = arith.constant 0 : i32
    %sign3A_537 = arith.cmpi slt, %jit3A_524, %sign3A_536 : i32
    %sign3A_538 = arith.extui %sign3A_537 : i1 to i32
    %sign3A_539 = arith.subi %sign3A_535, %sign3A_538 : i32
    %ne3A_540 = arith.cmpi ne, %sign3A_532, %sign3A_539 : i32
    %rem3A_541 = arith.remsi %jit3A_523, %jit3A_524 : i32
    %ne3A_542 = arith.constant 0 : i32
    %ne3A_543 = arith.cmpi ne, %rem3A_541, %ne3A_542 : i32
    %and3A_544 = arith.andi %ne3A_540, %ne3A_543 : i1
    %sub3A_545 = arith.constant 1 : i32
    %sub3A_546 = arith.subi %div3A_525, %sub3A_545 : i32
    %select_n3A_547 = arith.select %and3A_544, %sub3A_546, %div3A_525 : i32
    %jit3A_548 = arith.constant 2 : i32
    %jit3A_549 = arith.constant 2 : i32
    %eq3A_550 = arith.constant 0 : i32
    %eq3A_551 = arith.cmpi eq, %jit3A_549, %eq3A_550 : i32
    %jit3A_552 = arith.constant 1 : i32
    %select_n3A_553 = arith.select %eq3A_551, %jit3A_552, %jit3A_549 : i32
    %rem3A_554 = arith.remsi %jit3A_548, %select_n3A_553 : i32
    %ne3A_555 = arith.constant 0 : i32
    %ne3A_556 = arith.cmpi ne, %rem3A_554, %ne3A_555 : i32
    %lt3A_557 = arith.constant 0 : i32
    %lt3A_558 = arith.cmpi slt, %rem3A_554, %lt3A_557 : i32
    %lt3A_559 = arith.constant 0 : i32
    %lt3A_560 = arith.cmpi slt, %select_n3A_553, %lt3A_559 : i32
    %ne3A_561 = arith.xori %lt3A_558, %lt3A_560 : i1
    %and3A_562 = arith.andi %ne3A_561, %ne3A_556 : i1
    %add3A_563 = arith.addi %rem3A_554, %select_n3A_553 : i32
    %select_n3A_564 = arith.select %and3A_562, %add3A_563, %rem3A_554 : i32
    %mul3A_565 = arith.constant 64 : i32
    %mul3A_566 = arith.muli %select_n3A_564, %mul3A_565 : i32
    %add3A_567 = arith.addi %mul3A_2, %mul3A_566 : i32
    %dma_wait3A_568 = arith.constant 0 : i32
    %dma_wait3A_569 = tpu.memref_slice %arg2[%dma_wait3A_568, %select_n3A_547, %mul3A_2] : memref<3x50x4096xi32, #tpu.memory_space<hbm>> -> memref<3x1x128xi32, #tpu.memory_space<hbm>>
    %dma_wait3A_570 = tpu.memref_squeeze %dma_wait3A_569 : memref<3x1x128xi32, #tpu.memory_space<hbm>> -> memref<3x128xi32, #tpu.memory_space<hbm>>
    %dma_wait3A_571 = arith.constant 0 : i32
    %dma_wait3A_572 = tpu.memref_slice %arg2[%dma_wait3A_571, %select_n3A_547, %mul3A_2] : memref<3x50x4096xi32, #tpu.memory_space<hbm>> -> memref<3x1x128xi32, #tpu.memory_space<hbm>>
    %dma_wait3A_573 = tpu.memref_squeeze %dma_wait3A_572 : memref<3x1x128xi32, #tpu.memory_space<hbm>> -> memref<3x128xi32, #tpu.memory_space<hbm>>
    tpu.wait_dma2 semaphore(%arg53 : memref<!tpu.dma_semaphore, #tpu.memory_space<semaphore_mem>>) src(%dma_wait3A_573 : memref<3x128xi32, #tpu.memory_space<hbm>>) dst(%arg13 : memref<3x128xi32, #tpu.memory_space<vmem>>)
    %jit3A_574 = arith.constant 2 : i32
    %jit3A_575 = arith.constant 2 : i32
    %eq3A_576 = arith.constant 0 : i32
    %eq3A_577 = arith.cmpi eq, %jit3A_575, %eq3A_576 : i32
    %jit3A_578 = arith.constant 1 : i32
    %select_n3A_579 = arith.select %eq3A_577, %jit3A_578, %jit3A_575 : i32
    %rem3A_580 = arith.remsi %jit3A_574, %select_n3A_579 : i32
    %ne3A_581 = arith.constant 0 : i32
    %ne3A_582 = arith.cmpi ne, %rem3A_580, %ne3A_581 : i32
    %lt3A_583 = arith.constant 0 : i32
    %lt3A_584 = arith.cmpi slt, %rem3A_580, %lt3A_583 : i32
    %lt3A_585 = arith.constant 0 : i32
    %lt3A_586 = arith.cmpi slt, %select_n3A_579, %lt3A_585 : i32
    %ne3A_587 = arith.xori %lt3A_584, %lt3A_586 : i1
    %and3A_588 = arith.andi %ne3A_587, %ne3A_582 : i1
    %add3A_589 = arith.addi %rem3A_580, %select_n3A_579 : i32
    %select_n3A_590 = arith.select %and3A_588, %add3A_589, %rem3A_580 : i32
    %mul3A_591 = arith.constant 64 : i32
    %mul3A_592 = arith.muli %select_n3A_590, %mul3A_591 : i32
    %dma_start3A_593 = arith.constant 0 : i32
    %dma_start3A_594 = tpu.memref_slice %arg13[%dma_start3A_593, %mul3A_592] : memref<3x128xi32, #tpu.memory_space<vmem>> -> memref<1x64xi32, #tpu.memory_space<vmem>>
    %dma_start3A_595 = tpu.memref_squeeze %dma_start3A_594 : memref<1x64xi32, #tpu.memory_space<vmem>> -> memref<64xi32, #tpu.memory_space<vmem>>
    %dma_start3A_596 = arith.constant 0 : i32
    %dma_start3A_597 = arith.constant 0 : i32
    %dma_start3A_598 = tpu.memref_slice %arg7[%dma_start3A_596, %dma_start3A_597] : memref<1000x128xf32, #tpu.memory_space<vmem_shared>> -> memref<1000x128xf32, #tpu.memory_space<vmem_shared>>
    tpu.enqueue_indirect_dma source(%dma_start3A_598 : memref<1000x128xf32, #tpu.memory_space<vmem_shared>>) target(%arg17 : memref<64x128xf32, #tpu.memory_space<vmem>>) offsets(%dma_start3A_595 : memref<64xi32, #tpu.memory_space<vmem>>) semaphore(%arg29 : memref<!tpu.dma_semaphore, #tpu.memory_space<semaphore_mem>>)
    %jit3A_599 = arith.constant 2 : i32
    %jit3A_600 = arith.constant 2 : i32
    %eq3A_601 = arith.constant 0 : i32
    %eq3A_602 = arith.cmpi eq, %jit3A_600, %eq3A_601 : i32
    %jit3A_603 = arith.constant 1 : i32
    %select_n3A_604 = arith.select %eq3A_602, %jit3A_603, %jit3A_600 : i32
    %rem3A_605 = arith.remsi %jit3A_599, %select_n3A_604 : i32
    %ne3A_606 = arith.constant 0 : i32
    %ne3A_607 = arith.cmpi ne, %rem3A_605, %ne3A_606 : i32
    %lt3A_608 = arith.constant 0 : i32
    %lt3A_609 = arith.cmpi slt, %rem3A_605, %lt3A_608 : i32
    %lt3A_610 = arith.constant 0 : i32
    %lt3A_611 = arith.cmpi slt, %select_n3A_604, %lt3A_610 : i32
    %ne3A_612 = arith.xori %lt3A_609, %lt3A_611 : i1
    %and3A_613 = arith.andi %ne3A_612, %ne3A_607 : i1
    %add3A_614 = arith.addi %rem3A_605, %select_n3A_604 : i32
    %select_n3A_615 = arith.select %and3A_613, %add3A_614, %rem3A_605 : i32
    %mul3A_616 = arith.constant 64 : i32
    %mul3A_617 = arith.muli %select_n3A_615, %mul3A_616 : i32
    %dma_start3A_618 = arith.constant 1 : i32
    %dma_start3A_619 = tpu.memref_slice %arg13[%dma_start3A_618, %mul3A_617] : memref<3x128xi32, #tpu.memory_space<vmem>> -> memref<1x64xi32, #tpu.memory_space<vmem>>
    %dma_start3A_620 = tpu.memref_squeeze %dma_start3A_619 : memref<1x64xi32, #tpu.memory_space<vmem>> -> memref<64xi32, #tpu.memory_space<vmem>>
    %dma_start3A_621 = arith.constant 0 : i32
    %dma_start3A_622 = arith.constant 0 : i32
    %dma_start3A_623 = tpu.memref_slice %arg8[%dma_start3A_621, %dma_start3A_622] : memref<1000x128xf32, #tpu.memory_space<vmem_shared>> -> memref<1000x128xf32, #tpu.memory_space<vmem_shared>>
    tpu.enqueue_indirect_dma source(%dma_start3A_623 : memref<1000x128xf32, #tpu.memory_space<vmem_shared>>) target(%arg21 : memref<64x128xf32, #tpu.memory_space<vmem>>) offsets(%dma_start3A_620 : memref<64xi32, #tpu.memory_space<vmem>>) semaphore(%arg33 : memref<!tpu.dma_semaphore, #tpu.memory_space<semaphore_mem>>)
    %jit3A_624 = arith.constant 2 : i32
    %jit3A_625 = arith.constant 2 : i32
    %eq3A_626 = arith.constant 0 : i32
    %eq3A_627 = arith.cmpi eq, %jit3A_625, %eq3A_626 : i32
    %jit3A_628 = arith.constant 1 : i32
    %select_n3A_629 = arith.select %eq3A_627, %jit3A_628, %jit3A_625 : i32
    %rem3A_630 = arith.remsi %jit3A_624, %select_n3A_629 : i32
    %ne3A_631 = arith.constant 0 : i32
    %ne3A_632 = arith.cmpi ne, %rem3A_630, %ne3A_631 : i32
    %lt3A_633 = arith.constant 0 : i32
    %lt3A_634 = arith.cmpi slt, %rem3A_630, %lt3A_633 : i32
    %lt3A_635 = arith.constant 0 : i32
    %lt3A_636 = arith.cmpi slt, %select_n3A_629, %lt3A_635 : i32
    %ne3A_637 = arith.xori %lt3A_634, %lt3A_636 : i1
    %and3A_638 = arith.andi %ne3A_637, %ne3A_632 : i1
    %add3A_639 = arith.addi %rem3A_630, %select_n3A_629 : i32
    %select_n3A_640 = arith.select %and3A_638, %add3A_639, %rem3A_630 : i32
    %mul3A_641 = arith.constant 64 : i32
    %mul3A_642 = arith.muli %select_n3A_640, %mul3A_641 : i32
    %dma_start3A_643 = arith.constant 2 : i32
    %dma_start3A_644 = tpu.memref_slice %arg13[%dma_start3A_643, %mul3A_642] : memref<3x128xi32, #tpu.memory_space<vmem>> -> memref<1x64xi32, #tpu.memory_space<vmem>>
    %dma_start3A_645 = tpu.memref_squeeze %dma_start3A_644 : memref<1x64xi32, #tpu.memory_space<vmem>> -> memref<64xi32, #tpu.memory_space<vmem>>
    %dma_start3A_646 = arith.constant 0 : i32
    %dma_start3A_647 = arith.constant 0 : i32
    %dma_start3A_648 = tpu.memref_slice %arg9[%dma_start3A_646, %dma_start3A_647] : memref<1000x128xf32, #tpu.memory_space<vmem_shared>> -> memref<1000x128xf32, #tpu.memory_space<vmem_shared>>
    tpu.enqueue_indirect_dma source(%dma_start3A_648 : memref<1000x128xf32, #tpu.memory_space<vmem_shared>>) target(%arg25 : memref<64x128xf32, #tpu.memory_space<vmem>>) offsets(%dma_start3A_645 : memref<64xi32, #tpu.memory_space<vmem>>) semaphore(%arg37 : memref<!tpu.dma_semaphore, #tpu.memory_space<semaphore_mem>>)
    %jit3A_649 = arith.constant 3 : i32
    %jit3A_650 = arith.constant 2 : i32
    %div3A_651 = arith.divsi %jit3A_649, %jit3A_650 : i32
    %sign3A_652 = arith.constant 0 : i32
    %sign3A_653 = arith.cmpi sgt, %jit3A_649, %sign3A_652 : i32
    %sign3A_654 = arith.extui %sign3A_653 : i1 to i32
    %sign3A_655 = arith.constant 0 : i32
    %sign3A_656 = arith.cmpi slt, %jit3A_649, %sign3A_655 : i32
    %sign3A_657 = arith.extui %sign3A_656 : i1 to i32
    %sign3A_658 = arith.subi %sign3A_654, %sign3A_657 : i32
    %sign3A_659 = arith.constant 0 : i32
    %sign3A_660 = arith.cmpi sgt, %jit3A_650, %sign3A_659 : i32
    %sign3A_661 = arith.extui %sign3A_660 : i1 to i32
    %sign3A_662 = arith.constant 0 : i32
    %sign3A_663 = arith.cmpi slt, %jit3A_650, %sign3A_662 : i32
    %sign3A_664 = arith.extui %sign3A_663 : i1 to i32
    %sign3A_665 = arith.subi %sign3A_661, %sign3A_664 : i32
    %ne3A_666 = arith.cmpi ne, %sign3A_658, %sign3A_665 : i32
    %rem3A_667 = arith.remsi %jit3A_649, %jit3A_650 : i32
    %ne3A_668 = arith.constant 0 : i32
    %ne3A_669 = arith.cmpi ne, %rem3A_667, %ne3A_668 : i32
    %and3A_670 = arith.andi %ne3A_666, %ne3A_669 : i1
    %sub3A_671 = arith.constant 1 : i32
    %sub3A_672 = arith.subi %div3A_651, %sub3A_671 : i32
    %select_n3A_673 = arith.select %and3A_670, %sub3A_672, %div3A_651 : i32
    %jit3A_674 = arith.constant 3 : i32
    %jit3A_675 = arith.constant 2 : i32
    %eq3A_676 = arith.constant 0 : i32
    %eq3A_677 = arith.cmpi eq, %jit3A_675, %eq3A_676 : i32
    %jit3A_678 = arith.constant 1 : i32
    %select_n3A_679 = arith.select %eq3A_677, %jit3A_678, %jit3A_675 : i32
    %rem3A_680 = arith.remsi %jit3A_674, %select_n3A_679 : i32
    %ne3A_681 = arith.constant 0 : i32
    %ne3A_682 = arith.cmpi ne, %rem3A_680, %ne3A_681 : i32
    %lt3A_683 = arith.constant 0 : i32
    %lt3A_684 = arith.cmpi slt, %rem3A_680, %lt3A_683 : i32
    %lt3A_685 = arith.constant 0 : i32
    %lt3A_686 = arith.cmpi slt, %select_n3A_679, %lt3A_685 : i32
    %ne3A_687 = arith.xori %lt3A_684, %lt3A_686 : i1
    %and3A_688 = arith.andi %ne3A_687, %ne3A_682 : i1
    %add3A_689 = arith.addi %rem3A_680, %select_n3A_679 : i32
    %select_n3A_690 = arith.select %and3A_688, %add3A_689, %rem3A_680 : i32
    %mul3A_691 = arith.constant 64 : i32
    %mul3A_692 = arith.muli %select_n3A_690, %mul3A_691 : i32
    %add3A_693 = arith.addi %mul3A_2, %mul3A_692 : i32
    %dma_wait3A_694 = arith.constant 0 : i32
    %dma_wait3A_695 = tpu.memref_slice %arg2[%dma_wait3A_694, %select_n3A_673, %mul3A_2] : memref<3x50x4096xi32, #tpu.memory_space<hbm>> -> memref<3x1x128xi32, #tpu.memory_space<hbm>>
    %dma_wait3A_696 = tpu.memref_squeeze %dma_wait3A_695 : memref<3x1x128xi32, #tpu.memory_space<hbm>> -> memref<3x128xi32, #tpu.memory_space<hbm>>
    %dma_wait3A_697 = arith.constant 0 : i32
    %dma_wait3A_698 = tpu.memref_slice %arg2[%dma_wait3A_697, %select_n3A_673, %mul3A_2] : memref<3x50x4096xi32, #tpu.memory_space<hbm>> -> memref<3x1x128xi32, #tpu.memory_space<hbm>>
    %dma_wait3A_699 = tpu.memref_squeeze %dma_wait3A_698 : memref<3x1x128xi32, #tpu.memory_space<hbm>> -> memref<3x128xi32, #tpu.memory_space<hbm>>
    tpu.wait_dma2 semaphore(%arg54 : memref<!tpu.dma_semaphore, #tpu.memory_space<semaphore_mem>>) src(%dma_wait3A_699 : memref<3x128xi32, #tpu.memory_space<hbm>>) dst(%arg14 : memref<3x128xi32, #tpu.memory_space<vmem>>)
    %jit3A_700 = arith.constant 3 : i32
    %jit3A_701 = arith.constant 2 : i32
    %eq3A_702 = arith.constant 0 : i32
    %eq3A_703 = arith.cmpi eq, %jit3A_701, %eq3A_702 : i32
    %jit3A_704 = arith.constant 1 : i32
    %select_n3A_705 = arith.select %eq3A_703, %jit3A_704, %jit3A_701 : i32
    %rem3A_706 = arith.remsi %jit3A_700, %select_n3A_705 : i32
    %ne3A_707 = arith.constant 0 : i32
    %ne3A_708 = arith.cmpi ne, %rem3A_706, %ne3A_707 : i32
    %lt3A_709 = arith.constant 0 : i32
    %lt3A_710 = arith.cmpi slt, %rem3A_706, %lt3A_709 : i32
    %lt3A_711 = arith.constant 0 : i32
    %lt3A_712 = arith.cmpi slt, %select_n3A_705, %lt3A_711 : i32
    %ne3A_713 = arith.xori %lt3A_710, %lt3A_712 : i1
    %and3A_714 = arith.andi %ne3A_713, %ne3A_708 : i1
    %add3A_715 = arith.addi %rem3A_706, %select_n3A_705 : i32
    %select_n3A_716 = arith.select %and3A_714, %add3A_715, %rem3A_706 : i32
    %mul3A_717 = arith.constant 64 : i32
    %mul3A_718 = arith.muli %select_n3A_716, %mul3A_717 : i32
    %dma_start3A_719 = arith.constant 0 : i32
    %dma_start3A_720 = tpu.memref_slice %arg14[%dma_start3A_719, %mul3A_718] : memref<3x128xi32, #tpu.memory_space<vmem>> -> memref<1x64xi32, #tpu.memory_space<vmem>>
    %dma_start3A_721 = tpu.memref_squeeze %dma_start3A_720 : memref<1x64xi32, #tpu.memory_space<vmem>> -> memref<64xi32, #tpu.memory_space<vmem>>
    %dma_start3A_722 = arith.constant 0 : i32
    %dma_start3A_723 = arith.constant 0 : i32
    %dma_start3A_724 = tpu.memref_slice %arg7[%dma_start3A_722, %dma_start3A_723] : memref<1000x128xf32, #tpu.memory_space<vmem_shared>> -> memref<1000x128xf32, #tpu.memory_space<vmem_shared>>
    tpu.enqueue_indirect_dma source(%dma_start3A_724 : memref<1000x128xf32, #tpu.memory_space<vmem_shared>>) target(%arg18 : memref<64x128xf32, #tpu.memory_space<vmem>>) offsets(%dma_start3A_721 : memref<64xi32, #tpu.memory_space<vmem>>) semaphore(%arg30 : memref<!tpu.dma_semaphore, #tpu.memory_space<semaphore_mem>>)
    %jit3A_725 = arith.constant 3 : i32
    %jit3A_726 = arith.constant 2 : i32
    %eq3A_727 = arith.constant 0 : i32
    %eq3A_728 = arith.cmpi eq, %jit3A_726, %eq3A_727 : i32
    %jit3A_729 = arith.constant 1 : i32
    %select_n3A_730 = arith.select %eq3A_728, %jit3A_729, %jit3A_726 : i32
    %rem3A_731 = arith.remsi %jit3A_725, %select_n3A_730 : i32
    %ne3A_732 = arith.constant 0 : i32
    %ne3A_733 = arith.cmpi ne, %rem3A_731, %ne3A_732 : i32
    %lt3A_734 = arith.constant 0 : i32
    %lt3A_735 = arith.cmpi slt, %rem3A_731, %lt3A_734 : i32
    %lt3A_736 = arith.constant 0 : i32
    %lt3A_737 = arith.cmpi slt, %select_n3A_730, %lt3A_736 : i32
    %ne3A_738 = arith.xori %lt3A_735, %lt3A_737 : i1
    %and3A_739 = arith.andi %ne3A_738, %ne3A_733 : i1
    %add3A_740 = arith.addi %rem3A_731, %select_n3A_730 : i32
    %select_n3A_741 = arith.select %and3A_739, %add3A_740, %rem3A_731 : i32
    %mul3A_742 = arith.constant 64 : i32
    %mul3A_743 = arith.muli %select_n3A_741, %mul3A_742 : i32
    %dma_start3A_744 = arith.constant 1 : i32
    %dma_start3A_745 = tpu.memref_slice %arg14[%dma_start3A_744, %mul3A_743] : memref<3x128xi32, #tpu.memory_space<vmem>> -> memref<1x64xi32, #tpu.memory_space<vmem>>
    %dma_start3A_746 = tpu.memref_squeeze %dma_start3A_745 : memref<1x64xi32, #tpu.memory_space<vmem>> -> memref<64xi32, #tpu.memory_space<vmem>>
    %dma_start3A_747 = arith.constant 0 : i32
    %dma_start3A_748 = arith.constant 0 : i32
    %dma_start3A_749 = tpu.memref_slice %arg8[%dma_start3A_747, %dma_start3A_748] : memref<1000x128xf32, #tpu.memory_space<vmem_shared>> -> memref<1000x128xf32, #tpu.memory_space<vmem_shared>>
    tpu.enqueue_indirect_dma source(%dma_start3A_749 : memref<1000x128xf32, #tpu.memory_space<vmem_shared>>) target(%arg22 : memref<64x128xf32, #tpu.memory_space<vmem>>) offsets(%dma_start3A_746 : memref<64xi32, #tpu.memory_space<vmem>>) semaphore(%arg34 : memref<!tpu.dma_semaphore, #tpu.memory_space<semaphore_mem>>)
    %jit3A_750 = arith.constant 3 : i32
    %jit3A_751 = arith.constant 2 : i32
    %eq3A_752 = arith.constant 0 : i32
    %eq3A_753 = arith.cmpi eq, %jit3A_751, %eq3A_752 : i32
    %jit3A_754 = arith.constant 1 : i32
    %select_n3A_755 = arith.select %eq3A_753, %jit3A_754, %jit3A_751 : i32
    %rem3A_756 = arith.remsi %jit3A_750, %select_n3A_755 : i32
    %ne3A_757 = arith.constant 0 : i32
    %ne3A_758 = arith.cmpi ne, %rem3A_756, %ne3A_757 : i32
    %lt3A_759 = arith.constant 0 : i32
    %lt3A_760 = arith.cmpi slt, %rem3A_756, %lt3A_759 : i32
    %lt3A_761 = arith.constant 0 : i32
    %lt3A_762 = arith.cmpi slt, %select_n3A_755, %lt3A_761 : i32
    %ne3A_763 = arith.xori %lt3A_760, %lt3A_762 : i1
    %and3A_764 = arith.andi %ne3A_763, %ne3A_758 : i1
    %add3A_765 = arith.addi %rem3A_756, %select_n3A_755 : i32
    %select_n3A_766 = arith.select %and3A_764, %add3A_765, %rem3A_756 : i32
    %mul3A_767 = arith.constant 64 : i32
    %mul3A_768 = arith.muli %select_n3A_766, %mul3A_767 : i32
    %dma_start3A_769 = arith.constant 2 : i32
    %dma_start3A_770 = tpu.memref_slice %arg14[%dma_start3A_769, %mul3A_768] : memref<3x128xi32, #tpu.memory_space<vmem>> -> memref<1x64xi32, #tpu.memory_space<vmem>>
    %dma_start3A_771 = tpu.memref_squeeze %dma_start3A_770 : memref<1x64xi32, #tpu.memory_space<vmem>> -> memref<64xi32, #tpu.memory_space<vmem>>
    %dma_start3A_772 = arith.constant 0 : i32
    %dma_start3A_773 = arith.constant 0 : i32
    %dma_start3A_774 = tpu.memref_slice %arg9[%dma_start3A_772, %dma_start3A_773] : memref<1000x128xf32, #tpu.memory_space<vmem_shared>> -> memref<1000x128xf32, #tpu.memory_space<vmem_shared>>
    tpu.enqueue_indirect_dma source(%dma_start3A_774 : memref<1000x128xf32, #tpu.memory_space<vmem_shared>>) target(%arg26 : memref<64x128xf32, #tpu.memory_space<vmem>>) offsets(%dma_start3A_771 : memref<64xi32, #tpu.memory_space<vmem>>) semaphore(%arg38 : memref<!tpu.dma_semaphore, #tpu.memory_space<semaphore_mem>>)
    %scan3A_775 = arith.constant 0 : i32
    %scan3A_776 = arith.constant 0 : i32
    %scan3A_777 = arith.constant 24 : i32
    %scan3A_778 = arith.addi %scan3A_776, %scan3A_777 : i32
    %scan3A_779 = arith.constant 1 : i32
    %scan3A_780 = scf.for %scan3A_2306 = %scan3A_776 to %scan3A_778 step %scan3A_779 iter_args(%scan3A_2307 = %scan3A_775) -> (i32)  : i32 {
      %mul3A_2308 = arith.constant 4 : i32
      %mul3A_2309 = arith.muli %mul3A_2308, %scan3A_2306 : i32
      %add3A_2310 = arith.constant 0 : i32
      %add3A_2311 = arith.addi %mul3A_2309, %add3A_2310 : i32
      %jit3A_2312 = arith.constant 2 : i32
      %eq3A_2313 = arith.constant 0 : i32
      %eq3A_2314 = arith.cmpi eq, %jit3A_2312, %eq3A_2313 : i32
      %jit3A_2315 = arith.constant 1 : i32
      %select_n3A_2316 = arith.select %eq3A_2314, %jit3A_2315, %jit3A_2312 : i32
      %rem3A_2317 = arith.remsi %add3A_2311, %select_n3A_2316 : i32
      %ne3A_2318 = arith.constant 0 : i32
      %ne3A_2319 = arith.cmpi ne, %rem3A_2317, %ne3A_2318 : i32
      %lt3A_2320 = arith.constant 0 : i32
      %lt3A_2321 = arith.cmpi slt, %rem3A_2317, %lt3A_2320 : i32
      %lt3A_2322 = arith.constant 0 : i32
      %lt3A_2323 = arith.cmpi slt, %select_n3A_2316, %lt3A_2322 : i32
      %ne3A_2324 = arith.xori %lt3A_2321, %lt3A_2323 : i1
      %and3A_2325 = arith.andi %ne3A_2324, %ne3A_2319 : i1
      %add3A_2326 = arith.addi %rem3A_2317, %select_n3A_2316 : i32
      %select_n3A_2327 = arith.select %and3A_2325, %add3A_2326, %rem3A_2317 : i32
      %mul3A_2328 = arith.constant 64 : i32
      %mul3A_2329 = arith.muli %select_n3A_2327, %mul3A_2328 : i32
      %dma_wait3A_2330 = arith.constant 0 : i32
      %dma_wait3A_2331 = tpu.memref_slice %arg11[%dma_wait3A_2330, %mul3A_2329] : memref<3x128xi32, #tpu.memory_space<vmem>> -> memref<1x64xi32, #tpu.memory_space<vmem>>
      %dma_wait3A_2332 = tpu.memref_squeeze %dma_wait3A_2331 : memref<1x64xi32, #tpu.memory_space<vmem>> -> memref<64xi32, #tpu.memory_space<vmem>>
      %dma_wait3A_2333 = arith.constant 0 : i32
      %dma_wait3A_2334 = arith.constant 0 : i32
      %dma_wait3A_2335 = tpu.memref_slice %arg7[%dma_wait3A_2333, %dma_wait3A_2334] : memref<1000x128xf32, #tpu.memory_space<vmem_shared>> -> memref<1000x128xf32, #tpu.memory_space<vmem_shared>>
      tpu.wait_indirect_dma semaphore(%arg27 : memref<!tpu.dma_semaphore, #tpu.memory_space<semaphore_mem>>) src(%dma_wait3A_2335 : memref<1000x128xf32, #tpu.memory_space<vmem_shared>>) dst(%arg15 : memref<64x128xf32, #tpu.memory_space<vmem>>)
      %jit3A_2336 = arith.constant 2 : i32
      %eq3A_2337 = arith.constant 0 : i32
      %eq3A_2338 = arith.cmpi eq, %jit3A_2336, %eq3A_2337 : i32
      %jit3A_2339 = arith.constant 1 : i32
      %select_n3A_2340 = arith.select %eq3A_2338, %jit3A_2339, %jit3A_2336 : i32
      %rem3A_2341 = arith.remsi %add3A_2311, %select_n3A_2340 : i32
      %ne3A_2342 = arith.constant 0 : i32
      %ne3A_2343 = arith.cmpi ne, %rem3A_2341, %ne3A_2342 : i32
      %lt3A_2344 = arith.constant 0 : i32
      %lt3A_2345 = arith.cmpi slt, %rem3A_2341, %lt3A_2344 : i32
      %lt3A_2346 = arith.constant 0 : i32
      %lt3A_2347 = arith.cmpi slt, %select_n3A_2340, %lt3A_2346 : i32
      %ne3A_2348 = arith.xori %lt3A_2345, %lt3A_2347 : i1
      %and3A_2349 = arith.andi %ne3A_2348, %ne3A_2343 : i1
      %add3A_2350 = arith.addi %rem3A_2341, %select_n3A_2340 : i32
      %select_n3A_2351 = arith.select %and3A_2349, %add3A_2350, %rem3A_2341 : i32
      %mul3A_2352 = arith.constant 64 : i32
      %mul3A_2353 = arith.muli %select_n3A_2351, %mul3A_2352 : i32
      %dma_wait3A_2354 = arith.constant 1 : i32
      %dma_wait3A_2355 = tpu.memref_slice %arg11[%dma_wait3A_2354, %mul3A_2353] : memref<3x128xi32, #tpu.memory_space<vmem>> -> memref<1x64xi32, #tpu.memory_space<vmem>>
      %dma_wait3A_2356 = tpu.memref_squeeze %dma_wait3A_2355 : memref<1x64xi32, #tpu.memory_space<vmem>> -> memref<64xi32, #tpu.memory_space<vmem>>
      %dma_wait3A_2357 = arith.constant 0 : i32
      %dma_wait3A_2358 = arith.constant 0 : i32
      %dma_wait3A_2359 = tpu.memref_slice %arg8[%dma_wait3A_2357, %dma_wait3A_2358] : memref<1000x128xf32, #tpu.memory_space<vmem_shared>> -> memref<1000x128xf32, #tpu.memory_space<vmem_shared>>
      tpu.wait_indirect_dma semaphore(%arg31 : memref<!tpu.dma_semaphore, #tpu.memory_space<semaphore_mem>>) src(%dma_wait3A_2359 : memref<1000x128xf32, #tpu.memory_space<vmem_shared>>) dst(%arg19 : memref<64x128xf32, #tpu.memory_space<vmem>>)
      %jit3A_2360 = arith.constant 2 : i32
      %eq3A_2361 = arith.constant 0 : i32
      %eq3A_2362 = arith.cmpi eq, %jit3A_2360, %eq3A_2361 : i32
      %jit3A_2363 = arith.constant 1 : i32
      %select_n3A_2364 = arith.select %eq3A_2362, %jit3A_2363, %jit3A_2360 : i32
      %rem3A_2365 = arith.remsi %add3A_2311, %select_n3A_2364 : i32
      %ne3A_2366 = arith.constant 0 : i32
      %ne3A_2367 = arith.cmpi ne, %rem3A_2365, %ne3A_2366 : i32
      %lt3A_2368 = arith.constant 0 : i32
      %lt3A_2369 = arith.cmpi slt, %rem3A_2365, %lt3A_2368 : i32
      %lt3A_2370 = arith.constant 0 : i32
      %lt3A_2371 = arith.cmpi slt, %select_n3A_2364, %lt3A_2370 : i32
      %ne3A_2372 = arith.xori %lt3A_2369, %lt3A_2371 : i1
      %and3A_2373 = arith.andi %ne3A_2372, %ne3A_2367 : i1
      %add3A_2374 = arith.addi %rem3A_2365, %select_n3A_2364 : i32
      %select_n3A_2375 = arith.select %and3A_2373, %add3A_2374, %rem3A_2365 : i32
      %mul3A_2376 = arith.constant 64 : i32
      %mul3A_2377 = arith.muli %select_n3A_2375, %mul3A_2376 : i32
      %dma_wait3A_2378 = arith.constant 2 : i32
      %dma_wait3A_2379 = tpu.memref_slice %arg11[%dma_wait3A_2378, %mul3A_2377] : memref<3x128xi32, #tpu.memory_space<vmem>> -> memref<1x64xi32, #tpu.memory_space<vmem>>
      %dma_wait3A_2380 = tpu.memref_squeeze %dma_wait3A_2379 : memref<1x64xi32, #tpu.memory_space<vmem>> -> memref<64xi32, #tpu.memory_space<vmem>>
      %dma_wait3A_2381 = arith.constant 0 : i32
      %dma_wait3A_2382 = arith.constant 0 : i32
      %dma_wait3A_2383 = tpu.memref_slice %arg9[%dma_wait3A_2381, %dma_wait3A_2382] : memref<1000x128xf32, #tpu.memory_space<vmem_shared>> -> memref<1000x128xf32, #tpu.memory_space<vmem_shared>>
      tpu.wait_indirect_dma semaphore(%arg35 : memref<!tpu.dma_semaphore, #tpu.memory_space<semaphore_mem>>) src(%dma_wait3A_2383 : memref<1000x128xf32, #tpu.memory_space<vmem_shared>>) dst(%arg23 : memref<64x128xf32, #tpu.memory_space<vmem>>)
      %jit3A_2384 = arith.constant 2 : i32
      %div3A_2385 = arith.divsi %add3A_2311, %jit3A_2384 : i32
      %sign3A_2386 = arith.constant 0 : i32
      %sign3A_2387 = arith.cmpi sgt, %add3A_2311, %sign3A_2386 : i32
      %sign3A_2388 = arith.extui %sign3A_2387 : i1 to i32
      %sign3A_2389 = arith.constant 0 : i32
      %sign3A_2390 = arith.cmpi slt, %add3A_2311, %sign3A_2389 : i32
      %sign3A_2391 = arith.extui %sign3A_2390 : i1 to i32
      %sign3A_2392 = arith.subi %sign3A_2388, %sign3A_2391 : i32
      %sign3A_2393 = arith.constant 0 : i32
      %sign3A_2394 = arith.cmpi sgt, %jit3A_2384, %sign3A_2393 : i32
      %sign3A_2395 = arith.extui %sign3A_2394 : i1 to i32
      %sign3A_2396 = arith.constant 0 : i32
      %sign3A_2397 = arith.cmpi slt, %jit3A_2384, %sign3A_2396 : i32
      %sign3A_2398 = arith.extui %sign3A_2397 : i1 to i32
      %sign3A_2399 = arith.subi %sign3A_2395, %sign3A_2398 : i32
      %ne3A_2400 = arith.cmpi ne, %sign3A_2392, %sign3A_2399 : i32
      %rem3A_2401 = arith.remsi %add3A_2311, %jit3A_2384 : i32
      %ne3A_2402 = arith.constant 0 : i32
      %ne3A_2403 = arith.cmpi ne, %rem3A_2401, %ne3A_2402 : i32
      %and3A_2404 = arith.andi %ne3A_2400, %ne3A_2403 : i1
      %sub3A_2405 = arith.constant 1 : i32
      %sub3A_2406 = arith.subi %div3A_2385, %sub3A_2405 : i32
      %select_n3A_2407 = arith.select %and3A_2404, %sub3A_2406, %div3A_2385 : i32
      %jit3A_2408 = arith.constant 2 : i32
      %eq3A_2409 = arith.constant 0 : i32
      %eq3A_2410 = arith.cmpi eq, %jit3A_2408, %eq3A_2409 : i32
      %jit3A_2411 = arith.constant 1 : i32
      %select_n3A_2412 = arith.select %eq3A_2410, %jit3A_2411, %jit3A_2408 : i32
      %rem3A_2413 = arith.remsi %add3A_2311, %select_n3A_2412 : i32
      %ne3A_2414 = arith.constant 0 : i32
      %ne3A_2415 = arith.cmpi ne, %rem3A_2413, %ne3A_2414 : i32
      %lt3A_2416 = arith.constant 0 : i32
      %lt3A_2417 = arith.cmpi slt, %rem3A_2413, %lt3A_2416 : i32
      %lt3A_2418 = arith.constant 0 : i32
      %lt3A_2419 = arith.cmpi slt, %select_n3A_2412, %lt3A_2418 : i32
      %ne3A_2420 = arith.xori %lt3A_2417, %lt3A_2419 : i1
      %and3A_2421 = arith.andi %ne3A_2420, %ne3A_2415 : i1
      %add3A_2422 = arith.addi %rem3A_2413, %select_n3A_2412 : i32
      %select_n3A_2423 = arith.select %and3A_2421, %add3A_2422, %rem3A_2413 : i32
      %mul3A_2424 = arith.constant 64 : i32
      %mul3A_2425 = arith.muli %select_n3A_2423, %mul3A_2424 : i32
      %add3A_2426 = arith.addi %mul3A_2, %mul3A_2425 : i32
      %dma_start3A_2427 = arith.constant 0 : i32
      %dma_start3A_2428 = tpu.memref_slice %arg6[%select_n3A_2407, %add3A_2426, %dma_start3A_2427] : memref<50x4096x384xf32, #tpu.memory_space<hbm>> -> memref<1x64x128xf32, #tpu.memory_space<hbm>>
      %dma_start3A_2429 = tpu.memref_squeeze %dma_start3A_2428 : memref<1x64x128xf32, #tpu.memory_space<hbm>> -> memref<64x128xf32, #tpu.memory_space<hbm>>
      %dma_start3A_2430 = arith.constant 0 : i32
      %dma_start3A_2431 = tpu.memref_slice %arg6[%select_n3A_2407, %add3A_2426, %dma_start3A_2430] : memref<50x4096x384xf32, #tpu.memory_space<hbm>> -> memref<1x64x128xf32, #tpu.memory_space<hbm>>
      %dma_start3A_2432 = tpu.memref_squeeze %dma_start3A_2431 : memref<1x64x128xf32, #tpu.memory_space<hbm>> -> memref<64x128xf32, #tpu.memory_space<hbm>>
      tpu.enqueue_dma source(%arg15 : memref<64x128xf32, #tpu.memory_space<vmem>>) target(%dma_start3A_2432 : memref<64x128xf32, #tpu.memory_space<hbm>>) target_semaphore(%arg39 : memref<!tpu.dma_semaphore, #tpu.memory_space<semaphore_mem>>)
      %jit3A_2433 = arith.constant 2 : i32
      %div3A_2434 = arith.divsi %add3A_2311, %jit3A_2433 : i32
      %sign3A_2435 = arith.constant 0 : i32
      %sign3A_2436 = arith.cmpi sgt, %add3A_2311, %sign3A_2435 : i32
      %sign3A_2437 = arith.extui %sign3A_2436 : i1 to i32
      %sign3A_2438 = arith.constant 0 : i32
      %sign3A_2439 = arith.cmpi slt, %add3A_2311, %sign3A_2438 : i32
      %sign3A_2440 = arith.extui %sign3A_2439 : i1 to i32
      %sign3A_2441 = arith.subi %sign3A_2437, %sign3A_2440 : i32
      %sign3A_2442 = arith.constant 0 : i32
      %sign3A_2443 = arith.cmpi sgt, %jit3A_2433, %sign3A_2442 : i32
      %sign3A_2444 = arith.extui %sign3A_2443 : i1 to i32
      %sign3A_2445 = arith.constant 0 : i32
      %sign3A_2446 = arith.cmpi slt, %jit3A_2433, %sign3A_2445 : i32
      %sign3A_2447 = arith.extui %sign3A_2446 : i1 to i32
      %sign3A_2448 = arith.subi %sign3A_2444, %sign3A_2447 : i32
      %ne3A_2449 = arith.cmpi ne, %sign3A_2441, %sign3A_2448 : i32
      %rem3A_2450 = arith.remsi %add3A_2311, %jit3A_2433 : i32
      %ne3A_2451 = arith.constant 0 : i32
      %ne3A_2452 = arith.cmpi ne, %rem3A_2450, %ne3A_2451 : i32
      %and3A_2453 = arith.andi %ne3A_2449, %ne3A_2452 : i1
      %sub3A_2454 = arith.constant 1 : i32
      %sub3A_2455 = arith.subi %div3A_2434, %sub3A_2454 : i32
      %select_n3A_2456 = arith.select %and3A_2453, %sub3A_2455, %div3A_2434 : i32
      %jit3A_2457 = arith.constant 2 : i32
      %eq3A_2458 = arith.constant 0 : i32
      %eq3A_2459 = arith.cmpi eq, %jit3A_2457, %eq3A_2458 : i32
      %jit3A_2460 = arith.constant 1 : i32
      %select_n3A_2461 = arith.select %eq3A_2459, %jit3A_2460, %jit3A_2457 : i32
      %rem3A_2462 = arith.remsi %add3A_2311, %select_n3A_2461 : i32
      %ne3A_2463 = arith.constant 0 : i32
      %ne3A_2464 = arith.cmpi ne, %rem3A_2462, %ne3A_2463 : i32
      %lt3A_2465 = arith.constant 0 : i32
      %lt3A_2466 = arith.cmpi slt, %rem3A_2462, %lt3A_2465 : i32
      %lt3A_2467 = arith.constant 0 : i32
      %lt3A_2468 = arith.cmpi slt, %select_n3A_2461, %lt3A_2467 : i32
      %ne3A_2469 = arith.xori %lt3A_2466, %lt3A_2468 : i1
      %and3A_2470 = arith.andi %ne3A_2469, %ne3A_2464 : i1
      %add3A_2471 = arith.addi %rem3A_2462, %select_n3A_2461 : i32
      %select_n3A_2472 = arith.select %and3A_2470, %add3A_2471, %rem3A_2462 : i32
      %mul3A_2473 = arith.constant 64 : i32
      %mul3A_2474 = arith.muli %select_n3A_2472, %mul3A_2473 : i32
      %add3A_2475 = arith.addi %mul3A_2, %mul3A_2474 : i32
      %dma_start3A_2476 = arith.constant 128 : i32
      %dma_start3A_2477 = tpu.memref_slice %arg6[%select_n3A_2456, %add3A_2475, %dma_start3A_2476] : memref<50x4096x384xf32, #tpu.memory_space<hbm>> -> memref<1x64x128xf32, #tpu.memory_space<hbm>>
      %dma_start3A_2478 = tpu.memref_squeeze %dma_start3A_2477 : memref<1x64x128xf32, #tpu.memory_space<hbm>> -> memref<64x128xf32, #tpu.memory_space<hbm>>
      %dma_start3A_2479 = arith.constant 128 : i32
      %dma_start3A_2480 = tpu.memref_slice %arg6[%select_n3A_2456, %add3A_2475, %dma_start3A_2479] : memref<50x4096x384xf32, #tpu.memory_space<hbm>> -> memref<1x64x128xf32, #tpu.memory_space<hbm>>
      %dma_start3A_2481 = tpu.memref_squeeze %dma_start3A_2480 : memref<1x64x128xf32, #tpu.memory_space<hbm>> -> memref<64x128xf32, #tpu.memory_space<hbm>>
      tpu.enqueue_dma source(%arg19 : memref<64x128xf32, #tpu.memory_space<vmem>>) target(%dma_start3A_2481 : memref<64x128xf32, #tpu.memory_space<hbm>>) target_semaphore(%arg43 : memref<!tpu.dma_semaphore, #tpu.memory_space<semaphore_mem>>)
      %jit3A_2482 = arith.constant 2 : i32
      %div3A_2483 = arith.divsi %add3A_2311, %jit3A_2482 : i32
      %sign3A_2484 = arith.constant 0 : i32
      %sign3A_2485 = arith.cmpi sgt, %add3A_2311, %sign3A_2484 : i32
      %sign3A_2486 = arith.extui %sign3A_2485 : i1 to i32
      %sign3A_2487 = arith.constant 0 : i32
      %sign3A_2488 = arith.cmpi slt, %add3A_2311, %sign3A_2487 : i32
      %sign3A_2489 = arith.extui %sign3A_2488 : i1 to i32
      %sign3A_2490 = arith.subi %sign3A_2486, %sign3A_2489 : i32
      %sign3A_2491 = arith.constant 0 : i32
      %sign3A_2492 = arith.cmpi sgt, %jit3A_2482, %sign3A_2491 : i32
      %sign3A_2493 = arith.extui %sign3A_2492 : i1 to i32
      %sign3A_2494 = arith.constant 0 : i32
      %sign3A_2495 = arith.cmpi slt, %jit3A_2482, %sign3A_2494 : i32
      %sign3A_2496 = arith.extui %sign3A_2495 : i1 to i32
      %sign3A_2497 = arith.subi %sign3A_2493, %sign3A_2496 : i32
      %ne3A_2498 = arith.cmpi ne, %sign3A_2490, %sign3A_2497 : i32
      %rem3A_2499 = arith.remsi %add3A_2311, %jit3A_2482 : i32
      %ne3A_2500 = arith.constant 0 : i32
      %ne3A_2501 = arith.cmpi ne, %rem3A_2499, %ne3A_2500 : i32
      %and3A_2502 = arith.andi %ne3A_2498, %ne3A_2501 : i1
      %sub3A_2503 = arith.constant 1 : i32
      %sub3A_2504 = arith.subi %div3A_2483, %sub3A_2503 : i32
      %select_n3A_2505 = arith.select %and3A_2502, %sub3A_2504, %div3A_2483 : i32
      %jit3A_2506 = arith.constant 2 : i32
      %eq3A_2507 = arith.constant 0 : i32
      %eq3A_2508 = arith.cmpi eq, %jit3A_2506, %eq3A_2507 : i32
      %jit3A_2509 = arith.constant 1 : i32
      %select_n3A_2510 = arith.select %eq3A_2508, %jit3A_2509, %jit3A_2506 : i32
      %rem3A_2511 = arith.remsi %add3A_2311, %select_n3A_2510 : i32
      %ne3A_2512 = arith.constant 0 : i32
      %ne3A_2513 = arith.cmpi ne, %rem3A_2511, %ne3A_2512 : i32
      %lt3A_2514 = arith.constant 0 : i32
      %lt3A_2515 = arith.cmpi slt, %rem3A_2511, %lt3A_2514 : i32
      %lt3A_2516 = arith.constant 0 : i32
      %lt3A_2517 = arith.cmpi slt, %select_n3A_2510, %lt3A_2516 : i32
      %ne3A_2518 = arith.xori %lt3A_2515, %lt3A_2517 : i1
      %and3A_2519 = arith.andi %ne3A_2518, %ne3A_2513 : i1
      %add3A_2520 = arith.addi %rem3A_2511, %select_n3A_2510 : i32
      %select_n3A_2521 = arith.select %and3A_2519, %add3A_2520, %rem3A_2511 : i32
      %mul3A_2522 = arith.constant 64 : i32
      %mul3A_2523 = arith.muli %select_n3A_2521, %mul3A_2522 : i32
      %add3A_2524 = arith.addi %mul3A_2, %mul3A_2523 : i32
      %dma_start3A_2525 = arith.constant 256 : i32
      %dma_start3A_2526 = tpu.memref_slice %arg6[%select_n3A_2505, %add3A_2524, %dma_start3A_2525] : memref<50x4096x384xf32, #tpu.memory_space<hbm>> -> memref<1x64x128xf32, #tpu.memory_space<hbm>>
      %dma_start3A_2527 = tpu.memref_squeeze %dma_start3A_2526 : memref<1x64x128xf32, #tpu.memory_space<hbm>> -> memref<64x128xf32, #tpu.memory_space<hbm>>
      %dma_start3A_2528 = arith.constant 256 : i32
      %dma_start3A_2529 = tpu.memref_slice %arg6[%select_n3A_2505, %add3A_2524, %dma_start3A_2528] : memref<50x4096x384xf32, #tpu.memory_space<hbm>> -> memref<1x64x128xf32, #tpu.memory_space<hbm>>
      %dma_start3A_2530 = tpu.memref_squeeze %dma_start3A_2529 : memref<1x64x128xf32, #tpu.memory_space<hbm>> -> memref<64x128xf32, #tpu.memory_space<hbm>>
      tpu.enqueue_dma source(%arg23 : memref<64x128xf32, #tpu.memory_space<vmem>>) target(%dma_start3A_2530 : memref<64x128xf32, #tpu.memory_space<hbm>>) target_semaphore(%arg47 : memref<!tpu.dma_semaphore, #tpu.memory_space<semaphore_mem>>)
      %add3A_2531 = arith.constant 4 : i32
      %add3A_2532 = arith.addi %add3A_2311, %add3A_2531 : i32
      %jit3A_2533 = arith.constant 2 : i32
      %div3A_2534 = arith.divsi %add3A_2532, %jit3A_2533 : i32
      %sign3A_2535 = arith.constant 0 : i32
      %sign3A_2536 = arith.cmpi sgt, %add3A_2532, %sign3A_2535 : i32
      %sign3A_2537 = arith.extui %sign3A_2536 : i1 to i32
      %sign3A_2538 = arith.constant 0 : i32
      %sign3A_2539 = arith.cmpi slt, %add3A_2532, %sign3A_2538 : i32
      %sign3A_2540 = arith.extui %sign3A_2539 : i1 to i32
      %sign3A_2541 = arith.subi %sign3A_2537, %sign3A_2540 : i32
      %sign3A_2542 = arith.constant 0 : i32
      %sign3A_2543 = arith.cmpi sgt, %jit3A_2533, %sign3A_2542 : i32
      %sign3A_2544 = arith.extui %sign3A_2543 : i1 to i32
      %sign3A_2545 = arith.constant 0 : i32
      %sign3A_2546 = arith.cmpi slt, %jit3A_2533, %sign3A_2545 : i32
      %sign3A_2547 = arith.extui %sign3A_2546 : i1 to i32
      %sign3A_2548 = arith.subi %sign3A_2544, %sign3A_2547 : i32
      %ne3A_2549 = arith.cmpi ne, %sign3A_2541, %sign3A_2548 : i32
      %rem3A_2550 = arith.remsi %add3A_2532, %jit3A_2533 : i32
      %ne3A_2551 = arith.constant 0 : i32
      %ne3A_2552 = arith.cmpi ne, %rem3A_2550, %ne3A_2551 : i32
      %and3A_2553 = arith.andi %ne3A_2549, %ne3A_2552 : i1
      %sub3A_2554 = arith.constant 1 : i32
      %sub3A_2555 = arith.subi %div3A_2534, %sub3A_2554 : i32
      %select_n3A_2556 = arith.select %and3A_2553, %sub3A_2555, %div3A_2534 : i32
      %jit3A_2557 = arith.constant 2 : i32
      %eq3A_2558 = arith.constant 0 : i32
      %eq3A_2559 = arith.cmpi eq, %jit3A_2557, %eq3A_2558 : i32
      %jit3A_2560 = arith.constant 1 : i32
      %select_n3A_2561 = arith.select %eq3A_2559, %jit3A_2560, %jit3A_2557 : i32
      %rem3A_2562 = arith.remsi %add3A_2532, %select_n3A_2561 : i32
      %ne3A_2563 = arith.constant 0 : i32
      %ne3A_2564 = arith.cmpi ne, %rem3A_2562, %ne3A_2563 : i32
      %lt3A_2565 = arith.constant 0 : i32
      %lt3A_2566 = arith.cmpi slt, %rem3A_2562, %lt3A_2565 : i32
      %lt3A_2567 = arith.constant 0 : i32
      %lt3A_2568 = arith.cmpi slt, %select_n3A_2561, %lt3A_2567 : i32
      %ne3A_2569 = arith.xori %lt3A_2566, %lt3A_2568 : i1
      %and3A_2570 = arith.andi %ne3A_2569, %ne3A_2564 : i1
      %add3A_2571 = arith.addi %rem3A_2562, %select_n3A_2561 : i32
      %select_n3A_2572 = arith.select %and3A_2570, %add3A_2571, %rem3A_2562 : i32
      %mul3A_2573 = arith.constant 64 : i32
      %mul3A_2574 = arith.muli %select_n3A_2572, %mul3A_2573 : i32
      %add3A_2575 = arith.addi %mul3A_2, %mul3A_2574 : i32
      %dma_start3A_2576 = arith.constant 0 : i32
      %dma_start3A_2577 = tpu.memref_slice %arg2[%dma_start3A_2576, %select_n3A_2556, %mul3A_2] : memref<3x50x4096xi32, #tpu.memory_space<hbm>> -> memref<3x1x128xi32, #tpu.memory_space<hbm>>
      %dma_start3A_2578 = tpu.memref_squeeze %dma_start3A_2577 : memref<3x1x128xi32, #tpu.memory_space<hbm>> -> memref<3x128xi32, #tpu.memory_space<hbm>>
      %dma_start3A_2579 = arith.constant 0 : i32
      %dma_start3A_2580 = tpu.memref_slice %arg2[%dma_start3A_2579, %select_n3A_2556, %mul3A_2] : memref<3x50x4096xi32, #tpu.memory_space<hbm>> -> memref<3x1x128xi32, #tpu.memory_space<hbm>>
      %dma_start3A_2581 = tpu.memref_squeeze %dma_start3A_2580 : memref<3x1x128xi32, #tpu.memory_space<hbm>> -> memref<3x128xi32, #tpu.memory_space<hbm>>
      tpu.enqueue_dma source(%dma_start3A_2581 : memref<3x128xi32, #tpu.memory_space<hbm>>) target(%arg11 : memref<3x128xi32, #tpu.memory_space<vmem>>) target_semaphore(%arg51 : memref<!tpu.dma_semaphore, #tpu.memory_space<semaphore_mem>>)
      %add3A_2582 = arith.constant 1 : i32
      %add3A_2583 = arith.addi %mul3A_2309, %add3A_2582 : i32
      %jit3A_2584 = arith.constant 2 : i32
      %eq3A_2585 = arith.constant 0 : i32
      %eq3A_2586 = arith.cmpi eq, %jit3A_2584, %eq3A_2585 : i32
      %jit3A_2587 = arith.constant 1 : i32
      %select_n3A_2588 = arith.select %eq3A_2586, %jit3A_2587, %jit3A_2584 : i32
      %rem3A_2589 = arith.remsi %add3A_2583, %select_n3A_2588 : i32
      %ne3A_2590 = arith.constant 0 : i32
      %ne3A_2591 = arith.cmpi ne, %rem3A_2589, %ne3A_2590 : i32
      %lt3A_2592 = arith.constant 0 : i32
      %lt3A_2593 = arith.cmpi slt, %rem3A_2589, %lt3A_2592 : i32
      %lt3A_2594 = arith.constant 0 : i32
      %lt3A_2595 = arith.cmpi slt, %select_n3A_2588, %lt3A_2594 : i32
      %ne3A_2596 = arith.xori %lt3A_2593, %lt3A_2595 : i1
      %and3A_2597 = arith.andi %ne3A_2596, %ne3A_2591 : i1
      %add3A_2598 = arith.addi %rem3A_2589, %select_n3A_2588 : i32
      %select_n3A_2599 = arith.select %and3A_2597, %add3A_2598, %rem3A_2589 : i32
      %mul3A_2600 = arith.constant 64 : i32
      %mul3A_2601 = arith.muli %select_n3A_2599, %mul3A_2600 : i32
      %dma_wait3A_2602 = arith.constant 0 : i32
      %dma_wait3A_2603 = tpu.memref_slice %arg12[%dma_wait3A_2602, %mul3A_2601] : memref<3x128xi32, #tpu.memory_space<vmem>> -> memref<1x64xi32, #tpu.memory_space<vmem>>
      %dma_wait3A_2604 = tpu.memref_squeeze %dma_wait3A_2603 : memref<1x64xi32, #tpu.memory_space<vmem>> -> memref<64xi32, #tpu.memory_space<vmem>>
      %dma_wait3A_2605 = arith.constant 0 : i32
      %dma_wait3A_2606 = arith.constant 0 : i32
      %dma_wait3A_2607 = tpu.memref_slice %arg7[%dma_wait3A_2605, %dma_wait3A_2606] : memref<1000x128xf32, #tpu.memory_space<vmem_shared>> -> memref<1000x128xf32, #tpu.memory_space<vmem_shared>>
      tpu.wait_indirect_dma semaphore(%arg28 : memref<!tpu.dma_semaphore, #tpu.memory_space<semaphore_mem>>) src(%dma_wait3A_2607 : memref<1000x128xf32, #tpu.memory_space<vmem_shared>>) dst(%arg16 : memref<64x128xf32, #tpu.memory_space<vmem>>)
      %jit3A_2608 = arith.constant 2 : i32
      %eq3A_2609 = arith.constant 0 : i32
      %eq3A_2610 = arith.cmpi eq, %jit3A_2608, %eq3A_2609 : i32
      %jit3A_2611 = arith.constant 1 : i32
      %select_n3A_2612 = arith.select %eq3A_2610, %jit3A_2611, %jit3A_2608 : i32
      %rem3A_2613 = arith.remsi %add3A_2583, %select_n3A_2612 : i32
      %ne3A_2614 = arith.constant 0 : i32
      %ne3A_2615 = arith.cmpi ne, %rem3A_2613, %ne3A_2614 : i32
      %lt3A_2616 = arith.constant 0 : i32
      %lt3A_2617 = arith.cmpi slt, %rem3A_2613, %lt3A_2616 : i32
      %lt3A_2618 = arith.constant 0 : i32
      %lt3A_2619 = arith.cmpi slt, %select_n3A_2612, %lt3A_2618 : i32
      %ne3A_2620 = arith.xori %lt3A_2617, %lt3A_2619 : i1
      %and3A_2621 = arith.andi %ne3A_2620, %ne3A_2615 : i1
      %add3A_2622 = arith.addi %rem3A_2613, %select_n3A_2612 : i32
      %select_n3A_2623 = arith.select %and3A_2621, %add3A_2622, %rem3A_2613 : i32
      %mul3A_2624 = arith.constant 64 : i32
      %mul3A_2625 = arith.muli %select_n3A_2623, %mul3A_2624 : i32
      %dma_wait3A_2626 = arith.constant 1 : i32
      %dma_wait3A_2627 = tpu.memref_slice %arg12[%dma_wait3A_2626, %mul3A_2625] : memref<3x128xi32, #tpu.memory_space<vmem>> -> memref<1x64xi32, #tpu.memory_space<vmem>>
      %dma_wait3A_2628 = tpu.memref_squeeze %dma_wait3A_2627 : memref<1x64xi32, #tpu.memory_space<vmem>> -> memref<64xi32, #tpu.memory_space<vmem>>
      %dma_wait3A_2629 = arith.constant 0 : i32
      %dma_wait3A_2630 = arith.constant 0 : i32
      %dma_wait3A_2631 = tpu.memref_slice %arg8[%dma_wait3A_2629, %dma_wait3A_2630] : memref<1000x128xf32, #tpu.memory_space<vmem_shared>> -> memref<1000x128xf32, #tpu.memory_space<vmem_shared>>
      tpu.wait_indirect_dma semaphore(%arg32 : memref<!tpu.dma_semaphore, #tpu.memory_space<semaphore_mem>>) src(%dma_wait3A_2631 : memref<1000x128xf32, #tpu.memory_space<vmem_shared>>) dst(%arg20 : memref<64x128xf32, #tpu.memory_space<vmem>>)
      %jit3A_2632 = arith.constant 2 : i32
      %eq3A_2633 = arith.constant 0 : i32
      %eq3A_2634 = arith.cmpi eq, %jit3A_2632, %eq3A_2633 : i32
      %jit3A_2635 = arith.constant 1 : i32
      %select_n3A_2636 = arith.select %eq3A_2634, %jit3A_2635, %jit3A_2632 : i32
      %rem3A_2637 = arith.remsi %add3A_2583, %select_n3A_2636 : i32
      %ne3A_2638 = arith.constant 0 : i32
      %ne3A_2639 = arith.cmpi ne, %rem3A_2637, %ne3A_2638 : i32
      %lt3A_2640 = arith.constant 0 : i32
      %lt3A_2641 = arith.cmpi slt, %rem3A_2637, %lt3A_2640 : i32
      %lt3A_2642 = arith.constant 0 : i32
      %lt3A_2643 = arith.cmpi slt, %select_n3A_2636, %lt3A_2642 : i32
      %ne3A_2644 = arith.xori %lt3A_2641, %lt3A_2643 : i1
      %and3A_2645 = arith.andi %ne3A_2644, %ne3A_2639 : i1
      %add3A_2646 = arith.addi %rem3A_2637, %select_n3A_2636 : i32
      %select_n3A_2647 = arith.select %and3A_2645, %add3A_2646, %rem3A_2637 : i32
      %mul3A_2648 = arith.constant 64 : i32
      %mul3A_2649 = arith.muli %select_n3A_2647, %mul3A_2648 : i32
      %dma_wait3A_2650 = arith.constant 2 : i32
      %dma_wait3A_2651 = tpu.memref_slice %arg12[%dma_wait3A_2650, %mul3A_2649] : memref<3x128xi32, #tpu.memory_space<vmem>> -> memref<1x64xi32, #tpu.memory_space<vmem>>
      %dma_wait3A_2652 = tpu.memref_squeeze %dma_wait3A_2651 : memref<1x64xi32, #tpu.memory_space<vmem>> -> memref<64xi32, #tpu.memory_space<vmem>>
      %dma_wait3A_2653 = arith.constant 0 : i32
      %dma_wait3A_2654 = arith.constant 0 : i32
      %dma_wait3A_2655 = tpu.memref_slice %arg9[%dma_wait3A_2653, %dma_wait3A_2654] : memref<1000x128xf32, #tpu.memory_space<vmem_shared>> -> memref<1000x128xf32, #tpu.memory_space<vmem_shared>>
      tpu.wait_indirect_dma semaphore(%arg36 : memref<!tpu.dma_semaphore, #tpu.memory_space<semaphore_mem>>) src(%dma_wait3A_2655 : memref<1000x128xf32, #tpu.memory_space<vmem_shared>>) dst(%arg24 : memref<64x128xf32, #tpu.memory_space<vmem>>)
      %jit3A_2656 = arith.constant 2 : i32
      %div3A_2657 = arith.divsi %add3A_2583, %jit3A_2656 : i32
      %sign3A_2658 = arith.constant 0 : i32
      %sign3A_2659 = arith.cmpi sgt, %add3A_2583, %sign3A_2658 : i32
      %sign3A_2660 = arith.extui %sign3A_2659 : i1 to i32
      %sign3A_2661 = arith.constant 0 : i32
      %sign3A_2662 = arith.cmpi slt, %add3A_2583, %sign3A_2661 : i32
      %sign3A_2663 = arith.extui %sign3A_2662 : i1 to i32
      %sign3A_2664 = arith.subi %sign3A_2660, %sign3A_2663 : i32
      %sign3A_2665 = arith.constant 0 : i32
      %sign3A_2666 = arith.cmpi sgt, %jit3A_2656, %sign3A_2665 : i32
      %sign3A_2667 = arith.extui %sign3A_2666 : i1 to i32
      %sign3A_2668 = arith.constant 0 : i32
      %sign3A_2669 = arith.cmpi slt, %jit3A_2656, %sign3A_2668 : i32
      %sign3A_2670 = arith.extui %sign3A_2669 : i1 to i32
      %sign3A_2671 = arith.subi %sign3A_2667, %sign3A_2670 : i32
      %ne3A_2672 = arith.cmpi ne, %sign3A_2664, %sign3A_2671 : i32
      %rem3A_2673 = arith.remsi %add3A_2583, %jit3A_2656 : i32
      %ne3A_2674 = arith.constant 0 : i32
      %ne3A_2675 = arith.cmpi ne, %rem3A_2673, %ne3A_2674 : i32
      %and3A_2676 = arith.andi %ne3A_2672, %ne3A_2675 : i1
      %sub3A_2677 = arith.constant 1 : i32
      %sub3A_2678 = arith.subi %div3A_2657, %sub3A_2677 : i32
      %select_n3A_2679 = arith.select %and3A_2676, %sub3A_2678, %div3A_2657 : i32
      %jit3A_2680 = arith.constant 2 : i32
      %eq3A_2681 = arith.constant 0 : i32
      %eq3A_2682 = arith.cmpi eq, %jit3A_2680, %eq3A_2681 : i32
      %jit3A_2683 = arith.constant 1 : i32
      %select_n3A_2684 = arith.select %eq3A_2682, %jit3A_2683, %jit3A_2680 : i32
      %rem3A_2685 = arith.remsi %add3A_2583, %select_n3A_2684 : i32
      %ne3A_2686 = arith.constant 0 : i32
      %ne3A_2687 = arith.cmpi ne, %rem3A_2685, %ne3A_2686 : i32
      %lt3A_2688 = arith.constant 0 : i32
      %lt3A_2689 = arith.cmpi slt, %rem3A_2685, %lt3A_2688 : i32
      %lt3A_2690 = arith.constant 0 : i32
      %lt3A_2691 = arith.cmpi slt, %select_n3A_2684, %lt3A_2690 : i32
      %ne3A_2692 = arith.xori %lt3A_2689, %lt3A_2691 : i1
      %and3A_2693 = arith.andi %ne3A_2692, %ne3A_2687 : i1
      %add3A_2694 = arith.addi %rem3A_2685, %select_n3A_2684 : i32
      %select_n3A_2695 = arith.select %and3A_2693, %add3A_2694, %rem3A_2685 : i32
      %mul3A_2696 = arith.constant 64 : i32
      %mul3A_2697 = arith.muli %select_n3A_2695, %mul3A_2696 : i32
      %add3A_2698 = arith.addi %mul3A_2, %mul3A_2697 : i32
      %dma_start3A_2699 = arith.constant 0 : i32
      %dma_start3A_2700 = tpu.memref_slice %arg6[%select_n3A_2679, %add3A_2698, %dma_start3A_2699] : memref<50x4096x384xf32, #tpu.memory_space<hbm>> -> memref<1x64x128xf32, #tpu.memory_space<hbm>>
      %dma_start3A_2701 = tpu.memref_squeeze %dma_start3A_2700 : memref<1x64x128xf32, #tpu.memory_space<hbm>> -> memref<64x128xf32, #tpu.memory_space<hbm>>
      %dma_start3A_2702 = arith.constant 0 : i32
      %dma_start3A_2703 = tpu.memref_slice %arg6[%select_n3A_2679, %add3A_2698, %dma_start3A_2702] : memref<50x4096x384xf32, #tpu.memory_space<hbm>> -> memref<1x64x128xf32, #tpu.memory_space<hbm>>
      %dma_start3A_2704 = tpu.memref_squeeze %dma_start3A_2703 : memref<1x64x128xf32, #tpu.memory_space<hbm>> -> memref<64x128xf32, #tpu.memory_space<hbm>>
      tpu.enqueue_dma source(%arg16 : memref<64x128xf32, #tpu.memory_space<vmem>>) target(%dma_start3A_2704 : memref<64x128xf32, #tpu.memory_space<hbm>>) target_semaphore(%arg40 : memref<!tpu.dma_semaphore, #tpu.memory_space<semaphore_mem>>)
      %jit3A_2705 = arith.constant 2 : i32
      %div3A_2706 = arith.divsi %add3A_2583, %jit3A_2705 : i32
      %sign3A_2707 = arith.constant 0 : i32
      %sign3A_2708 = arith.cmpi sgt, %add3A_2583, %sign3A_2707 : i32
      %sign3A_2709 = arith.extui %sign3A_2708 : i1 to i32
      %sign3A_2710 = arith.constant 0 : i32
      %sign3A_2711 = arith.cmpi slt, %add3A_2583, %sign3A_2710 : i32
      %sign3A_2712 = arith.extui %sign3A_2711 : i1 to i32
      %sign3A_2713 = arith.subi %sign3A_2709, %sign3A_2712 : i32
      %sign3A_2714 = arith.constant 0 : i32
      %sign3A_2715 = arith.cmpi sgt, %jit3A_2705, %sign3A_2714 : i32
      %sign3A_2716 = arith.extui %sign3A_2715 : i1 to i32
      %sign3A_2717 = arith.constant 0 : i32
      %sign3A_2718 = arith.cmpi slt, %jit3A_2705, %sign3A_2717 : i32
      %sign3A_2719 = arith.extui %sign3A_2718 : i1 to i32
      %sign3A_2720 = arith.subi %sign3A_2716, %sign3A_2719 : i32
      %ne3A_2721 = arith.cmpi ne, %sign3A_2713, %sign3A_2720 : i32
      %rem3A_2722 = arith.remsi %add3A_2583, %jit3A_2705 : i32
      %ne3A_2723 = arith.constant 0 : i32
      %ne3A_2724 = arith.cmpi ne, %rem3A_2722, %ne3A_2723 : i32
      %and3A_2725 = arith.andi %ne3A_2721, %ne3A_2724 : i1
      %sub3A_2726 = arith.constant 1 : i32
      %sub3A_2727 = arith.subi %div3A_2706, %sub3A_2726 : i32
      %select_n3A_2728 = arith.select %and3A_2725, %sub3A_2727, %div3A_2706 : i32
      %jit3A_2729 = arith.constant 2 : i32
      %eq3A_2730 = arith.constant 0 : i32
      %eq3A_2731 = arith.cmpi eq, %jit3A_2729, %eq3A_2730 : i32
      %jit3A_2732 = arith.constant 1 : i32
      %select_n3A_2733 = arith.select %eq3A_2731, %jit3A_2732, %jit3A_2729 : i32
      %rem3A_2734 = arith.remsi %add3A_2583, %select_n3A_2733 : i32
      %ne3A_2735 = arith.constant 0 : i32
      %ne3A_2736 = arith.cmpi ne, %rem3A_2734, %ne3A_2735 : i32
      %lt3A_2737 = arith.constant 0 : i32
      %lt3A_2738 = arith.cmpi slt, %rem3A_2734, %lt3A_2737 : i32
      %lt3A_2739 = arith.constant 0 : i32
      %lt3A_2740 = arith.cmpi slt, %select_n3A_2733, %lt3A_2739 : i32
      %ne3A_2741 = arith.xori %lt3A_2738, %lt3A_2740 : i1
      %and3A_2742 = arith.andi %ne3A_2741, %ne3A_2736 : i1
      %add3A_2743 = arith.addi %rem3A_2734, %select_n3A_2733 : i32
      %select_n3A_2744 = arith.select %and3A_2742, %add3A_2743, %rem3A_2734 : i32
      %mul3A_2745 = arith.constant 64 : i32
      %mul3A_2746 = arith.muli %select_n3A_2744, %mul3A_2745 : i32
      %add3A_2747 = arith.addi %mul3A_2, %mul3A_2746 : i32
      %dma_start3A_2748 = arith.constant 128 : i32
      %dma_start3A_2749 = tpu.memref_slice %arg6[%select_n3A_2728, %add3A_2747, %dma_start3A_2748] : memref<50x4096x384xf32, #tpu.memory_space<hbm>> -> memref<1x64x128xf32, #tpu.memory_space<hbm>>
      %dma_start3A_2750 = tpu.memref_squeeze %dma_start3A_2749 : memref<1x64x128xf32, #tpu.memory_space<hbm>> -> memref<64x128xf32, #tpu.memory_space<hbm>>
      %dma_start3A_2751 = arith.constant 128 : i32
      %dma_start3A_2752 = tpu.memref_slice %arg6[%select_n3A_2728, %add3A_2747, %dma_start3A_2751] : memref<50x4096x384xf32, #tpu.memory_space<hbm>> -> memref<1x64x128xf32, #tpu.memory_space<hbm>>
      %dma_start3A_2753 = tpu.memref_squeeze %dma_start3A_2752 : memref<1x64x128xf32, #tpu.memory_space<hbm>> -> memref<64x128xf32, #tpu.memory_space<hbm>>
      tpu.enqueue_dma source(%arg20 : memref<64x128xf32, #tpu.memory_space<vmem>>) target(%dma_start3A_2753 : memref<64x128xf32, #tpu.memory_space<hbm>>) target_semaphore(%arg44 : memref<!tpu.dma_semaphore, #tpu.memory_space<semaphore_mem>>)
      %jit3A_2754 = arith.constant 2 : i32
      %div3A_2755 = arith.divsi %add3A_2583, %jit3A_2754 : i32
      %sign3A_2756 = arith.constant 0 : i32
      %sign3A_2757 = arith.cmpi sgt, %add3A_2583, %sign3A_2756 : i32
      %sign3A_2758 = arith.extui %sign3A_2757 : i1 to i32
      %sign3A_2759 = arith.constant 0 : i32
      %sign3A_2760 = arith.cmpi slt, %add3A_2583, %sign3A_2759 : i32
      %sign3A_2761 = arith.extui %sign3A_2760 : i1 to i32
      %sign3A_2762 = arith.subi %sign3A_2758, %sign3A_2761 : i32
      %sign3A_2763 = arith.constant 0 : i32
      %sign3A_2764 = arith.cmpi sgt, %jit3A_2754, %sign3A_2763 : i32
      %sign3A_2765 = arith.extui %sign3A_2764 : i1 to i32
      %sign3A_2766 = arith.constant 0 : i32
      %sign3A_2767 = arith.cmpi slt, %jit3A_2754, %sign3A_2766 : i32
      %sign3A_2768 = arith.extui %sign3A_2767 : i1 to i32
      %sign3A_2769 = arith.subi %sign3A_2765, %sign3A_2768 : i32
      %ne3A_2770 = arith.cmpi ne, %sign3A_2762, %sign3A_2769 : i32
      %rem3A_2771 = arith.remsi %add3A_2583, %jit3A_2754 : i32
      %ne3A_2772 = arith.constant 0 : i32
      %ne3A_2773 = arith.cmpi ne, %rem3A_2771, %ne3A_2772 : i32
      %and3A_2774 = arith.andi %ne3A_2770, %ne3A_2773 : i1
      %sub3A_2775 = arith.constant 1 : i32
      %sub3A_2776 = arith.subi %div3A_2755, %sub3A_2775 : i32
      %select_n3A_2777 = arith.select %and3A_2774, %sub3A_2776, %div3A_2755 : i32
      %jit3A_2778 = arith.constant 2 : i32
      %eq3A_2779 = arith.constant 0 : i32
      %eq3A_2780 = arith.cmpi eq, %jit3A_2778, %eq3A_2779 : i32
      %jit3A_2781 = arith.constant 1 : i32
      %select_n3A_2782 = arith.select %eq3A_2780, %jit3A_2781, %jit3A_2778 : i32
      %rem3A_2783 = arith.remsi %add3A_2583, %select_n3A_2782 : i32
      %ne3A_2784 = arith.constant 0 : i32
      %ne3A_2785 = arith.cmpi ne, %rem3A_2783, %ne3A_2784 : i32
      %lt3A_2786 = arith.constant 0 : i32
      %lt3A_2787 = arith.cmpi slt, %rem3A_2783, %lt3A_2786 : i32
      %lt3A_2788 = arith.constant 0 : i32
      %lt3A_2789 = arith.cmpi slt, %select_n3A_2782, %lt3A_2788 : i32
      %ne3A_2790 = arith.xori %lt3A_2787, %lt3A_2789 : i1
      %and3A_2791 = arith.andi %ne3A_2790, %ne3A_2785 : i1
      %add3A_2792 = arith.addi %rem3A_2783, %select_n3A_2782 : i32
      %select_n3A_2793 = arith.select %and3A_2791, %add3A_2792, %rem3A_2783 : i32
      %mul3A_2794 = arith.constant 64 : i32
      %mul3A_2795 = arith.muli %select_n3A_2793, %mul3A_2794 : i32
      %add3A_2796 = arith.addi %mul3A_2, %mul3A_2795 : i32
      %dma_start3A_2797 = arith.constant 256 : i32
      %dma_start3A_2798 = tpu.memref_slice %arg6[%select_n3A_2777, %add3A_2796, %dma_start3A_2797] : memref<50x4096x384xf32, #tpu.memory_space<hbm>> -> memref<1x64x128xf32, #tpu.memory_space<hbm>>
      %dma_start3A_2799 = tpu.memref_squeeze %dma_start3A_2798 : memref<1x64x128xf32, #tpu.memory_space<hbm>> -> memref<64x128xf32, #tpu.memory_space<hbm>>
      %dma_start3A_2800 = arith.constant 256 : i32
      %dma_start3A_2801 = tpu.memref_slice %arg6[%select_n3A_2777, %add3A_2796, %dma_start3A_2800] : memref<50x4096x384xf32, #tpu.memory_space<hbm>> -> memref<1x64x128xf32, #tpu.memory_space<hbm>>
      %dma_start3A_2802 = tpu.memref_squeeze %dma_start3A_2801 : memref<1x64x128xf32, #tpu.memory_space<hbm>> -> memref<64x128xf32, #tpu.memory_space<hbm>>
      tpu.enqueue_dma source(%arg24 : memref<64x128xf32, #tpu.memory_space<vmem>>) target(%dma_start3A_2802 : memref<64x128xf32, #tpu.memory_space<hbm>>) target_semaphore(%arg48 : memref<!tpu.dma_semaphore, #tpu.memory_space<semaphore_mem>>)
      %add3A_2803 = arith.constant 4 : i32
      %add3A_2804 = arith.addi %add3A_2583, %add3A_2803 : i32
      %jit3A_2805 = arith.constant 2 : i32
      %div3A_2806 = arith.divsi %add3A_2804, %jit3A_2805 : i32
      %sign3A_2807 = arith.constant 0 : i32
      %sign3A_2808 = arith.cmpi sgt, %add3A_2804, %sign3A_2807 : i32
      %sign3A_2809 = arith.extui %sign3A_2808 : i1 to i32
      %sign3A_2810 = arith.constant 0 : i32
      %sign3A_2811 = arith.cmpi slt, %add3A_2804, %sign3A_2810 : i32
      %sign3A_2812 = arith.extui %sign3A_2811 : i1 to i32
      %sign3A_2813 = arith.subi %sign3A_2809, %sign3A_2812 : i32
      %sign3A_2814 = arith.constant 0 : i32
      %sign3A_2815 = arith.cmpi sgt, %jit3A_2805, %sign3A_2814 : i32
      %sign3A_2816 = arith.extui %sign3A_2815 : i1 to i32
      %sign3A_2817 = arith.constant 0 : i32
      %sign3A_2818 = arith.cmpi slt, %jit3A_2805, %sign3A_2817 : i32
      %sign3A_2819 = arith.extui %sign3A_2818 : i1 to i32
      %sign3A_2820 = arith.subi %sign3A_2816, %sign3A_2819 : i32
      %ne3A_2821 = arith.cmpi ne, %sign3A_2813, %sign3A_2820 : i32
      %rem3A_2822 = arith.remsi %add3A_2804, %jit3A_2805 : i32
      %ne3A_2823 = arith.constant 0 : i32
      %ne3A_2824 = arith.cmpi ne, %rem3A_2822, %ne3A_2823 : i32
      %and3A_2825 = arith.andi %ne3A_2821, %ne3A_2824 : i1
      %sub3A_2826 = arith.constant 1 : i32
      %sub3A_2827 = arith.subi %div3A_2806, %sub3A_2826 : i32
      %select_n3A_2828 = arith.select %and3A_2825, %sub3A_2827, %div3A_2806 : i32
      %jit3A_2829 = arith.constant 2 : i32
      %eq3A_2830 = arith.constant 0 : i32
      %eq3A_2831 = arith.cmpi eq, %jit3A_2829, %eq3A_2830 : i32
      %jit3A_2832 = arith.constant 1 : i32
      %select_n3A_2833 = arith.select %eq3A_2831, %jit3A_2832, %jit3A_2829 : i32
      %rem3A_2834 = arith.remsi %add3A_2804, %select_n3A_2833 : i32
      %ne3A_2835 = arith.constant 0 : i32
      %ne3A_2836 = arith.cmpi ne, %rem3A_2834, %ne3A_2835 : i32
      %lt3A_2837 = arith.constant 0 : i32
      %lt3A_2838 = arith.cmpi slt, %rem3A_2834, %lt3A_2837 : i32
      %lt3A_2839 = arith.constant 0 : i32
      %lt3A_2840 = arith.cmpi slt, %select_n3A_2833, %lt3A_2839 : i32
      %ne3A_2841 = arith.xori %lt3A_2838, %lt3A_2840 : i1
      %and3A_2842 = arith.andi %ne3A_2841, %ne3A_2836 : i1
      %add3A_2843 = arith.addi %rem3A_2834, %select_n3A_2833 : i32
      %select_n3A_2844 = arith.select %and3A_2842, %add3A_2843, %rem3A_2834 : i32
      %mul3A_2845 = arith.constant 64 : i32
      %mul3A_2846 = arith.muli %select_n3A_2844, %mul3A_2845 : i32
      %add3A_2847 = arith.addi %mul3A_2, %mul3A_2846 : i32
      %dma_start3A_2848 = arith.constant 0 : i32
      %dma_start3A_2849 = tpu.memref_slice %arg2[%dma_start3A_2848, %select_n3A_2828, %mul3A_2] : memref<3x50x4096xi32, #tpu.memory_space<hbm>> -> memref<3x1x128xi32, #tpu.memory_space<hbm>>
      %dma_start3A_2850 = tpu.memref_squeeze %dma_start3A_2849 : memref<3x1x128xi32, #tpu.memory_space<hbm>> -> memref<3x128xi32, #tpu.memory_space<hbm>>
      %dma_start3A_2851 = arith.constant 0 : i32
      %dma_start3A_2852 = tpu.memref_slice %arg2[%dma_start3A_2851, %select_n3A_2828, %mul3A_2] : memref<3x50x4096xi32, #tpu.memory_space<hbm>> -> memref<3x1x128xi32, #tpu.memory_space<hbm>>
      %dma_start3A_2853 = tpu.memref_squeeze %dma_start3A_2852 : memref<3x1x128xi32, #tpu.memory_space<hbm>> -> memref<3x128xi32, #tpu.memory_space<hbm>>
      tpu.enqueue_dma source(%dma_start3A_2853 : memref<3x128xi32, #tpu.memory_space<hbm>>) target(%arg12 : memref<3x128xi32, #tpu.memory_space<vmem>>) target_semaphore(%arg52 : memref<!tpu.dma_semaphore, #tpu.memory_space<semaphore_mem>>)
      %add3A_2854 = arith.constant 2 : i32
      %add3A_2855 = arith.addi %mul3A_2309, %add3A_2854 : i32
      %jit3A_2856 = arith.constant 2 : i32
      %eq3A_2857 = arith.constant 0 : i32
      %eq3A_2858 = arith.cmpi eq, %jit3A_2856, %eq3A_2857 : i32
      %jit3A_2859 = arith.constant 1 : i32
      %select_n3A_2860 = arith.select %eq3A_2858, %jit3A_2859, %jit3A_2856 : i32
      %rem3A_2861 = arith.remsi %add3A_2855, %select_n3A_2860 : i32
      %ne3A_2862 = arith.constant 0 : i32
      %ne3A_2863 = arith.cmpi ne, %rem3A_2861, %ne3A_2862 : i32
      %lt3A_2864 = arith.constant 0 : i32
      %lt3A_2865 = arith.cmpi slt, %rem3A_2861, %lt3A_2864 : i32
      %lt3A_2866 = arith.constant 0 : i32
      %lt3A_2867 = arith.cmpi slt, %select_n3A_2860, %lt3A_2866 : i32
      %ne3A_2868 = arith.xori %lt3A_2865, %lt3A_2867 : i1
      %and3A_2869 = arith.andi %ne3A_2868, %ne3A_2863 : i1
      %add3A_2870 = arith.addi %rem3A_2861, %select_n3A_2860 : i32
      %select_n3A_2871 = arith.select %and3A_2869, %add3A_2870, %rem3A_2861 : i32
      %mul3A_2872 = arith.constant 64 : i32
      %mul3A_2873 = arith.muli %select_n3A_2871, %mul3A_2872 : i32
      %dma_wait3A_2874 = arith.constant 0 : i32
      %dma_wait3A_2875 = tpu.memref_slice %arg13[%dma_wait3A_2874, %mul3A_2873] : memref<3x128xi32, #tpu.memory_space<vmem>> -> memref<1x64xi32, #tpu.memory_space<vmem>>
      %dma_wait3A_2876 = tpu.memref_squeeze %dma_wait3A_2875 : memref<1x64xi32, #tpu.memory_space<vmem>> -> memref<64xi32, #tpu.memory_space<vmem>>
      %dma_wait3A_2877 = arith.constant 0 : i32
      %dma_wait3A_2878 = arith.constant 0 : i32
      %dma_wait3A_2879 = tpu.memref_slice %arg7[%dma_wait3A_2877, %dma_wait3A_2878] : memref<1000x128xf32, #tpu.memory_space<vmem_shared>> -> memref<1000x128xf32, #tpu.memory_space<vmem_shared>>
      tpu.wait_indirect_dma semaphore(%arg29 : memref<!tpu.dma_semaphore, #tpu.memory_space<semaphore_mem>>) src(%dma_wait3A_2879 : memref<1000x128xf32, #tpu.memory_space<vmem_shared>>) dst(%arg17 : memref<64x128xf32, #tpu.memory_space<vmem>>)
      %jit3A_2880 = arith.constant 2 : i32
      %eq3A_2881 = arith.constant 0 : i32
      %eq3A_2882 = arith.cmpi eq, %jit3A_2880, %eq3A_2881 : i32
      %jit3A_2883 = arith.constant 1 : i32
      %select_n3A_2884 = arith.select %eq3A_2882, %jit3A_2883, %jit3A_2880 : i32
      %rem3A_2885 = arith.remsi %add3A_2855, %select_n3A_2884 : i32
      %ne3A_2886 = arith.constant 0 : i32
      %ne3A_2887 = arith.cmpi ne, %rem3A_2885, %ne3A_2886 : i32
      %lt3A_2888 = arith.constant 0 : i32
      %lt3A_2889 = arith.cmpi slt, %rem3A_2885, %lt3A_2888 : i32
      %lt3A_2890 = arith.constant 0 : i32
      %lt3A_2891 = arith.cmpi slt, %select_n3A_2884, %lt3A_2890 : i32
      %ne3A_2892 = arith.xori %lt3A_2889, %lt3A_2891 : i1
      %and3A_2893 = arith.andi %ne3A_2892, %ne3A_2887 : i1
      %add3A_2894 = arith.addi %rem3A_2885, %select_n3A_2884 : i32
      %select_n3A_2895 = arith.select %and3A_2893, %add3A_2894, %rem3A_2885 : i32
      %mul3A_2896 = arith.constant 64 : i32
      %mul3A_2897 = arith.muli %select_n3A_2895, %mul3A_2896 : i32
      %dma_wait3A_2898 = arith.constant 1 : i32
      %dma_wait3A_2899 = tpu.memref_slice %arg13[%dma_wait3A_2898, %mul3A_2897] : memref<3x128xi32, #tpu.memory_space<vmem>> -> memref<1x64xi32, #tpu.memory_space<vmem>>
      %dma_wait3A_2900 = tpu.memref_squeeze %dma_wait3A_2899 : memref<1x64xi32, #tpu.memory_space<vmem>> -> memref<64xi32, #tpu.memory_space<vmem>>
      %dma_wait3A_2901 = arith.constant 0 : i32
      %dma_wait3A_2902 = arith.constant 0 : i32
      %dma_wait3A_2903 = tpu.memref_slice %arg8[%dma_wait3A_2901, %dma_wait3A_2902] : memref<1000x128xf32, #tpu.memory_space<vmem_shared>> -> memref<1000x128xf32, #tpu.memory_space<vmem_shared>>
      tpu.wait_indirect_dma semaphore(%arg33 : memref<!tpu.dma_semaphore, #tpu.memory_space<semaphore_mem>>) src(%dma_wait3A_2903 : memref<1000x128xf32, #tpu.memory_space<vmem_shared>>) dst(%arg21 : memref<64x128xf32, #tpu.memory_space<vmem>>)
      %jit3A_2904 = arith.constant 2 : i32
      %eq3A_2905 = arith.constant 0 : i32
      %eq3A_2906 = arith.cmpi eq, %jit3A_2904, %eq3A_2905 : i32
      %jit3A_2907 = arith.constant 1 : i32
      %select_n3A_2908 = arith.select %eq3A_2906, %jit3A_2907, %jit3A_2904 : i32
      %rem3A_2909 = arith.remsi %add3A_2855, %select_n3A_2908 : i32
      %ne3A_2910 = arith.constant 0 : i32
      %ne3A_2911 = arith.cmpi ne, %rem3A_2909, %ne3A_2910 : i32
      %lt3A_2912 = arith.constant 0 : i32
      %lt3A_2913 = arith.cmpi slt, %rem3A_2909, %lt3A_2912 : i32
      %lt3A_2914 = arith.constant 0 : i32
      %lt3A_2915 = arith.cmpi slt, %select_n3A_2908, %lt3A_2914 : i32
      %ne3A_2916 = arith.xori %lt3A_2913, %lt3A_2915 : i1
      %and3A_2917 = arith.andi %ne3A_2916, %ne3A_2911 : i1
      %add3A_2918 = arith.addi %rem3A_2909, %select_n3A_2908 : i32
      %select_n3A_2919 = arith.select %and3A_2917, %add3A_2918, %rem3A_2909 : i32
      %mul3A_2920 = arith.constant 64 : i32
      %mul3A_2921 = arith.muli %select_n3A_2919, %mul3A_2920 : i32
      %dma_wait3A_2922 = arith.constant 2 : i32
      %dma_wait3A_2923 = tpu.memref_slice %arg13[%dma_wait3A_2922, %mul3A_2921] : memref<3x128xi32, #tpu.memory_space<vmem>> -> memref<1x64xi32, #tpu.memory_space<vmem>>
      %dma_wait3A_2924 = tpu.memref_squeeze %dma_wait3A_2923 : memref<1x64xi32, #tpu.memory_space<vmem>> -> memref<64xi32, #tpu.memory_space<vmem>>
      %dma_wait3A_2925 = arith.constant 0 : i32
      %dma_wait3A_2926 = arith.constant 0 : i32
      %dma_wait3A_2927 = tpu.memref_slice %arg9[%dma_wait3A_2925, %dma_wait3A_2926] : memref<1000x128xf32, #tpu.memory_space<vmem_shared>> -> memref<1000x128xf32, #tpu.memory_space<vmem_shared>>
      tpu.wait_indirect_dma semaphore(%arg37 : memref<!tpu.dma_semaphore, #tpu.memory_space<semaphore_mem>>) src(%dma_wait3A_2927 : memref<1000x128xf32, #tpu.memory_space<vmem_shared>>) dst(%arg25 : memref<64x128xf32, #tpu.memory_space<vmem>>)
      %jit3A_2928 = arith.constant 2 : i32
      %div3A_2929 = arith.divsi %add3A_2855, %jit3A_2928 : i32
      %sign3A_2930 = arith.constant 0 : i32
      %sign3A_2931 = arith.cmpi sgt, %add3A_2855, %sign3A_2930 : i32
      %sign3A_2932 = arith.extui %sign3A_2931 : i1 to i32
      %sign3A_2933 = arith.constant 0 : i32
      %sign3A_2934 = arith.cmpi slt, %add3A_2855, %sign3A_2933 : i32
      %sign3A_2935 = arith.extui %sign3A_2934 : i1 to i32
      %sign3A_2936 = arith.subi %sign3A_2932, %sign3A_2935 : i32
      %sign3A_2937 = arith.constant 0 : i32
      %sign3A_2938 = arith.cmpi sgt, %jit3A_2928, %sign3A_2937 : i32
      %sign3A_2939 = arith.extui %sign3A_2938 : i1 to i32
      %sign3A_2940 = arith.constant 0 : i32
      %sign3A_2941 = arith.cmpi slt, %jit3A_2928, %sign3A_2940 : i32
      %sign3A_2942 = arith.extui %sign3A_2941 : i1 to i32
      %sign3A_2943 = arith.subi %sign3A_2939, %sign3A_2942 : i32
      %ne3A_2944 = arith.cmpi ne, %sign3A_2936, %sign3A_2943 : i32
      %rem3A_2945 = arith.remsi %add3A_2855, %jit3A_2928 : i32
      %ne3A_2946 = arith.constant 0 : i32
      %ne3A_2947 = arith.cmpi ne, %rem3A_2945, %ne3A_2946 : i32
      %and3A_2948 = arith.andi %ne3A_2944, %ne3A_2947 : i1
      %sub3A_2949 = arith.constant 1 : i32
      %sub3A_2950 = arith.subi %div3A_2929, %sub3A_2949 : i32
      %select_n3A_2951 = arith.select %and3A_2948, %sub3A_2950, %div3A_2929 : i32
      %jit3A_2952 = arith.constant 2 : i32
      %eq3A_2953 = arith.constant 0 : i32
      %eq3A_2954 = arith.cmpi eq, %jit3A_2952, %eq3A_2953 : i32
      %jit3A_2955 = arith.constant 1 : i32
      %select_n3A_2956 = arith.select %eq3A_2954, %jit3A_2955, %jit3A_2952 : i32
      %rem3A_2957 = arith.remsi %add3A_2855, %select_n3A_2956 : i32
      %ne3A_2958 = arith.constant 0 : i32
      %ne3A_2959 = arith.cmpi ne, %rem3A_2957, %ne3A_2958 : i32
      %lt3A_2960 = arith.constant 0 : i32
      %lt3A_2961 = arith.cmpi slt, %rem3A_2957, %lt3A_2960 : i32
      %lt3A_2962 = arith.constant 0 : i32
      %lt3A_2963 = arith.cmpi slt, %select_n3A_2956, %lt3A_2962 : i32
      %ne3A_2964 = arith.xori %lt3A_2961, %lt3A_2963 : i1
      %and3A_2965 = arith.andi %ne3A_2964, %ne3A_2959 : i1
      %add3A_2966 = arith.addi %rem3A_2957, %select_n3A_2956 : i32
      %select_n3A_2967 = arith.select %and3A_2965, %add3A_2966, %rem3A_2957 : i32
      %mul3A_2968 = arith.constant 64 : i32
      %mul3A_2969 = arith.muli %select_n3A_2967, %mul3A_2968 : i32
      %add3A_2970 = arith.addi %mul3A_2, %mul3A_2969 : i32
      %dma_start3A_2971 = arith.constant 0 : i32
      %dma_start3A_2972 = tpu.memref_slice %arg6[%select_n3A_2951, %add3A_2970, %dma_start3A_2971] : memref<50x4096x384xf32, #tpu.memory_space<hbm>> -> memref<1x64x128xf32, #tpu.memory_space<hbm>>
      %dma_start3A_2973 = tpu.memref_squeeze %dma_start3A_2972 : memref<1x64x128xf32, #tpu.memory_space<hbm>> -> memref<64x128xf32, #tpu.memory_space<hbm>>
      %dma_start3A_2974 = arith.constant 0 : i32
      %dma_start3A_2975 = tpu.memref_slice %arg6[%select_n3A_2951, %add3A_2970, %dma_start3A_2974] : memref<50x4096x384xf32, #tpu.memory_space<hbm>> -> memref<1x64x128xf32, #tpu.memory_space<hbm>>
      %dma_start3A_2976 = tpu.memref_squeeze %dma_start3A_2975 : memref<1x64x128xf32, #tpu.memory_space<hbm>> -> memref<64x128xf32, #tpu.memory_space<hbm>>
      tpu.enqueue_dma source(%arg17 : memref<64x128xf32, #tpu.memory_space<vmem>>) target(%dma_start3A_2976 : memref<64x128xf32, #tpu.memory_space<hbm>>) target_semaphore(%arg41 : memref<!tpu.dma_semaphore, #tpu.memory_space<semaphore_mem>>)
      %jit3A_2977 = arith.constant 2 : i32
      %div3A_2978 = arith.divsi %add3A_2855, %jit3A_2977 : i32
      %sign3A_2979 = arith.constant 0 : i32
      %sign3A_2980 = arith.cmpi sgt, %add3A_2855, %sign3A_2979 : i32
      %sign3A_2981 = arith.extui %sign3A_2980 : i1 to i32
      %sign3A_2982 = arith.constant 0 : i32
      %sign3A_2983 = arith.cmpi slt, %add3A_2855, %sign3A_2982 : i32
      %sign3A_2984 = arith.extui %sign3A_2983 : i1 to i32
      %sign3A_2985 = arith.subi %sign3A_2981, %sign3A_2984 : i32
      %sign3A_2986 = arith.constant 0 : i32
      %sign3A_2987 = arith.cmpi sgt, %jit3A_2977, %sign3A_2986 : i32
      %sign3A_2988 = arith.extui %sign3A_2987 : i1 to i32
      %sign3A_2989 = arith.constant 0 : i32
      %sign3A_2990 = arith.cmpi slt, %jit3A_2977, %sign3A_2989 : i32
      %sign3A_2991 = arith.extui %sign3A_2990 : i1 to i32
      %sign3A_2992 = arith.subi %sign3A_2988, %sign3A_2991 : i32
      %ne3A_2993 = arith.cmpi ne, %sign3A_2985, %sign3A_2992 : i32
      %rem3A_2994 = arith.remsi %add3A_2855, %jit3A_2977 : i32
      %ne3A_2995 = arith.constant 0 : i32
      %ne3A_2996 = arith.cmpi ne, %rem3A_2994, %ne3A_2995 : i32
      %and3A_2997 = arith.andi %ne3A_2993, %ne3A_2996 : i1
      %sub3A_2998 = arith.constant 1 : i32
      %sub3A_2999 = arith.subi %div3A_2978, %sub3A_2998 : i32
      %select_n3A_3000 = arith.select %and3A_2997, %sub3A_2999, %div3A_2978 : i32
      %jit3A_3001 = arith.constant 2 : i32
      %eq3A_3002 = arith.constant 0 : i32
      %eq3A_3003 = arith.cmpi eq, %jit3A_3001, %eq3A_3002 : i32
      %jit3A_3004 = arith.constant 1 : i32
      %select_n3A_3005 = arith.select %eq3A_3003, %jit3A_3004, %jit3A_3001 : i32
      %rem3A_3006 = arith.remsi %add3A_2855, %select_n3A_3005 : i32
      %ne3A_3007 = arith.constant 0 : i32
      %ne3A_3008 = arith.cmpi ne, %rem3A_3006, %ne3A_3007 : i32
      %lt3A_3009 = arith.constant 0 : i32
      %lt3A_3010 = arith.cmpi slt, %rem3A_3006, %lt3A_3009 : i32
      %lt3A_3011 = arith.constant 0 : i32
      %lt3A_3012 = arith.cmpi slt, %select_n3A_3005, %lt3A_3011 : i32
      %ne3A_3013 = arith.xori %lt3A_3010, %lt3A_3012 : i1
      %and3A_3014 = arith.andi %ne3A_3013, %ne3A_3008 : i1
      %add3A_3015 = arith.addi %rem3A_3006, %select_n3A_3005 : i32
      %select_n3A_3016 = arith.select %and3A_3014, %add3A_3015, %rem3A_3006 : i32
      %mul3A_3017 = arith.constant 64 : i32
      %mul3A_3018 = arith.muli %select_n3A_3016, %mul3A_3017 : i32
      %add3A_3019 = arith.addi %mul3A_2, %mul3A_3018 : i32
      %dma_start3A_3020 = arith.constant 128 : i32
      %dma_start3A_3021 = tpu.memref_slice %arg6[%select_n3A_3000, %add3A_3019, %dma_start3A_3020] : memref<50x4096x384xf32, #tpu.memory_space<hbm>> -> memref<1x64x128xf32, #tpu.memory_space<hbm>>
      %dma_start3A_3022 = tpu.memref_squeeze %dma_start3A_3021 : memref<1x64x128xf32, #tpu.memory_space<hbm>> -> memref<64x128xf32, #tpu.memory_space<hbm>>
      %dma_start3A_3023 = arith.constant 128 : i32
      %dma_start3A_3024 = tpu.memref_slice %arg6[%select_n3A_3000, %add3A_3019, %dma_start3A_3023] : memref<50x4096x384xf32, #tpu.memory_space<hbm>> -> memref<1x64x128xf32, #tpu.memory_space<hbm>>
      %dma_start3A_3025 = tpu.memref_squeeze %dma_start3A_3024 : memref<1x64x128xf32, #tpu.memory_space<hbm>> -> memref<64x128xf32, #tpu.memory_space<hbm>>
      tpu.enqueue_dma source(%arg21 : memref<64x128xf32, #tpu.memory_space<vmem>>) target(%dma_start3A_3025 : memref<64x128xf32, #tpu.memory_space<hbm>>) target_semaphore(%arg45 : memref<!tpu.dma_semaphore, #tpu.memory_space<semaphore_mem>>)
      %jit3A_3026 = arith.constant 2 : i32
      %div3A_3027 = arith.divsi %add3A_2855, %jit3A_3026 : i32
      %sign3A_3028 = arith.constant 0 : i32
      %sign3A_3029 = arith.cmpi sgt, %add3A_2855, %sign3A_3028 : i32
      %sign3A_3030 = arith.extui %sign3A_3029 : i1 to i32
      %sign3A_3031 = arith.constant 0 : i32
      %sign3A_3032 = arith.cmpi slt, %add3A_2855, %sign3A_3031 : i32
      %sign3A_3033 = arith.extui %sign3A_3032 : i1 to i32
      %sign3A_3034 = arith.subi %sign3A_3030, %sign3A_3033 : i32
      %sign3A_3035 = arith.constant 0 : i32
      %sign3A_3036 = arith.cmpi sgt, %jit3A_3026, %sign3A_3035 : i32
      %sign3A_3037 = arith.extui %sign3A_3036 : i1 to i32
      %sign3A_3038 = arith.constant 0 : i32
      %sign3A_3039 = arith.cmpi slt, %jit3A_3026, %sign3A_3038 : i32
      %sign3A_3040 = arith.extui %sign3A_3039 : i1 to i32
      %sign3A_3041 = arith.subi %sign3A_3037, %sign3A_3040 : i32
      %ne3A_3042 = arith.cmpi ne, %sign3A_3034, %sign3A_3041 : i32
      %rem3A_3043 = arith.remsi %add3A_2855, %jit3A_3026 : i32
      %ne3A_3044 = arith.constant 0 : i32
      %ne3A_3045 = arith.cmpi ne, %rem3A_3043, %ne3A_3044 : i32
      %and3A_3046 = arith.andi %ne3A_3042, %ne3A_3045 : i1
      %sub3A_3047 = arith.constant 1 : i32
      %sub3A_3048 = arith.subi %div3A_3027, %sub3A_3047 : i32
      %select_n3A_3049 = arith.select %and3A_3046, %sub3A_3048, %div3A_3027 : i32
      %jit3A_3050 = arith.constant 2 : i32
      %eq3A_3051 = arith.constant 0 : i32
      %eq3A_3052 = arith.cmpi eq, %jit3A_3050, %eq3A_3051 : i32
      %jit3A_3053 = arith.constant 1 : i32
      %select_n3A_3054 = arith.select %eq3A_3052, %jit3A_3053, %jit3A_3050 : i32
      %rem3A_3055 = arith.remsi %add3A_2855, %select_n3A_3054 : i32
      %ne3A_3056 = arith.constant 0 : i32
      %ne3A_3057 = arith.cmpi ne, %rem3A_3055, %ne3A_3056 : i32
      %lt3A_3058 = arith.constant 0 : i32
      %lt3A_3059 = arith.cmpi slt, %rem3A_3055, %lt3A_3058 : i32
      %lt3A_3060 = arith.constant 0 : i32
      %lt3A_3061 = arith.cmpi slt, %select_n3A_3054, %lt3A_3060 : i32
      %ne3A_3062 = arith.xori %lt3A_3059, %lt3A_3061 : i1
      %and3A_3063 = arith.andi %ne3A_3062, %ne3A_3057 : i1
      %add3A_3064 = arith.addi %rem3A_3055, %select_n3A_3054 : i32
      %select_n3A_3065 = arith.select %and3A_3063, %add3A_3064, %rem3A_3055 : i32
      %mul3A_3066 = arith.constant 64 : i32
      %mul3A_3067 = arith.muli %select_n3A_3065, %mul3A_3066 : i32
      %add3A_3068 = arith.addi %mul3A_2, %mul3A_3067 : i32
      %dma_start3A_3069 = arith.constant 256 : i32
      %dma_start3A_3070 = tpu.memref_slice %arg6[%select_n3A_3049, %add3A_3068, %dma_start3A_3069] : memref<50x4096x384xf32, #tpu.memory_space<hbm>> -> memref<1x64x128xf32, #tpu.memory_space<hbm>>
      %dma_start3A_3071 = tpu.memref_squeeze %dma_start3A_3070 : memref<1x64x128xf32, #tpu.memory_space<hbm>> -> memref<64x128xf32, #tpu.memory_space<hbm>>
      %dma_start3A_3072 = arith.constant 256 : i32
      %dma_start3A_3073 = tpu.memref_slice %arg6[%select_n3A_3049, %add3A_3068, %dma_start3A_3072] : memref<50x4096x384xf32, #tpu.memory_space<hbm>> -> memref<1x64x128xf32, #tpu.memory_space<hbm>>
      %dma_start3A_3074 = tpu.memref_squeeze %dma_start3A_3073 : memref<1x64x128xf32, #tpu.memory_space<hbm>> -> memref<64x128xf32, #tpu.memory_space<hbm>>
      tpu.enqueue_dma source(%arg25 : memref<64x128xf32, #tpu.memory_space<vmem>>) target(%dma_start3A_3074 : memref<64x128xf32, #tpu.memory_space<hbm>>) target_semaphore(%arg49 : memref<!tpu.dma_semaphore, #tpu.memory_space<semaphore_mem>>)
      %add3A_3075 = arith.constant 4 : i32
      %add3A_3076 = arith.addi %add3A_2855, %add3A_3075 : i32
      %jit3A_3077 = arith.constant 2 : i32
      %div3A_3078 = arith.divsi %add3A_3076, %jit3A_3077 : i32
      %sign3A_3079 = arith.constant 0 : i32
      %sign3A_3080 = arith.cmpi sgt, %add3A_3076, %sign3A_3079 : i32
      %sign3A_3081 = arith.extui %sign3A_3080 : i1 to i32
      %sign3A_3082 = arith.constant 0 : i32
      %sign3A_3083 = arith.cmpi slt, %add3A_3076, %sign3A_3082 : i32
      %sign3A_3084 = arith.extui %sign3A_3083 : i1 to i32
      %sign3A_3085 = arith.subi %sign3A_3081, %sign3A_3084 : i32
      %sign3A_3086 = arith.constant 0 : i32
      %sign3A_3087 = arith.cmpi sgt, %jit3A_3077, %sign3A_3086 : i32
      %sign3A_3088 = arith.extui %sign3A_3087 : i1 to i32
      %sign3A_3089 = arith.constant 0 : i32
      %sign3A_3090 = arith.cmpi slt, %jit3A_3077, %sign3A_3089 : i32
      %sign3A_3091 = arith.extui %sign3A_3090 : i1 to i32
      %sign3A_3092 = arith.subi %sign3A_3088, %sign3A_3091 : i32
      %ne3A_3093 = arith.cmpi ne, %sign3A_3085, %sign3A_3092 : i32
      %rem3A_3094 = arith.remsi %add3A_3076, %jit3A_3077 : i32
      %ne3A_3095 = arith.constant 0 : i32
      %ne3A_3096 = arith.cmpi ne, %rem3A_3094, %ne3A_3095 : i32
      %and3A_3097 = arith.andi %ne3A_3093, %ne3A_3096 : i1
      %sub3A_3098 = arith.constant 1 : i32
      %sub3A_3099 = arith.subi %div3A_3078, %sub3A_3098 : i32
      %select_n3A_3100 = arith.select %and3A_3097, %sub3A_3099, %div3A_3078 : i32
      %jit3A_3101 = arith.constant 2 : i32
      %eq3A_3102 = arith.constant 0 : i32
      %eq3A_3103 = arith.cmpi eq, %jit3A_3101, %eq3A_3102 : i32
      %jit3A_3104 = arith.constant 1 : i32
      %select_n3A_3105 = arith.select %eq3A_3103, %jit3A_3104, %jit3A_3101 : i32
      %rem3A_3106 = arith.remsi %add3A_3076, %select_n3A_3105 : i32
      %ne3A_3107 = arith.constant 0 : i32
      %ne3A_3108 = arith.cmpi ne, %rem3A_3106, %ne3A_3107 : i32
      %lt3A_3109 = arith.constant 0 : i32
      %lt3A_3110 = arith.cmpi slt, %rem3A_3106, %lt3A_3109 : i32
      %lt3A_3111 = arith.constant 0 : i32
      %lt3A_3112 = arith.cmpi slt, %select_n3A_3105, %lt3A_3111 : i32
      %ne3A_3113 = arith.xori %lt3A_3110, %lt3A_3112 : i1
      %and3A_3114 = arith.andi %ne3A_3113, %ne3A_3108 : i1
      %add3A_3115 = arith.addi %rem3A_3106, %select_n3A_3105 : i32
      %select_n3A_3116 = arith.select %and3A_3114, %add3A_3115, %rem3A_3106 : i32
      %mul3A_3117 = arith.constant 64 : i32
      %mul3A_3118 = arith.muli %select_n3A_3116, %mul3A_3117 : i32
      %add3A_3119 = arith.addi %mul3A_2, %mul3A_3118 : i32
      %dma_start3A_3120 = arith.constant 0 : i32
      %dma_start3A_3121 = tpu.memref_slice %arg2[%dma_start3A_3120, %select_n3A_3100, %mul3A_2] : memref<3x50x4096xi32, #tpu.memory_space<hbm>> -> memref<3x1x128xi32, #tpu.memory_space<hbm>>
      %dma_start3A_3122 = tpu.memref_squeeze %dma_start3A_3121 : memref<3x1x128xi32, #tpu.memory_space<hbm>> -> memref<3x128xi32, #tpu.memory_space<hbm>>
      %dma_start3A_3123 = arith.constant 0 : i32
      %dma_start3A_3124 = tpu.memref_slice %arg2[%dma_start3A_3123, %select_n3A_3100, %mul3A_2] : memref<3x50x4096xi32, #tpu.memory_space<hbm>> -> memref<3x1x128xi32, #tpu.memory_space<hbm>>
      %dma_start3A_3125 = tpu.memref_squeeze %dma_start3A_3124 : memref<3x1x128xi32, #tpu.memory_space<hbm>> -> memref<3x128xi32, #tpu.memory_space<hbm>>
      tpu.enqueue_dma source(%dma_start3A_3125 : memref<3x128xi32, #tpu.memory_space<hbm>>) target(%arg13 : memref<3x128xi32, #tpu.memory_space<vmem>>) target_semaphore(%arg53 : memref<!tpu.dma_semaphore, #tpu.memory_space<semaphore_mem>>)
      %add3A_3126 = arith.constant 3 : i32
      %add3A_3127 = arith.addi %mul3A_2309, %add3A_3126 : i32
      %jit3A_3128 = arith.constant 2 : i32
      %eq3A_3129 = arith.constant 0 : i32
      %eq3A_3130 = arith.cmpi eq, %jit3A_3128, %eq3A_3129 : i32
      %jit3A_3131 = arith.constant 1 : i32
      %select_n3A_3132 = arith.select %eq3A_3130, %jit3A_3131, %jit3A_3128 : i32
      %rem3A_3133 = arith.remsi %add3A_3127, %select_n3A_3132 : i32
      %ne3A_3134 = arith.constant 0 : i32
      %ne3A_3135 = arith.cmpi ne, %rem3A_3133, %ne3A_3134 : i32
      %lt3A_3136 = arith.constant 0 : i32
      %lt3A_3137 = arith.cmpi slt, %rem3A_3133, %lt3A_3136 : i32
      %lt3A_3138 = arith.constant 0 : i32
      %lt3A_3139 = arith.cmpi slt, %select_n3A_3132, %lt3A_3138 : i32
      %ne3A_3140 = arith.xori %lt3A_3137, %lt3A_3139 : i1
      %and3A_3141 = arith.andi %ne3A_3140, %ne3A_3135 : i1
      %add3A_3142 = arith.addi %rem3A_3133, %select_n3A_3132 : i32
      %select_n3A_3143 = arith.select %and3A_3141, %add3A_3142, %rem3A_3133 : i32
      %mul3A_3144 = arith.constant 64 : i32
      %mul3A_3145 = arith.muli %select_n3A_3143, %mul3A_3144 : i32
      %dma_wait3A_3146 = arith.constant 0 : i32
      %dma_wait3A_3147 = tpu.memref_slice %arg14[%dma_wait3A_3146, %mul3A_3145] : memref<3x128xi32, #tpu.memory_space<vmem>> -> memref<1x64xi32, #tpu.memory_space<vmem>>
      %dma_wait3A_3148 = tpu.memref_squeeze %dma_wait3A_3147 : memref<1x64xi32, #tpu.memory_space<vmem>> -> memref<64xi32, #tpu.memory_space<vmem>>
      %dma_wait3A_3149 = arith.constant 0 : i32
      %dma_wait3A_3150 = arith.constant 0 : i32
      %dma_wait3A_3151 = tpu.memref_slice %arg7[%dma_wait3A_3149, %dma_wait3A_3150] : memref<1000x128xf32, #tpu.memory_space<vmem_shared>> -> memref<1000x128xf32, #tpu.memory_space<vmem_shared>>
      tpu.wait_indirect_dma semaphore(%arg30 : memref<!tpu.dma_semaphore, #tpu.memory_space<semaphore_mem>>) src(%dma_wait3A_3151 : memref<1000x128xf32, #tpu.memory_space<vmem_shared>>) dst(%arg18 : memref<64x128xf32, #tpu.memory_space<vmem>>)
      %jit3A_3152 = arith.constant 2 : i32
      %eq3A_3153 = arith.constant 0 : i32
      %eq3A_3154 = arith.cmpi eq, %jit3A_3152, %eq3A_3153 : i32
      %jit3A_3155 = arith.constant 1 : i32
      %select_n3A_3156 = arith.select %eq3A_3154, %jit3A_3155, %jit3A_3152 : i32
      %rem3A_3157 = arith.remsi %add3A_3127, %select_n3A_3156 : i32
      %ne3A_3158 = arith.constant 0 : i32
      %ne3A_3159 = arith.cmpi ne, %rem3A_3157, %ne3A_3158 : i32
      %lt3A_3160 = arith.constant 0 : i32
      %lt3A_3161 = arith.cmpi slt, %rem3A_3157, %lt3A_3160 : i32
      %lt3A_3162 = arith.constant 0 : i32
      %lt3A_3163 = arith.cmpi slt, %select_n3A_3156, %lt3A_3162 : i32
      %ne3A_3164 = arith.xori %lt3A_3161, %lt3A_3163 : i1
      %and3A_3165 = arith.andi %ne3A_3164, %ne3A_3159 : i1
      %add3A_3166 = arith.addi %rem3A_3157, %select_n3A_3156 : i32
      %select_n3A_3167 = arith.select %and3A_3165, %add3A_3166, %rem3A_3157 : i32
      %mul3A_3168 = arith.constant 64 : i32
      %mul3A_3169 = arith.muli %select_n3A_3167, %mul3A_3168 : i32
      %dma_wait3A_3170 = arith.constant 1 : i32
      %dma_wait3A_3171 = tpu.memref_slice %arg14[%dma_wait3A_3170, %mul3A_3169] : memref<3x128xi32, #tpu.memory_space<vmem>> -> memref<1x64xi32, #tpu.memory_space<vmem>>
      %dma_wait3A_3172 = tpu.memref_squeeze %dma_wait3A_3171 : memref<1x64xi32, #tpu.memory_space<vmem>> -> memref<64xi32, #tpu.memory_space<vmem>>
      %dma_wait3A_3173 = arith.constant 0 : i32
      %dma_wait3A_3174 = arith.constant 0 : i32
      %dma_wait3A_3175 = tpu.memref_slice %arg8[%dma_wait3A_3173, %dma_wait3A_3174] : memref<1000x128xf32, #tpu.memory_space<vmem_shared>> -> memref<1000x128xf32, #tpu.memory_space<vmem_shared>>
      tpu.wait_indirect_dma semaphore(%arg34 : memref<!tpu.dma_semaphore, #tpu.memory_space<semaphore_mem>>) src(%dma_wait3A_3175 : memref<1000x128xf32, #tpu.memory_space<vmem_shared>>) dst(%arg22 : memref<64x128xf32, #tpu.memory_space<vmem>>)
      %jit3A_3176 = arith.constant 2 : i32
      %eq3A_3177 = arith.constant 0 : i32
      %eq3A_3178 = arith.cmpi eq, %jit3A_3176, %eq3A_3177 : i32
      %jit3A_3179 = arith.constant 1 : i32
      %select_n3A_3180 = arith.select %eq3A_3178, %jit3A_3179, %jit3A_3176 : i32
      %rem3A_3181 = arith.remsi %add3A_3127, %select_n3A_3180 : i32
      %ne3A_3182 = arith.constant 0 : i32
      %ne3A_3183 = arith.cmpi ne, %rem3A_3181, %ne3A_3182 : i32
      %lt3A_3184 = arith.constant 0 : i32
      %lt3A_3185 = arith.cmpi slt, %rem3A_3181, %lt3A_3184 : i32
      %lt3A_3186 = arith.constant 0 : i32
      %lt3A_3187 = arith.cmpi slt, %select_n3A_3180, %lt3A_3186 : i32
      %ne3A_3188 = arith.xori %lt3A_3185, %lt3A_3187 : i1
      %and3A_3189 = arith.andi %ne3A_3188, %ne3A_3183 : i1
      %add3A_3190 = arith.addi %rem3A_3181, %select_n3A_3180 : i32
      %select_n3A_3191 = arith.select %and3A_3189, %add3A_3190, %rem3A_3181 : i32
      %mul3A_3192 = arith.constant 64 : i32
      %mul3A_3193 = arith.muli %select_n3A_3191, %mul3A_3192 : i32
      %dma_wait3A_3194 = arith.constant 2 : i32
      %dma_wait3A_3195 = tpu.memref_slice %arg14[%dma_wait3A_3194, %mul3A_3193] : memref<3x128xi32, #tpu.memory_space<vmem>> -> memref<1x64xi32, #tpu.memory_space<vmem>>
      %dma_wait3A_3196 = tpu.memref_squeeze %dma_wait3A_3195 : memref<1x64xi32, #tpu.memory_space<vmem>> -> memref<64xi32, #tpu.memory_space<vmem>>
      %dma_wait3A_3197 = arith.constant 0 : i32
      %dma_wait3A_3198 = arith.constant 0 : i32
      %dma_wait3A_3199 = tpu.memref_slice %arg9[%dma_wait3A_3197, %dma_wait3A_3198] : memref<1000x128xf32, #tpu.memory_space<vmem_shared>> -> memref<1000x128xf32, #tpu.memory_space<vmem_shared>>
      tpu.wait_indirect_dma semaphore(%arg38 : memref<!tpu.dma_semaphore, #tpu.memory_space<semaphore_mem>>) src(%dma_wait3A_3199 : memref<1000x128xf32, #tpu.memory_space<vmem_shared>>) dst(%arg26 : memref<64x128xf32, #tpu.memory_space<vmem>>)
      %jit3A_3200 = arith.constant 2 : i32
      %div3A_3201 = arith.divsi %add3A_3127, %jit3A_3200 : i32
      %sign3A_3202 = arith.constant 0 : i32
      %sign3A_3203 = arith.cmpi sgt, %add3A_3127, %sign3A_3202 : i32
      %sign3A_3204 = arith.extui %sign3A_3203 : i1 to i32
      %sign3A_3205 = arith.constant 0 : i32
      %sign3A_3206 = arith.cmpi slt, %add3A_3127, %sign3A_3205 : i32
      %sign3A_3207 = arith.extui %sign3A_3206 : i1 to i32
      %sign3A_3208 = arith.subi %sign3A_3204, %sign3A_3207 : i32
      %sign3A_3209 = arith.constant 0 : i32
      %sign3A_3210 = arith.cmpi sgt, %jit3A_3200, %sign3A_3209 : i32
      %sign3A_3211 = arith.extui %sign3A_3210 : i1 to i32
      %sign3A_3212 = arith.constant 0 : i32
      %sign3A_3213 = arith.cmpi slt, %jit3A_3200, %sign3A_3212 : i32
      %sign3A_3214 = arith.extui %sign3A_3213 : i1 to i32
      %sign3A_3215 = arith.subi %sign3A_3211, %sign3A_3214 : i32
      %ne3A_3216 = arith.cmpi ne, %sign3A_3208, %sign3A_3215 : i32
      %rem3A_3217 = arith.remsi %add3A_3127, %jit3A_3200 : i32
      %ne3A_3218 = arith.constant 0 : i32
      %ne3A_3219 = arith.cmpi ne, %rem3A_3217, %ne3A_3218 : i32
      %and3A_3220 = arith.andi %ne3A_3216, %ne3A_3219 : i1
      %sub3A_3221 = arith.constant 1 : i32
      %sub3A_3222 = arith.subi %div3A_3201, %sub3A_3221 : i32
      %select_n3A_3223 = arith.select %and3A_3220, %sub3A_3222, %div3A_3201 : i32
      %jit3A_3224 = arith.constant 2 : i32
      %eq3A_3225 = arith.constant 0 : i32
      %eq3A_3226 = arith.cmpi eq, %jit3A_3224, %eq3A_3225 : i32
      %jit3A_3227 = arith.constant 1 : i32
      %select_n3A_3228 = arith.select %eq3A_3226, %jit3A_3227, %jit3A_3224 : i32
      %rem3A_3229 = arith.remsi %add3A_3127, %select_n3A_3228 : i32
      %ne3A_3230 = arith.constant 0 : i32
      %ne3A_3231 = arith.cmpi ne, %rem3A_3229, %ne3A_3230 : i32
      %lt3A_3232 = arith.constant 0 : i32
      %lt3A_3233 = arith.cmpi slt, %rem3A_3229, %lt3A_3232 : i32
      %lt3A_3234 = arith.constant 0 : i32
      %lt3A_3235 = arith.cmpi slt, %select_n3A_3228, %lt3A_3234 : i32
      %ne3A_3236 = arith.xori %lt3A_3233, %lt3A_3235 : i1
      %and3A_3237 = arith.andi %ne3A_3236, %ne3A_3231 : i1
      %add3A_3238 = arith.addi %rem3A_3229, %select_n3A_3228 : i32
      %select_n3A_3239 = arith.select %and3A_3237, %add3A_3238, %rem3A_3229 : i32
      %mul3A_3240 = arith.constant 64 : i32
      %mul3A_3241 = arith.muli %select_n3A_3239, %mul3A_3240 : i32
      %add3A_3242 = arith.addi %mul3A_2, %mul3A_3241 : i32
      %dma_start3A_3243 = arith.constant 0 : i32
      %dma_start3A_3244 = tpu.memref_slice %arg6[%select_n3A_3223, %add3A_3242, %dma_start3A_3243] : memref<50x4096x384xf32, #tpu.memory_space<hbm>> -> memref<1x64x128xf32, #tpu.memory_space<hbm>>
      %dma_start3A_3245 = tpu.memref_squeeze %dma_start3A_3244 : memref<1x64x128xf32, #tpu.memory_space<hbm>> -> memref<64x128xf32, #tpu.memory_space<hbm>>
      %dma_start3A_3246 = arith.constant 0 : i32
      %dma_start3A_3247 = tpu.memref_slice %arg6[%select_n3A_3223, %add3A_3242, %dma_start3A_3246] : memref<50x4096x384xf32, #tpu.memory_space<hbm>> -> memref<1x64x128xf32, #tpu.memory_space<hbm>>
      %dma_start3A_3248 = tpu.memref_squeeze %dma_start3A_3247 : memref<1x64x128xf32, #tpu.memory_space<hbm>> -> memref<64x128xf32, #tpu.memory_space<hbm>>
      tpu.enqueue_dma source(%arg18 : memref<64x128xf32, #tpu.memory_space<vmem>>) target(%dma_start3A_3248 : memref<64x128xf32, #tpu.memory_space<hbm>>) target_semaphore(%arg42 : memref<!tpu.dma_semaphore, #tpu.memory_space<semaphore_mem>>)
      %jit3A_3249 = arith.constant 2 : i32
      %div3A_3250 = arith.divsi %add3A_3127, %jit3A_3249 : i32
      %sign3A_3251 = arith.constant 0 : i32
      %sign3A_3252 = arith.cmpi sgt, %add3A_3127, %sign3A_3251 : i32
      %sign3A_3253 = arith.extui %sign3A_3252 : i1 to i32
      %sign3A_3254 = arith.constant 0 : i32
      %sign3A_3255 = arith.cmpi slt, %add3A_3127, %sign3A_3254 : i32
      %sign3A_3256 = arith.extui %sign3A_3255 : i1 to i32
      %sign3A_3257 = arith.subi %sign3A_3253, %sign3A_3256 : i32
      %sign3A_3258 = arith.constant 0 : i32
      %sign3A_3259 = arith.cmpi sgt, %jit3A_3249, %sign3A_3258 : i32
      %sign3A_3260 = arith.extui %sign3A_3259 : i1 to i32
      %sign3A_3261 = arith.constant 0 : i32
      %sign3A_3262 = arith.cmpi slt, %jit3A_3249, %sign3A_3261 : i32
      %sign3A_3263 = arith.extui %sign3A_3262 : i1 to i32
      %sign3A_3264 = arith.subi %sign3A_3260, %sign3A_3263 : i32
      %ne3A_3265 = arith.cmpi ne, %sign3A_3257, %sign3A_3264 : i32
      %rem3A_3266 = arith.remsi %add3A_3127, %jit3A_3249 : i32
      %ne3A_3267 = arith.constant 0 : i32
      %ne3A_3268 = arith.cmpi ne, %rem3A_3266, %ne3A_3267 : i32
      %and3A_3269 = arith.andi %ne3A_3265, %ne3A_3268 : i1
      %sub3A_3270 = arith.constant 1 : i32
      %sub3A_3271 = arith.subi %div3A_3250, %sub3A_3270 : i32
      %select_n3A_3272 = arith.select %and3A_3269, %sub3A_3271, %div3A_3250 : i32
      %jit3A_3273 = arith.constant 2 : i32
      %eq3A_3274 = arith.constant 0 : i32
      %eq3A_3275 = arith.cmpi eq, %jit3A_3273, %eq3A_3274 : i32
      %jit3A_3276 = arith.constant 1 : i32
      %select_n3A_3277 = arith.select %eq3A_3275, %jit3A_3276, %jit3A_3273 : i32
      %rem3A_3278 = arith.remsi %add3A_3127, %select_n3A_3277 : i32
      %ne3A_3279 = arith.constant 0 : i32
      %ne3A_3280 = arith.cmpi ne, %rem3A_3278, %ne3A_3279 : i32
      %lt3A_3281 = arith.constant 0 : i32
      %lt3A_3282 = arith.cmpi slt, %rem3A_3278, %lt3A_3281 : i32
      %lt3A_3283 = arith.constant 0 : i32
      %lt3A_3284 = arith.cmpi slt, %select_n3A_3277, %lt3A_3283 : i32
      %ne3A_3285 = arith.xori %lt3A_3282, %lt3A_3284 : i1
      %and3A_3286 = arith.andi %ne3A_3285, %ne3A_3280 : i1
      %add3A_3287 = arith.addi %rem3A_3278, %select_n3A_3277 : i32
      %select_n3A_3288 = arith.select %and3A_3286, %add3A_3287, %rem3A_3278 : i32
      %mul3A_3289 = arith.constant 64 : i32
      %mul3A_3290 = arith.muli %select_n3A_3288, %mul3A_3289 : i32
      %add3A_3291 = arith.addi %mul3A_2, %mul3A_3290 : i32
      %dma_start3A_3292 = arith.constant 128 : i32
      %dma_start3A_3293 = tpu.memref_slice %arg6[%select_n3A_3272, %add3A_3291, %dma_start3A_3292] : memref<50x4096x384xf32, #tpu.memory_space<hbm>> -> memref<1x64x128xf32, #tpu.memory_space<hbm>>
      %dma_start3A_3294 = tpu.memref_squeeze %dma_start3A_3293 : memref<1x64x128xf32, #tpu.memory_space<hbm>> -> memref<64x128xf32, #tpu.memory_space<hbm>>
      %dma_start3A_3295 = arith.constant 128 : i32
      %dma_start3A_3296 = tpu.memref_slice %arg6[%select_n3A_3272, %add3A_3291, %dma_start3A_3295] : memref<50x4096x384xf32, #tpu.memory_space<hbm>> -> memref<1x64x128xf32, #tpu.memory_space<hbm>>
      %dma_start3A_3297 = tpu.memref_squeeze %dma_start3A_3296 : memref<1x64x128xf32, #tpu.memory_space<hbm>> -> memref<64x128xf32, #tpu.memory_space<hbm>>
      tpu.enqueue_dma source(%arg22 : memref<64x128xf32, #tpu.memory_space<vmem>>) target(%dma_start3A_3297 : memref<64x128xf32, #tpu.memory_space<hbm>>) target_semaphore(%arg46 : memref<!tpu.dma_semaphore, #tpu.memory_space<semaphore_mem>>)
      %jit3A_3298 = arith.constant 2 : i32
      %div3A_3299 = arith.divsi %add3A_3127, %jit3A_3298 : i32
      %sign3A_3300 = arith.constant 0 : i32
      %sign3A_3301 = arith.cmpi sgt, %add3A_3127, %sign3A_3300 : i32
      %sign3A_3302 = arith.extui %sign3A_3301 : i1 to i32
      %sign3A_3303 = arith.constant 0 : i32
      %sign3A_3304 = arith.cmpi slt, %add3A_3127, %sign3A_3303 : i32
      %sign3A_3305 = arith.extui %sign3A_3304 : i1 to i32
      %sign3A_3306 = arith.subi %sign3A_3302, %sign3A_3305 : i32
      %sign3A_3307 = arith.constant 0 : i32
      %sign3A_3308 = arith.cmpi sgt, %jit3A_3298, %sign3A_3307 : i32
      %sign3A_3309 = arith.extui %sign3A_3308 : i1 to i32
      %sign3A_3310 = arith.constant 0 : i32
      %sign3A_3311 = arith.cmpi slt, %jit3A_3298, %sign3A_3310 : i32
      %sign3A_3312 = arith.extui %sign3A_3311 : i1 to i32
      %sign3A_3313 = arith.subi %sign3A_3309, %sign3A_3312 : i32
      %ne3A_3314 = arith.cmpi ne, %sign3A_3306, %sign3A_3313 : i32
      %rem3A_3315 = arith.remsi %add3A_3127, %jit3A_3298 : i32
      %ne3A_3316 = arith.constant 0 : i32
      %ne3A_3317 = arith.cmpi ne, %rem3A_3315, %ne3A_3316 : i32
      %and3A_3318 = arith.andi %ne3A_3314, %ne3A_3317 : i1
      %sub3A_3319 = arith.constant 1 : i32
      %sub3A_3320 = arith.subi %div3A_3299, %sub3A_3319 : i32
      %select_n3A_3321 = arith.select %and3A_3318, %sub3A_3320, %div3A_3299 : i32
      %jit3A_3322 = arith.constant 2 : i32
      %eq3A_3323 = arith.constant 0 : i32
      %eq3A_3324 = arith.cmpi eq, %jit3A_3322, %eq3A_3323 : i32
      %jit3A_3325 = arith.constant 1 : i32
      %select_n3A_3326 = arith.select %eq3A_3324, %jit3A_3325, %jit3A_3322 : i32
      %rem3A_3327 = arith.remsi %add3A_3127, %select_n3A_3326 : i32
      %ne3A_3328 = arith.constant 0 : i32
      %ne3A_3329 = arith.cmpi ne, %rem3A_3327, %ne3A_3328 : i32
      %lt3A_3330 = arith.constant 0 : i32
      %lt3A_3331 = arith.cmpi slt, %rem3A_3327, %lt3A_3330 : i32
      %lt3A_3332 = arith.constant 0 : i32
      %lt3A_3333 = arith.cmpi slt, %select_n3A_3326, %lt3A_3332 : i32
      %ne3A_3334 = arith.xori %lt3A_3331, %lt3A_3333 : i1
      %and3A_3335 = arith.andi %ne3A_3334, %ne3A_3329 : i1
      %add3A_3336 = arith.addi %rem3A_3327, %select_n3A_3326 : i32
      %select_n3A_3337 = arith.select %and3A_3335, %add3A_3336, %rem3A_3327 : i32
      %mul3A_3338 = arith.constant 64 : i32
      %mul3A_3339 = arith.muli %select_n3A_3337, %mul3A_3338 : i32
      %add3A_3340 = arith.addi %mul3A_2, %mul3A_3339 : i32
      %dma_start3A_3341 = arith.constant 256 : i32
      %dma_start3A_3342 = tpu.memref_slice %arg6[%select_n3A_3321, %add3A_3340, %dma_start3A_3341] : memref<50x4096x384xf32, #tpu.memory_space<hbm>> -> memref<1x64x128xf32, #tpu.memory_space<hbm>>
      %dma_start3A_3343 = tpu.memref_squeeze %dma_start3A_3342 : memref<1x64x128xf32, #tpu.memory_space<hbm>> -> memref<64x128xf32, #tpu.memory_space<hbm>>
      %dma_start3A_3344 = arith.constant 256 : i32
      %dma_start3A_3345 = tpu.memref_slice %arg6[%select_n3A_3321, %add3A_3340, %dma_start3A_3344] : memref<50x4096x384xf32, #tpu.memory_space<hbm>> -> memref<1x64x128xf32, #tpu.memory_space<hbm>>
      %dma_start3A_3346 = tpu.memref_squeeze %dma_start3A_3345 : memref<1x64x128xf32, #tpu.memory_space<hbm>> -> memref<64x128xf32, #tpu.memory_space<hbm>>
      tpu.enqueue_dma source(%arg26 : memref<64x128xf32, #tpu.memory_space<vmem>>) target(%dma_start3A_3346 : memref<64x128xf32, #tpu.memory_space<hbm>>) target_semaphore(%arg50 : memref<!tpu.dma_semaphore, #tpu.memory_space<semaphore_mem>>)
      %add3A_3347 = arith.constant 4 : i32
      %add3A_3348 = arith.addi %add3A_3127, %add3A_3347 : i32
      %jit3A_3349 = arith.constant 2 : i32
      %div3A_3350 = arith.divsi %add3A_3348, %jit3A_3349 : i32
      %sign3A_3351 = arith.constant 0 : i32
      %sign3A_3352 = arith.cmpi sgt, %add3A_3348, %sign3A_3351 : i32
      %sign3A_3353 = arith.extui %sign3A_3352 : i1 to i32
      %sign3A_3354 = arith.constant 0 : i32
      %sign3A_3355 = arith.cmpi slt, %add3A_3348, %sign3A_3354 : i32
      %sign3A_3356 = arith.extui %sign3A_3355 : i1 to i32
      %sign3A_3357 = arith.subi %sign3A_3353, %sign3A_3356 : i32
      %sign3A_3358 = arith.constant 0 : i32
      %sign3A_3359 = arith.cmpi sgt, %jit3A_3349, %sign3A_3358 : i32
      %sign3A_3360 = arith.extui %sign3A_3359 : i1 to i32
      %sign3A_3361 = arith.constant 0 : i32
      %sign3A_3362 = arith.cmpi slt, %jit3A_3349, %sign3A_3361 : i32
      %sign3A_3363 = arith.extui %sign3A_3362 : i1 to i32
      %sign3A_3364 = arith.subi %sign3A_3360, %sign3A_3363 : i32
      %ne3A_3365 = arith.cmpi ne, %sign3A_3357, %sign3A_3364 : i32
      %rem3A_3366 = arith.remsi %add3A_3348, %jit3A_3349 : i32
      %ne3A_3367 = arith.constant 0 : i32
      %ne3A_3368 = arith.cmpi ne, %rem3A_3366, %ne3A_3367 : i32
      %and3A_3369 = arith.andi %ne3A_3365, %ne3A_3368 : i1
      %sub3A_3370 = arith.constant 1 : i32
      %sub3A_3371 = arith.subi %div3A_3350, %sub3A_3370 : i32
      %select_n3A_3372 = arith.select %and3A_3369, %sub3A_3371, %div3A_3350 : i32
      %jit3A_3373 = arith.constant 2 : i32
      %eq3A_3374 = arith.constant 0 : i32
      %eq3A_3375 = arith.cmpi eq, %jit3A_3373, %eq3A_3374 : i32
      %jit3A_3376 = arith.constant 1 : i32
      %select_n3A_3377 = arith.select %eq3A_3375, %jit3A_3376, %jit3A_3373 : i32
      %rem3A_3378 = arith.remsi %add3A_3348, %select_n3A_3377 : i32
      %ne3A_3379 = arith.constant 0 : i32
      %ne3A_3380 = arith.cmpi ne, %rem3A_3378, %ne3A_3379 : i32
      %lt3A_3381 = arith.constant 0 : i32
      %lt3A_3382 = arith.cmpi slt, %rem3A_3378, %lt3A_3381 : i32
      %lt3A_3383 = arith.constant 0 : i32
      %lt3A_3384 = arith.cmpi slt, %select_n3A_3377, %lt3A_3383 : i32
      %ne3A_3385 = arith.xori %lt3A_3382, %lt3A_3384 : i1
      %and3A_3386 = arith.andi %ne3A_3385, %ne3A_3380 : i1
      %add3A_3387 = arith.addi %rem3A_3378, %select_n3A_3377 : i32
      %select_n3A_3388 = arith.select %and3A_3386, %add3A_3387, %rem3A_3378 : i32
      %mul3A_3389 = arith.constant 64 : i32
      %mul3A_3390 = arith.muli %select_n3A_3388, %mul3A_3389 : i32
      %add3A_3391 = arith.addi %mul3A_2, %mul3A_3390 : i32
      %dma_start3A_3392 = arith.constant 0 : i32
      %dma_start3A_3393 = tpu.memref_slice %arg2[%dma_start3A_3392, %select_n3A_3372, %mul3A_2] : memref<3x50x4096xi32, #tpu.memory_space<hbm>> -> memref<3x1x128xi32, #tpu.memory_space<hbm>>
      %dma_start3A_3394 = tpu.memref_squeeze %dma_start3A_3393 : memref<3x1x128xi32, #tpu.memory_space<hbm>> -> memref<3x128xi32, #tpu.memory_space<hbm>>
      %dma_start3A_3395 = arith.constant 0 : i32
      %dma_start3A_3396 = tpu.memref_slice %arg2[%dma_start3A_3395, %select_n3A_3372, %mul3A_2] : memref<3x50x4096xi32, #tpu.memory_space<hbm>> -> memref<3x1x128xi32, #tpu.memory_space<hbm>>
      %dma_start3A_3397 = tpu.memref_squeeze %dma_start3A_3396 : memref<3x1x128xi32, #tpu.memory_space<hbm>> -> memref<3x128xi32, #tpu.memory_space<hbm>>
      tpu.enqueue_dma source(%dma_start3A_3397 : memref<3x128xi32, #tpu.memory_space<hbm>>) target(%arg14 : memref<3x128xi32, #tpu.memory_space<vmem>>) target_semaphore(%arg54 : memref<!tpu.dma_semaphore, #tpu.memory_space<semaphore_mem>>)
      %add3A_3398 = arith.constant 0 : i32
      %add3A_3399 = arith.addi %mul3A_2309, %add3A_3398 : i32
      %add3A_3400 = arith.constant 4 : i32
      %add3A_3401 = arith.addi %add3A_3399, %add3A_3400 : i32
      %jit3A_3402 = arith.constant 2 : i32
      %div3A_3403 = arith.divsi %add3A_3401, %jit3A_3402 : i32
      %sign3A_3404 = arith.constant 0 : i32
      %sign3A_3405 = arith.cmpi sgt, %add3A_3401, %sign3A_3404 : i32
      %sign3A_3406 = arith.extui %sign3A_3405 : i1 to i32
      %sign3A_3407 = arith.constant 0 : i32
      %sign3A_3408 = arith.cmpi slt, %add3A_3401, %sign3A_3407 : i32
      %sign3A_3409 = arith.extui %sign3A_3408 : i1 to i32
      %sign3A_3410 = arith.subi %sign3A_3406, %sign3A_3409 : i32
      %sign3A_3411 = arith.constant 0 : i32
      %sign3A_3412 = arith.cmpi sgt, %jit3A_3402, %sign3A_3411 : i32
      %sign3A_3413 = arith.extui %sign3A_3412 : i1 to i32
      %sign3A_3414 = arith.constant 0 : i32
      %sign3A_3415 = arith.cmpi slt, %jit3A_3402, %sign3A_3414 : i32
      %sign3A_3416 = arith.extui %sign3A_3415 : i1 to i32
      %sign3A_3417 = arith.subi %sign3A_3413, %sign3A_3416 : i32
      %ne3A_3418 = arith.cmpi ne, %sign3A_3410, %sign3A_3417 : i32
      %rem3A_3419 = arith.remsi %add3A_3401, %jit3A_3402 : i32
      %ne3A_3420 = arith.constant 0 : i32
      %ne3A_3421 = arith.cmpi ne, %rem3A_3419, %ne3A_3420 : i32
      %and3A_3422 = arith.andi %ne3A_3418, %ne3A_3421 : i1
      %sub3A_3423 = arith.constant 1 : i32
      %sub3A_3424 = arith.subi %div3A_3403, %sub3A_3423 : i32
      %select_n3A_3425 = arith.select %and3A_3422, %sub3A_3424, %div3A_3403 : i32
      %jit3A_3426 = arith.constant 2 : i32
      %eq3A_3427 = arith.constant 0 : i32
      %eq3A_3428 = arith.cmpi eq, %jit3A_3426, %eq3A_3427 : i32
      %jit3A_3429 = arith.constant 1 : i32
      %select_n3A_3430 = arith.select %eq3A_3428, %jit3A_3429, %jit3A_3426 : i32
      %rem3A_3431 = arith.remsi %add3A_3401, %select_n3A_3430 : i32
      %ne3A_3432 = arith.constant 0 : i32
      %ne3A_3433 = arith.cmpi ne, %rem3A_3431, %ne3A_3432 : i32
      %lt3A_3434 = arith.constant 0 : i32
      %lt3A_3435 = arith.cmpi slt, %rem3A_3431, %lt3A_3434 : i32
      %lt3A_3436 = arith.constant 0 : i32
      %lt3A_3437 = arith.cmpi slt, %select_n3A_3430, %lt3A_3436 : i32
      %ne3A_3438 = arith.xori %lt3A_3435, %lt3A_3437 : i1
      %and3A_3439 = arith.andi %ne3A_3438, %ne3A_3433 : i1
      %add3A_3440 = arith.addi %rem3A_3431, %select_n3A_3430 : i32
      %select_n3A_3441 = arith.select %and3A_3439, %add3A_3440, %rem3A_3431 : i32
      %mul3A_3442 = arith.constant 64 : i32
      %mul3A_3443 = arith.muli %select_n3A_3441, %mul3A_3442 : i32
      %add3A_3444 = arith.addi %mul3A_2, %mul3A_3443 : i32
      %dma_wait3A_3445 = arith.constant 0 : i32
      %dma_wait3A_3446 = tpu.memref_slice %arg2[%dma_wait3A_3445, %select_n3A_3425, %mul3A_2] : memref<3x50x4096xi32, #tpu.memory_space<hbm>> -> memref<3x1x128xi32, #tpu.memory_space<hbm>>
      %dma_wait3A_3447 = tpu.memref_squeeze %dma_wait3A_3446 : memref<3x1x128xi32, #tpu.memory_space<hbm>> -> memref<3x128xi32, #tpu.memory_space<hbm>>
      %dma_wait3A_3448 = arith.constant 0 : i32
      %dma_wait3A_3449 = tpu.memref_slice %arg2[%dma_wait3A_3448, %select_n3A_3425, %mul3A_2] : memref<3x50x4096xi32, #tpu.memory_space<hbm>> -> memref<3x1x128xi32, #tpu.memory_space<hbm>>
      %dma_wait3A_3450 = tpu.memref_squeeze %dma_wait3A_3449 : memref<3x1x128xi32, #tpu.memory_space<hbm>> -> memref<3x128xi32, #tpu.memory_space<hbm>>
      tpu.wait_dma2 semaphore(%arg51 : memref<!tpu.dma_semaphore, #tpu.memory_space<semaphore_mem>>) src(%dma_wait3A_3450 : memref<3x128xi32, #tpu.memory_space<hbm>>) dst(%arg11 : memref<3x128xi32, #tpu.memory_space<vmem>>)
      %jit3A_3451 = arith.constant 2 : i32
      %div3A_3452 = arith.divsi %add3A_3399, %jit3A_3451 : i32
      %sign3A_3453 = arith.constant 0 : i32
      %sign3A_3454 = arith.cmpi sgt, %add3A_3399, %sign3A_3453 : i32
      %sign3A_3455 = arith.extui %sign3A_3454 : i1 to i32
      %sign3A_3456 = arith.constant 0 : i32
      %sign3A_3457 = arith.cmpi slt, %add3A_3399, %sign3A_3456 : i32
      %sign3A_3458 = arith.extui %sign3A_3457 : i1 to i32
      %sign3A_3459 = arith.subi %sign3A_3455, %sign3A_3458 : i32
      %sign3A_3460 = arith.constant 0 : i32
      %sign3A_3461 = arith.cmpi sgt, %jit3A_3451, %sign3A_3460 : i32
      %sign3A_3462 = arith.extui %sign3A_3461 : i1 to i32
      %sign3A_3463 = arith.constant 0 : i32
      %sign3A_3464 = arith.cmpi slt, %jit3A_3451, %sign3A_3463 : i32
      %sign3A_3465 = arith.extui %sign3A_3464 : i1 to i32
      %sign3A_3466 = arith.subi %sign3A_3462, %sign3A_3465 : i32
      %ne3A_3467 = arith.cmpi ne, %sign3A_3459, %sign3A_3466 : i32
      %rem3A_3468 = arith.remsi %add3A_3399, %jit3A_3451 : i32
      %ne3A_3469 = arith.constant 0 : i32
      %ne3A_3470 = arith.cmpi ne, %rem3A_3468, %ne3A_3469 : i32
      %and3A_3471 = arith.andi %ne3A_3467, %ne3A_3470 : i1
      %sub3A_3472 = arith.constant 1 : i32
      %sub3A_3473 = arith.subi %div3A_3452, %sub3A_3472 : i32
      %select_n3A_3474 = arith.select %and3A_3471, %sub3A_3473, %div3A_3452 : i32
      %jit3A_3475 = arith.constant 2 : i32
      %eq3A_3476 = arith.constant 0 : i32
      %eq3A_3477 = arith.cmpi eq, %jit3A_3475, %eq3A_3476 : i32
      %jit3A_3478 = arith.constant 1 : i32
      %select_n3A_3479 = arith.select %eq3A_3477, %jit3A_3478, %jit3A_3475 : i32
      %rem3A_3480 = arith.remsi %add3A_3399, %select_n3A_3479 : i32
      %ne3A_3481 = arith.constant 0 : i32
      %ne3A_3482 = arith.cmpi ne, %rem3A_3480, %ne3A_3481 : i32
      %lt3A_3483 = arith.constant 0 : i32
      %lt3A_3484 = arith.cmpi slt, %rem3A_3480, %lt3A_3483 : i32
      %lt3A_3485 = arith.constant 0 : i32
      %lt3A_3486 = arith.cmpi slt, %select_n3A_3479, %lt3A_3485 : i32
      %ne3A_3487 = arith.xori %lt3A_3484, %lt3A_3486 : i1
      %and3A_3488 = arith.andi %ne3A_3487, %ne3A_3482 : i1
      %add3A_3489 = arith.addi %rem3A_3480, %select_n3A_3479 : i32
      %select_n3A_3490 = arith.select %and3A_3488, %add3A_3489, %rem3A_3480 : i32
      %mul3A_3491 = arith.constant 64 : i32
      %mul3A_3492 = arith.muli %select_n3A_3490, %mul3A_3491 : i32
      %add3A_3493 = arith.addi %mul3A_2, %mul3A_3492 : i32
      %dma_wait3A_3494 = arith.constant 0 : i32
      %dma_wait3A_3495 = tpu.memref_slice %arg6[%select_n3A_3474, %add3A_3493, %dma_wait3A_3494] : memref<50x4096x384xf32, #tpu.memory_space<hbm>> -> memref<1x64x128xf32, #tpu.memory_space<hbm>>
      %dma_wait3A_3496 = tpu.memref_squeeze %dma_wait3A_3495 : memref<1x64x128xf32, #tpu.memory_space<hbm>> -> memref<64x128xf32, #tpu.memory_space<hbm>>
      %dma_wait3A_3497 = arith.constant 0 : i32
      %dma_wait3A_3498 = tpu.memref_slice %arg6[%select_n3A_3474, %add3A_3493, %dma_wait3A_3497] : memref<50x4096x384xf32, #tpu.memory_space<hbm>> -> memref<1x64x128xf32, #tpu.memory_space<hbm>>
      %dma_wait3A_3499 = tpu.memref_squeeze %dma_wait3A_3498 : memref<1x64x128xf32, #tpu.memory_space<hbm>> -> memref<64x128xf32, #tpu.memory_space<hbm>>
      tpu.wait_dma2 semaphore(%arg39 : memref<!tpu.dma_semaphore, #tpu.memory_space<semaphore_mem>>) src(%arg15 : memref<64x128xf32, #tpu.memory_space<vmem>>) dst(%dma_wait3A_3499 : memref<64x128xf32, #tpu.memory_space<hbm>>)
      %add3A_3500 = arith.constant 4 : i32
      %add3A_3501 = arith.addi %add3A_3399, %add3A_3500 : i32
      %jit3A_3502 = arith.constant 2 : i32
      %eq3A_3503 = arith.constant 0 : i32
      %eq3A_3504 = arith.cmpi eq, %jit3A_3502, %eq3A_3503 : i32
      %jit3A_3505 = arith.constant 1 : i32
      %select_n3A_3506 = arith.select %eq3A_3504, %jit3A_3505, %jit3A_3502 : i32
      %rem3A_3507 = arith.remsi %add3A_3501, %select_n3A_3506 : i32
      %ne3A_3508 = arith.constant 0 : i32
      %ne3A_3509 = arith.cmpi ne, %rem3A_3507, %ne3A_3508 : i32
      %lt3A_3510 = arith.constant 0 : i32
      %lt3A_3511 = arith.cmpi slt, %rem3A_3507, %lt3A_3510 : i32
      %lt3A_3512 = arith.constant 0 : i32
      %lt3A_3513 = arith.cmpi slt, %select_n3A_3506, %lt3A_3512 : i32
      %ne3A_3514 = arith.xori %lt3A_3511, %lt3A_3513 : i1
      %and3A_3515 = arith.andi %ne3A_3514, %ne3A_3509 : i1
      %add3A_3516 = arith.addi %rem3A_3507, %select_n3A_3506 : i32
      %select_n3A_3517 = arith.select %and3A_3515, %add3A_3516, %rem3A_3507 : i32
      %mul3A_3518 = arith.constant 64 : i32
      %mul3A_3519 = arith.muli %select_n3A_3517, %mul3A_3518 : i32
      %dma_start3A_3520 = arith.constant 0 : i32
      %dma_start3A_3521 = tpu.memref_slice %arg11[%dma_start3A_3520, %mul3A_3519] : memref<3x128xi32, #tpu.memory_space<vmem>> -> memref<1x64xi32, #tpu.memory_space<vmem>>
      %dma_start3A_3522 = tpu.memref_squeeze %dma_start3A_3521 : memref<1x64xi32, #tpu.memory_space<vmem>> -> memref<64xi32, #tpu.memory_space<vmem>>
      %dma_start3A_3523 = arith.constant 0 : i32
      %dma_start3A_3524 = arith.constant 0 : i32
      %dma_start3A_3525 = tpu.memref_slice %arg7[%dma_start3A_3523, %dma_start3A_3524] : memref<1000x128xf32, #tpu.memory_space<vmem_shared>> -> memref<1000x128xf32, #tpu.memory_space<vmem_shared>>
      tpu.enqueue_indirect_dma source(%dma_start3A_3525 : memref<1000x128xf32, #tpu.memory_space<vmem_shared>>) target(%arg15 : memref<64x128xf32, #tpu.memory_space<vmem>>) offsets(%dma_start3A_3522 : memref<64xi32, #tpu.memory_space<vmem>>) semaphore(%arg27 : memref<!tpu.dma_semaphore, #tpu.memory_space<semaphore_mem>>)
      %jit3A_3526 = arith.constant 2 : i32
      %div3A_3527 = arith.divsi %add3A_3399, %jit3A_3526 : i32
      %sign3A_3528 = arith.constant 0 : i32
      %sign3A_3529 = arith.cmpi sgt, %add3A_3399, %sign3A_3528 : i32
      %sign3A_3530 = arith.extui %sign3A_3529 : i1 to i32
      %sign3A_3531 = arith.constant 0 : i32
      %sign3A_3532 = arith.cmpi slt, %add3A_3399, %sign3A_3531 : i32
      %sign3A_3533 = arith.extui %sign3A_3532 : i1 to i32
      %sign3A_3534 = arith.subi %sign3A_3530, %sign3A_3533 : i32
      %sign3A_3535 = arith.constant 0 : i32
      %sign3A_3536 = arith.cmpi sgt, %jit3A_3526, %sign3A_3535 : i32
      %sign3A_3537 = arith.extui %sign3A_3536 : i1 to i32
      %sign3A_3538 = arith.constant 0 : i32
      %sign3A_3539 = arith.cmpi slt, %jit3A_3526, %sign3A_3538 : i32
      %sign3A_3540 = arith.extui %sign3A_3539 : i1 to i32
      %sign3A_3541 = arith.subi %sign3A_3537, %sign3A_3540 : i32
      %ne3A_3542 = arith.cmpi ne, %sign3A_3534, %sign3A_3541 : i32
      %rem3A_3543 = arith.remsi %add3A_3399, %jit3A_3526 : i32
      %ne3A_3544 = arith.constant 0 : i32
      %ne3A_3545 = arith.cmpi ne, %rem3A_3543, %ne3A_3544 : i32
      %and3A_3546 = arith.andi %ne3A_3542, %ne3A_3545 : i1
      %sub3A_3547 = arith.constant 1 : i32
      %sub3A_3548 = arith.subi %div3A_3527, %sub3A_3547 : i32
      %select_n3A_3549 = arith.select %and3A_3546, %sub3A_3548, %div3A_3527 : i32
      %jit3A_3550 = arith.constant 2 : i32
      %eq3A_3551 = arith.constant 0 : i32
      %eq3A_3552 = arith.cmpi eq, %jit3A_3550, %eq3A_3551 : i32
      %jit3A_3553 = arith.constant 1 : i32
      %select_n3A_3554 = arith.select %eq3A_3552, %jit3A_3553, %jit3A_3550 : i32
      %rem3A_3555 = arith.remsi %add3A_3399, %select_n3A_3554 : i32
      %ne3A_3556 = arith.constant 0 : i32
      %ne3A_3557 = arith.cmpi ne, %rem3A_3555, %ne3A_3556 : i32
      %lt3A_3558 = arith.constant 0 : i32
      %lt3A_3559 = arith.cmpi slt, %rem3A_3555, %lt3A_3558 : i32
      %lt3A_3560 = arith.constant 0 : i32
      %lt3A_3561 = arith.cmpi slt, %select_n3A_3554, %lt3A_3560 : i32
      %ne3A_3562 = arith.xori %lt3A_3559, %lt3A_3561 : i1
      %and3A_3563 = arith.andi %ne3A_3562, %ne3A_3557 : i1
      %add3A_3564 = arith.addi %rem3A_3555, %select_n3A_3554 : i32
      %select_n3A_3565 = arith.select %and3A_3563, %add3A_3564, %rem3A_3555 : i32
      %mul3A_3566 = arith.constant 64 : i32
      %mul3A_3567 = arith.muli %select_n3A_3565, %mul3A_3566 : i32
      %add3A_3568 = arith.addi %mul3A_2, %mul3A_3567 : i32
      %dma_wait3A_3569 = arith.constant 128 : i32
      %dma_wait3A_3570 = tpu.memref_slice %arg6[%select_n3A_3549, %add3A_3568, %dma_wait3A_3569] : memref<50x4096x384xf32, #tpu.memory_space<hbm>> -> memref<1x64x128xf32, #tpu.memory_space<hbm>>
      %dma_wait3A_3571 = tpu.memref_squeeze %dma_wait3A_3570 : memref<1x64x128xf32, #tpu.memory_space<hbm>> -> memref<64x128xf32, #tpu.memory_space<hbm>>
      %dma_wait3A_3572 = arith.constant 128 : i32
      %dma_wait3A_3573 = tpu.memref_slice %arg6[%select_n3A_3549, %add3A_3568, %dma_wait3A_3572] : memref<50x4096x384xf32, #tpu.memory_space<hbm>> -> memref<1x64x128xf32, #tpu.memory_space<hbm>>
      %dma_wait3A_3574 = tpu.memref_squeeze %dma_wait3A_3573 : memref<1x64x128xf32, #tpu.memory_space<hbm>> -> memref<64x128xf32, #tpu.memory_space<hbm>>
      tpu.wait_dma2 semaphore(%arg43 : memref<!tpu.dma_semaphore, #tpu.memory_space<semaphore_mem>>) src(%arg19 : memref<64x128xf32, #tpu.memory_space<vmem>>) dst(%dma_wait3A_3574 : memref<64x128xf32, #tpu.memory_space<hbm>>)
      %add3A_3575 = arith.constant 4 : i32
      %add3A_3576 = arith.addi %add3A_3399, %add3A_3575 : i32
      %jit3A_3577 = arith.constant 2 : i32
      %eq3A_3578 = arith.constant 0 : i32
      %eq3A_3579 = arith.cmpi eq, %jit3A_3577, %eq3A_3578 : i32
      %jit3A_3580 = arith.constant 1 : i32
      %select_n3A_3581 = arith.select %eq3A_3579, %jit3A_3580, %jit3A_3577 : i32
      %rem3A_3582 = arith.remsi %add3A_3576, %select_n3A_3581 : i32
      %ne3A_3583 = arith.constant 0 : i32
      %ne3A_3584 = arith.cmpi ne, %rem3A_3582, %ne3A_3583 : i32
      %lt3A_3585 = arith.constant 0 : i32
      %lt3A_3586 = arith.cmpi slt, %rem3A_3582, %lt3A_3585 : i32
      %lt3A_3587 = arith.constant 0 : i32
      %lt3A_3588 = arith.cmpi slt, %select_n3A_3581, %lt3A_3587 : i32
      %ne3A_3589 = arith.xori %lt3A_3586, %lt3A_3588 : i1
      %and3A_3590 = arith.andi %ne3A_3589, %ne3A_3584 : i1
      %add3A_3591 = arith.addi %rem3A_3582, %select_n3A_3581 : i32
      %select_n3A_3592 = arith.select %and3A_3590, %add3A_3591, %rem3A_3582 : i32
      %mul3A_3593 = arith.constant 64 : i32
      %mul3A_3594 = arith.muli %select_n3A_3592, %mul3A_3593 : i32
      %dma_start3A_3595 = arith.constant 1 : i32
      %dma_start3A_3596 = tpu.memref_slice %arg11[%dma_start3A_3595, %mul3A_3594] : memref<3x128xi32, #tpu.memory_space<vmem>> -> memref<1x64xi32, #tpu.memory_space<vmem>>
      %dma_start3A_3597 = tpu.memref_squeeze %dma_start3A_3596 : memref<1x64xi32, #tpu.memory_space<vmem>> -> memref<64xi32, #tpu.memory_space<vmem>>
      %dma_start3A_3598 = arith.constant 0 : i32
      %dma_start3A_3599 = arith.constant 0 : i32
      %dma_start3A_3600 = tpu.memref_slice %arg8[%dma_start3A_3598, %dma_start3A_3599] : memref<1000x128xf32, #tpu.memory_space<vmem_shared>> -> memref<1000x128xf32, #tpu.memory_space<vmem_shared>>
      tpu.enqueue_indirect_dma source(%dma_start3A_3600 : memref<1000x128xf32, #tpu.memory_space<vmem_shared>>) target(%arg19 : memref<64x128xf32, #tpu.memory_space<vmem>>) offsets(%dma_start3A_3597 : memref<64xi32, #tpu.memory_space<vmem>>) semaphore(%arg31 : memref<!tpu.dma_semaphore, #tpu.memory_space<semaphore_mem>>)
      %jit3A_3601 = arith.constant 2 : i32
      %div3A_3602 = arith.divsi %add3A_3399, %jit3A_3601 : i32
      %sign3A_3603 = arith.constant 0 : i32
      %sign3A_3604 = arith.cmpi sgt, %add3A_3399, %sign3A_3603 : i32
      %sign3A_3605 = arith.extui %sign3A_3604 : i1 to i32
      %sign3A_3606 = arith.constant 0 : i32
      %sign3A_3607 = arith.cmpi slt, %add3A_3399, %sign3A_3606 : i32
      %sign3A_3608 = arith.extui %sign3A_3607 : i1 to i32
      %sign3A_3609 = arith.subi %sign3A_3605, %sign3A_3608 : i32
      %sign3A_3610 = arith.constant 0 : i32
      %sign3A_3611 = arith.cmpi sgt, %jit3A_3601, %sign3A_3610 : i32
      %sign3A_3612 = arith.extui %sign3A_3611 : i1 to i32
      %sign3A_3613 = arith.constant 0 : i32
      %sign3A_3614 = arith.cmpi slt, %jit3A_3601, %sign3A_3613 : i32
      %sign3A_3615 = arith.extui %sign3A_3614 : i1 to i32
      %sign3A_3616 = arith.subi %sign3A_3612, %sign3A_3615 : i32
      %ne3A_3617 = arith.cmpi ne, %sign3A_3609, %sign3A_3616 : i32
      %rem3A_3618 = arith.remsi %add3A_3399, %jit3A_3601 : i32
      %ne3A_3619 = arith.constant 0 : i32
      %ne3A_3620 = arith.cmpi ne, %rem3A_3618, %ne3A_3619 : i32
      %and3A_3621 = arith.andi %ne3A_3617, %ne3A_3620 : i1
      %sub3A_3622 = arith.constant 1 : i32
      %sub3A_3623 = arith.subi %div3A_3602, %sub3A_3622 : i32
      %select_n3A_3624 = arith.select %and3A_3621, %sub3A_3623, %div3A_3602 : i32
      %jit3A_3625 = arith.constant 2 : i32
      %eq3A_3626 = arith.constant 0 : i32
      %eq3A_3627 = arith.cmpi eq, %jit3A_3625, %eq3A_3626 : i32
      %jit3A_3628 = arith.constant 1 : i32
      %select_n3A_3629 = arith.select %eq3A_3627, %jit3A_3628, %jit3A_3625 : i32
      %rem3A_3630 = arith.remsi %add3A_3399, %select_n3A_3629 : i32
      %ne3A_3631 = arith.constant 0 : i32
      %ne3A_3632 = arith.cmpi ne, %rem3A_3630, %ne3A_3631 : i32
      %lt3A_3633 = arith.constant 0 : i32
      %lt3A_3634 = arith.cmpi slt, %rem3A_3630, %lt3A_3633 : i32
      %lt3A_3635 = arith.constant 0 : i32
      %lt3A_3636 = arith.cmpi slt, %select_n3A_3629, %lt3A_3635 : i32
      %ne3A_3637 = arith.xori %lt3A_3634, %lt3A_3636 : i1
      %and3A_3638 = arith.andi %ne3A_3637, %ne3A_3632 : i1
      %add3A_3639 = arith.addi %rem3A_3630, %select_n3A_3629 : i32
      %select_n3A_3640 = arith.select %and3A_3638, %add3A_3639, %rem3A_3630 : i32
      %mul3A_3641 = arith.constant 64 : i32
      %mul3A_3642 = arith.muli %select_n3A_3640, %mul3A_3641 : i32
      %add3A_3643 = arith.addi %mul3A_2, %mul3A_3642 : i32
      %dma_wait3A_3644 = arith.constant 256 : i32
      %dma_wait3A_3645 = tpu.memref_slice %arg6[%select_n3A_3624, %add3A_3643, %dma_wait3A_3644] : memref<50x4096x384xf32, #tpu.memory_space<hbm>> -> memref<1x64x128xf32, #tpu.memory_space<hbm>>
      %dma_wait3A_3646 = tpu.memref_squeeze %dma_wait3A_3645 : memref<1x64x128xf32, #tpu.memory_space<hbm>> -> memref<64x128xf32, #tpu.memory_space<hbm>>
      %dma_wait3A_3647 = arith.constant 256 : i32
      %dma_wait3A_3648 = tpu.memref_slice %arg6[%select_n3A_3624, %add3A_3643, %dma_wait3A_3647] : memref<50x4096x384xf32, #tpu.memory_space<hbm>> -> memref<1x64x128xf32, #tpu.memory_space<hbm>>
      %dma_wait3A_3649 = tpu.memref_squeeze %dma_wait3A_3648 : memref<1x64x128xf32, #tpu.memory_space<hbm>> -> memref<64x128xf32, #tpu.memory_space<hbm>>
      tpu.wait_dma2 semaphore(%arg47 : memref<!tpu.dma_semaphore, #tpu.memory_space<semaphore_mem>>) src(%arg23 : memref<64x128xf32, #tpu.memory_space<vmem>>) dst(%dma_wait3A_3649 : memref<64x128xf32, #tpu.memory_space<hbm>>)
      %add3A_3650 = arith.constant 4 : i32
      %add3A_3651 = arith.addi %add3A_3399, %add3A_3650 : i32
      %jit3A_3652 = arith.constant 2 : i32
      %eq3A_3653 = arith.constant 0 : i32
      %eq3A_3654 = arith.cmpi eq, %jit3A_3652, %eq3A_3653 : i32
      %jit3A_3655 = arith.constant 1 : i32
      %select_n3A_3656 = arith.select %eq3A_3654, %jit3A_3655, %jit3A_3652 : i32
      %rem3A_3657 = arith.remsi %add3A_3651, %select_n3A_3656 : i32
      %ne3A_3658 = arith.constant 0 : i32
      %ne3A_3659 = arith.cmpi ne, %rem3A_3657, %ne3A_3658 : i32
      %lt3A_3660 = arith.constant 0 : i32
      %lt3A_3661 = arith.cmpi slt, %rem3A_3657, %lt3A_3660 : i32
      %lt3A_3662 = arith.constant 0 : i32
      %lt3A_3663 = arith.cmpi slt, %select_n3A_3656, %lt3A_3662 : i32
      %ne3A_3664 = arith.xori %lt3A_3661, %lt3A_3663 : i1
      %and3A_3665 = arith.andi %ne3A_3664, %ne3A_3659 : i1
      %add3A_3666 = arith.addi %rem3A_3657, %select_n3A_3656 : i32
      %select_n3A_3667 = arith.select %and3A_3665, %add3A_3666, %rem3A_3657 : i32
      %mul3A_3668 = arith.constant 64 : i32
      %mul3A_3669 = arith.muli %select_n3A_3667, %mul3A_3668 : i32
      %dma_start3A_3670 = arith.constant 2 : i32
      %dma_start3A_3671 = tpu.memref_slice %arg11[%dma_start3A_3670, %mul3A_3669] : memref<3x128xi32, #tpu.memory_space<vmem>> -> memref<1x64xi32, #tpu.memory_space<vmem>>
      %dma_start3A_3672 = tpu.memref_squeeze %dma_start3A_3671 : memref<1x64xi32, #tpu.memory_space<vmem>> -> memref<64xi32, #tpu.memory_space<vmem>>
      %dma_start3A_3673 = arith.constant 0 : i32
      %dma_start3A_3674 = arith.constant 0 : i32
      %dma_start3A_3675 = tpu.memref_slice %arg9[%dma_start3A_3673, %dma_start3A_3674] : memref<1000x128xf32, #tpu.memory_space<vmem_shared>> -> memref<1000x128xf32, #tpu.memory_space<vmem_shared>>
      tpu.enqueue_indirect_dma source(%dma_start3A_3675 : memref<1000x128xf32, #tpu.memory_space<vmem_shared>>) target(%arg23 : memref<64x128xf32, #tpu.memory_space<vmem>>) offsets(%dma_start3A_3672 : memref<64xi32, #tpu.memory_space<vmem>>) semaphore(%arg35 : memref<!tpu.dma_semaphore, #tpu.memory_space<semaphore_mem>>)
      %add3A_3676 = arith.constant 1 : i32
      %add3A_3677 = arith.addi %mul3A_2309, %add3A_3676 : i32
      %add3A_3678 = arith.constant 4 : i32
      %add3A_3679 = arith.addi %add3A_3677, %add3A_3678 : i32
      %jit3A_3680 = arith.constant 2 : i32
      %div3A_3681 = arith.divsi %add3A_3679, %jit3A_3680 : i32
      %sign3A_3682 = arith.constant 0 : i32
      %sign3A_3683 = arith.cmpi sgt, %add3A_3679, %sign3A_3682 : i32
      %sign3A_3684 = arith.extui %sign3A_3683 : i1 to i32
      %sign3A_3685 = arith.constant 0 : i32
      %sign3A_3686 = arith.cmpi slt, %add3A_3679, %sign3A_3685 : i32
      %sign3A_3687 = arith.extui %sign3A_3686 : i1 to i32
      %sign3A_3688 = arith.subi %sign3A_3684, %sign3A_3687 : i32
      %sign3A_3689 = arith.constant 0 : i32
      %sign3A_3690 = arith.cmpi sgt, %jit3A_3680, %sign3A_3689 : i32
      %sign3A_3691 = arith.extui %sign3A_3690 : i1 to i32
      %sign3A_3692 = arith.constant 0 : i32
      %sign3A_3693 = arith.cmpi slt, %jit3A_3680, %sign3A_3692 : i32
      %sign3A_3694 = arith.extui %sign3A_3693 : i1 to i32
      %sign3A_3695 = arith.subi %sign3A_3691, %sign3A_3694 : i32
      %ne3A_3696 = arith.cmpi ne, %sign3A_3688, %sign3A_3695 : i32
      %rem3A_3697 = arith.remsi %add3A_3679, %jit3A_3680 : i32
      %ne3A_3698 = arith.constant 0 : i32
      %ne3A_3699 = arith.cmpi ne, %rem3A_3697, %ne3A_3698 : i32
      %and3A_3700 = arith.andi %ne3A_3696, %ne3A_3699 : i1
      %sub3A_3701 = arith.constant 1 : i32
      %sub3A_3702 = arith.subi %div3A_3681, %sub3A_3701 : i32
      %select_n3A_3703 = arith.select %and3A_3700, %sub3A_3702, %div3A_3681 : i32
      %jit3A_3704 = arith.constant 2 : i32
      %eq3A_3705 = arith.constant 0 : i32
      %eq3A_3706 = arith.cmpi eq, %jit3A_3704, %eq3A_3705 : i32
      %jit3A_3707 = arith.constant 1 : i32
      %select_n3A_3708 = arith.select %eq3A_3706, %jit3A_3707, %jit3A_3704 : i32
      %rem3A_3709 = arith.remsi %add3A_3679, %select_n3A_3708 : i32
      %ne3A_3710 = arith.constant 0 : i32
      %ne3A_3711 = arith.cmpi ne, %rem3A_3709, %ne3A_3710 : i32
      %lt3A_3712 = arith.constant 0 : i32
      %lt3A_3713 = arith.cmpi slt, %rem3A_3709, %lt3A_3712 : i32
      %lt3A_3714 = arith.constant 0 : i32
      %lt3A_3715 = arith.cmpi slt, %select_n3A_3708, %lt3A_3714 : i32
      %ne3A_3716 = arith.xori %lt3A_3713, %lt3A_3715 : i1
      %and3A_3717 = arith.andi %ne3A_3716, %ne3A_3711 : i1
      %add3A_3718 = arith.addi %rem3A_3709, %select_n3A_3708 : i32
      %select_n3A_3719 = arith.select %and3A_3717, %add3A_3718, %rem3A_3709 : i32
      %mul3A_3720 = arith.constant 64 : i32
      %mul3A_3721 = arith.muli %select_n3A_3719, %mul3A_3720 : i32
      %add3A_3722 = arith.addi %mul3A_2, %mul3A_3721 : i32
      %dma_wait3A_3723 = arith.constant 0 : i32
      %dma_wait3A_3724 = tpu.memref_slice %arg2[%dma_wait3A_3723, %select_n3A_3703, %mul3A_2] : memref<3x50x4096xi32, #tpu.memory_space<hbm>> -> memref<3x1x128xi32, #tpu.memory_space<hbm>>
      %dma_wait3A_3725 = tpu.memref_squeeze %dma_wait3A_3724 : memref<3x1x128xi32, #tpu.memory_space<hbm>> -> memref<3x128xi32, #tpu.memory_space<hbm>>
      %dma_wait3A_3726 = arith.constant 0 : i32
      %dma_wait3A_3727 = tpu.memref_slice %arg2[%dma_wait3A_3726, %select_n3A_3703, %mul3A_2] : memref<3x50x4096xi32, #tpu.memory_space<hbm>> -> memref<3x1x128xi32, #tpu.memory_space<hbm>>
      %dma_wait3A_3728 = tpu.memref_squeeze %dma_wait3A_3727 : memref<3x1x128xi32, #tpu.memory_space<hbm>> -> memref<3x128xi32, #tpu.memory_space<hbm>>
      tpu.wait_dma2 semaphore(%arg52 : memref<!tpu.dma_semaphore, #tpu.memory_space<semaphore_mem>>) src(%dma_wait3A_3728 : memref<3x128xi32, #tpu.memory_space<hbm>>) dst(%arg12 : memref<3x128xi32, #tpu.memory_space<vmem>>)
      %jit3A_3729 = arith.constant 2 : i32
      %div3A_3730 = arith.divsi %add3A_3677, %jit3A_3729 : i32
      %sign3A_3731 = arith.constant 0 : i32
      %sign3A_3732 = arith.cmpi sgt, %add3A_3677, %sign3A_3731 : i32
      %sign3A_3733 = arith.extui %sign3A_3732 : i1 to i32
      %sign3A_3734 = arith.constant 0 : i32
      %sign3A_3735 = arith.cmpi slt, %add3A_3677, %sign3A_3734 : i32
      %sign3A_3736 = arith.extui %sign3A_3735 : i1 to i32
      %sign3A_3737 = arith.subi %sign3A_3733, %sign3A_3736 : i32
      %sign3A_3738 = arith.constant 0 : i32
      %sign3A_3739 = arith.cmpi sgt, %jit3A_3729, %sign3A_3738 : i32
      %sign3A_3740 = arith.extui %sign3A_3739 : i1 to i32
      %sign3A_3741 = arith.constant 0 : i32
      %sign3A_3742 = arith.cmpi slt, %jit3A_3729, %sign3A_3741 : i32
      %sign3A_3743 = arith.extui %sign3A_3742 : i1 to i32
      %sign3A_3744 = arith.subi %sign3A_3740, %sign3A_3743 : i32
      %ne3A_3745 = arith.cmpi ne, %sign3A_3737, %sign3A_3744 : i32
      %rem3A_3746 = arith.remsi %add3A_3677, %jit3A_3729 : i32
      %ne3A_3747 = arith.constant 0 : i32
      %ne3A_3748 = arith.cmpi ne, %rem3A_3746, %ne3A_3747 : i32
      %and3A_3749 = arith.andi %ne3A_3745, %ne3A_3748 : i1
      %sub3A_3750 = arith.constant 1 : i32
      %sub3A_3751 = arith.subi %div3A_3730, %sub3A_3750 : i32
      %select_n3A_3752 = arith.select %and3A_3749, %sub3A_3751, %div3A_3730 : i32
      %jit3A_3753 = arith.constant 2 : i32
      %eq3A_3754 = arith.constant 0 : i32
      %eq3A_3755 = arith.cmpi eq, %jit3A_3753, %eq3A_3754 : i32
      %jit3A_3756 = arith.constant 1 : i32
      %select_n3A_3757 = arith.select %eq3A_3755, %jit3A_3756, %jit3A_3753 : i32
      %rem3A_3758 = arith.remsi %add3A_3677, %select_n3A_3757 : i32
      %ne3A_3759 = arith.constant 0 : i32
      %ne3A_3760 = arith.cmpi ne, %rem3A_3758, %ne3A_3759 : i32
      %lt3A_3761 = arith.constant 0 : i32
      %lt3A_3762 = arith.cmpi slt, %rem3A_3758, %lt3A_3761 : i32
      %lt3A_3763 = arith.constant 0 : i32
      %lt3A_3764 = arith.cmpi slt, %select_n3A_3757, %lt3A_3763 : i32
      %ne3A_3765 = arith.xori %lt3A_3762, %lt3A_3764 : i1
      %and3A_3766 = arith.andi %ne3A_3765, %ne3A_3760 : i1
      %add3A_3767 = arith.addi %rem3A_3758, %select_n3A_3757 : i32
      %select_n3A_3768 = arith.select %and3A_3766, %add3A_3767, %rem3A_3758 : i32
      %mul3A_3769 = arith.constant 64 : i32
      %mul3A_3770 = arith.muli %select_n3A_3768, %mul3A_3769 : i32
      %add3A_3771 = arith.addi %mul3A_2, %mul3A_3770 : i32
      %dma_wait3A_3772 = arith.constant 0 : i32
      %dma_wait3A_3773 = tpu.memref_slice %arg6[%select_n3A_3752, %add3A_3771, %dma_wait3A_3772] : memref<50x4096x384xf32, #tpu.memory_space<hbm>> -> memref<1x64x128xf32, #tpu.memory_space<hbm>>
      %dma_wait3A_3774 = tpu.memref_squeeze %dma_wait3A_3773 : memref<1x64x128xf32, #tpu.memory_space<hbm>> -> memref<64x128xf32, #tpu.memory_space<hbm>>
      %dma_wait3A_3775 = arith.constant 0 : i32
      %dma_wait3A_3776 = tpu.memref_slice %arg6[%select_n3A_3752, %add3A_3771, %dma_wait3A_3775] : memref<50x4096x384xf32, #tpu.memory_space<hbm>> -> memref<1x64x128xf32, #tpu.memory_space<hbm>>
      %dma_wait3A_3777 = tpu.memref_squeeze %dma_wait3A_3776 : memref<1x64x128xf32, #tpu.memory_space<hbm>> -> memref<64x128xf32, #tpu.memory_space<hbm>>
      tpu.wait_dma2 semaphore(%arg40 : memref<!tpu.dma_semaphore, #tpu.memory_space<semaphore_mem>>) src(%arg16 : memref<64x128xf32, #tpu.memory_space<vmem>>) dst(%dma_wait3A_3777 : memref<64x128xf32, #tpu.memory_space<hbm>>)
      %add3A_3778 = arith.constant 4 : i32
      %add3A_3779 = arith.addi %add3A_3677, %add3A_3778 : i32
      %jit3A_3780 = arith.constant 2 : i32
      %eq3A_3781 = arith.constant 0 : i32
      %eq3A_3782 = arith.cmpi eq, %jit3A_3780, %eq3A_3781 : i32
      %jit3A_3783 = arith.constant 1 : i32
      %select_n3A_3784 = arith.select %eq3A_3782, %jit3A_3783, %jit3A_3780 : i32
      %rem3A_3785 = arith.remsi %add3A_3779, %select_n3A_3784 : i32
      %ne3A_3786 = arith.constant 0 : i32
      %ne3A_3787 = arith.cmpi ne, %rem3A_3785, %ne3A_3786 : i32
      %lt3A_3788 = arith.constant 0 : i32
      %lt3A_3789 = arith.cmpi slt, %rem3A_3785, %lt3A_3788 : i32
      %lt3A_3790 = arith.constant 0 : i32
      %lt3A_3791 = arith.cmpi slt, %select_n3A_3784, %lt3A_3790 : i32
      %ne3A_3792 = arith.xori %lt3A_3789, %lt3A_3791 : i1
      %and3A_3793 = arith.andi %ne3A_3792, %ne3A_3787 : i1
      %add3A_3794 = arith.addi %rem3A_3785, %select_n3A_3784 : i32
      %select_n3A_3795 = arith.select %and3A_3793, %add3A_3794, %rem3A_3785 : i32
      %mul3A_3796 = arith.constant 64 : i32
      %mul3A_3797 = arith.muli %select_n3A_3795, %mul3A_3796 : i32
      %dma_start3A_3798 = arith.constant 0 : i32
      %dma_start3A_3799 = tpu.memref_slice %arg12[%dma_start3A_3798, %mul3A_3797] : memref<3x128xi32, #tpu.memory_space<vmem>> -> memref<1x64xi32, #tpu.memory_space<vmem>>
      %dma_start3A_3800 = tpu.memref_squeeze %dma_start3A_3799 : memref<1x64xi32, #tpu.memory_space<vmem>> -> memref<64xi32, #tpu.memory_space<vmem>>
      %dma_start3A_3801 = arith.constant 0 : i32
      %dma_start3A_3802 = arith.constant 0 : i32
      %dma_start3A_3803 = tpu.memref_slice %arg7[%dma_start3A_3801, %dma_start3A_3802] : memref<1000x128xf32, #tpu.memory_space<vmem_shared>> -> memref<1000x128xf32, #tpu.memory_space<vmem_shared>>
      tpu.enqueue_indirect_dma source(%dma_start3A_3803 : memref<1000x128xf32, #tpu.memory_space<vmem_shared>>) target(%arg16 : memref<64x128xf32, #tpu.memory_space<vmem>>) offsets(%dma_start3A_3800 : memref<64xi32, #tpu.memory_space<vmem>>) semaphore(%arg28 : memref<!tpu.dma_semaphore, #tpu.memory_space<semaphore_mem>>)
      %jit3A_3804 = arith.constant 2 : i32
      %div3A_3805 = arith.divsi %add3A_3677, %jit3A_3804 : i32
      %sign3A_3806 = arith.constant 0 : i32
      %sign3A_3807 = arith.cmpi sgt, %add3A_3677, %sign3A_3806 : i32
      %sign3A_3808 = arith.extui %sign3A_3807 : i1 to i32
      %sign3A_3809 = arith.constant 0 : i32
      %sign3A_3810 = arith.cmpi slt, %add3A_3677, %sign3A_3809 : i32
      %sign3A_3811 = arith.extui %sign3A_3810 : i1 to i32
      %sign3A_3812 = arith.subi %sign3A_3808, %sign3A_3811 : i32
      %sign3A_3813 = arith.constant 0 : i32
      %sign3A_3814 = arith.cmpi sgt, %jit3A_3804, %sign3A_3813 : i32
      %sign3A_3815 = arith.extui %sign3A_3814 : i1 to i32
      %sign3A_3816 = arith.constant 0 : i32
      %sign3A_3817 = arith.cmpi slt, %jit3A_3804, %sign3A_3816 : i32
      %sign3A_3818 = arith.extui %sign3A_3817 : i1 to i32
      %sign3A_3819 = arith.subi %sign3A_3815, %sign3A_3818 : i32
      %ne3A_3820 = arith.cmpi ne, %sign3A_3812, %sign3A_3819 : i32
      %rem3A_3821 = arith.remsi %add3A_3677, %jit3A_3804 : i32
      %ne3A_3822 = arith.constant 0 : i32
      %ne3A_3823 = arith.cmpi ne, %rem3A_3821, %ne3A_3822 : i32
      %and3A_3824 = arith.andi %ne3A_3820, %ne3A_3823 : i1
      %sub3A_3825 = arith.constant 1 : i32
      %sub3A_3826 = arith.subi %div3A_3805, %sub3A_3825 : i32
      %select_n3A_3827 = arith.select %and3A_3824, %sub3A_3826, %div3A_3805 : i32
      %jit3A_3828 = arith.constant 2 : i32
      %eq3A_3829 = arith.constant 0 : i32
      %eq3A_3830 = arith.cmpi eq, %jit3A_3828, %eq3A_3829 : i32
      %jit3A_3831 = arith.constant 1 : i32
      %select_n3A_3832 = arith.select %eq3A_3830, %jit3A_3831, %jit3A_3828 : i32
      %rem3A_3833 = arith.remsi %add3A_3677, %select_n3A_3832 : i32
      %ne3A_3834 = arith.constant 0 : i32
      %ne3A_3835 = arith.cmpi ne, %rem3A_3833, %ne3A_3834 : i32
      %lt3A_3836 = arith.constant 0 : i32
      %lt3A_3837 = arith.cmpi slt, %rem3A_3833, %lt3A_3836 : i32
      %lt3A_3838 = arith.constant 0 : i32
      %lt3A_3839 = arith.cmpi slt, %select_n3A_3832, %lt3A_3838 : i32
      %ne3A_3840 = arith.xori %lt3A_3837, %lt3A_3839 : i1
      %and3A_3841 = arith.andi %ne3A_3840, %ne3A_3835 : i1
      %add3A_3842 = arith.addi %rem3A_3833, %select_n3A_3832 : i32
      %select_n3A_3843 = arith.select %and3A_3841, %add3A_3842, %rem3A_3833 : i32
      %mul3A_3844 = arith.constant 64 : i32
      %mul3A_3845 = arith.muli %select_n3A_3843, %mul3A_3844 : i32
      %add3A_3846 = arith.addi %mul3A_2, %mul3A_3845 : i32
      %dma_wait3A_3847 = arith.constant 128 : i32
      %dma_wait3A_3848 = tpu.memref_slice %arg6[%select_n3A_3827, %add3A_3846, %dma_wait3A_3847] : memref<50x4096x384xf32, #tpu.memory_space<hbm>> -> memref<1x64x128xf32, #tpu.memory_space<hbm>>
      %dma_wait3A_3849 = tpu.memref_squeeze %dma_wait3A_3848 : memref<1x64x128xf32, #tpu.memory_space<hbm>> -> memref<64x128xf32, #tpu.memory_space<hbm>>
      %dma_wait3A_3850 = arith.constant 128 : i32
      %dma_wait3A_3851 = tpu.memref_slice %arg6[%select_n3A_3827, %add3A_3846, %dma_wait3A_3850] : memref<50x4096x384xf32, #tpu.memory_space<hbm>> -> memref<1x64x128xf32, #tpu.memory_space<hbm>>
      %dma_wait3A_3852 = tpu.memref_squeeze %dma_wait3A_3851 : memref<1x64x128xf32, #tpu.memory_space<hbm>> -> memref<64x128xf32, #tpu.memory_space<hbm>>
      tpu.wait_dma2 semaphore(%arg44 : memref<!tpu.dma_semaphore, #tpu.memory_space<semaphore_mem>>) src(%arg20 : memref<64x128xf32, #tpu.memory_space<vmem>>) dst(%dma_wait3A_3852 : memref<64x128xf32, #tpu.memory_space<hbm>>)
      %add3A_3853 = arith.constant 4 : i32
      %add3A_3854 = arith.addi %add3A_3677, %add3A_3853 : i32
      %jit3A_3855 = arith.constant 2 : i32
      %eq3A_3856 = arith.constant 0 : i32
      %eq3A_3857 = arith.cmpi eq, %jit3A_3855, %eq3A_3856 : i32
      %jit3A_3858 = arith.constant 1 : i32
      %select_n3A_3859 = arith.select %eq3A_3857, %jit3A_3858, %jit3A_3855 : i32
      %rem3A_3860 = arith.remsi %add3A_3854, %select_n3A_3859 : i32
      %ne3A_3861 = arith.constant 0 : i32
      %ne3A_3862 = arith.cmpi ne, %rem3A_3860, %ne3A_3861 : i32
      %lt3A_3863 = arith.constant 0 : i32
      %lt3A_3864 = arith.cmpi slt, %rem3A_3860, %lt3A_3863 : i32
      %lt3A_3865 = arith.constant 0 : i32
      %lt3A_3866 = arith.cmpi slt, %select_n3A_3859, %lt3A_3865 : i32
      %ne3A_3867 = arith.xori %lt3A_3864, %lt3A_3866 : i1
      %and3A_3868 = arith.andi %ne3A_3867, %ne3A_3862 : i1
      %add3A_3869 = arith.addi %rem3A_3860, %select_n3A_3859 : i32
      %select_n3A_3870 = arith.select %and3A_3868, %add3A_3869, %rem3A_3860 : i32
      %mul3A_3871 = arith.constant 64 : i32
      %mul3A_3872 = arith.muli %select_n3A_3870, %mul3A_3871 : i32
      %dma_start3A_3873 = arith.constant 1 : i32
      %dma_start3A_3874 = tpu.memref_slice %arg12[%dma_start3A_3873, %mul3A_3872] : memref<3x128xi32, #tpu.memory_space<vmem>> -> memref<1x64xi32, #tpu.memory_space<vmem>>
      %dma_start3A_3875 = tpu.memref_squeeze %dma_start3A_3874 : memref<1x64xi32, #tpu.memory_space<vmem>> -> memref<64xi32, #tpu.memory_space<vmem>>
      %dma_start3A_3876 = arith.constant 0 : i32
      %dma_start3A_3877 = arith.constant 0 : i32
      %dma_start3A_3878 = tpu.memref_slice %arg8[%dma_start3A_3876, %dma_start3A_3877] : memref<1000x128xf32, #tpu.memory_space<vmem_shared>> -> memref<1000x128xf32, #tpu.memory_space<vmem_shared>>
      tpu.enqueue_indirect_dma source(%dma_start3A_3878 : memref<1000x128xf32, #tpu.memory_space<vmem_shared>>) target(%arg20 : memref<64x128xf32, #tpu.memory_space<vmem>>) offsets(%dma_start3A_3875 : memref<64xi32, #tpu.memory_space<vmem>>) semaphore(%arg32 : memref<!tpu.dma_semaphore, #tpu.memory_space<semaphore_mem>>)
      %jit3A_3879 = arith.constant 2 : i32
      %div3A_3880 = arith.divsi %add3A_3677, %jit3A_3879 : i32
      %sign3A_3881 = arith.constant 0 : i32
      %sign3A_3882 = arith.cmpi sgt, %add3A_3677, %sign3A_3881 : i32
      %sign3A_3883 = arith.extui %sign3A_3882 : i1 to i32
      %sign3A_3884 = arith.constant 0 : i32
      %sign3A_3885 = arith.cmpi slt, %add3A_3677, %sign3A_3884 : i32
      %sign3A_3886 = arith.extui %sign3A_3885 : i1 to i32
      %sign3A_3887 = arith.subi %sign3A_3883, %sign3A_3886 : i32
      %sign3A_3888 = arith.constant 0 : i32
      %sign3A_3889 = arith.cmpi sgt, %jit3A_3879, %sign3A_3888 : i32
      %sign3A_3890 = arith.extui %sign3A_3889 : i1 to i32
      %sign3A_3891 = arith.constant 0 : i32
      %sign3A_3892 = arith.cmpi slt, %jit3A_3879, %sign3A_3891 : i32
      %sign3A_3893 = arith.extui %sign3A_3892 : i1 to i32
      %sign3A_3894 = arith.subi %sign3A_3890, %sign3A_3893 : i32
      %ne3A_3895 = arith.cmpi ne, %sign3A_3887, %sign3A_3894 : i32
      %rem3A_3896 = arith.remsi %add3A_3677, %jit3A_3879 : i32
      %ne3A_3897 = arith.constant 0 : i32
      %ne3A_3898 = arith.cmpi ne, %rem3A_3896, %ne3A_3897 : i32
      %and3A_3899 = arith.andi %ne3A_3895, %ne3A_3898 : i1
      %sub3A_3900 = arith.constant 1 : i32
      %sub3A_3901 = arith.subi %div3A_3880, %sub3A_3900 : i32
      %select_n3A_3902 = arith.select %and3A_3899, %sub3A_3901, %div3A_3880 : i32
      %jit3A_3903 = arith.constant 2 : i32
      %eq3A_3904 = arith.constant 0 : i32
      %eq3A_3905 = arith.cmpi eq, %jit3A_3903, %eq3A_3904 : i32
      %jit3A_3906 = arith.constant 1 : i32
      %select_n3A_3907 = arith.select %eq3A_3905, %jit3A_3906, %jit3A_3903 : i32
      %rem3A_3908 = arith.remsi %add3A_3677, %select_n3A_3907 : i32
      %ne3A_3909 = arith.constant 0 : i32
      %ne3A_3910 = arith.cmpi ne, %rem3A_3908, %ne3A_3909 : i32
      %lt3A_3911 = arith.constant 0 : i32
      %lt3A_3912 = arith.cmpi slt, %rem3A_3908, %lt3A_3911 : i32
      %lt3A_3913 = arith.constant 0 : i32
      %lt3A_3914 = arith.cmpi slt, %select_n3A_3907, %lt3A_3913 : i32
      %ne3A_3915 = arith.xori %lt3A_3912, %lt3A_3914 : i1
      %and3A_3916 = arith.andi %ne3A_3915, %ne3A_3910 : i1
      %add3A_3917 = arith.addi %rem3A_3908, %select_n3A_3907 : i32
      %select_n3A_3918 = arith.select %and3A_3916, %add3A_3917, %rem3A_3908 : i32
      %mul3A_3919 = arith.constant 64 : i32
      %mul3A_3920 = arith.muli %select_n3A_3918, %mul3A_3919 : i32
      %add3A_3921 = arith.addi %mul3A_2, %mul3A_3920 : i32
      %dma_wait3A_3922 = arith.constant 256 : i32
      %dma_wait3A_3923 = tpu.memref_slice %arg6[%select_n3A_3902, %add3A_3921, %dma_wait3A_3922] : memref<50x4096x384xf32, #tpu.memory_space<hbm>> -> memref<1x64x128xf32, #tpu.memory_space<hbm>>
      %dma_wait3A_3924 = tpu.memref_squeeze %dma_wait3A_3923 : memref<1x64x128xf32, #tpu.memory_space<hbm>> -> memref<64x128xf32, #tpu.memory_space<hbm>>
      %dma_wait3A_3925 = arith.constant 256 : i32
      %dma_wait3A_3926 = tpu.memref_slice %arg6[%select_n3A_3902, %add3A_3921, %dma_wait3A_3925] : memref<50x4096x384xf32, #tpu.memory_space<hbm>> -> memref<1x64x128xf32, #tpu.memory_space<hbm>>
      %dma_wait3A_3927 = tpu.memref_squeeze %dma_wait3A_3926 : memref<1x64x128xf32, #tpu.memory_space<hbm>> -> memref<64x128xf32, #tpu.memory_space<hbm>>
      tpu.wait_dma2 semaphore(%arg48 : memref<!tpu.dma_semaphore, #tpu.memory_space<semaphore_mem>>) src(%arg24 : memref<64x128xf32, #tpu.memory_space<vmem>>) dst(%dma_wait3A_3927 : memref<64x128xf32, #tpu.memory_space<hbm>>)
      %add3A_3928 = arith.constant 4 : i32
      %add3A_3929 = arith.addi %add3A_3677, %add3A_3928 : i32
      %jit3A_3930 = arith.constant 2 : i32
      %eq3A_3931 = arith.constant 0 : i32
      %eq3A_3932 = arith.cmpi eq, %jit3A_3930, %eq3A_3931 : i32
      %jit3A_3933 = arith.constant 1 : i32
      %select_n3A_3934 = arith.select %eq3A_3932, %jit3A_3933, %jit3A_3930 : i32
      %rem3A_3935 = arith.remsi %add3A_3929, %select_n3A_3934 : i32
      %ne3A_3936 = arith.constant 0 : i32
      %ne3A_3937 = arith.cmpi ne, %rem3A_3935, %ne3A_3936 : i32
      %lt3A_3938 = arith.constant 0 : i32
      %lt3A_3939 = arith.cmpi slt, %rem3A_3935, %lt3A_3938 : i32
      %lt3A_3940 = arith.constant 0 : i32
      %lt3A_3941 = arith.cmpi slt, %select_n3A_3934, %lt3A_3940 : i32
      %ne3A_3942 = arith.xori %lt3A_3939, %lt3A_3941 : i1
      %and3A_3943 = arith.andi %ne3A_3942, %ne3A_3937 : i1
      %add3A_3944 = arith.addi %rem3A_3935, %select_n3A_3934 : i32
      %select_n3A_3945 = arith.select %and3A_3943, %add3A_3944, %rem3A_3935 : i32
      %mul3A_3946 = arith.constant 64 : i32
      %mul3A_3947 = arith.muli %select_n3A_3945, %mul3A_3946 : i32
      %dma_start3A_3948 = arith.constant 2 : i32
      %dma_start3A_3949 = tpu.memref_slice %arg12[%dma_start3A_3948, %mul3A_3947] : memref<3x128xi32, #tpu.memory_space<vmem>> -> memref<1x64xi32, #tpu.memory_space<vmem>>
      %dma_start3A_3950 = tpu.memref_squeeze %dma_start3A_3949 : memref<1x64xi32, #tpu.memory_space<vmem>> -> memref<64xi32, #tpu.memory_space<vmem>>
      %dma_start3A_3951 = arith.constant 0 : i32
      %dma_start3A_3952 = arith.constant 0 : i32
      %dma_start3A_3953 = tpu.memref_slice %arg9[%dma_start3A_3951, %dma_start3A_3952] : memref<1000x128xf32, #tpu.memory_space<vmem_shared>> -> memref<1000x128xf32, #tpu.memory_space<vmem_shared>>
      tpu.enqueue_indirect_dma source(%dma_start3A_3953 : memref<1000x128xf32, #tpu.memory_space<vmem_shared>>) target(%arg24 : memref<64x128xf32, #tpu.memory_space<vmem>>) offsets(%dma_start3A_3950 : memref<64xi32, #tpu.memory_space<vmem>>) semaphore(%arg36 : memref<!tpu.dma_semaphore, #tpu.memory_space<semaphore_mem>>)
      %add3A_3954 = arith.constant 2 : i32
      %add3A_3955 = arith.addi %mul3A_2309, %add3A_3954 : i32
      %add3A_3956 = arith.constant 4 : i32
      %add3A_3957 = arith.addi %add3A_3955, %add3A_3956 : i32
      %jit3A_3958 = arith.constant 2 : i32
      %div3A_3959 = arith.divsi %add3A_3957, %jit3A_3958 : i32
      %sign3A_3960 = arith.constant 0 : i32
      %sign3A_3961 = arith.cmpi sgt, %add3A_3957, %sign3A_3960 : i32
      %sign3A_3962 = arith.extui %sign3A_3961 : i1 to i32
      %sign3A_3963 = arith.constant 0 : i32
      %sign3A_3964 = arith.cmpi slt, %add3A_3957, %sign3A_3963 : i32
      %sign3A_3965 = arith.extui %sign3A_3964 : i1 to i32
      %sign3A_3966 = arith.subi %sign3A_3962, %sign3A_3965 : i32
      %sign3A_3967 = arith.constant 0 : i32
      %sign3A_3968 = arith.cmpi sgt, %jit3A_3958, %sign3A_3967 : i32
      %sign3A_3969 = arith.extui %sign3A_3968 : i1 to i32
      %sign3A_3970 = arith.constant 0 : i32
      %sign3A_3971 = arith.cmpi slt, %jit3A_3958, %sign3A_3970 : i32
      %sign3A_3972 = arith.extui %sign3A_3971 : i1 to i32
      %sign3A_3973 = arith.subi %sign3A_3969, %sign3A_3972 : i32
      %ne3A_3974 = arith.cmpi ne, %sign3A_3966, %sign3A_3973 : i32
      %rem3A_3975 = arith.remsi %add3A_3957, %jit3A_3958 : i32
      %ne3A_3976 = arith.constant 0 : i32
      %ne3A_3977 = arith.cmpi ne, %rem3A_3975, %ne3A_3976 : i32
      %and3A_3978 = arith.andi %ne3A_3974, %ne3A_3977 : i1
      %sub3A_3979 = arith.constant 1 : i32
      %sub3A_3980 = arith.subi %div3A_3959, %sub3A_3979 : i32
      %select_n3A_3981 = arith.select %and3A_3978, %sub3A_3980, %div3A_3959 : i32
      %jit3A_3982 = arith.constant 2 : i32
      %eq3A_3983 = arith.constant 0 : i32
      %eq3A_3984 = arith.cmpi eq, %jit3A_3982, %eq3A_3983 : i32
      %jit3A_3985 = arith.constant 1 : i32
      %select_n3A_3986 = arith.select %eq3A_3984, %jit3A_3985, %jit3A_3982 : i32
      %rem3A_3987 = arith.remsi %add3A_3957, %select_n3A_3986 : i32
      %ne3A_3988 = arith.constant 0 : i32
      %ne3A_3989 = arith.cmpi ne, %rem3A_3987, %ne3A_3988 : i32
      %lt3A_3990 = arith.constant 0 : i32
      %lt3A_3991 = arith.cmpi slt, %rem3A_3987, %lt3A_3990 : i32
      %lt3A_3992 = arith.constant 0 : i32
      %lt3A_3993 = arith.cmpi slt, %select_n3A_3986, %lt3A_3992 : i32
      %ne3A_3994 = arith.xori %lt3A_3991, %lt3A_3993 : i1
      %and3A_3995 = arith.andi %ne3A_3994, %ne3A_3989 : i1
      %add3A_3996 = arith.addi %rem3A_3987, %select_n3A_3986 : i32
      %select_n3A_3997 = arith.select %and3A_3995, %add3A_3996, %rem3A_3987 : i32
      %mul3A_3998 = arith.constant 64 : i32
      %mul3A_3999 = arith.muli %select_n3A_3997, %mul3A_3998 : i32
      %add3A_4000 = arith.addi %mul3A_2, %mul3A_3999 : i32
      %dma_wait3A_4001 = arith.constant 0 : i32
      %dma_wait3A_4002 = tpu.memref_slice %arg2[%dma_wait3A_4001, %select_n3A_3981, %mul3A_2] : memref<3x50x4096xi32, #tpu.memory_space<hbm>> -> memref<3x1x128xi32, #tpu.memory_space<hbm>>
      %dma_wait3A_4003 = tpu.memref_squeeze %dma_wait3A_4002 : memref<3x1x128xi32, #tpu.memory_space<hbm>> -> memref<3x128xi32, #tpu.memory_space<hbm>>
      %dma_wait3A_4004 = arith.constant 0 : i32
      %dma_wait3A_4005 = tpu.memref_slice %arg2[%dma_wait3A_4004, %select_n3A_3981, %mul3A_2] : memref<3x50x4096xi32, #tpu.memory_space<hbm>> -> memref<3x1x128xi32, #tpu.memory_space<hbm>>
      %dma_wait3A_4006 = tpu.memref_squeeze %dma_wait3A_4005 : memref<3x1x128xi32, #tpu.memory_space<hbm>> -> memref<3x128xi32, #tpu.memory_space<hbm>>
      tpu.wait_dma2 semaphore(%arg53 : memref<!tpu.dma_semaphore, #tpu.memory_space<semaphore_mem>>) src(%dma_wait3A_4006 : memref<3x128xi32, #tpu.memory_space<hbm>>) dst(%arg13 : memref<3x128xi32, #tpu.memory_space<vmem>>)
      %jit3A_4007 = arith.constant 2 : i32
      %div3A_4008 = arith.divsi %add3A_3955, %jit3A_4007 : i32
      %sign3A_4009 = arith.constant 0 : i32
      %sign3A_4010 = arith.cmpi sgt, %add3A_3955, %sign3A_4009 : i32
      %sign3A_4011 = arith.extui %sign3A_4010 : i1 to i32
      %sign3A_4012 = arith.constant 0 : i32
      %sign3A_4013 = arith.cmpi slt, %add3A_3955, %sign3A_4012 : i32
      %sign3A_4014 = arith.extui %sign3A_4013 : i1 to i32
      %sign3A_4015 = arith.subi %sign3A_4011, %sign3A_4014 : i32
      %sign3A_4016 = arith.constant 0 : i32
      %sign3A_4017 = arith.cmpi sgt, %jit3A_4007, %sign3A_4016 : i32
      %sign3A_4018 = arith.extui %sign3A_4017 : i1 to i32
      %sign3A_4019 = arith.constant 0 : i32
      %sign3A_4020 = arith.cmpi slt, %jit3A_4007, %sign3A_4019 : i32
      %sign3A_4021 = arith.extui %sign3A_4020 : i1 to i32
      %sign3A_4022 = arith.subi %sign3A_4018, %sign3A_4021 : i32
      %ne3A_4023 = arith.cmpi ne, %sign3A_4015, %sign3A_4022 : i32
      %rem3A_4024 = arith.remsi %add3A_3955, %jit3A_4007 : i32
      %ne3A_4025 = arith.constant 0 : i32
      %ne3A_4026 = arith.cmpi ne, %rem3A_4024, %ne3A_4025 : i32
      %and3A_4027 = arith.andi %ne3A_4023, %ne3A_4026 : i1
      %sub3A_4028 = arith.constant 1 : i32
      %sub3A_4029 = arith.subi %div3A_4008, %sub3A_4028 : i32
      %select_n3A_4030 = arith.select %and3A_4027, %sub3A_4029, %div3A_4008 : i32
      %jit3A_4031 = arith.constant 2 : i32
      %eq3A_4032 = arith.constant 0 : i32
      %eq3A_4033 = arith.cmpi eq, %jit3A_4031, %eq3A_4032 : i32
      %jit3A_4034 = arith.constant 1 : i32
      %select_n3A_4035 = arith.select %eq3A_4033, %jit3A_4034, %jit3A_4031 : i32
      %rem3A_4036 = arith.remsi %add3A_3955, %select_n3A_4035 : i32
      %ne3A_4037 = arith.constant 0 : i32
      %ne3A_4038 = arith.cmpi ne, %rem3A_4036, %ne3A_4037 : i32
      %lt3A_4039 = arith.constant 0 : i32
      %lt3A_4040 = arith.cmpi slt, %rem3A_4036, %lt3A_4039 : i32
      %lt3A_4041 = arith.constant 0 : i32
      %lt3A_4042 = arith.cmpi slt, %select_n3A_4035, %lt3A_4041 : i32
      %ne3A_4043 = arith.xori %lt3A_4040, %lt3A_4042 : i1
      %and3A_4044 = arith.andi %ne3A_4043, %ne3A_4038 : i1
      %add3A_4045 = arith.addi %rem3A_4036, %select_n3A_4035 : i32
      %select_n3A_4046 = arith.select %and3A_4044, %add3A_4045, %rem3A_4036 : i32
      %mul3A_4047 = arith.constant 64 : i32
      %mul3A_4048 = arith.muli %select_n3A_4046, %mul3A_4047 : i32
      %add3A_4049 = arith.addi %mul3A_2, %mul3A_4048 : i32
      %dma_wait3A_4050 = arith.constant 0 : i32
      %dma_wait3A_4051 = tpu.memref_slice %arg6[%select_n3A_4030, %add3A_4049, %dma_wait3A_4050] : memref<50x4096x384xf32, #tpu.memory_space<hbm>> -> memref<1x64x128xf32, #tpu.memory_space<hbm>>
      %dma_wait3A_4052 = tpu.memref_squeeze %dma_wait3A_4051 : memref<1x64x128xf32, #tpu.memory_space<hbm>> -> memref<64x128xf32, #tpu.memory_space<hbm>>
      %dma_wait3A_4053 = arith.constant 0 : i32
      %dma_wait3A_4054 = tpu.memref_slice %arg6[%select_n3A_4030, %add3A_4049, %dma_wait3A_4053] : memref<50x4096x384xf32, #tpu.memory_space<hbm>> -> memref<1x64x128xf32, #tpu.memory_space<hbm>>
      %dma_wait3A_4055 = tpu.memref_squeeze %dma_wait3A_4054 : memref<1x64x128xf32, #tpu.memory_space<hbm>> -> memref<64x128xf32, #tpu.memory_space<hbm>>
      tpu.wait_dma2 semaphore(%arg41 : memref<!tpu.dma_semaphore, #tpu.memory_space<semaphore_mem>>) src(%arg17 : memref<64x128xf32, #tpu.memory_space<vmem>>) dst(%dma_wait3A_4055 : memref<64x128xf32, #tpu.memory_space<hbm>>)
      %add3A_4056 = arith.constant 4 : i32
      %add3A_4057 = arith.addi %add3A_3955, %add3A_4056 : i32
      %jit3A_4058 = arith.constant 2 : i32
      %eq3A_4059 = arith.constant 0 : i32
      %eq3A_4060 = arith.cmpi eq, %jit3A_4058, %eq3A_4059 : i32
      %jit3A_4061 = arith.constant 1 : i32
      %select_n3A_4062 = arith.select %eq3A_4060, %jit3A_4061, %jit3A_4058 : i32
      %rem3A_4063 = arith.remsi %add3A_4057, %select_n3A_4062 : i32
      %ne3A_4064 = arith.constant 0 : i32
      %ne3A_4065 = arith.cmpi ne, %rem3A_4063, %ne3A_4064 : i32
      %lt3A_4066 = arith.constant 0 : i32
      %lt3A_4067 = arith.cmpi slt, %rem3A_4063, %lt3A_4066 : i32
      %lt3A_4068 = arith.constant 0 : i32
      %lt3A_4069 = arith.cmpi slt, %select_n3A_4062, %lt3A_4068 : i32
      %ne3A_4070 = arith.xori %lt3A_4067, %lt3A_4069 : i1
      %and3A_4071 = arith.andi %ne3A_4070, %ne3A_4065 : i1
      %add3A_4072 = arith.addi %rem3A_4063, %select_n3A_4062 : i32
      %select_n3A_4073 = arith.select %and3A_4071, %add3A_4072, %rem3A_4063 : i32
      %mul3A_4074 = arith.constant 64 : i32
      %mul3A_4075 = arith.muli %select_n3A_4073, %mul3A_4074 : i32
      %dma_start3A_4076 = arith.constant 0 : i32
      %dma_start3A_4077 = tpu.memref_slice %arg13[%dma_start3A_4076, %mul3A_4075] : memref<3x128xi32, #tpu.memory_space<vmem>> -> memref<1x64xi32, #tpu.memory_space<vmem>>
      %dma_start3A_4078 = tpu.memref_squeeze %dma_start3A_4077 : memref<1x64xi32, #tpu.memory_space<vmem>> -> memref<64xi32, #tpu.memory_space<vmem>>
      %dma_start3A_4079 = arith.constant 0 : i32
      %dma_start3A_4080 = arith.constant 0 : i32
      %dma_start3A_4081 = tpu.memref_slice %arg7[%dma_start3A_4079, %dma_start3A_4080] : memref<1000x128xf32, #tpu.memory_space<vmem_shared>> -> memref<1000x128xf32, #tpu.memory_space<vmem_shared>>
      tpu.enqueue_indirect_dma source(%dma_start3A_4081 : memref<1000x128xf32, #tpu.memory_space<vmem_shared>>) target(%arg17 : memref<64x128xf32, #tpu.memory_space<vmem>>) offsets(%dma_start3A_4078 : memref<64xi32, #tpu.memory_space<vmem>>) semaphore(%arg29 : memref<!tpu.dma_semaphore, #tpu.memory_space<semaphore_mem>>)
      %jit3A_4082 = arith.constant 2 : i32
      %div3A_4083 = arith.divsi %add3A_3955, %jit3A_4082 : i32
      %sign3A_4084 = arith.constant 0 : i32
      %sign3A_4085 = arith.cmpi sgt, %add3A_3955, %sign3A_4084 : i32
      %sign3A_4086 = arith.extui %sign3A_4085 : i1 to i32
      %sign3A_4087 = arith.constant 0 : i32
      %sign3A_4088 = arith.cmpi slt, %add3A_3955, %sign3A_4087 : i32
      %sign3A_4089 = arith.extui %sign3A_4088 : i1 to i32
      %sign3A_4090 = arith.subi %sign3A_4086, %sign3A_4089 : i32
      %sign3A_4091 = arith.constant 0 : i32
      %sign3A_4092 = arith.cmpi sgt, %jit3A_4082, %sign3A_4091 : i32
      %sign3A_4093 = arith.extui %sign3A_4092 : i1 to i32
      %sign3A_4094 = arith.constant 0 : i32
      %sign3A_4095 = arith.cmpi slt, %jit3A_4082, %sign3A_4094 : i32
      %sign3A_4096 = arith.extui %sign3A_4095 : i1 to i32
      %sign3A_4097 = arith.subi %sign3A_4093, %sign3A_4096 : i32
      %ne3A_4098 = arith.cmpi ne, %sign3A_4090, %sign3A_4097 : i32
      %rem3A_4099 = arith.remsi %add3A_3955, %jit3A_4082 : i32
      %ne3A_4100 = arith.constant 0 : i32
      %ne3A_4101 = arith.cmpi ne, %rem3A_4099, %ne3A_4100 : i32
      %and3A_4102 = arith.andi %ne3A_4098, %ne3A_4101 : i1
      %sub3A_4103 = arith.constant 1 : i32
      %sub3A_4104 = arith.subi %div3A_4083, %sub3A_4103 : i32
      %select_n3A_4105 = arith.select %and3A_4102, %sub3A_4104, %div3A_4083 : i32
      %jit3A_4106 = arith.constant 2 : i32
      %eq3A_4107 = arith.constant 0 : i32
      %eq3A_4108 = arith.cmpi eq, %jit3A_4106, %eq3A_4107 : i32
      %jit3A_4109 = arith.constant 1 : i32
      %select_n3A_4110 = arith.select %eq3A_4108, %jit3A_4109, %jit3A_4106 : i32
      %rem3A_4111 = arith.remsi %add3A_3955, %select_n3A_4110 : i32
      %ne3A_4112 = arith.constant 0 : i32
      %ne3A_4113 = arith.cmpi ne, %rem3A_4111, %ne3A_4112 : i32
      %lt3A_4114 = arith.constant 0 : i32
      %lt3A_4115 = arith.cmpi slt, %rem3A_4111, %lt3A_4114 : i32
      %lt3A_4116 = arith.constant 0 : i32
      %lt3A_4117 = arith.cmpi slt, %select_n3A_4110, %lt3A_4116 : i32
      %ne3A_4118 = arith.xori %lt3A_4115, %lt3A_4117 : i1
      %and3A_4119 = arith.andi %ne3A_4118, %ne3A_4113 : i1
      %add3A_4120 = arith.addi %rem3A_4111, %select_n3A_4110 : i32
      %select_n3A_4121 = arith.select %and3A_4119, %add3A_4120, %rem3A_4111 : i32
      %mul3A_4122 = arith.constant 64 : i32
      %mul3A_4123 = arith.muli %select_n3A_4121, %mul3A_4122 : i32
      %add3A_4124 = arith.addi %mul3A_2, %mul3A_4123 : i32
      %dma_wait3A_4125 = arith.constant 128 : i32
      %dma_wait3A_4126 = tpu.memref_slice %arg6[%select_n3A_4105, %add3A_4124, %dma_wait3A_4125] : memref<50x4096x384xf32, #tpu.memory_space<hbm>> -> memref<1x64x128xf32, #tpu.memory_space<hbm>>
      %dma_wait3A_4127 = tpu.memref_squeeze %dma_wait3A_4126 : memref<1x64x128xf32, #tpu.memory_space<hbm>> -> memref<64x128xf32, #tpu.memory_space<hbm>>
      %dma_wait3A_4128 = arith.constant 128 : i32
      %dma_wait3A_4129 = tpu.memref_slice %arg6[%select_n3A_4105, %add3A_4124, %dma_wait3A_4128] : memref<50x4096x384xf32, #tpu.memory_space<hbm>> -> memref<1x64x128xf32, #tpu.memory_space<hbm>>
      %dma_wait3A_4130 = tpu.memref_squeeze %dma_wait3A_4129 : memref<1x64x128xf32, #tpu.memory_space<hbm>> -> memref<64x128xf32, #tpu.memory_space<hbm>>
      tpu.wait_dma2 semaphore(%arg45 : memref<!tpu.dma_semaphore, #tpu.memory_space<semaphore_mem>>) src(%arg21 : memref<64x128xf32, #tpu.memory_space<vmem>>) dst(%dma_wait3A_4130 : memref<64x128xf32, #tpu.memory_space<hbm>>)
      %add3A_4131 = arith.constant 4 : i32
      %add3A_4132 = arith.addi %add3A_3955, %add3A_4131 : i32
      %jit3A_4133 = arith.constant 2 : i32
      %eq3A_4134 = arith.constant 0 : i32
      %eq3A_4135 = arith.cmpi eq, %jit3A_4133, %eq3A_4134 : i32
      %jit3A_4136 = arith.constant 1 : i32
      %select_n3A_4137 = arith.select %eq3A_4135, %jit3A_4136, %jit3A_4133 : i32
      %rem3A_4138 = arith.remsi %add3A_4132, %select_n3A_4137 : i32
      %ne3A_4139 = arith.constant 0 : i32
      %ne3A_4140 = arith.cmpi ne, %rem3A_4138, %ne3A_4139 : i32
      %lt3A_4141 = arith.constant 0 : i32
      %lt3A_4142 = arith.cmpi slt, %rem3A_4138, %lt3A_4141 : i32
      %lt3A_4143 = arith.constant 0 : i32
      %lt3A_4144 = arith.cmpi slt, %select_n3A_4137, %lt3A_4143 : i32
      %ne3A_4145 = arith.xori %lt3A_4142, %lt3A_4144 : i1
      %and3A_4146 = arith.andi %ne3A_4145, %ne3A_4140 : i1
      %add3A_4147 = arith.addi %rem3A_4138, %select_n3A_4137 : i32
      %select_n3A_4148 = arith.select %and3A_4146, %add3A_4147, %rem3A_4138 : i32
      %mul3A_4149 = arith.constant 64 : i32
      %mul3A_4150 = arith.muli %select_n3A_4148, %mul3A_4149 : i32
      %dma_start3A_4151 = arith.constant 1 : i32
      %dma_start3A_4152 = tpu.memref_slice %arg13[%dma_start3A_4151, %mul3A_4150] : memref<3x128xi32, #tpu.memory_space<vmem>> -> memref<1x64xi32, #tpu.memory_space<vmem>>
      %dma_start3A_4153 = tpu.memref_squeeze %dma_start3A_4152 : memref<1x64xi32, #tpu.memory_space<vmem>> -> memref<64xi32, #tpu.memory_space<vmem>>
      %dma_start3A_4154 = arith.constant 0 : i32
      %dma_start3A_4155 = arith.constant 0 : i32
      %dma_start3A_4156 = tpu.memref_slice %arg8[%dma_start3A_4154, %dma_start3A_4155] : memref<1000x128xf32, #tpu.memory_space<vmem_shared>> -> memref<1000x128xf32, #tpu.memory_space<vmem_shared>>
      tpu.enqueue_indirect_dma source(%dma_start3A_4156 : memref<1000x128xf32, #tpu.memory_space<vmem_shared>>) target(%arg21 : memref<64x128xf32, #tpu.memory_space<vmem>>) offsets(%dma_start3A_4153 : memref<64xi32, #tpu.memory_space<vmem>>) semaphore(%arg33 : memref<!tpu.dma_semaphore, #tpu.memory_space<semaphore_mem>>)
      %jit3A_4157 = arith.constant 2 : i32
      %div3A_4158 = arith.divsi %add3A_3955, %jit3A_4157 : i32
      %sign3A_4159 = arith.constant 0 : i32
      %sign3A_4160 = arith.cmpi sgt, %add3A_3955, %sign3A_4159 : i32
      %sign3A_4161 = arith.extui %sign3A_4160 : i1 to i32
      %sign3A_4162 = arith.constant 0 : i32
      %sign3A_4163 = arith.cmpi slt, %add3A_3955, %sign3A_4162 : i32
      %sign3A_4164 = arith.extui %sign3A_4163 : i1 to i32
      %sign3A_4165 = arith.subi %sign3A_4161, %sign3A_4164 : i32
      %sign3A_4166 = arith.constant 0 : i32
      %sign3A_4167 = arith.cmpi sgt, %jit3A_4157, %sign3A_4166 : i32
      %sign3A_4168 = arith.extui %sign3A_4167 : i1 to i32
      %sign3A_4169 = arith.constant 0 : i32
      %sign3A_4170 = arith.cmpi slt, %jit3A_4157, %sign3A_4169 : i32
      %sign3A_4171 = arith.extui %sign3A_4170 : i1 to i32
      %sign3A_4172 = arith.subi %sign3A_4168, %sign3A_4171 : i32
      %ne3A_4173 = arith.cmpi ne, %sign3A_4165, %sign3A_4172 : i32
      %rem3A_4174 = arith.remsi %add3A_3955, %jit3A_4157 : i32
      %ne3A_4175 = arith.constant 0 : i32
      %ne3A_4176 = arith.cmpi ne, %rem3A_4174, %ne3A_4175 : i32
      %and3A_4177 = arith.andi %ne3A_4173, %ne3A_4176 : i1
      %sub3A_4178 = arith.constant 1 : i32
      %sub3A_4179 = arith.subi %div3A_4158, %sub3A_4178 : i32
      %select_n3A_4180 = arith.select %and3A_4177, %sub3A_4179, %div3A_4158 : i32
      %jit3A_4181 = arith.constant 2 : i32
      %eq3A_4182 = arith.constant 0 : i32
      %eq3A_4183 = arith.cmpi eq, %jit3A_4181, %eq3A_4182 : i32
      %jit3A_4184 = arith.constant 1 : i32
      %select_n3A_4185 = arith.select %eq3A_4183, %jit3A_4184, %jit3A_4181 : i32
      %rem3A_4186 = arith.remsi %add3A_3955, %select_n3A_4185 : i32
      %ne3A_4187 = arith.constant 0 : i32
      %ne3A_4188 = arith.cmpi ne, %rem3A_4186, %ne3A_4187 : i32
      %lt3A_4189 = arith.constant 0 : i32
      %lt3A_4190 = arith.cmpi slt, %rem3A_4186, %lt3A_4189 : i32
      %lt3A_4191 = arith.constant 0 : i32
      %lt3A_4192 = arith.cmpi slt, %select_n3A_4185, %lt3A_4191 : i32
      %ne3A_4193 = arith.xori %lt3A_4190, %lt3A_4192 : i1
      %and3A_4194 = arith.andi %ne3A_4193, %ne3A_4188 : i1
      %add3A_4195 = arith.addi %rem3A_4186, %select_n3A_4185 : i32
      %select_n3A_4196 = arith.select %and3A_4194, %add3A_4195, %rem3A_4186 : i32
      %mul3A_4197 = arith.constant 64 : i32
      %mul3A_4198 = arith.muli %select_n3A_4196, %mul3A_4197 : i32
      %add3A_4199 = arith.addi %mul3A_2, %mul3A_4198 : i32
      %dma_wait3A_4200 = arith.constant 256 : i32
      %dma_wait3A_4201 = tpu.memref_slice %arg6[%select_n3A_4180, %add3A_4199, %dma_wait3A_4200] : memref<50x4096x384xf32, #tpu.memory_space<hbm>> -> memref<1x64x128xf32, #tpu.memory_space<hbm>>
      %dma_wait3A_4202 = tpu.memref_squeeze %dma_wait3A_4201 : memref<1x64x128xf32, #tpu.memory_space<hbm>> -> memref<64x128xf32, #tpu.memory_space<hbm>>
      %dma_wait3A_4203 = arith.constant 256 : i32
      %dma_wait3A_4204 = tpu.memref_slice %arg6[%select_n3A_4180, %add3A_4199, %dma_wait3A_4203] : memref<50x4096x384xf32, #tpu.memory_space<hbm>> -> memref<1x64x128xf32, #tpu.memory_space<hbm>>
      %dma_wait3A_4205 = tpu.memref_squeeze %dma_wait3A_4204 : memref<1x64x128xf32, #tpu.memory_space<hbm>> -> memref<64x128xf32, #tpu.memory_space<hbm>>
      tpu.wait_dma2 semaphore(%arg49 : memref<!tpu.dma_semaphore, #tpu.memory_space<semaphore_mem>>) src(%arg25 : memref<64x128xf32, #tpu.memory_space<vmem>>) dst(%dma_wait3A_4205 : memref<64x128xf32, #tpu.memory_space<hbm>>)
      %add3A_4206 = arith.constant 4 : i32
      %add3A_4207 = arith.addi %add3A_3955, %add3A_4206 : i32
      %jit3A_4208 = arith.constant 2 : i32
      %eq3A_4209 = arith.constant 0 : i32
      %eq3A_4210 = arith.cmpi eq, %jit3A_4208, %eq3A_4209 : i32
      %jit3A_4211 = arith.constant 1 : i32
      %select_n3A_4212 = arith.select %eq3A_4210, %jit3A_4211, %jit3A_4208 : i32
      %rem3A_4213 = arith.remsi %add3A_4207, %select_n3A_4212 : i32
      %ne3A_4214 = arith.constant 0 : i32
      %ne3A_4215 = arith.cmpi ne, %rem3A_4213, %ne3A_4214 : i32
      %lt3A_4216 = arith.constant 0 : i32
      %lt3A_4217 = arith.cmpi slt, %rem3A_4213, %lt3A_4216 : i32
      %lt3A_4218 = arith.constant 0 : i32
      %lt3A_4219 = arith.cmpi slt, %select_n3A_4212, %lt3A_4218 : i32
      %ne3A_4220 = arith.xori %lt3A_4217, %lt3A_4219 : i1
      %and3A_4221 = arith.andi %ne3A_4220, %ne3A_4215 : i1
      %add3A_4222 = arith.addi %rem3A_4213, %select_n3A_4212 : i32
      %select_n3A_4223 = arith.select %and3A_4221, %add3A_4222, %rem3A_4213 : i32
      %mul3A_4224 = arith.constant 64 : i32
      %mul3A_4225 = arith.muli %select_n3A_4223, %mul3A_4224 : i32
      %dma_start3A_4226 = arith.constant 2 : i32
      %dma_start3A_4227 = tpu.memref_slice %arg13[%dma_start3A_4226, %mul3A_4225] : memref<3x128xi32, #tpu.memory_space<vmem>> -> memref<1x64xi32, #tpu.memory_space<vmem>>
      %dma_start3A_4228 = tpu.memref_squeeze %dma_start3A_4227 : memref<1x64xi32, #tpu.memory_space<vmem>> -> memref<64xi32, #tpu.memory_space<vmem>>
      %dma_start3A_4229 = arith.constant 0 : i32
      %dma_start3A_4230 = arith.constant 0 : i32
      %dma_start3A_4231 = tpu.memref_slice %arg9[%dma_start3A_4229, %dma_start3A_4230] : memref<1000x128xf32, #tpu.memory_space<vmem_shared>> -> memref<1000x128xf32, #tpu.memory_space<vmem_shared>>
      tpu.enqueue_indirect_dma source(%dma_start3A_4231 : memref<1000x128xf32, #tpu.memory_space<vmem_shared>>) target(%arg25 : memref<64x128xf32, #tpu.memory_space<vmem>>) offsets(%dma_start3A_4228 : memref<64xi32, #tpu.memory_space<vmem>>) semaphore(%arg37 : memref<!tpu.dma_semaphore, #tpu.memory_space<semaphore_mem>>)
      %add3A_4232 = arith.constant 3 : i32
      %add3A_4233 = arith.addi %mul3A_2309, %add3A_4232 : i32
      %add3A_4234 = arith.constant 4 : i32
      %add3A_4235 = arith.addi %add3A_4233, %add3A_4234 : i32
      %jit3A_4236 = arith.constant 2 : i32
      %div3A_4237 = arith.divsi %add3A_4235, %jit3A_4236 : i32
      %sign3A_4238 = arith.constant 0 : i32
      %sign3A_4239 = arith.cmpi sgt, %add3A_4235, %sign3A_4238 : i32
      %sign3A_4240 = arith.extui %sign3A_4239 : i1 to i32
      %sign3A_4241 = arith.constant 0 : i32
      %sign3A_4242 = arith.cmpi slt, %add3A_4235, %sign3A_4241 : i32
      %sign3A_4243 = arith.extui %sign3A_4242 : i1 to i32
      %sign3A_4244 = arith.subi %sign3A_4240, %sign3A_4243 : i32
      %sign3A_4245 = arith.constant 0 : i32
      %sign3A_4246 = arith.cmpi sgt, %jit3A_4236, %sign3A_4245 : i32
      %sign3A_4247 = arith.extui %sign3A_4246 : i1 to i32
      %sign3A_4248 = arith.constant 0 : i32
      %sign3A_4249 = arith.cmpi slt, %jit3A_4236, %sign3A_4248 : i32
      %sign3A_4250 = arith.extui %sign3A_4249 : i1 to i32
      %sign3A_4251 = arith.subi %sign3A_4247, %sign3A_4250 : i32
      %ne3A_4252 = arith.cmpi ne, %sign3A_4244, %sign3A_4251 : i32
      %rem3A_4253 = arith.remsi %add3A_4235, %jit3A_4236 : i32
      %ne3A_4254 = arith.constant 0 : i32
      %ne3A_4255 = arith.cmpi ne, %rem3A_4253, %ne3A_4254 : i32
      %and3A_4256 = arith.andi %ne3A_4252, %ne3A_4255 : i1
      %sub3A_4257 = arith.constant 1 : i32
      %sub3A_4258 = arith.subi %div3A_4237, %sub3A_4257 : i32
      %select_n3A_4259 = arith.select %and3A_4256, %sub3A_4258, %div3A_4237 : i32
      %jit3A_4260 = arith.constant 2 : i32
      %eq3A_4261 = arith.constant 0 : i32
      %eq3A_4262 = arith.cmpi eq, %jit3A_4260, %eq3A_4261 : i32
      %jit3A_4263 = arith.constant 1 : i32
      %select_n3A_4264 = arith.select %eq3A_4262, %jit3A_4263, %jit3A_4260 : i32
      %rem3A_4265 = arith.remsi %add3A_4235, %select_n3A_4264 : i32
      %ne3A_4266 = arith.constant 0 : i32
      %ne3A_4267 = arith.cmpi ne, %rem3A_4265, %ne3A_4266 : i32
      %lt3A_4268 = arith.constant 0 : i32
      %lt3A_4269 = arith.cmpi slt, %rem3A_4265, %lt3A_4268 : i32
      %lt3A_4270 = arith.constant 0 : i32
      %lt3A_4271 = arith.cmpi slt, %select_n3A_4264, %lt3A_4270 : i32
      %ne3A_4272 = arith.xori %lt3A_4269, %lt3A_4271 : i1
      %and3A_4273 = arith.andi %ne3A_4272, %ne3A_4267 : i1
      %add3A_4274 = arith.addi %rem3A_4265, %select_n3A_4264 : i32
      %select_n3A_4275 = arith.select %and3A_4273, %add3A_4274, %rem3A_4265 : i32
      %mul3A_4276 = arith.constant 64 : i32
      %mul3A_4277 = arith.muli %select_n3A_4275, %mul3A_4276 : i32
      %add3A_4278 = arith.addi %mul3A_2, %mul3A_4277 : i32
      %dma_wait3A_4279 = arith.constant 0 : i32
      %dma_wait3A_4280 = tpu.memref_slice %arg2[%dma_wait3A_4279, %select_n3A_4259, %mul3A_2] : memref<3x50x4096xi32, #tpu.memory_space<hbm>> -> memref<3x1x128xi32, #tpu.memory_space<hbm>>
      %dma_wait3A_4281 = tpu.memref_squeeze %dma_wait3A_4280 : memref<3x1x128xi32, #tpu.memory_space<hbm>> -> memref<3x128xi32, #tpu.memory_space<hbm>>
      %dma_wait3A_4282 = arith.constant 0 : i32
      %dma_wait3A_4283 = tpu.memref_slice %arg2[%dma_wait3A_4282, %select_n3A_4259, %mul3A_2] : memref<3x50x4096xi32, #tpu.memory_space<hbm>> -> memref<3x1x128xi32, #tpu.memory_space<hbm>>
      %dma_wait3A_4284 = tpu.memref_squeeze %dma_wait3A_4283 : memref<3x1x128xi32, #tpu.memory_space<hbm>> -> memref<3x128xi32, #tpu.memory_space<hbm>>
      tpu.wait_dma2 semaphore(%arg54 : memref<!tpu.dma_semaphore, #tpu.memory_space<semaphore_mem>>) src(%dma_wait3A_4284 : memref<3x128xi32, #tpu.memory_space<hbm>>) dst(%arg14 : memref<3x128xi32, #tpu.memory_space<vmem>>)
      %jit3A_4285 = arith.constant 2 : i32
      %div3A_4286 = arith.divsi %add3A_4233, %jit3A_4285 : i32
      %sign3A_4287 = arith.constant 0 : i32
      %sign3A_4288 = arith.cmpi sgt, %add3A_4233, %sign3A_4287 : i32
      %sign3A_4289 = arith.extui %sign3A_4288 : i1 to i32
      %sign3A_4290 = arith.constant 0 : i32
      %sign3A_4291 = arith.cmpi slt, %add3A_4233, %sign3A_4290 : i32
      %sign3A_4292 = arith.extui %sign3A_4291 : i1 to i32
      %sign3A_4293 = arith.subi %sign3A_4289, %sign3A_4292 : i32
      %sign3A_4294 = arith.constant 0 : i32
      %sign3A_4295 = arith.cmpi sgt, %jit3A_4285, %sign3A_4294 : i32
      %sign3A_4296 = arith.extui %sign3A_4295 : i1 to i32
      %sign3A_4297 = arith.constant 0 : i32
      %sign3A_4298 = arith.cmpi slt, %jit3A_4285, %sign3A_4297 : i32
      %sign3A_4299 = arith.extui %sign3A_4298 : i1 to i32
      %sign3A_4300 = arith.subi %sign3A_4296, %sign3A_4299 : i32
      %ne3A_4301 = arith.cmpi ne, %sign3A_4293, %sign3A_4300 : i32
      %rem3A_4302 = arith.remsi %add3A_4233, %jit3A_4285 : i32
      %ne3A_4303 = arith.constant 0 : i32
      %ne3A_4304 = arith.cmpi ne, %rem3A_4302, %ne3A_4303 : i32
      %and3A_4305 = arith.andi %ne3A_4301, %ne3A_4304 : i1
      %sub3A_4306 = arith.constant 1 : i32
      %sub3A_4307 = arith.subi %div3A_4286, %sub3A_4306 : i32
      %select_n3A_4308 = arith.select %and3A_4305, %sub3A_4307, %div3A_4286 : i32
      %jit3A_4309 = arith.constant 2 : i32
      %eq3A_4310 = arith.constant 0 : i32
      %eq3A_4311 = arith.cmpi eq, %jit3A_4309, %eq3A_4310 : i32
      %jit3A_4312 = arith.constant 1 : i32
      %select_n3A_4313 = arith.select %eq3A_4311, %jit3A_4312, %jit3A_4309 : i32
      %rem3A_4314 = arith.remsi %add3A_4233, %select_n3A_4313 : i32
      %ne3A_4315 = arith.constant 0 : i32
      %ne3A_4316 = arith.cmpi ne, %rem3A_4314, %ne3A_4315 : i32
      %lt3A_4317 = arith.constant 0 : i32
      %lt3A_4318 = arith.cmpi slt, %rem3A_4314, %lt3A_4317 : i32
      %lt3A_4319 = arith.constant 0 : i32
      %lt3A_4320 = arith.cmpi slt, %select_n3A_4313, %lt3A_4319 : i32
      %ne3A_4321 = arith.xori %lt3A_4318, %lt3A_4320 : i1
      %and3A_4322 = arith.andi %ne3A_4321, %ne3A_4316 : i1
      %add3A_4323 = arith.addi %rem3A_4314, %select_n3A_4313 : i32
      %select_n3A_4324 = arith.select %and3A_4322, %add3A_4323, %rem3A_4314 : i32
      %mul3A_4325 = arith.constant 64 : i32
      %mul3A_4326 = arith.muli %select_n3A_4324, %mul3A_4325 : i32
      %add3A_4327 = arith.addi %mul3A_2, %mul3A_4326 : i32
      %dma_wait3A_4328 = arith.constant 0 : i32
      %dma_wait3A_4329 = tpu.memref_slice %arg6[%select_n3A_4308, %add3A_4327, %dma_wait3A_4328] : memref<50x4096x384xf32, #tpu.memory_space<hbm>> -> memref<1x64x128xf32, #tpu.memory_space<hbm>>
      %dma_wait3A_4330 = tpu.memref_squeeze %dma_wait3A_4329 : memref<1x64x128xf32, #tpu.memory_space<hbm>> -> memref<64x128xf32, #tpu.memory_space<hbm>>
      %dma_wait3A_4331 = arith.constant 0 : i32
      %dma_wait3A_4332 = tpu.memref_slice %arg6[%select_n3A_4308, %add3A_4327, %dma_wait3A_4331] : memref<50x4096x384xf32, #tpu.memory_space<hbm>> -> memref<1x64x128xf32, #tpu.memory_space<hbm>>
      %dma_wait3A_4333 = tpu.memref_squeeze %dma_wait3A_4332 : memref<1x64x128xf32, #tpu.memory_space<hbm>> -> memref<64x128xf32, #tpu.memory_space<hbm>>
      tpu.wait_dma2 semaphore(%arg42 : memref<!tpu.dma_semaphore, #tpu.memory_space<semaphore_mem>>) src(%arg18 : memref<64x128xf32, #tpu.memory_space<vmem>>) dst(%dma_wait3A_4333 : memref<64x128xf32, #tpu.memory_space<hbm>>)
      %add3A_4334 = arith.constant 4 : i32
      %add3A_4335 = arith.addi %add3A_4233, %add3A_4334 : i32
      %jit3A_4336 = arith.constant 2 : i32
      %eq3A_4337 = arith.constant 0 : i32
      %eq3A_4338 = arith.cmpi eq, %jit3A_4336, %eq3A_4337 : i32
      %jit3A_4339 = arith.constant 1 : i32
      %select_n3A_4340 = arith.select %eq3A_4338, %jit3A_4339, %jit3A_4336 : i32
      %rem3A_4341 = arith.remsi %add3A_4335, %select_n3A_4340 : i32
      %ne3A_4342 = arith.constant 0 : i32
      %ne3A_4343 = arith.cmpi ne, %rem3A_4341, %ne3A_4342 : i32
      %lt3A_4344 = arith.constant 0 : i32
      %lt3A_4345 = arith.cmpi slt, %rem3A_4341, %lt3A_4344 : i32
      %lt3A_4346 = arith.constant 0 : i32
      %lt3A_4347 = arith.cmpi slt, %select_n3A_4340, %lt3A_4346 : i32
      %ne3A_4348 = arith.xori %lt3A_4345, %lt3A_4347 : i1
      %and3A_4349 = arith.andi %ne3A_4348, %ne3A_4343 : i1
      %add3A_4350 = arith.addi %rem3A_4341, %select_n3A_4340 : i32
      %select_n3A_4351 = arith.select %and3A_4349, %add3A_4350, %rem3A_4341 : i32
      %mul3A_4352 = arith.constant 64 : i32
      %mul3A_4353 = arith.muli %select_n3A_4351, %mul3A_4352 : i32
      %dma_start3A_4354 = arith.constant 0 : i32
      %dma_start3A_4355 = tpu.memref_slice %arg14[%dma_start3A_4354, %mul3A_4353] : memref<3x128xi32, #tpu.memory_space<vmem>> -> memref<1x64xi32, #tpu.memory_space<vmem>>
      %dma_start3A_4356 = tpu.memref_squeeze %dma_start3A_4355 : memref<1x64xi32, #tpu.memory_space<vmem>> -> memref<64xi32, #tpu.memory_space<vmem>>
      %dma_start3A_4357 = arith.constant 0 : i32
      %dma_start3A_4358 = arith.constant 0 : i32
      %dma_start3A_4359 = tpu.memref_slice %arg7[%dma_start3A_4357, %dma_start3A_4358] : memref<1000x128xf32, #tpu.memory_space<vmem_shared>> -> memref<1000x128xf32, #tpu.memory_space<vmem_shared>>
      tpu.enqueue_indirect_dma source(%dma_start3A_4359 : memref<1000x128xf32, #tpu.memory_space<vmem_shared>>) target(%arg18 : memref<64x128xf32, #tpu.memory_space<vmem>>) offsets(%dma_start3A_4356 : memref<64xi32, #tpu.memory_space<vmem>>) semaphore(%arg30 : memref<!tpu.dma_semaphore, #tpu.memory_space<semaphore_mem>>)
      %jit3A_4360 = arith.constant 2 : i32
      %div3A_4361 = arith.divsi %add3A_4233, %jit3A_4360 : i32
      %sign3A_4362 = arith.constant 0 : i32
      %sign3A_4363 = arith.cmpi sgt, %add3A_4233, %sign3A_4362 : i32
      %sign3A_4364 = arith.extui %sign3A_4363 : i1 to i32
      %sign3A_4365 = arith.constant 0 : i32
      %sign3A_4366 = arith.cmpi slt, %add3A_4233, %sign3A_4365 : i32
      %sign3A_4367 = arith.extui %sign3A_4366 : i1 to i32
      %sign3A_4368 = arith.subi %sign3A_4364, %sign3A_4367 : i32
      %sign3A_4369 = arith.constant 0 : i32
      %sign3A_4370 = arith.cmpi sgt, %jit3A_4360, %sign3A_4369 : i32
      %sign3A_4371 = arith.extui %sign3A_4370 : i1 to i32
      %sign3A_4372 = arith.constant 0 : i32
      %sign3A_4373 = arith.cmpi slt, %jit3A_4360, %sign3A_4372 : i32
      %sign3A_4374 = arith.extui %sign3A_4373 : i1 to i32
      %sign3A_4375 = arith.subi %sign3A_4371, %sign3A_4374 : i32
      %ne3A_4376 = arith.cmpi ne, %sign3A_4368, %sign3A_4375 : i32
      %rem3A_4377 = arith.remsi %add3A_4233, %jit3A_4360 : i32
      %ne3A_4378 = arith.constant 0 : i32
      %ne3A_4379 = arith.cmpi ne, %rem3A_4377, %ne3A_4378 : i32
      %and3A_4380 = arith.andi %ne3A_4376, %ne3A_4379 : i1
      %sub3A_4381 = arith.constant 1 : i32
      %sub3A_4382 = arith.subi %div3A_4361, %sub3A_4381 : i32
      %select_n3A_4383 = arith.select %and3A_4380, %sub3A_4382, %div3A_4361 : i32
      %jit3A_4384 = arith.constant 2 : i32
      %eq3A_4385 = arith.constant 0 : i32
      %eq3A_4386 = arith.cmpi eq, %jit3A_4384, %eq3A_4385 : i32
      %jit3A_4387 = arith.constant 1 : i32
      %select_n3A_4388 = arith.select %eq3A_4386, %jit3A_4387, %jit3A_4384 : i32
      %rem3A_4389 = arith.remsi %add3A_4233, %select_n3A_4388 : i32
      %ne3A_4390 = arith.constant 0 : i32
      %ne3A_4391 = arith.cmpi ne, %rem3A_4389, %ne3A_4390 : i32
      %lt3A_4392 = arith.constant 0 : i32
      %lt3A_4393 = arith.cmpi slt, %rem3A_4389, %lt3A_4392 : i32
      %lt3A_4394 = arith.constant 0 : i32
      %lt3A_4395 = arith.cmpi slt, %select_n3A_4388, %lt3A_4394 : i32
      %ne3A_4396 = arith.xori %lt3A_4393, %lt3A_4395 : i1
      %and3A_4397 = arith.andi %ne3A_4396, %ne3A_4391 : i1
      %add3A_4398 = arith.addi %rem3A_4389, %select_n3A_4388 : i32
      %select_n3A_4399 = arith.select %and3A_4397, %add3A_4398, %rem3A_4389 : i32
      %mul3A_4400 = arith.constant 64 : i32
      %mul3A_4401 = arith.muli %select_n3A_4399, %mul3A_4400 : i32
      %add3A_4402 = arith.addi %mul3A_2, %mul3A_4401 : i32
      %dma_wait3A_4403 = arith.constant 128 : i32
      %dma_wait3A_4404 = tpu.memref_slice %arg6[%select_n3A_4383, %add3A_4402, %dma_wait3A_4403] : memref<50x4096x384xf32, #tpu.memory_space<hbm>> -> memref<1x64x128xf32, #tpu.memory_space<hbm>>
      %dma_wait3A_4405 = tpu.memref_squeeze %dma_wait3A_4404 : memref<1x64x128xf32, #tpu.memory_space<hbm>> -> memref<64x128xf32, #tpu.memory_space<hbm>>
      %dma_wait3A_4406 = arith.constant 128 : i32
      %dma_wait3A_4407 = tpu.memref_slice %arg6[%select_n3A_4383, %add3A_4402, %dma_wait3A_4406] : memref<50x4096x384xf32, #tpu.memory_space<hbm>> -> memref<1x64x128xf32, #tpu.memory_space<hbm>>
      %dma_wait3A_4408 = tpu.memref_squeeze %dma_wait3A_4407 : memref<1x64x128xf32, #tpu.memory_space<hbm>> -> memref<64x128xf32, #tpu.memory_space<hbm>>
      tpu.wait_dma2 semaphore(%arg46 : memref<!tpu.dma_semaphore, #tpu.memory_space<semaphore_mem>>) src(%arg22 : memref<64x128xf32, #tpu.memory_space<vmem>>) dst(%dma_wait3A_4408 : memref<64x128xf32, #tpu.memory_space<hbm>>)
      %add3A_4409 = arith.constant 4 : i32
      %add3A_4410 = arith.addi %add3A_4233, %add3A_4409 : i32
      %jit3A_4411 = arith.constant 2 : i32
      %eq3A_4412 = arith.constant 0 : i32
      %eq3A_4413 = arith.cmpi eq, %jit3A_4411, %eq3A_4412 : i32
      %jit3A_4414 = arith.constant 1 : i32
      %select_n3A_4415 = arith.select %eq3A_4413, %jit3A_4414, %jit3A_4411 : i32
      %rem3A_4416 = arith.remsi %add3A_4410, %select_n3A_4415 : i32
      %ne3A_4417 = arith.constant 0 : i32
      %ne3A_4418 = arith.cmpi ne, %rem3A_4416, %ne3A_4417 : i32
      %lt3A_4419 = arith.constant 0 : i32
      %lt3A_4420 = arith.cmpi slt, %rem3A_4416, %lt3A_4419 : i32
      %lt3A_4421 = arith.constant 0 : i32
      %lt3A_4422 = arith.cmpi slt, %select_n3A_4415, %lt3A_4421 : i32
      %ne3A_4423 = arith.xori %lt3A_4420, %lt3A_4422 : i1
      %and3A_4424 = arith.andi %ne3A_4423, %ne3A_4418 : i1
      %add3A_4425 = arith.addi %rem3A_4416, %select_n3A_4415 : i32
      %select_n3A_4426 = arith.select %and3A_4424, %add3A_4425, %rem3A_4416 : i32
      %mul3A_4427 = arith.constant 64 : i32
      %mul3A_4428 = arith.muli %select_n3A_4426, %mul3A_4427 : i32
      %dma_start3A_4429 = arith.constant 1 : i32
      %dma_start3A_4430 = tpu.memref_slice %arg14[%dma_start3A_4429, %mul3A_4428] : memref<3x128xi32, #tpu.memory_space<vmem>> -> memref<1x64xi32, #tpu.memory_space<vmem>>
      %dma_start3A_4431 = tpu.memref_squeeze %dma_start3A_4430 : memref<1x64xi32, #tpu.memory_space<vmem>> -> memref<64xi32, #tpu.memory_space<vmem>>
      %dma_start3A_4432 = arith.constant 0 : i32
      %dma_start3A_4433 = arith.constant 0 : i32
      %dma_start3A_4434 = tpu.memref_slice %arg8[%dma_start3A_4432, %dma_start3A_4433] : memref<1000x128xf32, #tpu.memory_space<vmem_shared>> -> memref<1000x128xf32, #tpu.memory_space<vmem_shared>>
      tpu.enqueue_indirect_dma source(%dma_start3A_4434 : memref<1000x128xf32, #tpu.memory_space<vmem_shared>>) target(%arg22 : memref<64x128xf32, #tpu.memory_space<vmem>>) offsets(%dma_start3A_4431 : memref<64xi32, #tpu.memory_space<vmem>>) semaphore(%arg34 : memref<!tpu.dma_semaphore, #tpu.memory_space<semaphore_mem>>)
      %jit3A_4435 = arith.constant 2 : i32
      %div3A_4436 = arith.divsi %add3A_4233, %jit3A_4435 : i32
      %sign3A_4437 = arith.constant 0 : i32
      %sign3A_4438 = arith.cmpi sgt, %add3A_4233, %sign3A_4437 : i32
      %sign3A_4439 = arith.extui %sign3A_4438 : i1 to i32
      %sign3A_4440 = arith.constant 0 : i32
      %sign3A_4441 = arith.cmpi slt, %add3A_4233, %sign3A_4440 : i32
      %sign3A_4442 = arith.extui %sign3A_4441 : i1 to i32
      %sign3A_4443 = arith.subi %sign3A_4439, %sign3A_4442 : i32
      %sign3A_4444 = arith.constant 0 : i32
      %sign3A_4445 = arith.cmpi sgt, %jit3A_4435, %sign3A_4444 : i32
      %sign3A_4446 = arith.extui %sign3A_4445 : i1 to i32
      %sign3A_4447 = arith.constant 0 : i32
      %sign3A_4448 = arith.cmpi slt, %jit3A_4435, %sign3A_4447 : i32
      %sign3A_4449 = arith.extui %sign3A_4448 : i1 to i32
      %sign3A_4450 = arith.subi %sign3A_4446, %sign3A_4449 : i32
      %ne3A_4451 = arith.cmpi ne, %sign3A_4443, %sign3A_4450 : i32
      %rem3A_4452 = arith.remsi %add3A_4233, %jit3A_4435 : i32
      %ne3A_4453 = arith.constant 0 : i32
      %ne3A_4454 = arith.cmpi ne, %rem3A_4452, %ne3A_4453 : i32
      %and3A_4455 = arith.andi %ne3A_4451, %ne3A_4454 : i1
      %sub3A_4456 = arith.constant 1 : i32
      %sub3A_4457 = arith.subi %div3A_4436, %sub3A_4456 : i32
      %select_n3A_4458 = arith.select %and3A_4455, %sub3A_4457, %div3A_4436 : i32
      %jit3A_4459 = arith.constant 2 : i32
      %eq3A_4460 = arith.constant 0 : i32
      %eq3A_4461 = arith.cmpi eq, %jit3A_4459, %eq3A_4460 : i32
      %jit3A_4462 = arith.constant 1 : i32
      %select_n3A_4463 = arith.select %eq3A_4461, %jit3A_4462, %jit3A_4459 : i32
      %rem3A_4464 = arith.remsi %add3A_4233, %select_n3A_4463 : i32
      %ne3A_4465 = arith.constant 0 : i32
      %ne3A_4466 = arith.cmpi ne, %rem3A_4464, %ne3A_4465 : i32
      %lt3A_4467 = arith.constant 0 : i32
      %lt3A_4468 = arith.cmpi slt, %rem3A_4464, %lt3A_4467 : i32
      %lt3A_4469 = arith.constant 0 : i32
      %lt3A_4470 = arith.cmpi slt, %select_n3A_4463, %lt3A_4469 : i32
      %ne3A_4471 = arith.xori %lt3A_4468, %lt3A_4470 : i1
      %and3A_4472 = arith.andi %ne3A_4471, %ne3A_4466 : i1
      %add3A_4473 = arith.addi %rem3A_4464, %select_n3A_4463 : i32
      %select_n3A_4474 = arith.select %and3A_4472, %add3A_4473, %rem3A_4464 : i32
      %mul3A_4475 = arith.constant 64 : i32
      %mul3A_4476 = arith.muli %select_n3A_4474, %mul3A_4475 : i32
      %add3A_4477 = arith.addi %mul3A_2, %mul3A_4476 : i32
      %dma_wait3A_4478 = arith.constant 256 : i32
      %dma_wait3A_4479 = tpu.memref_slice %arg6[%select_n3A_4458, %add3A_4477, %dma_wait3A_4478] : memref<50x4096x384xf32, #tpu.memory_space<hbm>> -> memref<1x64x128xf32, #tpu.memory_space<hbm>>
      %dma_wait3A_4480 = tpu.memref_squeeze %dma_wait3A_4479 : memref<1x64x128xf32, #tpu.memory_space<hbm>> -> memref<64x128xf32, #tpu.memory_space<hbm>>
      %dma_wait3A_4481 = arith.constant 256 : i32
      %dma_wait3A_4482 = tpu.memref_slice %arg6[%select_n3A_4458, %add3A_4477, %dma_wait3A_4481] : memref<50x4096x384xf32, #tpu.memory_space<hbm>> -> memref<1x64x128xf32, #tpu.memory_space<hbm>>
      %dma_wait3A_4483 = tpu.memref_squeeze %dma_wait3A_4482 : memref<1x64x128xf32, #tpu.memory_space<hbm>> -> memref<64x128xf32, #tpu.memory_space<hbm>>
      tpu.wait_dma2 semaphore(%arg50 : memref<!tpu.dma_semaphore, #tpu.memory_space<semaphore_mem>>) src(%arg26 : memref<64x128xf32, #tpu.memory_space<vmem>>) dst(%dma_wait3A_4483 : memref<64x128xf32, #tpu.memory_space<hbm>>)
      %add3A_4484 = arith.constant 4 : i32
      %add3A_4485 = arith.addi %add3A_4233, %add3A_4484 : i32
      %jit3A_4486 = arith.constant 2 : i32
      %eq3A_4487 = arith.constant 0 : i32
      %eq3A_4488 = arith.cmpi eq, %jit3A_4486, %eq3A_4487 : i32
      %jit3A_4489 = arith.constant 1 : i32
      %select_n3A_4490 = arith.select %eq3A_4488, %jit3A_4489, %jit3A_4486 : i32
      %rem3A_4491 = arith.remsi %add3A_4485, %select_n3A_4490 : i32
      %ne3A_4492 = arith.constant 0 : i32
      %ne3A_4493 = arith.cmpi ne, %rem3A_4491, %ne3A_4492 : i32
      %lt3A_4494 = arith.constant 0 : i32
      %lt3A_4495 = arith.cmpi slt, %rem3A_4491, %lt3A_4494 : i32
      %lt3A_4496 = arith.constant 0 : i32
      %lt3A_4497 = arith.cmpi slt, %select_n3A_4490, %lt3A_4496 : i32
      %ne3A_4498 = arith.xori %lt3A_4495, %lt3A_4497 : i1
      %and3A_4499 = arith.andi %ne3A_4498, %ne3A_4493 : i1
      %add3A_4500 = arith.addi %rem3A_4491, %select_n3A_4490 : i32
      %select_n3A_4501 = arith.select %and3A_4499, %add3A_4500, %rem3A_4491 : i32
      %mul3A_4502 = arith.constant 64 : i32
      %mul3A_4503 = arith.muli %select_n3A_4501, %mul3A_4502 : i32
      %dma_start3A_4504 = arith.constant 2 : i32
      %dma_start3A_4505 = tpu.memref_slice %arg14[%dma_start3A_4504, %mul3A_4503] : memref<3x128xi32, #tpu.memory_space<vmem>> -> memref<1x64xi32, #tpu.memory_space<vmem>>
      %dma_start3A_4506 = tpu.memref_squeeze %dma_start3A_4505 : memref<1x64xi32, #tpu.memory_space<vmem>> -> memref<64xi32, #tpu.memory_space<vmem>>
      %dma_start3A_4507 = arith.constant 0 : i32
      %dma_start3A_4508 = arith.constant 0 : i32
      %dma_start3A_4509 = tpu.memref_slice %arg9[%dma_start3A_4507, %dma_start3A_4508] : memref<1000x128xf32, #tpu.memory_space<vmem_shared>> -> memref<1000x128xf32, #tpu.memory_space<vmem_shared>>
      tpu.enqueue_indirect_dma source(%dma_start3A_4509 : memref<1000x128xf32, #tpu.memory_space<vmem_shared>>) target(%arg26 : memref<64x128xf32, #tpu.memory_space<vmem>>) offsets(%dma_start3A_4506 : memref<64xi32, #tpu.memory_space<vmem>>) semaphore(%arg38 : memref<!tpu.dma_semaphore, #tpu.memory_space<semaphore_mem>>)
      %scan3A_4510 = arith.constant 0 : i32
      scf.yield %scan3A_4510 : i32
    }
    %scan3A_781 = arith.constant 24 : i32
    %jit3A_782 = arith.constant 96 : i32
    %jit3A_783 = arith.constant 2 : i32
    %eq3A_784 = arith.constant 0 : i32
    %eq3A_785 = arith.cmpi eq, %jit3A_783, %eq3A_784 : i32
    %jit3A_786 = arith.constant 1 : i32
    %select_n3A_787 = arith.select %eq3A_785, %jit3A_786, %jit3A_783 : i32
    %rem3A_788 = arith.remsi %jit3A_782, %select_n3A_787 : i32
    %ne3A_789 = arith.constant 0 : i32
    %ne3A_790 = arith.cmpi ne, %rem3A_788, %ne3A_789 : i32
    %lt3A_791 = arith.constant 0 : i32
    %lt3A_792 = arith.cmpi slt, %rem3A_788, %lt3A_791 : i32
    %lt3A_793 = arith.constant 0 : i32
    %lt3A_794 = arith.cmpi slt, %select_n3A_787, %lt3A_793 : i32
    %ne3A_795 = arith.xori %lt3A_792, %lt3A_794 : i1
    %and3A_796 = arith.andi %ne3A_795, %ne3A_790 : i1
    %add3A_797 = arith.addi %rem3A_788, %select_n3A_787 : i32
    %select_n3A_798 = arith.select %and3A_796, %add3A_797, %rem3A_788 : i32
    %mul3A_799 = arith.constant 64 : i32
    %mul3A_800 = arith.muli %select_n3A_798, %mul3A_799 : i32
    %dma_wait3A_801 = arith.constant 0 : i32
    %dma_wait3A_802 = tpu.memref_slice %arg11[%dma_wait3A_801, %mul3A_800] : memref<3x128xi32, #tpu.memory_space<vmem>> -> memref<1x64xi32, #tpu.memory_space<vmem>>
    %dma_wait3A_803 = tpu.memref_squeeze %dma_wait3A_802 : memref<1x64xi32, #tpu.memory_space<vmem>> -> memref<64xi32, #tpu.memory_space<vmem>>
    %dma_wait3A_804 = arith.constant 0 : i32
    %dma_wait3A_805 = arith.constant 0 : i32
    %dma_wait3A_806 = tpu.memref_slice %arg7[%dma_wait3A_804, %dma_wait3A_805] : memref<1000x128xf32, #tpu.memory_space<vmem_shared>> -> memref<1000x128xf32, #tpu.memory_space<vmem_shared>>
    tpu.wait_indirect_dma semaphore(%arg27 : memref<!tpu.dma_semaphore, #tpu.memory_space<semaphore_mem>>) src(%dma_wait3A_806 : memref<1000x128xf32, #tpu.memory_space<vmem_shared>>) dst(%arg15 : memref<64x128xf32, #tpu.memory_space<vmem>>)
    %jit3A_807 = arith.constant 96 : i32
    %jit3A_808 = arith.constant 2 : i32
    %eq3A_809 = arith.constant 0 : i32
    %eq3A_810 = arith.cmpi eq, %jit3A_808, %eq3A_809 : i32
    %jit3A_811 = arith.constant 1 : i32
    %select_n3A_812 = arith.select %eq3A_810, %jit3A_811, %jit3A_808 : i32
    %rem3A_813 = arith.remsi %jit3A_807, %select_n3A_812 : i32
    %ne3A_814 = arith.constant 0 : i32
    %ne3A_815 = arith.cmpi ne, %rem3A_813, %ne3A_814 : i32
    %lt3A_816 = arith.constant 0 : i32
    %lt3A_817 = arith.cmpi slt, %rem3A_813, %lt3A_816 : i32
    %lt3A_818 = arith.constant 0 : i32
    %lt3A_819 = arith.cmpi slt, %select_n3A_812, %lt3A_818 : i32
    %ne3A_820 = arith.xori %lt3A_817, %lt3A_819 : i1
    %and3A_821 = arith.andi %ne3A_820, %ne3A_815 : i1
    %add3A_822 = arith.addi %rem3A_813, %select_n3A_812 : i32
    %select_n3A_823 = arith.select %and3A_821, %add3A_822, %rem3A_813 : i32
    %mul3A_824 = arith.constant 64 : i32
    %mul3A_825 = arith.muli %select_n3A_823, %mul3A_824 : i32
    %dma_wait3A_826 = arith.constant 1 : i32
    %dma_wait3A_827 = tpu.memref_slice %arg11[%dma_wait3A_826, %mul3A_825] : memref<3x128xi32, #tpu.memory_space<vmem>> -> memref<1x64xi32, #tpu.memory_space<vmem>>
    %dma_wait3A_828 = tpu.memref_squeeze %dma_wait3A_827 : memref<1x64xi32, #tpu.memory_space<vmem>> -> memref<64xi32, #tpu.memory_space<vmem>>
    %dma_wait3A_829 = arith.constant 0 : i32
    %dma_wait3A_830 = arith.constant 0 : i32
    %dma_wait3A_831 = tpu.memref_slice %arg8[%dma_wait3A_829, %dma_wait3A_830] : memref<1000x128xf32, #tpu.memory_space<vmem_shared>> -> memref<1000x128xf32, #tpu.memory_space<vmem_shared>>
    tpu.wait_indirect_dma semaphore(%arg31 : memref<!tpu.dma_semaphore, #tpu.memory_space<semaphore_mem>>) src(%dma_wait3A_831 : memref<1000x128xf32, #tpu.memory_space<vmem_shared>>) dst(%arg19 : memref<64x128xf32, #tpu.memory_space<vmem>>)
    %jit3A_832 = arith.constant 96 : i32
    %jit3A_833 = arith.constant 2 : i32
    %eq3A_834 = arith.constant 0 : i32
    %eq3A_835 = arith.cmpi eq, %jit3A_833, %eq3A_834 : i32
    %jit3A_836 = arith.constant 1 : i32
    %select_n3A_837 = arith.select %eq3A_835, %jit3A_836, %jit3A_833 : i32
    %rem3A_838 = arith.remsi %jit3A_832, %select_n3A_837 : i32
    %ne3A_839 = arith.constant 0 : i32
    %ne3A_840 = arith.cmpi ne, %rem3A_838, %ne3A_839 : i32
    %lt3A_841 = arith.constant 0 : i32
    %lt3A_842 = arith.cmpi slt, %rem3A_838, %lt3A_841 : i32
    %lt3A_843 = arith.constant 0 : i32
    %lt3A_844 = arith.cmpi slt, %select_n3A_837, %lt3A_843 : i32
    %ne3A_845 = arith.xori %lt3A_842, %lt3A_844 : i1
    %and3A_846 = arith.andi %ne3A_845, %ne3A_840 : i1
    %add3A_847 = arith.addi %rem3A_838, %select_n3A_837 : i32
    %select_n3A_848 = arith.select %and3A_846, %add3A_847, %rem3A_838 : i32
    %mul3A_849 = arith.constant 64 : i32
    %mul3A_850 = arith.muli %select_n3A_848, %mul3A_849 : i32
    %dma_wait3A_851 = arith.constant 2 : i32
    %dma_wait3A_852 = tpu.memref_slice %arg11[%dma_wait3A_851, %mul3A_850] : memref<3x128xi32, #tpu.memory_space<vmem>> -> memref<1x64xi32, #tpu.memory_space<vmem>>
    %dma_wait3A_853 = tpu.memref_squeeze %dma_wait3A_852 : memref<1x64xi32, #tpu.memory_space<vmem>> -> memref<64xi32, #tpu.memory_space<vmem>>
    %dma_wait3A_854 = arith.constant 0 : i32
    %dma_wait3A_855 = arith.constant 0 : i32
    %dma_wait3A_856 = tpu.memref_slice %arg9[%dma_wait3A_854, %dma_wait3A_855] : memref<1000x128xf32, #tpu.memory_space<vmem_shared>> -> memref<1000x128xf32, #tpu.memory_space<vmem_shared>>
    tpu.wait_indirect_dma semaphore(%arg35 : memref<!tpu.dma_semaphore, #tpu.memory_space<semaphore_mem>>) src(%dma_wait3A_856 : memref<1000x128xf32, #tpu.memory_space<vmem_shared>>) dst(%arg23 : memref<64x128xf32, #tpu.memory_space<vmem>>)
    %jit3A_857 = arith.constant 96 : i32
    %jit3A_858 = arith.constant 2 : i32
    %div3A_859 = arith.divsi %jit3A_857, %jit3A_858 : i32
    %sign3A_860 = arith.constant 0 : i32
    %sign3A_861 = arith.cmpi sgt, %jit3A_857, %sign3A_860 : i32
    %sign3A_862 = arith.extui %sign3A_861 : i1 to i32
    %sign3A_863 = arith.constant 0 : i32
    %sign3A_864 = arith.cmpi slt, %jit3A_857, %sign3A_863 : i32
    %sign3A_865 = arith.extui %sign3A_864 : i1 to i32
    %sign3A_866 = arith.subi %sign3A_862, %sign3A_865 : i32
    %sign3A_867 = arith.constant 0 : i32
    %sign3A_868 = arith.cmpi sgt, %jit3A_858, %sign3A_867 : i32
    %sign3A_869 = arith.extui %sign3A_868 : i1 to i32
    %sign3A_870 = arith.constant 0 : i32
    %sign3A_871 = arith.cmpi slt, %jit3A_858, %sign3A_870 : i32
    %sign3A_872 = arith.extui %sign3A_871 : i1 to i32
    %sign3A_873 = arith.subi %sign3A_869, %sign3A_872 : i32
    %ne3A_874 = arith.cmpi ne, %sign3A_866, %sign3A_873 : i32
    %rem3A_875 = arith.remsi %jit3A_857, %jit3A_858 : i32
    %ne3A_876 = arith.constant 0 : i32
    %ne3A_877 = arith.cmpi ne, %rem3A_875, %ne3A_876 : i32
    %and3A_878 = arith.andi %ne3A_874, %ne3A_877 : i1
    %sub3A_879 = arith.constant 1 : i32
    %sub3A_880 = arith.subi %div3A_859, %sub3A_879 : i32
    %select_n3A_881 = arith.select %and3A_878, %sub3A_880, %div3A_859 : i32
    %jit3A_882 = arith.constant 96 : i32
    %jit3A_883 = arith.constant 2 : i32
    %eq3A_884 = arith.constant 0 : i32
    %eq3A_885 = arith.cmpi eq, %jit3A_883, %eq3A_884 : i32
    %jit3A_886 = arith.constant 1 : i32
    %select_n3A_887 = arith.select %eq3A_885, %jit3A_886, %jit3A_883 : i32
    %rem3A_888 = arith.remsi %jit3A_882, %select_n3A_887 : i32
    %ne3A_889 = arith.constant 0 : i32
    %ne3A_890 = arith.cmpi ne, %rem3A_888, %ne3A_889 : i32
    %lt3A_891 = arith.constant 0 : i32
    %lt3A_892 = arith.cmpi slt, %rem3A_888, %lt3A_891 : i32
    %lt3A_893 = arith.constant 0 : i32
    %lt3A_894 = arith.cmpi slt, %select_n3A_887, %lt3A_893 : i32
    %ne3A_895 = arith.xori %lt3A_892, %lt3A_894 : i1
    %and3A_896 = arith.andi %ne3A_895, %ne3A_890 : i1
    %add3A_897 = arith.addi %rem3A_888, %select_n3A_887 : i32
    %select_n3A_898 = arith.select %and3A_896, %add3A_897, %rem3A_888 : i32
    %mul3A_899 = arith.constant 64 : i32
    %mul3A_900 = arith.muli %select_n3A_898, %mul3A_899 : i32
    %add3A_901 = arith.addi %mul3A_2, %mul3A_900 : i32
    %dma_start3A_902 = arith.constant 0 : i32
    %dma_start3A_903 = tpu.memref_slice %arg6[%select_n3A_881, %add3A_901, %dma_start3A_902] : memref<50x4096x384xf32, #tpu.memory_space<hbm>> -> memref<1x64x128xf32, #tpu.memory_space<hbm>>
    %dma_start3A_904 = tpu.memref_squeeze %dma_start3A_903 : memref<1x64x128xf32, #tpu.memory_space<hbm>> -> memref<64x128xf32, #tpu.memory_space<hbm>>
    %dma_start3A_905 = arith.constant 0 : i32
    %dma_start3A_906 = tpu.memref_slice %arg6[%select_n3A_881, %add3A_901, %dma_start3A_905] : memref<50x4096x384xf32, #tpu.memory_space<hbm>> -> memref<1x64x128xf32, #tpu.memory_space<hbm>>
    %dma_start3A_907 = tpu.memref_squeeze %dma_start3A_906 : memref<1x64x128xf32, #tpu.memory_space<hbm>> -> memref<64x128xf32, #tpu.memory_space<hbm>>
    tpu.enqueue_dma source(%arg15 : memref<64x128xf32, #tpu.memory_space<vmem>>) target(%dma_start3A_907 : memref<64x128xf32, #tpu.memory_space<hbm>>) target_semaphore(%arg39 : memref<!tpu.dma_semaphore, #tpu.memory_space<semaphore_mem>>)
    %jit3A_908 = arith.constant 96 : i32
    %jit3A_909 = arith.constant 2 : i32
    %div3A_910 = arith.divsi %jit3A_908, %jit3A_909 : i32
    %sign3A_911 = arith.constant 0 : i32
    %sign3A_912 = arith.cmpi sgt, %jit3A_908, %sign3A_911 : i32
    %sign3A_913 = arith.extui %sign3A_912 : i1 to i32
    %sign3A_914 = arith.constant 0 : i32
    %sign3A_915 = arith.cmpi slt, %jit3A_908, %sign3A_914 : i32
    %sign3A_916 = arith.extui %sign3A_915 : i1 to i32
    %sign3A_917 = arith.subi %sign3A_913, %sign3A_916 : i32
    %sign3A_918 = arith.constant 0 : i32
    %sign3A_919 = arith.cmpi sgt, %jit3A_909, %sign3A_918 : i32
    %sign3A_920 = arith.extui %sign3A_919 : i1 to i32
    %sign3A_921 = arith.constant 0 : i32
    %sign3A_922 = arith.cmpi slt, %jit3A_909, %sign3A_921 : i32
    %sign3A_923 = arith.extui %sign3A_922 : i1 to i32
    %sign3A_924 = arith.subi %sign3A_920, %sign3A_923 : i32
    %ne3A_925 = arith.cmpi ne, %sign3A_917, %sign3A_924 : i32
    %rem3A_926 = arith.remsi %jit3A_908, %jit3A_909 : i32
    %ne3A_927 = arith.constant 0 : i32
    %ne3A_928 = arith.cmpi ne, %rem3A_926, %ne3A_927 : i32
    %and3A_929 = arith.andi %ne3A_925, %ne3A_928 : i1
    %sub3A_930 = arith.constant 1 : i32
    %sub3A_931 = arith.subi %div3A_910, %sub3A_930 : i32
    %select_n3A_932 = arith.select %and3A_929, %sub3A_931, %div3A_910 : i32
    %jit3A_933 = arith.constant 96 : i32
    %jit3A_934 = arith.constant 2 : i32
    %eq3A_935 = arith.constant 0 : i32
    %eq3A_936 = arith.cmpi eq, %jit3A_934, %eq3A_935 : i32
    %jit3A_937 = arith.constant 1 : i32
    %select_n3A_938 = arith.select %eq3A_936, %jit3A_937, %jit3A_934 : i32
    %rem3A_939 = arith.remsi %jit3A_933, %select_n3A_938 : i32
    %ne3A_940 = arith.constant 0 : i32
    %ne3A_941 = arith.cmpi ne, %rem3A_939, %ne3A_940 : i32
    %lt3A_942 = arith.constant 0 : i32
    %lt3A_943 = arith.cmpi slt, %rem3A_939, %lt3A_942 : i32
    %lt3A_944 = arith.constant 0 : i32
    %lt3A_945 = arith.cmpi slt, %select_n3A_938, %lt3A_944 : i32
    %ne3A_946 = arith.xori %lt3A_943, %lt3A_945 : i1
    %and3A_947 = arith.andi %ne3A_946, %ne3A_941 : i1
    %add3A_948 = arith.addi %rem3A_939, %select_n3A_938 : i32
    %select_n3A_949 = arith.select %and3A_947, %add3A_948, %rem3A_939 : i32
    %mul3A_950 = arith.constant 64 : i32
    %mul3A_951 = arith.muli %select_n3A_949, %mul3A_950 : i32
    %add3A_952 = arith.addi %mul3A_2, %mul3A_951 : i32
    %dma_start3A_953 = arith.constant 128 : i32
    %dma_start3A_954 = tpu.memref_slice %arg6[%select_n3A_932, %add3A_952, %dma_start3A_953] : memref<50x4096x384xf32, #tpu.memory_space<hbm>> -> memref<1x64x128xf32, #tpu.memory_space<hbm>>
    %dma_start3A_955 = tpu.memref_squeeze %dma_start3A_954 : memref<1x64x128xf32, #tpu.memory_space<hbm>> -> memref<64x128xf32, #tpu.memory_space<hbm>>
    %dma_start3A_956 = arith.constant 128 : i32
    %dma_start3A_957 = tpu.memref_slice %arg6[%select_n3A_932, %add3A_952, %dma_start3A_956] : memref<50x4096x384xf32, #tpu.memory_space<hbm>> -> memref<1x64x128xf32, #tpu.memory_space<hbm>>
    %dma_start3A_958 = tpu.memref_squeeze %dma_start3A_957 : memref<1x64x128xf32, #tpu.memory_space<hbm>> -> memref<64x128xf32, #tpu.memory_space<hbm>>
    tpu.enqueue_dma source(%arg19 : memref<64x128xf32, #tpu.memory_space<vmem>>) target(%dma_start3A_958 : memref<64x128xf32, #tpu.memory_space<hbm>>) target_semaphore(%arg43 : memref<!tpu.dma_semaphore, #tpu.memory_space<semaphore_mem>>)
    %jit3A_959 = arith.constant 96 : i32
    %jit3A_960 = arith.constant 2 : i32
    %div3A_961 = arith.divsi %jit3A_959, %jit3A_960 : i32
    %sign3A_962 = arith.constant 0 : i32
    %sign3A_963 = arith.cmpi sgt, %jit3A_959, %sign3A_962 : i32
    %sign3A_964 = arith.extui %sign3A_963 : i1 to i32
    %sign3A_965 = arith.constant 0 : i32
    %sign3A_966 = arith.cmpi slt, %jit3A_959, %sign3A_965 : i32
    %sign3A_967 = arith.extui %sign3A_966 : i1 to i32
    %sign3A_968 = arith.subi %sign3A_964, %sign3A_967 : i32
    %sign3A_969 = arith.constant 0 : i32
    %sign3A_970 = arith.cmpi sgt, %jit3A_960, %sign3A_969 : i32
    %sign3A_971 = arith.extui %sign3A_970 : i1 to i32
    %sign3A_972 = arith.constant 0 : i32
    %sign3A_973 = arith.cmpi slt, %jit3A_960, %sign3A_972 : i32
    %sign3A_974 = arith.extui %sign3A_973 : i1 to i32
    %sign3A_975 = arith.subi %sign3A_971, %sign3A_974 : i32
    %ne3A_976 = arith.cmpi ne, %sign3A_968, %sign3A_975 : i32
    %rem3A_977 = arith.remsi %jit3A_959, %jit3A_960 : i32
    %ne3A_978 = arith.constant 0 : i32
    %ne3A_979 = arith.cmpi ne, %rem3A_977, %ne3A_978 : i32
    %and3A_980 = arith.andi %ne3A_976, %ne3A_979 : i1
    %sub3A_981 = arith.constant 1 : i32
    %sub3A_982 = arith.subi %div3A_961, %sub3A_981 : i32
    %select_n3A_983 = arith.select %and3A_980, %sub3A_982, %div3A_961 : i32
    %jit3A_984 = arith.constant 96 : i32
    %jit3A_985 = arith.constant 2 : i32
    %eq3A_986 = arith.constant 0 : i32
    %eq3A_987 = arith.cmpi eq, %jit3A_985, %eq3A_986 : i32
    %jit3A_988 = arith.constant 1 : i32
    %select_n3A_989 = arith.select %eq3A_987, %jit3A_988, %jit3A_985 : i32
    %rem3A_990 = arith.remsi %jit3A_984, %select_n3A_989 : i32
    %ne3A_991 = arith.constant 0 : i32
    %ne3A_992 = arith.cmpi ne, %rem3A_990, %ne3A_991 : i32
    %lt3A_993 = arith.constant 0 : i32
    %lt3A_994 = arith.cmpi slt, %rem3A_990, %lt3A_993 : i32
    %lt3A_995 = arith.constant 0 : i32
    %lt3A_996 = arith.cmpi slt, %select_n3A_989, %lt3A_995 : i32
    %ne3A_997 = arith.xori %lt3A_994, %lt3A_996 : i1
    %and3A_998 = arith.andi %ne3A_997, %ne3A_992 : i1
    %add3A_999 = arith.addi %rem3A_990, %select_n3A_989 : i32
    %select_n3A_1000 = arith.select %and3A_998, %add3A_999, %rem3A_990 : i32
    %mul3A_1001 = arith.constant 64 : i32
    %mul3A_1002 = arith.muli %select_n3A_1000, %mul3A_1001 : i32
    %add3A_1003 = arith.addi %mul3A_2, %mul3A_1002 : i32
    %dma_start3A_1004 = arith.constant 256 : i32
    %dma_start3A_1005 = tpu.memref_slice %arg6[%select_n3A_983, %add3A_1003, %dma_start3A_1004] : memref<50x4096x384xf32, #tpu.memory_space<hbm>> -> memref<1x64x128xf32, #tpu.memory_space<hbm>>
    %dma_start3A_1006 = tpu.memref_squeeze %dma_start3A_1005 : memref<1x64x128xf32, #tpu.memory_space<hbm>> -> memref<64x128xf32, #tpu.memory_space<hbm>>
    %dma_start3A_1007 = arith.constant 256 : i32
    %dma_start3A_1008 = tpu.memref_slice %arg6[%select_n3A_983, %add3A_1003, %dma_start3A_1007] : memref<50x4096x384xf32, #tpu.memory_space<hbm>> -> memref<1x64x128xf32, #tpu.memory_space<hbm>>
    %dma_start3A_1009 = tpu.memref_squeeze %dma_start3A_1008 : memref<1x64x128xf32, #tpu.memory_space<hbm>> -> memref<64x128xf32, #tpu.memory_space<hbm>>
    tpu.enqueue_dma source(%arg23 : memref<64x128xf32, #tpu.memory_space<vmem>>) target(%dma_start3A_1009 : memref<64x128xf32, #tpu.memory_space<hbm>>) target_semaphore(%arg47 : memref<!tpu.dma_semaphore, #tpu.memory_space<semaphore_mem>>)
    %jit3A_1010 = arith.constant 97 : i32
    %jit3A_1011 = arith.constant 2 : i32
    %eq3A_1012 = arith.constant 0 : i32
    %eq3A_1013 = arith.cmpi eq, %jit3A_1011, %eq3A_1012 : i32
    %jit3A_1014 = arith.constant 1 : i32
    %select_n3A_1015 = arith.select %eq3A_1013, %jit3A_1014, %jit3A_1011 : i32
    %rem3A_1016 = arith.remsi %jit3A_1010, %select_n3A_1015 : i32
    %ne3A_1017 = arith.constant 0 : i32
    %ne3A_1018 = arith.cmpi ne, %rem3A_1016, %ne3A_1017 : i32
    %lt3A_1019 = arith.constant 0 : i32
    %lt3A_1020 = arith.cmpi slt, %rem3A_1016, %lt3A_1019 : i32
    %lt3A_1021 = arith.constant 0 : i32
    %lt3A_1022 = arith.cmpi slt, %select_n3A_1015, %lt3A_1021 : i32
    %ne3A_1023 = arith.xori %lt3A_1020, %lt3A_1022 : i1
    %and3A_1024 = arith.andi %ne3A_1023, %ne3A_1018 : i1
    %add3A_1025 = arith.addi %rem3A_1016, %select_n3A_1015 : i32
    %select_n3A_1026 = arith.select %and3A_1024, %add3A_1025, %rem3A_1016 : i32
    %mul3A_1027 = arith.constant 64 : i32
    %mul3A_1028 = arith.muli %select_n3A_1026, %mul3A_1027 : i32
    %dma_wait3A_1029 = arith.constant 0 : i32
    %dma_wait3A_1030 = tpu.memref_slice %arg12[%dma_wait3A_1029, %mul3A_1028] : memref<3x128xi32, #tpu.memory_space<vmem>> -> memref<1x64xi32, #tpu.memory_space<vmem>>
    %dma_wait3A_1031 = tpu.memref_squeeze %dma_wait3A_1030 : memref<1x64xi32, #tpu.memory_space<vmem>> -> memref<64xi32, #tpu.memory_space<vmem>>
    %dma_wait3A_1032 = arith.constant 0 : i32
    %dma_wait3A_1033 = arith.constant 0 : i32
    %dma_wait3A_1034 = tpu.memref_slice %arg7[%dma_wait3A_1032, %dma_wait3A_1033] : memref<1000x128xf32, #tpu.memory_space<vmem_shared>> -> memref<1000x128xf32, #tpu.memory_space<vmem_shared>>
    tpu.wait_indirect_dma semaphore(%arg28 : memref<!tpu.dma_semaphore, #tpu.memory_space<semaphore_mem>>) src(%dma_wait3A_1034 : memref<1000x128xf32, #tpu.memory_space<vmem_shared>>) dst(%arg16 : memref<64x128xf32, #tpu.memory_space<vmem>>)
    %jit3A_1035 = arith.constant 97 : i32
    %jit3A_1036 = arith.constant 2 : i32
    %eq3A_1037 = arith.constant 0 : i32
    %eq3A_1038 = arith.cmpi eq, %jit3A_1036, %eq3A_1037 : i32
    %jit3A_1039 = arith.constant 1 : i32
    %select_n3A_1040 = arith.select %eq3A_1038, %jit3A_1039, %jit3A_1036 : i32
    %rem3A_1041 = arith.remsi %jit3A_1035, %select_n3A_1040 : i32
    %ne3A_1042 = arith.constant 0 : i32
    %ne3A_1043 = arith.cmpi ne, %rem3A_1041, %ne3A_1042 : i32
    %lt3A_1044 = arith.constant 0 : i32
    %lt3A_1045 = arith.cmpi slt, %rem3A_1041, %lt3A_1044 : i32
    %lt3A_1046 = arith.constant 0 : i32
    %lt3A_1047 = arith.cmpi slt, %select_n3A_1040, %lt3A_1046 : i32
    %ne3A_1048 = arith.xori %lt3A_1045, %lt3A_1047 : i1
    %and3A_1049 = arith.andi %ne3A_1048, %ne3A_1043 : i1
    %add3A_1050 = arith.addi %rem3A_1041, %select_n3A_1040 : i32
    %select_n3A_1051 = arith.select %and3A_1049, %add3A_1050, %rem3A_1041 : i32
    %mul3A_1052 = arith.constant 64 : i32
    %mul3A_1053 = arith.muli %select_n3A_1051, %mul3A_1052 : i32
    %dma_wait3A_1054 = arith.constant 1 : i32
    %dma_wait3A_1055 = tpu.memref_slice %arg12[%dma_wait3A_1054, %mul3A_1053] : memref<3x128xi32, #tpu.memory_space<vmem>> -> memref<1x64xi32, #tpu.memory_space<vmem>>
    %dma_wait3A_1056 = tpu.memref_squeeze %dma_wait3A_1055 : memref<1x64xi32, #tpu.memory_space<vmem>> -> memref<64xi32, #tpu.memory_space<vmem>>
    %dma_wait3A_1057 = arith.constant 0 : i32
    %dma_wait3A_1058 = arith.constant 0 : i32
    %dma_wait3A_1059 = tpu.memref_slice %arg8[%dma_wait3A_1057, %dma_wait3A_1058] : memref<1000x128xf32, #tpu.memory_space<vmem_shared>> -> memref<1000x128xf32, #tpu.memory_space<vmem_shared>>
    tpu.wait_indirect_dma semaphore(%arg32 : memref<!tpu.dma_semaphore, #tpu.memory_space<semaphore_mem>>) src(%dma_wait3A_1059 : memref<1000x128xf32, #tpu.memory_space<vmem_shared>>) dst(%arg20 : memref<64x128xf32, #tpu.memory_space<vmem>>)
    %jit3A_1060 = arith.constant 97 : i32
    %jit3A_1061 = arith.constant 2 : i32
    %eq3A_1062 = arith.constant 0 : i32
    %eq3A_1063 = arith.cmpi eq, %jit3A_1061, %eq3A_1062 : i32
    %jit3A_1064 = arith.constant 1 : i32
    %select_n3A_1065 = arith.select %eq3A_1063, %jit3A_1064, %jit3A_1061 : i32
    %rem3A_1066 = arith.remsi %jit3A_1060, %select_n3A_1065 : i32
    %ne3A_1067 = arith.constant 0 : i32
    %ne3A_1068 = arith.cmpi ne, %rem3A_1066, %ne3A_1067 : i32
    %lt3A_1069 = arith.constant 0 : i32
    %lt3A_1070 = arith.cmpi slt, %rem3A_1066, %lt3A_1069 : i32
    %lt3A_1071 = arith.constant 0 : i32
    %lt3A_1072 = arith.cmpi slt, %select_n3A_1065, %lt3A_1071 : i32
    %ne3A_1073 = arith.xori %lt3A_1070, %lt3A_1072 : i1
    %and3A_1074 = arith.andi %ne3A_1073, %ne3A_1068 : i1
    %add3A_1075 = arith.addi %rem3A_1066, %select_n3A_1065 : i32
    %select_n3A_1076 = arith.select %and3A_1074, %add3A_1075, %rem3A_1066 : i32
    %mul3A_1077 = arith.constant 64 : i32
    %mul3A_1078 = arith.muli %select_n3A_1076, %mul3A_1077 : i32
    %dma_wait3A_1079 = arith.constant 2 : i32
    %dma_wait3A_1080 = tpu.memref_slice %arg12[%dma_wait3A_1079, %mul3A_1078] : memref<3x128xi32, #tpu.memory_space<vmem>> -> memref<1x64xi32, #tpu.memory_space<vmem>>
    %dma_wait3A_1081 = tpu.memref_squeeze %dma_wait3A_1080 : memref<1x64xi32, #tpu.memory_space<vmem>> -> memref<64xi32, #tpu.memory_space<vmem>>
    %dma_wait3A_1082 = arith.constant 0 : i32
    %dma_wait3A_1083 = arith.constant 0 : i32
    %dma_wait3A_1084 = tpu.memref_slice %arg9[%dma_wait3A_1082, %dma_wait3A_1083] : memref<1000x128xf32, #tpu.memory_space<vmem_shared>> -> memref<1000x128xf32, #tpu.memory_space<vmem_shared>>
    tpu.wait_indirect_dma semaphore(%arg36 : memref<!tpu.dma_semaphore, #tpu.memory_space<semaphore_mem>>) src(%dma_wait3A_1084 : memref<1000x128xf32, #tpu.memory_space<vmem_shared>>) dst(%arg24 : memref<64x128xf32, #tpu.memory_space<vmem>>)
    %jit3A_1085 = arith.constant 97 : i32
    %jit3A_1086 = arith.constant 2 : i32
    %div3A_1087 = arith.divsi %jit3A_1085, %jit3A_1086 : i32
    %sign3A_1088 = arith.constant 0 : i32
    %sign3A_1089 = arith.cmpi sgt, %jit3A_1085, %sign3A_1088 : i32
    %sign3A_1090 = arith.extui %sign3A_1089 : i1 to i32
    %sign3A_1091 = arith.constant 0 : i32
    %sign3A_1092 = arith.cmpi slt, %jit3A_1085, %sign3A_1091 : i32
    %sign3A_1093 = arith.extui %sign3A_1092 : i1 to i32
    %sign3A_1094 = arith.subi %sign3A_1090, %sign3A_1093 : i32
    %sign3A_1095 = arith.constant 0 : i32
    %sign3A_1096 = arith.cmpi sgt, %jit3A_1086, %sign3A_1095 : i32
    %sign3A_1097 = arith.extui %sign3A_1096 : i1 to i32
    %sign3A_1098 = arith.constant 0 : i32
    %sign3A_1099 = arith.cmpi slt, %jit3A_1086, %sign3A_1098 : i32
    %sign3A_1100 = arith.extui %sign3A_1099 : i1 to i32
    %sign3A_1101 = arith.subi %sign3A_1097, %sign3A_1100 : i32
    %ne3A_1102 = arith.cmpi ne, %sign3A_1094, %sign3A_1101 : i32
    %rem3A_1103 = arith.remsi %jit3A_1085, %jit3A_1086 : i32
    %ne3A_1104 = arith.constant 0 : i32
    %ne3A_1105 = arith.cmpi ne, %rem3A_1103, %ne3A_1104 : i32
    %and3A_1106 = arith.andi %ne3A_1102, %ne3A_1105 : i1
    %sub3A_1107 = arith.constant 1 : i32
    %sub3A_1108 = arith.subi %div3A_1087, %sub3A_1107 : i32
    %select_n3A_1109 = arith.select %and3A_1106, %sub3A_1108, %div3A_1087 : i32
    %jit3A_1110 = arith.constant 97 : i32
    %jit3A_1111 = arith.constant 2 : i32
    %eq3A_1112 = arith.constant 0 : i32
    %eq3A_1113 = arith.cmpi eq, %jit3A_1111, %eq3A_1112 : i32
    %jit3A_1114 = arith.constant 1 : i32
    %select_n3A_1115 = arith.select %eq3A_1113, %jit3A_1114, %jit3A_1111 : i32
    %rem3A_1116 = arith.remsi %jit3A_1110, %select_n3A_1115 : i32
    %ne3A_1117 = arith.constant 0 : i32
    %ne3A_1118 = arith.cmpi ne, %rem3A_1116, %ne3A_1117 : i32
    %lt3A_1119 = arith.constant 0 : i32
    %lt3A_1120 = arith.cmpi slt, %rem3A_1116, %lt3A_1119 : i32
    %lt3A_1121 = arith.constant 0 : i32
    %lt3A_1122 = arith.cmpi slt, %select_n3A_1115, %lt3A_1121 : i32
    %ne3A_1123 = arith.xori %lt3A_1120, %lt3A_1122 : i1
    %and3A_1124 = arith.andi %ne3A_1123, %ne3A_1118 : i1
    %add3A_1125 = arith.addi %rem3A_1116, %select_n3A_1115 : i32
    %select_n3A_1126 = arith.select %and3A_1124, %add3A_1125, %rem3A_1116 : i32
    %mul3A_1127 = arith.constant 64 : i32
    %mul3A_1128 = arith.muli %select_n3A_1126, %mul3A_1127 : i32
    %add3A_1129 = arith.addi %mul3A_2, %mul3A_1128 : i32
    %dma_start3A_1130 = arith.constant 0 : i32
    %dma_start3A_1131 = tpu.memref_slice %arg6[%select_n3A_1109, %add3A_1129, %dma_start3A_1130] : memref<50x4096x384xf32, #tpu.memory_space<hbm>> -> memref<1x64x128xf32, #tpu.memory_space<hbm>>
    %dma_start3A_1132 = tpu.memref_squeeze %dma_start3A_1131 : memref<1x64x128xf32, #tpu.memory_space<hbm>> -> memref<64x128xf32, #tpu.memory_space<hbm>>
    %dma_start3A_1133 = arith.constant 0 : i32
    %dma_start3A_1134 = tpu.memref_slice %arg6[%select_n3A_1109, %add3A_1129, %dma_start3A_1133] : memref<50x4096x384xf32, #tpu.memory_space<hbm>> -> memref<1x64x128xf32, #tpu.memory_space<hbm>>
    %dma_start3A_1135 = tpu.memref_squeeze %dma_start3A_1134 : memref<1x64x128xf32, #tpu.memory_space<hbm>> -> memref<64x128xf32, #tpu.memory_space<hbm>>
    tpu.enqueue_dma source(%arg16 : memref<64x128xf32, #tpu.memory_space<vmem>>) target(%dma_start3A_1135 : memref<64x128xf32, #tpu.memory_space<hbm>>) target_semaphore(%arg40 : memref<!tpu.dma_semaphore, #tpu.memory_space<semaphore_mem>>)
    %jit3A_1136 = arith.constant 97 : i32
    %jit3A_1137 = arith.constant 2 : i32
    %div3A_1138 = arith.divsi %jit3A_1136, %jit3A_1137 : i32
    %sign3A_1139 = arith.constant 0 : i32
    %sign3A_1140 = arith.cmpi sgt, %jit3A_1136, %sign3A_1139 : i32
    %sign3A_1141 = arith.extui %sign3A_1140 : i1 to i32
    %sign3A_1142 = arith.constant 0 : i32
    %sign3A_1143 = arith.cmpi slt, %jit3A_1136, %sign3A_1142 : i32
    %sign3A_1144 = arith.extui %sign3A_1143 : i1 to i32
    %sign3A_1145 = arith.subi %sign3A_1141, %sign3A_1144 : i32
    %sign3A_1146 = arith.constant 0 : i32
    %sign3A_1147 = arith.cmpi sgt, %jit3A_1137, %sign3A_1146 : i32
    %sign3A_1148 = arith.extui %sign3A_1147 : i1 to i32
    %sign3A_1149 = arith.constant 0 : i32
    %sign3A_1150 = arith.cmpi slt, %jit3A_1137, %sign3A_1149 : i32
    %sign3A_1151 = arith.extui %sign3A_1150 : i1 to i32
    %sign3A_1152 = arith.subi %sign3A_1148, %sign3A_1151 : i32
    %ne3A_1153 = arith.cmpi ne, %sign3A_1145, %sign3A_1152 : i32
    %rem3A_1154 = arith.remsi %jit3A_1136, %jit3A_1137 : i32
    %ne3A_1155 = arith.constant 0 : i32
    %ne3A_1156 = arith.cmpi ne, %rem3A_1154, %ne3A_1155 : i32
    %and3A_1157 = arith.andi %ne3A_1153, %ne3A_1156 : i1
    %sub3A_1158 = arith.constant 1 : i32
    %sub3A_1159 = arith.subi %div3A_1138, %sub3A_1158 : i32
    %select_n3A_1160 = arith.select %and3A_1157, %sub3A_1159, %div3A_1138 : i32
    %jit3A_1161 = arith.constant 97 : i32
    %jit3A_1162 = arith.constant 2 : i32
    %eq3A_1163 = arith.constant 0 : i32
    %eq3A_1164 = arith.cmpi eq, %jit3A_1162, %eq3A_1163 : i32
    %jit3A_1165 = arith.constant 1 : i32
    %select_n3A_1166 = arith.select %eq3A_1164, %jit3A_1165, %jit3A_1162 : i32
    %rem3A_1167 = arith.remsi %jit3A_1161, %select_n3A_1166 : i32
    %ne3A_1168 = arith.constant 0 : i32
    %ne3A_1169 = arith.cmpi ne, %rem3A_1167, %ne3A_1168 : i32
    %lt3A_1170 = arith.constant 0 : i32
    %lt3A_1171 = arith.cmpi slt, %rem3A_1167, %lt3A_1170 : i32
    %lt3A_1172 = arith.constant 0 : i32
    %lt3A_1173 = arith.cmpi slt, %select_n3A_1166, %lt3A_1172 : i32
    %ne3A_1174 = arith.xori %lt3A_1171, %lt3A_1173 : i1
    %and3A_1175 = arith.andi %ne3A_1174, %ne3A_1169 : i1
    %add3A_1176 = arith.addi %rem3A_1167, %select_n3A_1166 : i32
    %select_n3A_1177 = arith.select %and3A_1175, %add3A_1176, %rem3A_1167 : i32
    %mul3A_1178 = arith.constant 64 : i32
    %mul3A_1179 = arith.muli %select_n3A_1177, %mul3A_1178 : i32
    %add3A_1180 = arith.addi %mul3A_2, %mul3A_1179 : i32
    %dma_start3A_1181 = arith.constant 128 : i32
    %dma_start3A_1182 = tpu.memref_slice %arg6[%select_n3A_1160, %add3A_1180, %dma_start3A_1181] : memref<50x4096x384xf32, #tpu.memory_space<hbm>> -> memref<1x64x128xf32, #tpu.memory_space<hbm>>
    %dma_start3A_1183 = tpu.memref_squeeze %dma_start3A_1182 : memref<1x64x128xf32, #tpu.memory_space<hbm>> -> memref<64x128xf32, #tpu.memory_space<hbm>>
    %dma_start3A_1184 = arith.constant 128 : i32
    %dma_start3A_1185 = tpu.memref_slice %arg6[%select_n3A_1160, %add3A_1180, %dma_start3A_1184] : memref<50x4096x384xf32, #tpu.memory_space<hbm>> -> memref<1x64x128xf32, #tpu.memory_space<hbm>>
    %dma_start3A_1186 = tpu.memref_squeeze %dma_start3A_1185 : memref<1x64x128xf32, #tpu.memory_space<hbm>> -> memref<64x128xf32, #tpu.memory_space<hbm>>
    tpu.enqueue_dma source(%arg20 : memref<64x128xf32, #tpu.memory_space<vmem>>) target(%dma_start3A_1186 : memref<64x128xf32, #tpu.memory_space<hbm>>) target_semaphore(%arg44 : memref<!tpu.dma_semaphore, #tpu.memory_space<semaphore_mem>>)
    %jit3A_1187 = arith.constant 97 : i32
    %jit3A_1188 = arith.constant 2 : i32
    %div3A_1189 = arith.divsi %jit3A_1187, %jit3A_1188 : i32
    %sign3A_1190 = arith.constant 0 : i32
    %sign3A_1191 = arith.cmpi sgt, %jit3A_1187, %sign3A_1190 : i32
    %sign3A_1192 = arith.extui %sign3A_1191 : i1 to i32
    %sign3A_1193 = arith.constant 0 : i32
    %sign3A_1194 = arith.cmpi slt, %jit3A_1187, %sign3A_1193 : i32
    %sign3A_1195 = arith.extui %sign3A_1194 : i1 to i32
    %sign3A_1196 = arith.subi %sign3A_1192, %sign3A_1195 : i32
    %sign3A_1197 = arith.constant 0 : i32
    %sign3A_1198 = arith.cmpi sgt, %jit3A_1188, %sign3A_1197 : i32
    %sign3A_1199 = arith.extui %sign3A_1198 : i1 to i32
    %sign3A_1200 = arith.constant 0 : i32
    %sign3A_1201 = arith.cmpi slt, %jit3A_1188, %sign3A_1200 : i32
    %sign3A_1202 = arith.extui %sign3A_1201 : i1 to i32
    %sign3A_1203 = arith.subi %sign3A_1199, %sign3A_1202 : i32
    %ne3A_1204 = arith.cmpi ne, %sign3A_1196, %sign3A_1203 : i32
    %rem3A_1205 = arith.remsi %jit3A_1187, %jit3A_1188 : i32
    %ne3A_1206 = arith.constant 0 : i32
    %ne3A_1207 = arith.cmpi ne, %rem3A_1205, %ne3A_1206 : i32
    %and3A_1208 = arith.andi %ne3A_1204, %ne3A_1207 : i1
    %sub3A_1209 = arith.constant 1 : i32
    %sub3A_1210 = arith.subi %div3A_1189, %sub3A_1209 : i32
    %select_n3A_1211 = arith.select %and3A_1208, %sub3A_1210, %div3A_1189 : i32
    %jit3A_1212 = arith.constant 97 : i32
    %jit3A_1213 = arith.constant 2 : i32
    %eq3A_1214 = arith.constant 0 : i32
    %eq3A_1215 = arith.cmpi eq, %jit3A_1213, %eq3A_1214 : i32
    %jit3A_1216 = arith.constant 1 : i32
    %select_n3A_1217 = arith.select %eq3A_1215, %jit3A_1216, %jit3A_1213 : i32
    %rem3A_1218 = arith.remsi %jit3A_1212, %select_n3A_1217 : i32
    %ne3A_1219 = arith.constant 0 : i32
    %ne3A_1220 = arith.cmpi ne, %rem3A_1218, %ne3A_1219 : i32
    %lt3A_1221 = arith.constant 0 : i32
    %lt3A_1222 = arith.cmpi slt, %rem3A_1218, %lt3A_1221 : i32
    %lt3A_1223 = arith.constant 0 : i32
    %lt3A_1224 = arith.cmpi slt, %select_n3A_1217, %lt3A_1223 : i32
    %ne3A_1225 = arith.xori %lt3A_1222, %lt3A_1224 : i1
    %and3A_1226 = arith.andi %ne3A_1225, %ne3A_1220 : i1
    %add3A_1227 = arith.addi %rem3A_1218, %select_n3A_1217 : i32
    %select_n3A_1228 = arith.select %and3A_1226, %add3A_1227, %rem3A_1218 : i32
    %mul3A_1229 = arith.constant 64 : i32
    %mul3A_1230 = arith.muli %select_n3A_1228, %mul3A_1229 : i32
    %add3A_1231 = arith.addi %mul3A_2, %mul3A_1230 : i32
    %dma_start3A_1232 = arith.constant 256 : i32
    %dma_start3A_1233 = tpu.memref_slice %arg6[%select_n3A_1211, %add3A_1231, %dma_start3A_1232] : memref<50x4096x384xf32, #tpu.memory_space<hbm>> -> memref<1x64x128xf32, #tpu.memory_space<hbm>>
    %dma_start3A_1234 = tpu.memref_squeeze %dma_start3A_1233 : memref<1x64x128xf32, #tpu.memory_space<hbm>> -> memref<64x128xf32, #tpu.memory_space<hbm>>
    %dma_start3A_1235 = arith.constant 256 : i32
    %dma_start3A_1236 = tpu.memref_slice %arg6[%select_n3A_1211, %add3A_1231, %dma_start3A_1235] : memref<50x4096x384xf32, #tpu.memory_space<hbm>> -> memref<1x64x128xf32, #tpu.memory_space<hbm>>
    %dma_start3A_1237 = tpu.memref_squeeze %dma_start3A_1236 : memref<1x64x128xf32, #tpu.memory_space<hbm>> -> memref<64x128xf32, #tpu.memory_space<hbm>>
    tpu.enqueue_dma source(%arg24 : memref<64x128xf32, #tpu.memory_space<vmem>>) target(%dma_start3A_1237 : memref<64x128xf32, #tpu.memory_space<hbm>>) target_semaphore(%arg48 : memref<!tpu.dma_semaphore, #tpu.memory_space<semaphore_mem>>)
    %jit3A_1238 = arith.constant 98 : i32
    %jit3A_1239 = arith.constant 2 : i32
    %eq3A_1240 = arith.constant 0 : i32
    %eq3A_1241 = arith.cmpi eq, %jit3A_1239, %eq3A_1240 : i32
    %jit3A_1242 = arith.constant 1 : i32
    %select_n3A_1243 = arith.select %eq3A_1241, %jit3A_1242, %jit3A_1239 : i32
    %rem3A_1244 = arith.remsi %jit3A_1238, %select_n3A_1243 : i32
    %ne3A_1245 = arith.constant 0 : i32
    %ne3A_1246 = arith.cmpi ne, %rem3A_1244, %ne3A_1245 : i32
    %lt3A_1247 = arith.constant 0 : i32
    %lt3A_1248 = arith.cmpi slt, %rem3A_1244, %lt3A_1247 : i32
    %lt3A_1249 = arith.constant 0 : i32
    %lt3A_1250 = arith.cmpi slt, %select_n3A_1243, %lt3A_1249 : i32
    %ne3A_1251 = arith.xori %lt3A_1248, %lt3A_1250 : i1
    %and3A_1252 = arith.andi %ne3A_1251, %ne3A_1246 : i1
    %add3A_1253 = arith.addi %rem3A_1244, %select_n3A_1243 : i32
    %select_n3A_1254 = arith.select %and3A_1252, %add3A_1253, %rem3A_1244 : i32
    %mul3A_1255 = arith.constant 64 : i32
    %mul3A_1256 = arith.muli %select_n3A_1254, %mul3A_1255 : i32
    %dma_wait3A_1257 = arith.constant 0 : i32
    %dma_wait3A_1258 = tpu.memref_slice %arg13[%dma_wait3A_1257, %mul3A_1256] : memref<3x128xi32, #tpu.memory_space<vmem>> -> memref<1x64xi32, #tpu.memory_space<vmem>>
    %dma_wait3A_1259 = tpu.memref_squeeze %dma_wait3A_1258 : memref<1x64xi32, #tpu.memory_space<vmem>> -> memref<64xi32, #tpu.memory_space<vmem>>
    %dma_wait3A_1260 = arith.constant 0 : i32
    %dma_wait3A_1261 = arith.constant 0 : i32
    %dma_wait3A_1262 = tpu.memref_slice %arg7[%dma_wait3A_1260, %dma_wait3A_1261] : memref<1000x128xf32, #tpu.memory_space<vmem_shared>> -> memref<1000x128xf32, #tpu.memory_space<vmem_shared>>
    tpu.wait_indirect_dma semaphore(%arg29 : memref<!tpu.dma_semaphore, #tpu.memory_space<semaphore_mem>>) src(%dma_wait3A_1262 : memref<1000x128xf32, #tpu.memory_space<vmem_shared>>) dst(%arg17 : memref<64x128xf32, #tpu.memory_space<vmem>>)
    %jit3A_1263 = arith.constant 98 : i32
    %jit3A_1264 = arith.constant 2 : i32
    %eq3A_1265 = arith.constant 0 : i32
    %eq3A_1266 = arith.cmpi eq, %jit3A_1264, %eq3A_1265 : i32
    %jit3A_1267 = arith.constant 1 : i32
    %select_n3A_1268 = arith.select %eq3A_1266, %jit3A_1267, %jit3A_1264 : i32
    %rem3A_1269 = arith.remsi %jit3A_1263, %select_n3A_1268 : i32
    %ne3A_1270 = arith.constant 0 : i32
    %ne3A_1271 = arith.cmpi ne, %rem3A_1269, %ne3A_1270 : i32
    %lt3A_1272 = arith.constant 0 : i32
    %lt3A_1273 = arith.cmpi slt, %rem3A_1269, %lt3A_1272 : i32
    %lt3A_1274 = arith.constant 0 : i32
    %lt3A_1275 = arith.cmpi slt, %select_n3A_1268, %lt3A_1274 : i32
    %ne3A_1276 = arith.xori %lt3A_1273, %lt3A_1275 : i1
    %and3A_1277 = arith.andi %ne3A_1276, %ne3A_1271 : i1
    %add3A_1278 = arith.addi %rem3A_1269, %select_n3A_1268 : i32
    %select_n3A_1279 = arith.select %and3A_1277, %add3A_1278, %rem3A_1269 : i32
    %mul3A_1280 = arith.constant 64 : i32
    %mul3A_1281 = arith.muli %select_n3A_1279, %mul3A_1280 : i32
    %dma_wait3A_1282 = arith.constant 1 : i32
    %dma_wait3A_1283 = tpu.memref_slice %arg13[%dma_wait3A_1282, %mul3A_1281] : memref<3x128xi32, #tpu.memory_space<vmem>> -> memref<1x64xi32, #tpu.memory_space<vmem>>
    %dma_wait3A_1284 = tpu.memref_squeeze %dma_wait3A_1283 : memref<1x64xi32, #tpu.memory_space<vmem>> -> memref<64xi32, #tpu.memory_space<vmem>>
    %dma_wait3A_1285 = arith.constant 0 : i32
    %dma_wait3A_1286 = arith.constant 0 : i32
    %dma_wait3A_1287 = tpu.memref_slice %arg8[%dma_wait3A_1285, %dma_wait3A_1286] : memref<1000x128xf32, #tpu.memory_space<vmem_shared>> -> memref<1000x128xf32, #tpu.memory_space<vmem_shared>>
    tpu.wait_indirect_dma semaphore(%arg33 : memref<!tpu.dma_semaphore, #tpu.memory_space<semaphore_mem>>) src(%dma_wait3A_1287 : memref<1000x128xf32, #tpu.memory_space<vmem_shared>>) dst(%arg21 : memref<64x128xf32, #tpu.memory_space<vmem>>)
    %jit3A_1288 = arith.constant 98 : i32
    %jit3A_1289 = arith.constant 2 : i32
    %eq3A_1290 = arith.constant 0 : i32
    %eq3A_1291 = arith.cmpi eq, %jit3A_1289, %eq3A_1290 : i32
    %jit3A_1292 = arith.constant 1 : i32
    %select_n3A_1293 = arith.select %eq3A_1291, %jit3A_1292, %jit3A_1289 : i32
    %rem3A_1294 = arith.remsi %jit3A_1288, %select_n3A_1293 : i32
    %ne3A_1295 = arith.constant 0 : i32
    %ne3A_1296 = arith.cmpi ne, %rem3A_1294, %ne3A_1295 : i32
    %lt3A_1297 = arith.constant 0 : i32
    %lt3A_1298 = arith.cmpi slt, %rem3A_1294, %lt3A_1297 : i32
    %lt3A_1299 = arith.constant 0 : i32
    %lt3A_1300 = arith.cmpi slt, %select_n3A_1293, %lt3A_1299 : i32
    %ne3A_1301 = arith.xori %lt3A_1298, %lt3A_1300 : i1
    %and3A_1302 = arith.andi %ne3A_1301, %ne3A_1296 : i1
    %add3A_1303 = arith.addi %rem3A_1294, %select_n3A_1293 : i32
    %select_n3A_1304 = arith.select %and3A_1302, %add3A_1303, %rem3A_1294 : i32
    %mul3A_1305 = arith.constant 64 : i32
    %mul3A_1306 = arith.muli %select_n3A_1304, %mul3A_1305 : i32
    %dma_wait3A_1307 = arith.constant 2 : i32
    %dma_wait3A_1308 = tpu.memref_slice %arg13[%dma_wait3A_1307, %mul3A_1306] : memref<3x128xi32, #tpu.memory_space<vmem>> -> memref<1x64xi32, #tpu.memory_space<vmem>>
    %dma_wait3A_1309 = tpu.memref_squeeze %dma_wait3A_1308 : memref<1x64xi32, #tpu.memory_space<vmem>> -> memref<64xi32, #tpu.memory_space<vmem>>
    %dma_wait3A_1310 = arith.constant 0 : i32
    %dma_wait3A_1311 = arith.constant 0 : i32
    %dma_wait3A_1312 = tpu.memref_slice %arg9[%dma_wait3A_1310, %dma_wait3A_1311] : memref<1000x128xf32, #tpu.memory_space<vmem_shared>> -> memref<1000x128xf32, #tpu.memory_space<vmem_shared>>
    tpu.wait_indirect_dma semaphore(%arg37 : memref<!tpu.dma_semaphore, #tpu.memory_space<semaphore_mem>>) src(%dma_wait3A_1312 : memref<1000x128xf32, #tpu.memory_space<vmem_shared>>) dst(%arg25 : memref<64x128xf32, #tpu.memory_space<vmem>>)
    %jit3A_1313 = arith.constant 98 : i32
    %jit3A_1314 = arith.constant 2 : i32
    %div3A_1315 = arith.divsi %jit3A_1313, %jit3A_1314 : i32
    %sign3A_1316 = arith.constant 0 : i32
    %sign3A_1317 = arith.cmpi sgt, %jit3A_1313, %sign3A_1316 : i32
    %sign3A_1318 = arith.extui %sign3A_1317 : i1 to i32
    %sign3A_1319 = arith.constant 0 : i32
    %sign3A_1320 = arith.cmpi slt, %jit3A_1313, %sign3A_1319 : i32
    %sign3A_1321 = arith.extui %sign3A_1320 : i1 to i32
    %sign3A_1322 = arith.subi %sign3A_1318, %sign3A_1321 : i32
    %sign3A_1323 = arith.constant 0 : i32
    %sign3A_1324 = arith.cmpi sgt, %jit3A_1314, %sign3A_1323 : i32
    %sign3A_1325 = arith.extui %sign3A_1324 : i1 to i32
    %sign3A_1326 = arith.constant 0 : i32
    %sign3A_1327 = arith.cmpi slt, %jit3A_1314, %sign3A_1326 : i32
    %sign3A_1328 = arith.extui %sign3A_1327 : i1 to i32
    %sign3A_1329 = arith.subi %sign3A_1325, %sign3A_1328 : i32
    %ne3A_1330 = arith.cmpi ne, %sign3A_1322, %sign3A_1329 : i32
    %rem3A_1331 = arith.remsi %jit3A_1313, %jit3A_1314 : i32
    %ne3A_1332 = arith.constant 0 : i32
    %ne3A_1333 = arith.cmpi ne, %rem3A_1331, %ne3A_1332 : i32
    %and3A_1334 = arith.andi %ne3A_1330, %ne3A_1333 : i1
    %sub3A_1335 = arith.constant 1 : i32
    %sub3A_1336 = arith.subi %div3A_1315, %sub3A_1335 : i32
    %select_n3A_1337 = arith.select %and3A_1334, %sub3A_1336, %div3A_1315 : i32
    %jit3A_1338 = arith.constant 98 : i32
    %jit3A_1339 = arith.constant 2 : i32
    %eq3A_1340 = arith.constant 0 : i32
    %eq3A_1341 = arith.cmpi eq, %jit3A_1339, %eq3A_1340 : i32
    %jit3A_1342 = arith.constant 1 : i32
    %select_n3A_1343 = arith.select %eq3A_1341, %jit3A_1342, %jit3A_1339 : i32
    %rem3A_1344 = arith.remsi %jit3A_1338, %select_n3A_1343 : i32
    %ne3A_1345 = arith.constant 0 : i32
    %ne3A_1346 = arith.cmpi ne, %rem3A_1344, %ne3A_1345 : i32
    %lt3A_1347 = arith.constant 0 : i32
    %lt3A_1348 = arith.cmpi slt, %rem3A_1344, %lt3A_1347 : i32
    %lt3A_1349 = arith.constant 0 : i32
    %lt3A_1350 = arith.cmpi slt, %select_n3A_1343, %lt3A_1349 : i32
    %ne3A_1351 = arith.xori %lt3A_1348, %lt3A_1350 : i1
    %and3A_1352 = arith.andi %ne3A_1351, %ne3A_1346 : i1
    %add3A_1353 = arith.addi %rem3A_1344, %select_n3A_1343 : i32
    %select_n3A_1354 = arith.select %and3A_1352, %add3A_1353, %rem3A_1344 : i32
    %mul3A_1355 = arith.constant 64 : i32
    %mul3A_1356 = arith.muli %select_n3A_1354, %mul3A_1355 : i32
    %add3A_1357 = arith.addi %mul3A_2, %mul3A_1356 : i32
    %dma_start3A_1358 = arith.constant 0 : i32
    %dma_start3A_1359 = tpu.memref_slice %arg6[%select_n3A_1337, %add3A_1357, %dma_start3A_1358] : memref<50x4096x384xf32, #tpu.memory_space<hbm>> -> memref<1x64x128xf32, #tpu.memory_space<hbm>>
    %dma_start3A_1360 = tpu.memref_squeeze %dma_start3A_1359 : memref<1x64x128xf32, #tpu.memory_space<hbm>> -> memref<64x128xf32, #tpu.memory_space<hbm>>
    %dma_start3A_1361 = arith.constant 0 : i32
    %dma_start3A_1362 = tpu.memref_slice %arg6[%select_n3A_1337, %add3A_1357, %dma_start3A_1361] : memref<50x4096x384xf32, #tpu.memory_space<hbm>> -> memref<1x64x128xf32, #tpu.memory_space<hbm>>
    %dma_start3A_1363 = tpu.memref_squeeze %dma_start3A_1362 : memref<1x64x128xf32, #tpu.memory_space<hbm>> -> memref<64x128xf32, #tpu.memory_space<hbm>>
    tpu.enqueue_dma source(%arg17 : memref<64x128xf32, #tpu.memory_space<vmem>>) target(%dma_start3A_1363 : memref<64x128xf32, #tpu.memory_space<hbm>>) target_semaphore(%arg41 : memref<!tpu.dma_semaphore, #tpu.memory_space<semaphore_mem>>)
    %jit3A_1364 = arith.constant 98 : i32
    %jit3A_1365 = arith.constant 2 : i32
    %div3A_1366 = arith.divsi %jit3A_1364, %jit3A_1365 : i32
    %sign3A_1367 = arith.constant 0 : i32
    %sign3A_1368 = arith.cmpi sgt, %jit3A_1364, %sign3A_1367 : i32
    %sign3A_1369 = arith.extui %sign3A_1368 : i1 to i32
    %sign3A_1370 = arith.constant 0 : i32
    %sign3A_1371 = arith.cmpi slt, %jit3A_1364, %sign3A_1370 : i32
    %sign3A_1372 = arith.extui %sign3A_1371 : i1 to i32
    %sign3A_1373 = arith.subi %sign3A_1369, %sign3A_1372 : i32
    %sign3A_1374 = arith.constant 0 : i32
    %sign3A_1375 = arith.cmpi sgt, %jit3A_1365, %sign3A_1374 : i32
    %sign3A_1376 = arith.extui %sign3A_1375 : i1 to i32
    %sign3A_1377 = arith.constant 0 : i32
    %sign3A_1378 = arith.cmpi slt, %jit3A_1365, %sign3A_1377 : i32
    %sign3A_1379 = arith.extui %sign3A_1378 : i1 to i32
    %sign3A_1380 = arith.subi %sign3A_1376, %sign3A_1379 : i32
    %ne3A_1381 = arith.cmpi ne, %sign3A_1373, %sign3A_1380 : i32
    %rem3A_1382 = arith.remsi %jit3A_1364, %jit3A_1365 : i32
    %ne3A_1383 = arith.constant 0 : i32
    %ne3A_1384 = arith.cmpi ne, %rem3A_1382, %ne3A_1383 : i32
    %and3A_1385 = arith.andi %ne3A_1381, %ne3A_1384 : i1
    %sub3A_1386 = arith.constant 1 : i32
    %sub3A_1387 = arith.subi %div3A_1366, %sub3A_1386 : i32
    %select_n3A_1388 = arith.select %and3A_1385, %sub3A_1387, %div3A_1366 : i32
    %jit3A_1389 = arith.constant 98 : i32
    %jit3A_1390 = arith.constant 2 : i32
    %eq3A_1391 = arith.constant 0 : i32
    %eq3A_1392 = arith.cmpi eq, %jit3A_1390, %eq3A_1391 : i32
    %jit3A_1393 = arith.constant 1 : i32
    %select_n3A_1394 = arith.select %eq3A_1392, %jit3A_1393, %jit3A_1390 : i32
    %rem3A_1395 = arith.remsi %jit3A_1389, %select_n3A_1394 : i32
    %ne3A_1396 = arith.constant 0 : i32
    %ne3A_1397 = arith.cmpi ne, %rem3A_1395, %ne3A_1396 : i32
    %lt3A_1398 = arith.constant 0 : i32
    %lt3A_1399 = arith.cmpi slt, %rem3A_1395, %lt3A_1398 : i32
    %lt3A_1400 = arith.constant 0 : i32
    %lt3A_1401 = arith.cmpi slt, %select_n3A_1394, %lt3A_1400 : i32
    %ne3A_1402 = arith.xori %lt3A_1399, %lt3A_1401 : i1
    %and3A_1403 = arith.andi %ne3A_1402, %ne3A_1397 : i1
    %add3A_1404 = arith.addi %rem3A_1395, %select_n3A_1394 : i32
    %select_n3A_1405 = arith.select %and3A_1403, %add3A_1404, %rem3A_1395 : i32
    %mul3A_1406 = arith.constant 64 : i32
    %mul3A_1407 = arith.muli %select_n3A_1405, %mul3A_1406 : i32
    %add3A_1408 = arith.addi %mul3A_2, %mul3A_1407 : i32
    %dma_start3A_1409 = arith.constant 128 : i32
    %dma_start3A_1410 = tpu.memref_slice %arg6[%select_n3A_1388, %add3A_1408, %dma_start3A_1409] : memref<50x4096x384xf32, #tpu.memory_space<hbm>> -> memref<1x64x128xf32, #tpu.memory_space<hbm>>
    %dma_start3A_1411 = tpu.memref_squeeze %dma_start3A_1410 : memref<1x64x128xf32, #tpu.memory_space<hbm>> -> memref<64x128xf32, #tpu.memory_space<hbm>>
    %dma_start3A_1412 = arith.constant 128 : i32
    %dma_start3A_1413 = tpu.memref_slice %arg6[%select_n3A_1388, %add3A_1408, %dma_start3A_1412] : memref<50x4096x384xf32, #tpu.memory_space<hbm>> -> memref<1x64x128xf32, #tpu.memory_space<hbm>>
    %dma_start3A_1414 = tpu.memref_squeeze %dma_start3A_1413 : memref<1x64x128xf32, #tpu.memory_space<hbm>> -> memref<64x128xf32, #tpu.memory_space<hbm>>
    tpu.enqueue_dma source(%arg21 : memref<64x128xf32, #tpu.memory_space<vmem>>) target(%dma_start3A_1414 : memref<64x128xf32, #tpu.memory_space<hbm>>) target_semaphore(%arg45 : memref<!tpu.dma_semaphore, #tpu.memory_space<semaphore_mem>>)
    %jit3A_1415 = arith.constant 98 : i32
    %jit3A_1416 = arith.constant 2 : i32
    %div3A_1417 = arith.divsi %jit3A_1415, %jit3A_1416 : i32
    %sign3A_1418 = arith.constant 0 : i32
    %sign3A_1419 = arith.cmpi sgt, %jit3A_1415, %sign3A_1418 : i32
    %sign3A_1420 = arith.extui %sign3A_1419 : i1 to i32
    %sign3A_1421 = arith.constant 0 : i32
    %sign3A_1422 = arith.cmpi slt, %jit3A_1415, %sign3A_1421 : i32
    %sign3A_1423 = arith.extui %sign3A_1422 : i1 to i32
    %sign3A_1424 = arith.subi %sign3A_1420, %sign3A_1423 : i32
    %sign3A_1425 = arith.constant 0 : i32
    %sign3A_1426 = arith.cmpi sgt, %jit3A_1416, %sign3A_1425 : i32
    %sign3A_1427 = arith.extui %sign3A_1426 : i1 to i32
    %sign3A_1428 = arith.constant 0 : i32
    %sign3A_1429 = arith.cmpi slt, %jit3A_1416, %sign3A_1428 : i32
    %sign3A_1430 = arith.extui %sign3A_1429 : i1 to i32
    %sign3A_1431 = arith.subi %sign3A_1427, %sign3A_1430 : i32
    %ne3A_1432 = arith.cmpi ne, %sign3A_1424, %sign3A_1431 : i32
    %rem3A_1433 = arith.remsi %jit3A_1415, %jit3A_1416 : i32
    %ne3A_1434 = arith.constant 0 : i32
    %ne3A_1435 = arith.cmpi ne, %rem3A_1433, %ne3A_1434 : i32
    %and3A_1436 = arith.andi %ne3A_1432, %ne3A_1435 : i1
    %sub3A_1437 = arith.constant 1 : i32
    %sub3A_1438 = arith.subi %div3A_1417, %sub3A_1437 : i32
    %select_n3A_1439 = arith.select %and3A_1436, %sub3A_1438, %div3A_1417 : i32
    %jit3A_1440 = arith.constant 98 : i32
    %jit3A_1441 = arith.constant 2 : i32
    %eq3A_1442 = arith.constant 0 : i32
    %eq3A_1443 = arith.cmpi eq, %jit3A_1441, %eq3A_1442 : i32
    %jit3A_1444 = arith.constant 1 : i32
    %select_n3A_1445 = arith.select %eq3A_1443, %jit3A_1444, %jit3A_1441 : i32
    %rem3A_1446 = arith.remsi %jit3A_1440, %select_n3A_1445 : i32
    %ne3A_1447 = arith.constant 0 : i32
    %ne3A_1448 = arith.cmpi ne, %rem3A_1446, %ne3A_1447 : i32
    %lt3A_1449 = arith.constant 0 : i32
    %lt3A_1450 = arith.cmpi slt, %rem3A_1446, %lt3A_1449 : i32
    %lt3A_1451 = arith.constant 0 : i32
    %lt3A_1452 = arith.cmpi slt, %select_n3A_1445, %lt3A_1451 : i32
    %ne3A_1453 = arith.xori %lt3A_1450, %lt3A_1452 : i1
    %and3A_1454 = arith.andi %ne3A_1453, %ne3A_1448 : i1
    %add3A_1455 = arith.addi %rem3A_1446, %select_n3A_1445 : i32
    %select_n3A_1456 = arith.select %and3A_1454, %add3A_1455, %rem3A_1446 : i32
    %mul3A_1457 = arith.constant 64 : i32
    %mul3A_1458 = arith.muli %select_n3A_1456, %mul3A_1457 : i32
    %add3A_1459 = arith.addi %mul3A_2, %mul3A_1458 : i32
    %dma_start3A_1460 = arith.constant 256 : i32
    %dma_start3A_1461 = tpu.memref_slice %arg6[%select_n3A_1439, %add3A_1459, %dma_start3A_1460] : memref<50x4096x384xf32, #tpu.memory_space<hbm>> -> memref<1x64x128xf32, #tpu.memory_space<hbm>>
    %dma_start3A_1462 = tpu.memref_squeeze %dma_start3A_1461 : memref<1x64x128xf32, #tpu.memory_space<hbm>> -> memref<64x128xf32, #tpu.memory_space<hbm>>
    %dma_start3A_1463 = arith.constant 256 : i32
    %dma_start3A_1464 = tpu.memref_slice %arg6[%select_n3A_1439, %add3A_1459, %dma_start3A_1463] : memref<50x4096x384xf32, #tpu.memory_space<hbm>> -> memref<1x64x128xf32, #tpu.memory_space<hbm>>
    %dma_start3A_1465 = tpu.memref_squeeze %dma_start3A_1464 : memref<1x64x128xf32, #tpu.memory_space<hbm>> -> memref<64x128xf32, #tpu.memory_space<hbm>>
    tpu.enqueue_dma source(%arg25 : memref<64x128xf32, #tpu.memory_space<vmem>>) target(%dma_start3A_1465 : memref<64x128xf32, #tpu.memory_space<hbm>>) target_semaphore(%arg49 : memref<!tpu.dma_semaphore, #tpu.memory_space<semaphore_mem>>)
    %jit3A_1466 = arith.constant 99 : i32
    %jit3A_1467 = arith.constant 2 : i32
    %eq3A_1468 = arith.constant 0 : i32
    %eq3A_1469 = arith.cmpi eq, %jit3A_1467, %eq3A_1468 : i32
    %jit3A_1470 = arith.constant 1 : i32
    %select_n3A_1471 = arith.select %eq3A_1469, %jit3A_1470, %jit3A_1467 : i32
    %rem3A_1472 = arith.remsi %jit3A_1466, %select_n3A_1471 : i32
    %ne3A_1473 = arith.constant 0 : i32
    %ne3A_1474 = arith.cmpi ne, %rem3A_1472, %ne3A_1473 : i32
    %lt3A_1475 = arith.constant 0 : i32
    %lt3A_1476 = arith.cmpi slt, %rem3A_1472, %lt3A_1475 : i32
    %lt3A_1477 = arith.constant 0 : i32
    %lt3A_1478 = arith.cmpi slt, %select_n3A_1471, %lt3A_1477 : i32
    %ne3A_1479 = arith.xori %lt3A_1476, %lt3A_1478 : i1
    %and3A_1480 = arith.andi %ne3A_1479, %ne3A_1474 : i1
    %add3A_1481 = arith.addi %rem3A_1472, %select_n3A_1471 : i32
    %select_n3A_1482 = arith.select %and3A_1480, %add3A_1481, %rem3A_1472 : i32
    %mul3A_1483 = arith.constant 64 : i32
    %mul3A_1484 = arith.muli %select_n3A_1482, %mul3A_1483 : i32
    %dma_wait3A_1485 = arith.constant 0 : i32
    %dma_wait3A_1486 = tpu.memref_slice %arg14[%dma_wait3A_1485, %mul3A_1484] : memref<3x128xi32, #tpu.memory_space<vmem>> -> memref<1x64xi32, #tpu.memory_space<vmem>>
    %dma_wait3A_1487 = tpu.memref_squeeze %dma_wait3A_1486 : memref<1x64xi32, #tpu.memory_space<vmem>> -> memref<64xi32, #tpu.memory_space<vmem>>
    %dma_wait3A_1488 = arith.constant 0 : i32
    %dma_wait3A_1489 = arith.constant 0 : i32
    %dma_wait3A_1490 = tpu.memref_slice %arg7[%dma_wait3A_1488, %dma_wait3A_1489] : memref<1000x128xf32, #tpu.memory_space<vmem_shared>> -> memref<1000x128xf32, #tpu.memory_space<vmem_shared>>
    tpu.wait_indirect_dma semaphore(%arg30 : memref<!tpu.dma_semaphore, #tpu.memory_space<semaphore_mem>>) src(%dma_wait3A_1490 : memref<1000x128xf32, #tpu.memory_space<vmem_shared>>) dst(%arg18 : memref<64x128xf32, #tpu.memory_space<vmem>>)
    %jit3A_1491 = arith.constant 99 : i32
    %jit3A_1492 = arith.constant 2 : i32
    %eq3A_1493 = arith.constant 0 : i32
    %eq3A_1494 = arith.cmpi eq, %jit3A_1492, %eq3A_1493 : i32
    %jit3A_1495 = arith.constant 1 : i32
    %select_n3A_1496 = arith.select %eq3A_1494, %jit3A_1495, %jit3A_1492 : i32
    %rem3A_1497 = arith.remsi %jit3A_1491, %select_n3A_1496 : i32
    %ne3A_1498 = arith.constant 0 : i32
    %ne3A_1499 = arith.cmpi ne, %rem3A_1497, %ne3A_1498 : i32
    %lt3A_1500 = arith.constant 0 : i32
    %lt3A_1501 = arith.cmpi slt, %rem3A_1497, %lt3A_1500 : i32
    %lt3A_1502 = arith.constant 0 : i32
    %lt3A_1503 = arith.cmpi slt, %select_n3A_1496, %lt3A_1502 : i32
    %ne3A_1504 = arith.xori %lt3A_1501, %lt3A_1503 : i1
    %and3A_1505 = arith.andi %ne3A_1504, %ne3A_1499 : i1
    %add3A_1506 = arith.addi %rem3A_1497, %select_n3A_1496 : i32
    %select_n3A_1507 = arith.select %and3A_1505, %add3A_1506, %rem3A_1497 : i32
    %mul3A_1508 = arith.constant 64 : i32
    %mul3A_1509 = arith.muli %select_n3A_1507, %mul3A_1508 : i32
    %dma_wait3A_1510 = arith.constant 1 : i32
    %dma_wait3A_1511 = tpu.memref_slice %arg14[%dma_wait3A_1510, %mul3A_1509] : memref<3x128xi32, #tpu.memory_space<vmem>> -> memref<1x64xi32, #tpu.memory_space<vmem>>
    %dma_wait3A_1512 = tpu.memref_squeeze %dma_wait3A_1511 : memref<1x64xi32, #tpu.memory_space<vmem>> -> memref<64xi32, #tpu.memory_space<vmem>>
    %dma_wait3A_1513 = arith.constant 0 : i32
    %dma_wait3A_1514 = arith.constant 0 : i32
    %dma_wait3A_1515 = tpu.memref_slice %arg8[%dma_wait3A_1513, %dma_wait3A_1514] : memref<1000x128xf32, #tpu.memory_space<vmem_shared>> -> memref<1000x128xf32, #tpu.memory_space<vmem_shared>>
    tpu.wait_indirect_dma semaphore(%arg34 : memref<!tpu.dma_semaphore, #tpu.memory_space<semaphore_mem>>) src(%dma_wait3A_1515 : memref<1000x128xf32, #tpu.memory_space<vmem_shared>>) dst(%arg22 : memref<64x128xf32, #tpu.memory_space<vmem>>)
    %jit3A_1516 = arith.constant 99 : i32
    %jit3A_1517 = arith.constant 2 : i32
    %eq3A_1518 = arith.constant 0 : i32
    %eq3A_1519 = arith.cmpi eq, %jit3A_1517, %eq3A_1518 : i32
    %jit3A_1520 = arith.constant 1 : i32
    %select_n3A_1521 = arith.select %eq3A_1519, %jit3A_1520, %jit3A_1517 : i32
    %rem3A_1522 = arith.remsi %jit3A_1516, %select_n3A_1521 : i32
    %ne3A_1523 = arith.constant 0 : i32
    %ne3A_1524 = arith.cmpi ne, %rem3A_1522, %ne3A_1523 : i32
    %lt3A_1525 = arith.constant 0 : i32
    %lt3A_1526 = arith.cmpi slt, %rem3A_1522, %lt3A_1525 : i32
    %lt3A_1527 = arith.constant 0 : i32
    %lt3A_1528 = arith.cmpi slt, %select_n3A_1521, %lt3A_1527 : i32
    %ne3A_1529 = arith.xori %lt3A_1526, %lt3A_1528 : i1
    %and3A_1530 = arith.andi %ne3A_1529, %ne3A_1524 : i1
    %add3A_1531 = arith.addi %rem3A_1522, %select_n3A_1521 : i32
    %select_n3A_1532 = arith.select %and3A_1530, %add3A_1531, %rem3A_1522 : i32
    %mul3A_1533 = arith.constant 64 : i32
    %mul3A_1534 = arith.muli %select_n3A_1532, %mul3A_1533 : i32
    %dma_wait3A_1535 = arith.constant 2 : i32
    %dma_wait3A_1536 = tpu.memref_slice %arg14[%dma_wait3A_1535, %mul3A_1534] : memref<3x128xi32, #tpu.memory_space<vmem>> -> memref<1x64xi32, #tpu.memory_space<vmem>>
    %dma_wait3A_1537 = tpu.memref_squeeze %dma_wait3A_1536 : memref<1x64xi32, #tpu.memory_space<vmem>> -> memref<64xi32, #tpu.memory_space<vmem>>
    %dma_wait3A_1538 = arith.constant 0 : i32
    %dma_wait3A_1539 = arith.constant 0 : i32
    %dma_wait3A_1540 = tpu.memref_slice %arg9[%dma_wait3A_1538, %dma_wait3A_1539] : memref<1000x128xf32, #tpu.memory_space<vmem_shared>> -> memref<1000x128xf32, #tpu.memory_space<vmem_shared>>
    tpu.wait_indirect_dma semaphore(%arg38 : memref<!tpu.dma_semaphore, #tpu.memory_space<semaphore_mem>>) src(%dma_wait3A_1540 : memref<1000x128xf32, #tpu.memory_space<vmem_shared>>) dst(%arg26 : memref<64x128xf32, #tpu.memory_space<vmem>>)
    %jit3A_1541 = arith.constant 99 : i32
    %jit3A_1542 = arith.constant 2 : i32
    %div3A_1543 = arith.divsi %jit3A_1541, %jit3A_1542 : i32
    %sign3A_1544 = arith.constant 0 : i32
    %sign3A_1545 = arith.cmpi sgt, %jit3A_1541, %sign3A_1544 : i32
    %sign3A_1546 = arith.extui %sign3A_1545 : i1 to i32
    %sign3A_1547 = arith.constant 0 : i32
    %sign3A_1548 = arith.cmpi slt, %jit3A_1541, %sign3A_1547 : i32
    %sign3A_1549 = arith.extui %sign3A_1548 : i1 to i32
    %sign3A_1550 = arith.subi %sign3A_1546, %sign3A_1549 : i32
    %sign3A_1551 = arith.constant 0 : i32
    %sign3A_1552 = arith.cmpi sgt, %jit3A_1542, %sign3A_1551 : i32
    %sign3A_1553 = arith.extui %sign3A_1552 : i1 to i32
    %sign3A_1554 = arith.constant 0 : i32
    %sign3A_1555 = arith.cmpi slt, %jit3A_1542, %sign3A_1554 : i32
    %sign3A_1556 = arith.extui %sign3A_1555 : i1 to i32
    %sign3A_1557 = arith.subi %sign3A_1553, %sign3A_1556 : i32
    %ne3A_1558 = arith.cmpi ne, %sign3A_1550, %sign3A_1557 : i32
    %rem3A_1559 = arith.remsi %jit3A_1541, %jit3A_1542 : i32
    %ne3A_1560 = arith.constant 0 : i32
    %ne3A_1561 = arith.cmpi ne, %rem3A_1559, %ne3A_1560 : i32
    %and3A_1562 = arith.andi %ne3A_1558, %ne3A_1561 : i1
    %sub3A_1563 = arith.constant 1 : i32
    %sub3A_1564 = arith.subi %div3A_1543, %sub3A_1563 : i32
    %select_n3A_1565 = arith.select %and3A_1562, %sub3A_1564, %div3A_1543 : i32
    %jit3A_1566 = arith.constant 99 : i32
    %jit3A_1567 = arith.constant 2 : i32
    %eq3A_1568 = arith.constant 0 : i32
    %eq3A_1569 = arith.cmpi eq, %jit3A_1567, %eq3A_1568 : i32
    %jit3A_1570 = arith.constant 1 : i32
    %select_n3A_1571 = arith.select %eq3A_1569, %jit3A_1570, %jit3A_1567 : i32
    %rem3A_1572 = arith.remsi %jit3A_1566, %select_n3A_1571 : i32
    %ne3A_1573 = arith.constant 0 : i32
    %ne3A_1574 = arith.cmpi ne, %rem3A_1572, %ne3A_1573 : i32
    %lt3A_1575 = arith.constant 0 : i32
    %lt3A_1576 = arith.cmpi slt, %rem3A_1572, %lt3A_1575 : i32
    %lt3A_1577 = arith.constant 0 : i32
    %lt3A_1578 = arith.cmpi slt, %select_n3A_1571, %lt3A_1577 : i32
    %ne3A_1579 = arith.xori %lt3A_1576, %lt3A_1578 : i1
    %and3A_1580 = arith.andi %ne3A_1579, %ne3A_1574 : i1
    %add3A_1581 = arith.addi %rem3A_1572, %select_n3A_1571 : i32
    %select_n3A_1582 = arith.select %and3A_1580, %add3A_1581, %rem3A_1572 : i32
    %mul3A_1583 = arith.constant 64 : i32
    %mul3A_1584 = arith.muli %select_n3A_1582, %mul3A_1583 : i32
    %add3A_1585 = arith.addi %mul3A_2, %mul3A_1584 : i32
    %dma_start3A_1586 = arith.constant 0 : i32
    %dma_start3A_1587 = tpu.memref_slice %arg6[%select_n3A_1565, %add3A_1585, %dma_start3A_1586] : memref<50x4096x384xf32, #tpu.memory_space<hbm>> -> memref<1x64x128xf32, #tpu.memory_space<hbm>>
    %dma_start3A_1588 = tpu.memref_squeeze %dma_start3A_1587 : memref<1x64x128xf32, #tpu.memory_space<hbm>> -> memref<64x128xf32, #tpu.memory_space<hbm>>
    %dma_start3A_1589 = arith.constant 0 : i32
    %dma_start3A_1590 = tpu.memref_slice %arg6[%select_n3A_1565, %add3A_1585, %dma_start3A_1589] : memref<50x4096x384xf32, #tpu.memory_space<hbm>> -> memref<1x64x128xf32, #tpu.memory_space<hbm>>
    %dma_start3A_1591 = tpu.memref_squeeze %dma_start3A_1590 : memref<1x64x128xf32, #tpu.memory_space<hbm>> -> memref<64x128xf32, #tpu.memory_space<hbm>>
    tpu.enqueue_dma source(%arg18 : memref<64x128xf32, #tpu.memory_space<vmem>>) target(%dma_start3A_1591 : memref<64x128xf32, #tpu.memory_space<hbm>>) target_semaphore(%arg42 : memref<!tpu.dma_semaphore, #tpu.memory_space<semaphore_mem>>)
    %jit3A_1592 = arith.constant 99 : i32
    %jit3A_1593 = arith.constant 2 : i32
    %div3A_1594 = arith.divsi %jit3A_1592, %jit3A_1593 : i32
    %sign3A_1595 = arith.constant 0 : i32
    %sign3A_1596 = arith.cmpi sgt, %jit3A_1592, %sign3A_1595 : i32
    %sign3A_1597 = arith.extui %sign3A_1596 : i1 to i32
    %sign3A_1598 = arith.constant 0 : i32
    %sign3A_1599 = arith.cmpi slt, %jit3A_1592, %sign3A_1598 : i32
    %sign3A_1600 = arith.extui %sign3A_1599 : i1 to i32
    %sign3A_1601 = arith.subi %sign3A_1597, %sign3A_1600 : i32
    %sign3A_1602 = arith.constant 0 : i32
    %sign3A_1603 = arith.cmpi sgt, %jit3A_1593, %sign3A_1602 : i32
    %sign3A_1604 = arith.extui %sign3A_1603 : i1 to i32
    %sign3A_1605 = arith.constant 0 : i32
    %sign3A_1606 = arith.cmpi slt, %jit3A_1593, %sign3A_1605 : i32
    %sign3A_1607 = arith.extui %sign3A_1606 : i1 to i32
    %sign3A_1608 = arith.subi %sign3A_1604, %sign3A_1607 : i32
    %ne3A_1609 = arith.cmpi ne, %sign3A_1601, %sign3A_1608 : i32
    %rem3A_1610 = arith.remsi %jit3A_1592, %jit3A_1593 : i32
    %ne3A_1611 = arith.constant 0 : i32
    %ne3A_1612 = arith.cmpi ne, %rem3A_1610, %ne3A_1611 : i32
    %and3A_1613 = arith.andi %ne3A_1609, %ne3A_1612 : i1
    %sub3A_1614 = arith.constant 1 : i32
    %sub3A_1615 = arith.subi %div3A_1594, %sub3A_1614 : i32
    %select_n3A_1616 = arith.select %and3A_1613, %sub3A_1615, %div3A_1594 : i32
    %jit3A_1617 = arith.constant 99 : i32
    %jit3A_1618 = arith.constant 2 : i32
    %eq3A_1619 = arith.constant 0 : i32
    %eq3A_1620 = arith.cmpi eq, %jit3A_1618, %eq3A_1619 : i32
    %jit3A_1621 = arith.constant 1 : i32
    %select_n3A_1622 = arith.select %eq3A_1620, %jit3A_1621, %jit3A_1618 : i32
    %rem3A_1623 = arith.remsi %jit3A_1617, %select_n3A_1622 : i32
    %ne3A_1624 = arith.constant 0 : i32
    %ne3A_1625 = arith.cmpi ne, %rem3A_1623, %ne3A_1624 : i32
    %lt3A_1626 = arith.constant 0 : i32
    %lt3A_1627 = arith.cmpi slt, %rem3A_1623, %lt3A_1626 : i32
    %lt3A_1628 = arith.constant 0 : i32
    %lt3A_1629 = arith.cmpi slt, %select_n3A_1622, %lt3A_1628 : i32
    %ne3A_1630 = arith.xori %lt3A_1627, %lt3A_1629 : i1
    %and3A_1631 = arith.andi %ne3A_1630, %ne3A_1625 : i1
    %add3A_1632 = arith.addi %rem3A_1623, %select_n3A_1622 : i32
    %select_n3A_1633 = arith.select %and3A_1631, %add3A_1632, %rem3A_1623 : i32
    %mul3A_1634 = arith.constant 64 : i32
    %mul3A_1635 = arith.muli %select_n3A_1633, %mul3A_1634 : i32
    %add3A_1636 = arith.addi %mul3A_2, %mul3A_1635 : i32
    %dma_start3A_1637 = arith.constant 128 : i32
    %dma_start3A_1638 = tpu.memref_slice %arg6[%select_n3A_1616, %add3A_1636, %dma_start3A_1637] : memref<50x4096x384xf32, #tpu.memory_space<hbm>> -> memref<1x64x128xf32, #tpu.memory_space<hbm>>
    %dma_start3A_1639 = tpu.memref_squeeze %dma_start3A_1638 : memref<1x64x128xf32, #tpu.memory_space<hbm>> -> memref<64x128xf32, #tpu.memory_space<hbm>>
    %dma_start3A_1640 = arith.constant 128 : i32
    %dma_start3A_1641 = tpu.memref_slice %arg6[%select_n3A_1616, %add3A_1636, %dma_start3A_1640] : memref<50x4096x384xf32, #tpu.memory_space<hbm>> -> memref<1x64x128xf32, #tpu.memory_space<hbm>>
    %dma_start3A_1642 = tpu.memref_squeeze %dma_start3A_1641 : memref<1x64x128xf32, #tpu.memory_space<hbm>> -> memref<64x128xf32, #tpu.memory_space<hbm>>
    tpu.enqueue_dma source(%arg22 : memref<64x128xf32, #tpu.memory_space<vmem>>) target(%dma_start3A_1642 : memref<64x128xf32, #tpu.memory_space<hbm>>) target_semaphore(%arg46 : memref<!tpu.dma_semaphore, #tpu.memory_space<semaphore_mem>>)
    %jit3A_1643 = arith.constant 99 : i32
    %jit3A_1644 = arith.constant 2 : i32
    %div3A_1645 = arith.divsi %jit3A_1643, %jit3A_1644 : i32
    %sign3A_1646 = arith.constant 0 : i32
    %sign3A_1647 = arith.cmpi sgt, %jit3A_1643, %sign3A_1646 : i32
    %sign3A_1648 = arith.extui %sign3A_1647 : i1 to i32
    %sign3A_1649 = arith.constant 0 : i32
    %sign3A_1650 = arith.cmpi slt, %jit3A_1643, %sign3A_1649 : i32
    %sign3A_1651 = arith.extui %sign3A_1650 : i1 to i32
    %sign3A_1652 = arith.subi %sign3A_1648, %sign3A_1651 : i32
    %sign3A_1653 = arith.constant 0 : i32
    %sign3A_1654 = arith.cmpi sgt, %jit3A_1644, %sign3A_1653 : i32
    %sign3A_1655 = arith.extui %sign3A_1654 : i1 to i32
    %sign3A_1656 = arith.constant 0 : i32
    %sign3A_1657 = arith.cmpi slt, %jit3A_1644, %sign3A_1656 : i32
    %sign3A_1658 = arith.extui %sign3A_1657 : i1 to i32
    %sign3A_1659 = arith.subi %sign3A_1655, %sign3A_1658 : i32
    %ne3A_1660 = arith.cmpi ne, %sign3A_1652, %sign3A_1659 : i32
    %rem3A_1661 = arith.remsi %jit3A_1643, %jit3A_1644 : i32
    %ne3A_1662 = arith.constant 0 : i32
    %ne3A_1663 = arith.cmpi ne, %rem3A_1661, %ne3A_1662 : i32
    %and3A_1664 = arith.andi %ne3A_1660, %ne3A_1663 : i1
    %sub3A_1665 = arith.constant 1 : i32
    %sub3A_1666 = arith.subi %div3A_1645, %sub3A_1665 : i32
    %select_n3A_1667 = arith.select %and3A_1664, %sub3A_1666, %div3A_1645 : i32
    %jit3A_1668 = arith.constant 99 : i32
    %jit3A_1669 = arith.constant 2 : i32
    %eq3A_1670 = arith.constant 0 : i32
    %eq3A_1671 = arith.cmpi eq, %jit3A_1669, %eq3A_1670 : i32
    %jit3A_1672 = arith.constant 1 : i32
    %select_n3A_1673 = arith.select %eq3A_1671, %jit3A_1672, %jit3A_1669 : i32
    %rem3A_1674 = arith.remsi %jit3A_1668, %select_n3A_1673 : i32
    %ne3A_1675 = arith.constant 0 : i32
    %ne3A_1676 = arith.cmpi ne, %rem3A_1674, %ne3A_1675 : i32
    %lt3A_1677 = arith.constant 0 : i32
    %lt3A_1678 = arith.cmpi slt, %rem3A_1674, %lt3A_1677 : i32
    %lt3A_1679 = arith.constant 0 : i32
    %lt3A_1680 = arith.cmpi slt, %select_n3A_1673, %lt3A_1679 : i32
    %ne3A_1681 = arith.xori %lt3A_1678, %lt3A_1680 : i1
    %and3A_1682 = arith.andi %ne3A_1681, %ne3A_1676 : i1
    %add3A_1683 = arith.addi %rem3A_1674, %select_n3A_1673 : i32
    %select_n3A_1684 = arith.select %and3A_1682, %add3A_1683, %rem3A_1674 : i32
    %mul3A_1685 = arith.constant 64 : i32
    %mul3A_1686 = arith.muli %select_n3A_1684, %mul3A_1685 : i32
    %add3A_1687 = arith.addi %mul3A_2, %mul3A_1686 : i32
    %dma_start3A_1688 = arith.constant 256 : i32
    %dma_start3A_1689 = tpu.memref_slice %arg6[%select_n3A_1667, %add3A_1687, %dma_start3A_1688] : memref<50x4096x384xf32, #tpu.memory_space<hbm>> -> memref<1x64x128xf32, #tpu.memory_space<hbm>>
    %dma_start3A_1690 = tpu.memref_squeeze %dma_start3A_1689 : memref<1x64x128xf32, #tpu.memory_space<hbm>> -> memref<64x128xf32, #tpu.memory_space<hbm>>
    %dma_start3A_1691 = arith.constant 256 : i32
    %dma_start3A_1692 = tpu.memref_slice %arg6[%select_n3A_1667, %add3A_1687, %dma_start3A_1691] : memref<50x4096x384xf32, #tpu.memory_space<hbm>> -> memref<1x64x128xf32, #tpu.memory_space<hbm>>
    %dma_start3A_1693 = tpu.memref_squeeze %dma_start3A_1692 : memref<1x64x128xf32, #tpu.memory_space<hbm>> -> memref<64x128xf32, #tpu.memory_space<hbm>>
    tpu.enqueue_dma source(%arg26 : memref<64x128xf32, #tpu.memory_space<vmem>>) target(%dma_start3A_1693 : memref<64x128xf32, #tpu.memory_space<hbm>>) target_semaphore(%arg50 : memref<!tpu.dma_semaphore, #tpu.memory_space<semaphore_mem>>)
    %jit3A_1694 = arith.constant 96 : i32
    %jit3A_1695 = arith.constant 2 : i32
    %div3A_1696 = arith.divsi %jit3A_1694, %jit3A_1695 : i32
    %sign3A_1697 = arith.constant 0 : i32
    %sign3A_1698 = arith.cmpi sgt, %jit3A_1694, %sign3A_1697 : i32
    %sign3A_1699 = arith.extui %sign3A_1698 : i1 to i32
    %sign3A_1700 = arith.constant 0 : i32
    %sign3A_1701 = arith.cmpi slt, %jit3A_1694, %sign3A_1700 : i32
    %sign3A_1702 = arith.extui %sign3A_1701 : i1 to i32
    %sign3A_1703 = arith.subi %sign3A_1699, %sign3A_1702 : i32
    %sign3A_1704 = arith.constant 0 : i32
    %sign3A_1705 = arith.cmpi sgt, %jit3A_1695, %sign3A_1704 : i32
    %sign3A_1706 = arith.extui %sign3A_1705 : i1 to i32
    %sign3A_1707 = arith.constant 0 : i32
    %sign3A_1708 = arith.cmpi slt, %jit3A_1695, %sign3A_1707 : i32
    %sign3A_1709 = arith.extui %sign3A_1708 : i1 to i32
    %sign3A_1710 = arith.subi %sign3A_1706, %sign3A_1709 : i32
    %ne3A_1711 = arith.cmpi ne, %sign3A_1703, %sign3A_1710 : i32
    %rem3A_1712 = arith.remsi %jit3A_1694, %jit3A_1695 : i32
    %ne3A_1713 = arith.constant 0 : i32
    %ne3A_1714 = arith.cmpi ne, %rem3A_1712, %ne3A_1713 : i32
    %and3A_1715 = arith.andi %ne3A_1711, %ne3A_1714 : i1
    %sub3A_1716 = arith.constant 1 : i32
    %sub3A_1717 = arith.subi %div3A_1696, %sub3A_1716 : i32
    %select_n3A_1718 = arith.select %and3A_1715, %sub3A_1717, %div3A_1696 : i32
    %jit3A_1719 = arith.constant 96 : i32
    %jit3A_1720 = arith.constant 2 : i32
    %eq3A_1721 = arith.constant 0 : i32
    %eq3A_1722 = arith.cmpi eq, %jit3A_1720, %eq3A_1721 : i32
    %jit3A_1723 = arith.constant 1 : i32
    %select_n3A_1724 = arith.select %eq3A_1722, %jit3A_1723, %jit3A_1720 : i32
    %rem3A_1725 = arith.remsi %jit3A_1719, %select_n3A_1724 : i32
    %ne3A_1726 = arith.constant 0 : i32
    %ne3A_1727 = arith.cmpi ne, %rem3A_1725, %ne3A_1726 : i32
    %lt3A_1728 = arith.constant 0 : i32
    %lt3A_1729 = arith.cmpi slt, %rem3A_1725, %lt3A_1728 : i32
    %lt3A_1730 = arith.constant 0 : i32
    %lt3A_1731 = arith.cmpi slt, %select_n3A_1724, %lt3A_1730 : i32
    %ne3A_1732 = arith.xori %lt3A_1729, %lt3A_1731 : i1
    %and3A_1733 = arith.andi %ne3A_1732, %ne3A_1727 : i1
    %add3A_1734 = arith.addi %rem3A_1725, %select_n3A_1724 : i32
    %select_n3A_1735 = arith.select %and3A_1733, %add3A_1734, %rem3A_1725 : i32
    %mul3A_1736 = arith.constant 64 : i32
    %mul3A_1737 = arith.muli %select_n3A_1735, %mul3A_1736 : i32
    %add3A_1738 = arith.addi %mul3A_2, %mul3A_1737 : i32
    %dma_wait3A_1739 = arith.constant 0 : i32
    %dma_wait3A_1740 = tpu.memref_slice %arg6[%select_n3A_1718, %add3A_1738, %dma_wait3A_1739] : memref<50x4096x384xf32, #tpu.memory_space<hbm>> -> memref<1x64x128xf32, #tpu.memory_space<hbm>>
    %dma_wait3A_1741 = tpu.memref_squeeze %dma_wait3A_1740 : memref<1x64x128xf32, #tpu.memory_space<hbm>> -> memref<64x128xf32, #tpu.memory_space<hbm>>
    %dma_wait3A_1742 = arith.constant 0 : i32
    %dma_wait3A_1743 = tpu.memref_slice %arg6[%select_n3A_1718, %add3A_1738, %dma_wait3A_1742] : memref<50x4096x384xf32, #tpu.memory_space<hbm>> -> memref<1x64x128xf32, #tpu.memory_space<hbm>>
    %dma_wait3A_1744 = tpu.memref_squeeze %dma_wait3A_1743 : memref<1x64x128xf32, #tpu.memory_space<hbm>> -> memref<64x128xf32, #tpu.memory_space<hbm>>
    tpu.wait_dma2 semaphore(%arg39 : memref<!tpu.dma_semaphore, #tpu.memory_space<semaphore_mem>>) src(%arg15 : memref<64x128xf32, #tpu.memory_space<vmem>>) dst(%dma_wait3A_1744 : memref<64x128xf32, #tpu.memory_space<hbm>>)
    %jit3A_1745 = arith.constant 96 : i32
    %jit3A_1746 = arith.constant 2 : i32
    %div3A_1747 = arith.divsi %jit3A_1745, %jit3A_1746 : i32
    %sign3A_1748 = arith.constant 0 : i32
    %sign3A_1749 = arith.cmpi sgt, %jit3A_1745, %sign3A_1748 : i32
    %sign3A_1750 = arith.extui %sign3A_1749 : i1 to i32
    %sign3A_1751 = arith.constant 0 : i32
    %sign3A_1752 = arith.cmpi slt, %jit3A_1745, %sign3A_1751 : i32
    %sign3A_1753 = arith.extui %sign3A_1752 : i1 to i32
    %sign3A_1754 = arith.subi %sign3A_1750, %sign3A_1753 : i32
    %sign3A_1755 = arith.constant 0 : i32
    %sign3A_1756 = arith.cmpi sgt, %jit3A_1746, %sign3A_1755 : i32
    %sign3A_1757 = arith.extui %sign3A_1756 : i1 to i32
    %sign3A_1758 = arith.constant 0 : i32
    %sign3A_1759 = arith.cmpi slt, %jit3A_1746, %sign3A_1758 : i32
    %sign3A_1760 = arith.extui %sign3A_1759 : i1 to i32
    %sign3A_1761 = arith.subi %sign3A_1757, %sign3A_1760 : i32
    %ne3A_1762 = arith.cmpi ne, %sign3A_1754, %sign3A_1761 : i32
    %rem3A_1763 = arith.remsi %jit3A_1745, %jit3A_1746 : i32
    %ne3A_1764 = arith.constant 0 : i32
    %ne3A_1765 = arith.cmpi ne, %rem3A_1763, %ne3A_1764 : i32
    %and3A_1766 = arith.andi %ne3A_1762, %ne3A_1765 : i1
    %sub3A_1767 = arith.constant 1 : i32
    %sub3A_1768 = arith.subi %div3A_1747, %sub3A_1767 : i32
    %select_n3A_1769 = arith.select %and3A_1766, %sub3A_1768, %div3A_1747 : i32
    %jit3A_1770 = arith.constant 96 : i32
    %jit3A_1771 = arith.constant 2 : i32
    %eq3A_1772 = arith.constant 0 : i32
    %eq3A_1773 = arith.cmpi eq, %jit3A_1771, %eq3A_1772 : i32
    %jit3A_1774 = arith.constant 1 : i32
    %select_n3A_1775 = arith.select %eq3A_1773, %jit3A_1774, %jit3A_1771 : i32
    %rem3A_1776 = arith.remsi %jit3A_1770, %select_n3A_1775 : i32
    %ne3A_1777 = arith.constant 0 : i32
    %ne3A_1778 = arith.cmpi ne, %rem3A_1776, %ne3A_1777 : i32
    %lt3A_1779 = arith.constant 0 : i32
    %lt3A_1780 = arith.cmpi slt, %rem3A_1776, %lt3A_1779 : i32
    %lt3A_1781 = arith.constant 0 : i32
    %lt3A_1782 = arith.cmpi slt, %select_n3A_1775, %lt3A_1781 : i32
    %ne3A_1783 = arith.xori %lt3A_1780, %lt3A_1782 : i1
    %and3A_1784 = arith.andi %ne3A_1783, %ne3A_1778 : i1
    %add3A_1785 = arith.addi %rem3A_1776, %select_n3A_1775 : i32
    %select_n3A_1786 = arith.select %and3A_1784, %add3A_1785, %rem3A_1776 : i32
    %mul3A_1787 = arith.constant 64 : i32
    %mul3A_1788 = arith.muli %select_n3A_1786, %mul3A_1787 : i32
    %add3A_1789 = arith.addi %mul3A_2, %mul3A_1788 : i32
    %dma_wait3A_1790 = arith.constant 128 : i32
    %dma_wait3A_1791 = tpu.memref_slice %arg6[%select_n3A_1769, %add3A_1789, %dma_wait3A_1790] : memref<50x4096x384xf32, #tpu.memory_space<hbm>> -> memref<1x64x128xf32, #tpu.memory_space<hbm>>
    %dma_wait3A_1792 = tpu.memref_squeeze %dma_wait3A_1791 : memref<1x64x128xf32, #tpu.memory_space<hbm>> -> memref<64x128xf32, #tpu.memory_space<hbm>>
    %dma_wait3A_1793 = arith.constant 128 : i32
    %dma_wait3A_1794 = tpu.memref_slice %arg6[%select_n3A_1769, %add3A_1789, %dma_wait3A_1793] : memref<50x4096x384xf32, #tpu.memory_space<hbm>> -> memref<1x64x128xf32, #tpu.memory_space<hbm>>
    %dma_wait3A_1795 = tpu.memref_squeeze %dma_wait3A_1794 : memref<1x64x128xf32, #tpu.memory_space<hbm>> -> memref<64x128xf32, #tpu.memory_space<hbm>>
    tpu.wait_dma2 semaphore(%arg43 : memref<!tpu.dma_semaphore, #tpu.memory_space<semaphore_mem>>) src(%arg19 : memref<64x128xf32, #tpu.memory_space<vmem>>) dst(%dma_wait3A_1795 : memref<64x128xf32, #tpu.memory_space<hbm>>)
    %jit3A_1796 = arith.constant 96 : i32
    %jit3A_1797 = arith.constant 2 : i32
    %div3A_1798 = arith.divsi %jit3A_1796, %jit3A_1797 : i32
    %sign3A_1799 = arith.constant 0 : i32
    %sign3A_1800 = arith.cmpi sgt, %jit3A_1796, %sign3A_1799 : i32
    %sign3A_1801 = arith.extui %sign3A_1800 : i1 to i32
    %sign3A_1802 = arith.constant 0 : i32
    %sign3A_1803 = arith.cmpi slt, %jit3A_1796, %sign3A_1802 : i32
    %sign3A_1804 = arith.extui %sign3A_1803 : i1 to i32
    %sign3A_1805 = arith.subi %sign3A_1801, %sign3A_1804 : i32
    %sign3A_1806 = arith.constant 0 : i32
    %sign3A_1807 = arith.cmpi sgt, %jit3A_1797, %sign3A_1806 : i32
    %sign3A_1808 = arith.extui %sign3A_1807 : i1 to i32
    %sign3A_1809 = arith.constant 0 : i32
    %sign3A_1810 = arith.cmpi slt, %jit3A_1797, %sign3A_1809 : i32
    %sign3A_1811 = arith.extui %sign3A_1810 : i1 to i32
    %sign3A_1812 = arith.subi %sign3A_1808, %sign3A_1811 : i32
    %ne3A_1813 = arith.cmpi ne, %sign3A_1805, %sign3A_1812 : i32
    %rem3A_1814 = arith.remsi %jit3A_1796, %jit3A_1797 : i32
    %ne3A_1815 = arith.constant 0 : i32
    %ne3A_1816 = arith.cmpi ne, %rem3A_1814, %ne3A_1815 : i32
    %and3A_1817 = arith.andi %ne3A_1813, %ne3A_1816 : i1
    %sub3A_1818 = arith.constant 1 : i32
    %sub3A_1819 = arith.subi %div3A_1798, %sub3A_1818 : i32
    %select_n3A_1820 = arith.select %and3A_1817, %sub3A_1819, %div3A_1798 : i32
    %jit3A_1821 = arith.constant 96 : i32
    %jit3A_1822 = arith.constant 2 : i32
    %eq3A_1823 = arith.constant 0 : i32
    %eq3A_1824 = arith.cmpi eq, %jit3A_1822, %eq3A_1823 : i32
    %jit3A_1825 = arith.constant 1 : i32
    %select_n3A_1826 = arith.select %eq3A_1824, %jit3A_1825, %jit3A_1822 : i32
    %rem3A_1827 = arith.remsi %jit3A_1821, %select_n3A_1826 : i32
    %ne3A_1828 = arith.constant 0 : i32
    %ne3A_1829 = arith.cmpi ne, %rem3A_1827, %ne3A_1828 : i32
    %lt3A_1830 = arith.constant 0 : i32
    %lt3A_1831 = arith.cmpi slt, %rem3A_1827, %lt3A_1830 : i32
    %lt3A_1832 = arith.constant 0 : i32
    %lt3A_1833 = arith.cmpi slt, %select_n3A_1826, %lt3A_1832 : i32
    %ne3A_1834 = arith.xori %lt3A_1831, %lt3A_1833 : i1
    %and3A_1835 = arith.andi %ne3A_1834, %ne3A_1829 : i1
    %add3A_1836 = arith.addi %rem3A_1827, %select_n3A_1826 : i32
    %select_n3A_1837 = arith.select %and3A_1835, %add3A_1836, %rem3A_1827 : i32
    %mul3A_1838 = arith.constant 64 : i32
    %mul3A_1839 = arith.muli %select_n3A_1837, %mul3A_1838 : i32
    %add3A_1840 = arith.addi %mul3A_2, %mul3A_1839 : i32
    %dma_wait3A_1841 = arith.constant 256 : i32
    %dma_wait3A_1842 = tpu.memref_slice %arg6[%select_n3A_1820, %add3A_1840, %dma_wait3A_1841] : memref<50x4096x384xf32, #tpu.memory_space<hbm>> -> memref<1x64x128xf32, #tpu.memory_space<hbm>>
    %dma_wait3A_1843 = tpu.memref_squeeze %dma_wait3A_1842 : memref<1x64x128xf32, #tpu.memory_space<hbm>> -> memref<64x128xf32, #tpu.memory_space<hbm>>
    %dma_wait3A_1844 = arith.constant 256 : i32
    %dma_wait3A_1845 = tpu.memref_slice %arg6[%select_n3A_1820, %add3A_1840, %dma_wait3A_1844] : memref<50x4096x384xf32, #tpu.memory_space<hbm>> -> memref<1x64x128xf32, #tpu.memory_space<hbm>>
    %dma_wait3A_1846 = tpu.memref_squeeze %dma_wait3A_1845 : memref<1x64x128xf32, #tpu.memory_space<hbm>> -> memref<64x128xf32, #tpu.memory_space<hbm>>
    tpu.wait_dma2 semaphore(%arg47 : memref<!tpu.dma_semaphore, #tpu.memory_space<semaphore_mem>>) src(%arg23 : memref<64x128xf32, #tpu.memory_space<vmem>>) dst(%dma_wait3A_1846 : memref<64x128xf32, #tpu.memory_space<hbm>>)
    %jit3A_1847 = arith.constant 97 : i32
    %jit3A_1848 = arith.constant 2 : i32
    %div3A_1849 = arith.divsi %jit3A_1847, %jit3A_1848 : i32
    %sign3A_1850 = arith.constant 0 : i32
    %sign3A_1851 = arith.cmpi sgt, %jit3A_1847, %sign3A_1850 : i32
    %sign3A_1852 = arith.extui %sign3A_1851 : i1 to i32
    %sign3A_1853 = arith.constant 0 : i32
    %sign3A_1854 = arith.cmpi slt, %jit3A_1847, %sign3A_1853 : i32
    %sign3A_1855 = arith.extui %sign3A_1854 : i1 to i32
    %sign3A_1856 = arith.subi %sign3A_1852, %sign3A_1855 : i32
    %sign3A_1857 = arith.constant 0 : i32
    %sign3A_1858 = arith.cmpi sgt, %jit3A_1848, %sign3A_1857 : i32
    %sign3A_1859 = arith.extui %sign3A_1858 : i1 to i32
    %sign3A_1860 = arith.constant 0 : i32
    %sign3A_1861 = arith.cmpi slt, %jit3A_1848, %sign3A_1860 : i32
    %sign3A_1862 = arith.extui %sign3A_1861 : i1 to i32
    %sign3A_1863 = arith.subi %sign3A_1859, %sign3A_1862 : i32
    %ne3A_1864 = arith.cmpi ne, %sign3A_1856, %sign3A_1863 : i32
    %rem3A_1865 = arith.remsi %jit3A_1847, %jit3A_1848 : i32
    %ne3A_1866 = arith.constant 0 : i32
    %ne3A_1867 = arith.cmpi ne, %rem3A_1865, %ne3A_1866 : i32
    %and3A_1868 = arith.andi %ne3A_1864, %ne3A_1867 : i1
    %sub3A_1869 = arith.constant 1 : i32
    %sub3A_1870 = arith.subi %div3A_1849, %sub3A_1869 : i32
    %select_n3A_1871 = arith.select %and3A_1868, %sub3A_1870, %div3A_1849 : i32
    %jit3A_1872 = arith.constant 97 : i32
    %jit3A_1873 = arith.constant 2 : i32
    %eq3A_1874 = arith.constant 0 : i32
    %eq3A_1875 = arith.cmpi eq, %jit3A_1873, %eq3A_1874 : i32
    %jit3A_1876 = arith.constant 1 : i32
    %select_n3A_1877 = arith.select %eq3A_1875, %jit3A_1876, %jit3A_1873 : i32
    %rem3A_1878 = arith.remsi %jit3A_1872, %select_n3A_1877 : i32
    %ne3A_1879 = arith.constant 0 : i32
    %ne3A_1880 = arith.cmpi ne, %rem3A_1878, %ne3A_1879 : i32
    %lt3A_1881 = arith.constant 0 : i32
    %lt3A_1882 = arith.cmpi slt, %rem3A_1878, %lt3A_1881 : i32
    %lt3A_1883 = arith.constant 0 : i32
    %lt3A_1884 = arith.cmpi slt, %select_n3A_1877, %lt3A_1883 : i32
    %ne3A_1885 = arith.xori %lt3A_1882, %lt3A_1884 : i1
    %and3A_1886 = arith.andi %ne3A_1885, %ne3A_1880 : i1
    %add3A_1887 = arith.addi %rem3A_1878, %select_n3A_1877 : i32
    %select_n3A_1888 = arith.select %and3A_1886, %add3A_1887, %rem3A_1878 : i32
    %mul3A_1889 = arith.constant 64 : i32
    %mul3A_1890 = arith.muli %select_n3A_1888, %mul3A_1889 : i32
    %add3A_1891 = arith.addi %mul3A_2, %mul3A_1890 : i32
    %dma_wait3A_1892 = arith.constant 0 : i32
    %dma_wait3A_1893 = tpu.memref_slice %arg6[%select_n3A_1871, %add3A_1891, %dma_wait3A_1892] : memref<50x4096x384xf32, #tpu.memory_space<hbm>> -> memref<1x64x128xf32, #tpu.memory_space<hbm>>
    %dma_wait3A_1894 = tpu.memref_squeeze %dma_wait3A_1893 : memref<1x64x128xf32, #tpu.memory_space<hbm>> -> memref<64x128xf32, #tpu.memory_space<hbm>>
    %dma_wait3A_1895 = arith.constant 0 : i32
    %dma_wait3A_1896 = tpu.memref_slice %arg6[%select_n3A_1871, %add3A_1891, %dma_wait3A_1895] : memref<50x4096x384xf32, #tpu.memory_space<hbm>> -> memref<1x64x128xf32, #tpu.memory_space<hbm>>
    %dma_wait3A_1897 = tpu.memref_squeeze %dma_wait3A_1896 : memref<1x64x128xf32, #tpu.memory_space<hbm>> -> memref<64x128xf32, #tpu.memory_space<hbm>>
    tpu.wait_dma2 semaphore(%arg40 : memref<!tpu.dma_semaphore, #tpu.memory_space<semaphore_mem>>) src(%arg16 : memref<64x128xf32, #tpu.memory_space<vmem>>) dst(%dma_wait3A_1897 : memref<64x128xf32, #tpu.memory_space<hbm>>)
    %jit3A_1898 = arith.constant 97 : i32
    %jit3A_1899 = arith.constant 2 : i32
    %div3A_1900 = arith.divsi %jit3A_1898, %jit3A_1899 : i32
    %sign3A_1901 = arith.constant 0 : i32
    %sign3A_1902 = arith.cmpi sgt, %jit3A_1898, %sign3A_1901 : i32
    %sign3A_1903 = arith.extui %sign3A_1902 : i1 to i32
    %sign3A_1904 = arith.constant 0 : i32
    %sign3A_1905 = arith.cmpi slt, %jit3A_1898, %sign3A_1904 : i32
    %sign3A_1906 = arith.extui %sign3A_1905 : i1 to i32
    %sign3A_1907 = arith.subi %sign3A_1903, %sign3A_1906 : i32
    %sign3A_1908 = arith.constant 0 : i32
    %sign3A_1909 = arith.cmpi sgt, %jit3A_1899, %sign3A_1908 : i32
    %sign3A_1910 = arith.extui %sign3A_1909 : i1 to i32
    %sign3A_1911 = arith.constant 0 : i32
    %sign3A_1912 = arith.cmpi slt, %jit3A_1899, %sign3A_1911 : i32
    %sign3A_1913 = arith.extui %sign3A_1912 : i1 to i32
    %sign3A_1914 = arith.subi %sign3A_1910, %sign3A_1913 : i32
    %ne3A_1915 = arith.cmpi ne, %sign3A_1907, %sign3A_1914 : i32
    %rem3A_1916 = arith.remsi %jit3A_1898, %jit3A_1899 : i32
    %ne3A_1917 = arith.constant 0 : i32
    %ne3A_1918 = arith.cmpi ne, %rem3A_1916, %ne3A_1917 : i32
    %and3A_1919 = arith.andi %ne3A_1915, %ne3A_1918 : i1
    %sub3A_1920 = arith.constant 1 : i32
    %sub3A_1921 = arith.subi %div3A_1900, %sub3A_1920 : i32
    %select_n3A_1922 = arith.select %and3A_1919, %sub3A_1921, %div3A_1900 : i32
    %jit3A_1923 = arith.constant 97 : i32
    %jit3A_1924 = arith.constant 2 : i32
    %eq3A_1925 = arith.constant 0 : i32
    %eq3A_1926 = arith.cmpi eq, %jit3A_1924, %eq3A_1925 : i32
    %jit3A_1927 = arith.constant 1 : i32
    %select_n3A_1928 = arith.select %eq3A_1926, %jit3A_1927, %jit3A_1924 : i32
    %rem3A_1929 = arith.remsi %jit3A_1923, %select_n3A_1928 : i32
    %ne3A_1930 = arith.constant 0 : i32
    %ne3A_1931 = arith.cmpi ne, %rem3A_1929, %ne3A_1930 : i32
    %lt3A_1932 = arith.constant 0 : i32
    %lt3A_1933 = arith.cmpi slt, %rem3A_1929, %lt3A_1932 : i32
    %lt3A_1934 = arith.constant 0 : i32
    %lt3A_1935 = arith.cmpi slt, %select_n3A_1928, %lt3A_1934 : i32
    %ne3A_1936 = arith.xori %lt3A_1933, %lt3A_1935 : i1
    %and3A_1937 = arith.andi %ne3A_1936, %ne3A_1931 : i1
    %add3A_1938 = arith.addi %rem3A_1929, %select_n3A_1928 : i32
    %select_n3A_1939 = arith.select %and3A_1937, %add3A_1938, %rem3A_1929 : i32
    %mul3A_1940 = arith.constant 64 : i32
    %mul3A_1941 = arith.muli %select_n3A_1939, %mul3A_1940 : i32
    %add3A_1942 = arith.addi %mul3A_2, %mul3A_1941 : i32
    %dma_wait3A_1943 = arith.constant 128 : i32
    %dma_wait3A_1944 = tpu.memref_slice %arg6[%select_n3A_1922, %add3A_1942, %dma_wait3A_1943] : memref<50x4096x384xf32, #tpu.memory_space<hbm>> -> memref<1x64x128xf32, #tpu.memory_space<hbm>>
    %dma_wait3A_1945 = tpu.memref_squeeze %dma_wait3A_1944 : memref<1x64x128xf32, #tpu.memory_space<hbm>> -> memref<64x128xf32, #tpu.memory_space<hbm>>
    %dma_wait3A_1946 = arith.constant 128 : i32
    %dma_wait3A_1947 = tpu.memref_slice %arg6[%select_n3A_1922, %add3A_1942, %dma_wait3A_1946] : memref<50x4096x384xf32, #tpu.memory_space<hbm>> -> memref<1x64x128xf32, #tpu.memory_space<hbm>>
    %dma_wait3A_1948 = tpu.memref_squeeze %dma_wait3A_1947 : memref<1x64x128xf32, #tpu.memory_space<hbm>> -> memref<64x128xf32, #tpu.memory_space<hbm>>
    tpu.wait_dma2 semaphore(%arg44 : memref<!tpu.dma_semaphore, #tpu.memory_space<semaphore_mem>>) src(%arg20 : memref<64x128xf32, #tpu.memory_space<vmem>>) dst(%dma_wait3A_1948 : memref<64x128xf32, #tpu.memory_space<hbm>>)
    %jit3A_1949 = arith.constant 97 : i32
    %jit3A_1950 = arith.constant 2 : i32
    %div3A_1951 = arith.divsi %jit3A_1949, %jit3A_1950 : i32
    %sign3A_1952 = arith.constant 0 : i32
    %sign3A_1953 = arith.cmpi sgt, %jit3A_1949, %sign3A_1952 : i32
    %sign3A_1954 = arith.extui %sign3A_1953 : i1 to i32
    %sign3A_1955 = arith.constant 0 : i32
    %sign3A_1956 = arith.cmpi slt, %jit3A_1949, %sign3A_1955 : i32
    %sign3A_1957 = arith.extui %sign3A_1956 : i1 to i32
    %sign3A_1958 = arith.subi %sign3A_1954, %sign3A_1957 : i32
    %sign3A_1959 = arith.constant 0 : i32
    %sign3A_1960 = arith.cmpi sgt, %jit3A_1950, %sign3A_1959 : i32
    %sign3A_1961 = arith.extui %sign3A_1960 : i1 to i32
    %sign3A_1962 = arith.constant 0 : i32
    %sign3A_1963 = arith.cmpi slt, %jit3A_1950, %sign3A_1962 : i32
    %sign3A_1964 = arith.extui %sign3A_1963 : i1 to i32
    %sign3A_1965 = arith.subi %sign3A_1961, %sign3A_1964 : i32
    %ne3A_1966 = arith.cmpi ne, %sign3A_1958, %sign3A_1965 : i32
    %rem3A_1967 = arith.remsi %jit3A_1949, %jit3A_1950 : i32
    %ne3A_1968 = arith.constant 0 : i32
    %ne3A_1969 = arith.cmpi ne, %rem3A_1967, %ne3A_1968 : i32
    %and3A_1970 = arith.andi %ne3A_1966, %ne3A_1969 : i1
    %sub3A_1971 = arith.constant 1 : i32
    %sub3A_1972 = arith.subi %div3A_1951, %sub3A_1971 : i32
    %select_n3A_1973 = arith.select %and3A_1970, %sub3A_1972, %div3A_1951 : i32
    %jit3A_1974 = arith.constant 97 : i32
    %jit3A_1975 = arith.constant 2 : i32
    %eq3A_1976 = arith.constant 0 : i32
    %eq3A_1977 = arith.cmpi eq, %jit3A_1975, %eq3A_1976 : i32
    %jit3A_1978 = arith.constant 1 : i32
    %select_n3A_1979 = arith.select %eq3A_1977, %jit3A_1978, %jit3A_1975 : i32
    %rem3A_1980 = arith.remsi %jit3A_1974, %select_n3A_1979 : i32
    %ne3A_1981 = arith.constant 0 : i32
    %ne3A_1982 = arith.cmpi ne, %rem3A_1980, %ne3A_1981 : i32
    %lt3A_1983 = arith.constant 0 : i32
    %lt3A_1984 = arith.cmpi slt, %rem3A_1980, %lt3A_1983 : i32
    %lt3A_1985 = arith.constant 0 : i32
    %lt3A_1986 = arith.cmpi slt, %select_n3A_1979, %lt3A_1985 : i32
    %ne3A_1987 = arith.xori %lt3A_1984, %lt3A_1986 : i1
    %and3A_1988 = arith.andi %ne3A_1987, %ne3A_1982 : i1
    %add3A_1989 = arith.addi %rem3A_1980, %select_n3A_1979 : i32
    %select_n3A_1990 = arith.select %and3A_1988, %add3A_1989, %rem3A_1980 : i32
    %mul3A_1991 = arith.constant 64 : i32
    %mul3A_1992 = arith.muli %select_n3A_1990, %mul3A_1991 : i32
    %add3A_1993 = arith.addi %mul3A_2, %mul3A_1992 : i32
    %dma_wait3A_1994 = arith.constant 256 : i32
    %dma_wait3A_1995 = tpu.memref_slice %arg6[%select_n3A_1973, %add3A_1993, %dma_wait3A_1994] : memref<50x4096x384xf32, #tpu.memory_space<hbm>> -> memref<1x64x128xf32, #tpu.memory_space<hbm>>
    %dma_wait3A_1996 = tpu.memref_squeeze %dma_wait3A_1995 : memref<1x64x128xf32, #tpu.memory_space<hbm>> -> memref<64x128xf32, #tpu.memory_space<hbm>>
    %dma_wait3A_1997 = arith.constant 256 : i32
    %dma_wait3A_1998 = tpu.memref_slice %arg6[%select_n3A_1973, %add3A_1993, %dma_wait3A_1997] : memref<50x4096x384xf32, #tpu.memory_space<hbm>> -> memref<1x64x128xf32, #tpu.memory_space<hbm>>
    %dma_wait3A_1999 = tpu.memref_squeeze %dma_wait3A_1998 : memref<1x64x128xf32, #tpu.memory_space<hbm>> -> memref<64x128xf32, #tpu.memory_space<hbm>>
    tpu.wait_dma2 semaphore(%arg48 : memref<!tpu.dma_semaphore, #tpu.memory_space<semaphore_mem>>) src(%arg24 : memref<64x128xf32, #tpu.memory_space<vmem>>) dst(%dma_wait3A_1999 : memref<64x128xf32, #tpu.memory_space<hbm>>)
    %jit3A_2000 = arith.constant 98 : i32
    %jit3A_2001 = arith.constant 2 : i32
    %div3A_2002 = arith.divsi %jit3A_2000, %jit3A_2001 : i32
    %sign3A_2003 = arith.constant 0 : i32
    %sign3A_2004 = arith.cmpi sgt, %jit3A_2000, %sign3A_2003 : i32
    %sign3A_2005 = arith.extui %sign3A_2004 : i1 to i32
    %sign3A_2006 = arith.constant 0 : i32
    %sign3A_2007 = arith.cmpi slt, %jit3A_2000, %sign3A_2006 : i32
    %sign3A_2008 = arith.extui %sign3A_2007 : i1 to i32
    %sign3A_2009 = arith.subi %sign3A_2005, %sign3A_2008 : i32
    %sign3A_2010 = arith.constant 0 : i32
    %sign3A_2011 = arith.cmpi sgt, %jit3A_2001, %sign3A_2010 : i32
    %sign3A_2012 = arith.extui %sign3A_2011 : i1 to i32
    %sign3A_2013 = arith.constant 0 : i32
    %sign3A_2014 = arith.cmpi slt, %jit3A_2001, %sign3A_2013 : i32
    %sign3A_2015 = arith.extui %sign3A_2014 : i1 to i32
    %sign3A_2016 = arith.subi %sign3A_2012, %sign3A_2015 : i32
    %ne3A_2017 = arith.cmpi ne, %sign3A_2009, %sign3A_2016 : i32
    %rem3A_2018 = arith.remsi %jit3A_2000, %jit3A_2001 : i32
    %ne3A_2019 = arith.constant 0 : i32
    %ne3A_2020 = arith.cmpi ne, %rem3A_2018, %ne3A_2019 : i32
    %and3A_2021 = arith.andi %ne3A_2017, %ne3A_2020 : i1
    %sub3A_2022 = arith.constant 1 : i32
    %sub3A_2023 = arith.subi %div3A_2002, %sub3A_2022 : i32
    %select_n3A_2024 = arith.select %and3A_2021, %sub3A_2023, %div3A_2002 : i32
    %jit3A_2025 = arith.constant 98 : i32
    %jit3A_2026 = arith.constant 2 : i32
    %eq3A_2027 = arith.constant 0 : i32
    %eq3A_2028 = arith.cmpi eq, %jit3A_2026, %eq3A_2027 : i32
    %jit3A_2029 = arith.constant 1 : i32
    %select_n3A_2030 = arith.select %eq3A_2028, %jit3A_2029, %jit3A_2026 : i32
    %rem3A_2031 = arith.remsi %jit3A_2025, %select_n3A_2030 : i32
    %ne3A_2032 = arith.constant 0 : i32
    %ne3A_2033 = arith.cmpi ne, %rem3A_2031, %ne3A_2032 : i32
    %lt3A_2034 = arith.constant 0 : i32
    %lt3A_2035 = arith.cmpi slt, %rem3A_2031, %lt3A_2034 : i32
    %lt3A_2036 = arith.constant 0 : i32
    %lt3A_2037 = arith.cmpi slt, %select_n3A_2030, %lt3A_2036 : i32
    %ne3A_2038 = arith.xori %lt3A_2035, %lt3A_2037 : i1
    %and3A_2039 = arith.andi %ne3A_2038, %ne3A_2033 : i1
    %add3A_2040 = arith.addi %rem3A_2031, %select_n3A_2030 : i32
    %select_n3A_2041 = arith.select %and3A_2039, %add3A_2040, %rem3A_2031 : i32
    %mul3A_2042 = arith.constant 64 : i32
    %mul3A_2043 = arith.muli %select_n3A_2041, %mul3A_2042 : i32
    %add3A_2044 = arith.addi %mul3A_2, %mul3A_2043 : i32
    %dma_wait3A_2045 = arith.constant 0 : i32
    %dma_wait3A_2046 = tpu.memref_slice %arg6[%select_n3A_2024, %add3A_2044, %dma_wait3A_2045] : memref<50x4096x384xf32, #tpu.memory_space<hbm>> -> memref<1x64x128xf32, #tpu.memory_space<hbm>>
    %dma_wait3A_2047 = tpu.memref_squeeze %dma_wait3A_2046 : memref<1x64x128xf32, #tpu.memory_space<hbm>> -> memref<64x128xf32, #tpu.memory_space<hbm>>
    %dma_wait3A_2048 = arith.constant 0 : i32
    %dma_wait3A_2049 = tpu.memref_slice %arg6[%select_n3A_2024, %add3A_2044, %dma_wait3A_2048] : memref<50x4096x384xf32, #tpu.memory_space<hbm>> -> memref<1x64x128xf32, #tpu.memory_space<hbm>>
    %dma_wait3A_2050 = tpu.memref_squeeze %dma_wait3A_2049 : memref<1x64x128xf32, #tpu.memory_space<hbm>> -> memref<64x128xf32, #tpu.memory_space<hbm>>
    tpu.wait_dma2 semaphore(%arg41 : memref<!tpu.dma_semaphore, #tpu.memory_space<semaphore_mem>>) src(%arg17 : memref<64x128xf32, #tpu.memory_space<vmem>>) dst(%dma_wait3A_2050 : memref<64x128xf32, #tpu.memory_space<hbm>>)
    %jit3A_2051 = arith.constant 98 : i32
    %jit3A_2052 = arith.constant 2 : i32
    %div3A_2053 = arith.divsi %jit3A_2051, %jit3A_2052 : i32
    %sign3A_2054 = arith.constant 0 : i32
    %sign3A_2055 = arith.cmpi sgt, %jit3A_2051, %sign3A_2054 : i32
    %sign3A_2056 = arith.extui %sign3A_2055 : i1 to i32
    %sign3A_2057 = arith.constant 0 : i32
    %sign3A_2058 = arith.cmpi slt, %jit3A_2051, %sign3A_2057 : i32
    %sign3A_2059 = arith.extui %sign3A_2058 : i1 to i32
    %sign3A_2060 = arith.subi %sign3A_2056, %sign3A_2059 : i32
    %sign3A_2061 = arith.constant 0 : i32
    %sign3A_2062 = arith.cmpi sgt, %jit3A_2052, %sign3A_2061 : i32
    %sign3A_2063 = arith.extui %sign3A_2062 : i1 to i32
    %sign3A_2064 = arith.constant 0 : i32
    %sign3A_2065 = arith.cmpi slt, %jit3A_2052, %sign3A_2064 : i32
    %sign3A_2066 = arith.extui %sign3A_2065 : i1 to i32
    %sign3A_2067 = arith.subi %sign3A_2063, %sign3A_2066 : i32
    %ne3A_2068 = arith.cmpi ne, %sign3A_2060, %sign3A_2067 : i32
    %rem3A_2069 = arith.remsi %jit3A_2051, %jit3A_2052 : i32
    %ne3A_2070 = arith.constant 0 : i32
    %ne3A_2071 = arith.cmpi ne, %rem3A_2069, %ne3A_2070 : i32
    %and3A_2072 = arith.andi %ne3A_2068, %ne3A_2071 : i1
    %sub3A_2073 = arith.constant 1 : i32
    %sub3A_2074 = arith.subi %div3A_2053, %sub3A_2073 : i32
    %select_n3A_2075 = arith.select %and3A_2072, %sub3A_2074, %div3A_2053 : i32
    %jit3A_2076 = arith.constant 98 : i32
    %jit3A_2077 = arith.constant 2 : i32
    %eq3A_2078 = arith.constant 0 : i32
    %eq3A_2079 = arith.cmpi eq, %jit3A_2077, %eq3A_2078 : i32
    %jit3A_2080 = arith.constant 1 : i32
    %select_n3A_2081 = arith.select %eq3A_2079, %jit3A_2080, %jit3A_2077 : i32
    %rem3A_2082 = arith.remsi %jit3A_2076, %select_n3A_2081 : i32
    %ne3A_2083 = arith.constant 0 : i32
    %ne3A_2084 = arith.cmpi ne, %rem3A_2082, %ne3A_2083 : i32
    %lt3A_2085 = arith.constant 0 : i32
    %lt3A_2086 = arith.cmpi slt, %rem3A_2082, %lt3A_2085 : i32
    %lt3A_2087 = arith.constant 0 : i32
    %lt3A_2088 = arith.cmpi slt, %select_n3A_2081, %lt3A_2087 : i32
    %ne3A_2089 = arith.xori %lt3A_2086, %lt3A_2088 : i1
    %and3A_2090 = arith.andi %ne3A_2089, %ne3A_2084 : i1
    %add3A_2091 = arith.addi %rem3A_2082, %select_n3A_2081 : i32
    %select_n3A_2092 = arith.select %and3A_2090, %add3A_2091, %rem3A_2082 : i32
    %mul3A_2093 = arith.constant 64 : i32
    %mul3A_2094 = arith.muli %select_n3A_2092, %mul3A_2093 : i32
    %add3A_2095 = arith.addi %mul3A_2, %mul3A_2094 : i32
    %dma_wait3A_2096 = arith.constant 128 : i32
    %dma_wait3A_2097 = tpu.memref_slice %arg6[%select_n3A_2075, %add3A_2095, %dma_wait3A_2096] : memref<50x4096x384xf32, #tpu.memory_space<hbm>> -> memref<1x64x128xf32, #tpu.memory_space<hbm>>
    %dma_wait3A_2098 = tpu.memref_squeeze %dma_wait3A_2097 : memref<1x64x128xf32, #tpu.memory_space<hbm>> -> memref<64x128xf32, #tpu.memory_space<hbm>>
    %dma_wait3A_2099 = arith.constant 128 : i32
    %dma_wait3A_2100 = tpu.memref_slice %arg6[%select_n3A_2075, %add3A_2095, %dma_wait3A_2099] : memref<50x4096x384xf32, #tpu.memory_space<hbm>> -> memref<1x64x128xf32, #tpu.memory_space<hbm>>
    %dma_wait3A_2101 = tpu.memref_squeeze %dma_wait3A_2100 : memref<1x64x128xf32, #tpu.memory_space<hbm>> -> memref<64x128xf32, #tpu.memory_space<hbm>>
    tpu.wait_dma2 semaphore(%arg45 : memref<!tpu.dma_semaphore, #tpu.memory_space<semaphore_mem>>) src(%arg21 : memref<64x128xf32, #tpu.memory_space<vmem>>) dst(%dma_wait3A_2101 : memref<64x128xf32, #tpu.memory_space<hbm>>)
    %jit3A_2102 = arith.constant 98 : i32
    %jit3A_2103 = arith.constant 2 : i32
    %div3A_2104 = arith.divsi %jit3A_2102, %jit3A_2103 : i32
    %sign3A_2105 = arith.constant 0 : i32
    %sign3A_2106 = arith.cmpi sgt, %jit3A_2102, %sign3A_2105 : i32
    %sign3A_2107 = arith.extui %sign3A_2106 : i1 to i32
    %sign3A_2108 = arith.constant 0 : i32
    %sign3A_2109 = arith.cmpi slt, %jit3A_2102, %sign3A_2108 : i32
    %sign3A_2110 = arith.extui %sign3A_2109 : i1 to i32
    %sign3A_2111 = arith.subi %sign3A_2107, %sign3A_2110 : i32
    %sign3A_2112 = arith.constant 0 : i32
    %sign3A_2113 = arith.cmpi sgt, %jit3A_2103, %sign3A_2112 : i32
    %sign3A_2114 = arith.extui %sign3A_2113 : i1 to i32
    %sign3A_2115 = arith.constant 0 : i32
    %sign3A_2116 = arith.cmpi slt, %jit3A_2103, %sign3A_2115 : i32
    %sign3A_2117 = arith.extui %sign3A_2116 : i1 to i32
    %sign3A_2118 = arith.subi %sign3A_2114, %sign3A_2117 : i32
    %ne3A_2119 = arith.cmpi ne, %sign3A_2111, %sign3A_2118 : i32
    %rem3A_2120 = arith.remsi %jit3A_2102, %jit3A_2103 : i32
    %ne3A_2121 = arith.constant 0 : i32
    %ne3A_2122 = arith.cmpi ne, %rem3A_2120, %ne3A_2121 : i32
    %and3A_2123 = arith.andi %ne3A_2119, %ne3A_2122 : i1
    %sub3A_2124 = arith.constant 1 : i32
    %sub3A_2125 = arith.subi %div3A_2104, %sub3A_2124 : i32
    %select_n3A_2126 = arith.select %and3A_2123, %sub3A_2125, %div3A_2104 : i32
    %jit3A_2127 = arith.constant 98 : i32
    %jit3A_2128 = arith.constant 2 : i32
    %eq3A_2129 = arith.constant 0 : i32
    %eq3A_2130 = arith.cmpi eq, %jit3A_2128, %eq3A_2129 : i32
    %jit3A_2131 = arith.constant 1 : i32
    %select_n3A_2132 = arith.select %eq3A_2130, %jit3A_2131, %jit3A_2128 : i32
    %rem3A_2133 = arith.remsi %jit3A_2127, %select_n3A_2132 : i32
    %ne3A_2134 = arith.constant 0 : i32
    %ne3A_2135 = arith.cmpi ne, %rem3A_2133, %ne3A_2134 : i32
    %lt3A_2136 = arith.constant 0 : i32
    %lt3A_2137 = arith.cmpi slt, %rem3A_2133, %lt3A_2136 : i32
    %lt3A_2138 = arith.constant 0 : i32
    %lt3A_2139 = arith.cmpi slt, %select_n3A_2132, %lt3A_2138 : i32
    %ne3A_2140 = arith.xori %lt3A_2137, %lt3A_2139 : i1
    %and3A_2141 = arith.andi %ne3A_2140, %ne3A_2135 : i1
    %add3A_2142 = arith.addi %rem3A_2133, %select_n3A_2132 : i32
    %select_n3A_2143 = arith.select %and3A_2141, %add3A_2142, %rem3A_2133 : i32
    %mul3A_2144 = arith.constant 64 : i32
    %mul3A_2145 = arith.muli %select_n3A_2143, %mul3A_2144 : i32
    %add3A_2146 = arith.addi %mul3A_2, %mul3A_2145 : i32
    %dma_wait3A_2147 = arith.constant 256 : i32
    %dma_wait3A_2148 = tpu.memref_slice %arg6[%select_n3A_2126, %add3A_2146, %dma_wait3A_2147] : memref<50x4096x384xf32, #tpu.memory_space<hbm>> -> memref<1x64x128xf32, #tpu.memory_space<hbm>>
    %dma_wait3A_2149 = tpu.memref_squeeze %dma_wait3A_2148 : memref<1x64x128xf32, #tpu.memory_space<hbm>> -> memref<64x128xf32, #tpu.memory_space<hbm>>
    %dma_wait3A_2150 = arith.constant 256 : i32
    %dma_wait3A_2151 = tpu.memref_slice %arg6[%select_n3A_2126, %add3A_2146, %dma_wait3A_2150] : memref<50x4096x384xf32, #tpu.memory_space<hbm>> -> memref<1x64x128xf32, #tpu.memory_space<hbm>>
    %dma_wait3A_2152 = tpu.memref_squeeze %dma_wait3A_2151 : memref<1x64x128xf32, #tpu.memory_space<hbm>> -> memref<64x128xf32, #tpu.memory_space<hbm>>
    tpu.wait_dma2 semaphore(%arg49 : memref<!tpu.dma_semaphore, #tpu.memory_space<semaphore_mem>>) src(%arg25 : memref<64x128xf32, #tpu.memory_space<vmem>>) dst(%dma_wait3A_2152 : memref<64x128xf32, #tpu.memory_space<hbm>>)
    %jit3A_2153 = arith.constant 99 : i32
    %jit3A_2154 = arith.constant 2 : i32
    %div3A_2155 = arith.divsi %jit3A_2153, %jit3A_2154 : i32
    %sign3A_2156 = arith.constant 0 : i32
    %sign3A_2157 = arith.cmpi sgt, %jit3A_2153, %sign3A_2156 : i32
    %sign3A_2158 = arith.extui %sign3A_2157 : i1 to i32
    %sign3A_2159 = arith.constant 0 : i32
    %sign3A_2160 = arith.cmpi slt, %jit3A_2153, %sign3A_2159 : i32
    %sign3A_2161 = arith.extui %sign3A_2160 : i1 to i32
    %sign3A_2162 = arith.subi %sign3A_2158, %sign3A_2161 : i32
    %sign3A_2163 = arith.constant 0 : i32
    %sign3A_2164 = arith.cmpi sgt, %jit3A_2154, %sign3A_2163 : i32
    %sign3A_2165 = arith.extui %sign3A_2164 : i1 to i32
    %sign3A_2166 = arith.constant 0 : i32
    %sign3A_2167 = arith.cmpi slt, %jit3A_2154, %sign3A_2166 : i32
    %sign3A_2168 = arith.extui %sign3A_2167 : i1 to i32
    %sign3A_2169 = arith.subi %sign3A_2165, %sign3A_2168 : i32
    %ne3A_2170 = arith.cmpi ne, %sign3A_2162, %sign3A_2169 : i32
    %rem3A_2171 = arith.remsi %jit3A_2153, %jit3A_2154 : i32
    %ne3A_2172 = arith.constant 0 : i32
    %ne3A_2173 = arith.cmpi ne, %rem3A_2171, %ne3A_2172 : i32
    %and3A_2174 = arith.andi %ne3A_2170, %ne3A_2173 : i1
    %sub3A_2175 = arith.constant 1 : i32
    %sub3A_2176 = arith.subi %div3A_2155, %sub3A_2175 : i32
    %select_n3A_2177 = arith.select %and3A_2174, %sub3A_2176, %div3A_2155 : i32
    %jit3A_2178 = arith.constant 99 : i32
    %jit3A_2179 = arith.constant 2 : i32
    %eq3A_2180 = arith.constant 0 : i32
    %eq3A_2181 = arith.cmpi eq, %jit3A_2179, %eq3A_2180 : i32
    %jit3A_2182 = arith.constant 1 : i32
    %select_n3A_2183 = arith.select %eq3A_2181, %jit3A_2182, %jit3A_2179 : i32
    %rem3A_2184 = arith.remsi %jit3A_2178, %select_n3A_2183 : i32
    %ne3A_2185 = arith.constant 0 : i32
    %ne3A_2186 = arith.cmpi ne, %rem3A_2184, %ne3A_2185 : i32
    %lt3A_2187 = arith.constant 0 : i32
    %lt3A_2188 = arith.cmpi slt, %rem3A_2184, %lt3A_2187 : i32
    %lt3A_2189 = arith.constant 0 : i32
    %lt3A_2190 = arith.cmpi slt, %select_n3A_2183, %lt3A_2189 : i32
    %ne3A_2191 = arith.xori %lt3A_2188, %lt3A_2190 : i1
    %and3A_2192 = arith.andi %ne3A_2191, %ne3A_2186 : i1
    %add3A_2193 = arith.addi %rem3A_2184, %select_n3A_2183 : i32
    %select_n3A_2194 = arith.select %and3A_2192, %add3A_2193, %rem3A_2184 : i32
    %mul3A_2195 = arith.constant 64 : i32
    %mul3A_2196 = arith.muli %select_n3A_2194, %mul3A_2195 : i32
    %add3A_2197 = arith.addi %mul3A_2, %mul3A_2196 : i32
    %dma_wait3A_2198 = arith.constant 0 : i32
    %dma_wait3A_2199 = tpu.memref_slice %arg6[%select_n3A_2177, %add3A_2197, %dma_wait3A_2198] : memref<50x4096x384xf32, #tpu.memory_space<hbm>> -> memref<1x64x128xf32, #tpu.memory_space<hbm>>
    %dma_wait3A_2200 = tpu.memref_squeeze %dma_wait3A_2199 : memref<1x64x128xf32, #tpu.memory_space<hbm>> -> memref<64x128xf32, #tpu.memory_space<hbm>>
    %dma_wait3A_2201 = arith.constant 0 : i32
    %dma_wait3A_2202 = tpu.memref_slice %arg6[%select_n3A_2177, %add3A_2197, %dma_wait3A_2201] : memref<50x4096x384xf32, #tpu.memory_space<hbm>> -> memref<1x64x128xf32, #tpu.memory_space<hbm>>
    %dma_wait3A_2203 = tpu.memref_squeeze %dma_wait3A_2202 : memref<1x64x128xf32, #tpu.memory_space<hbm>> -> memref<64x128xf32, #tpu.memory_space<hbm>>
    tpu.wait_dma2 semaphore(%arg42 : memref<!tpu.dma_semaphore, #tpu.memory_space<semaphore_mem>>) src(%arg18 : memref<64x128xf32, #tpu.memory_space<vmem>>) dst(%dma_wait3A_2203 : memref<64x128xf32, #tpu.memory_space<hbm>>)
    %jit3A_2204 = arith.constant 99 : i32
    %jit3A_2205 = arith.constant 2 : i32
    %div3A_2206 = arith.divsi %jit3A_2204, %jit3A_2205 : i32
    %sign3A_2207 = arith.constant 0 : i32
    %sign3A_2208 = arith.cmpi sgt, %jit3A_2204, %sign3A_2207 : i32
    %sign3A_2209 = arith.extui %sign3A_2208 : i1 to i32
    %sign3A_2210 = arith.constant 0 : i32
    %sign3A_2211 = arith.cmpi slt, %jit3A_2204, %sign3A_2210 : i32
    %sign3A_2212 = arith.extui %sign3A_2211 : i1 to i32
    %sign3A_2213 = arith.subi %sign3A_2209, %sign3A_2212 : i32
    %sign3A_2214 = arith.constant 0 : i32
    %sign3A_2215 = arith.cmpi sgt, %jit3A_2205, %sign3A_2214 : i32
    %sign3A_2216 = arith.extui %sign3A_2215 : i1 to i32
    %sign3A_2217 = arith.constant 0 : i32
    %sign3A_2218 = arith.cmpi slt, %jit3A_2205, %sign3A_2217 : i32
    %sign3A_2219 = arith.extui %sign3A_2218 : i1 to i32
    %sign3A_2220 = arith.subi %sign3A_2216, %sign3A_2219 : i32
    %ne3A_2221 = arith.cmpi ne, %sign3A_2213, %sign3A_2220 : i32
    %rem3A_2222 = arith.remsi %jit3A_2204, %jit3A_2205 : i32
    %ne3A_2223 = arith.constant 0 : i32
    %ne3A_2224 = arith.cmpi ne, %rem3A_2222, %ne3A_2223 : i32
    %and3A_2225 = arith.andi %ne3A_2221, %ne3A_2224 : i1
    %sub3A_2226 = arith.constant 1 : i32
    %sub3A_2227 = arith.subi %div3A_2206, %sub3A_2226 : i32
    %select_n3A_2228 = arith.select %and3A_2225, %sub3A_2227, %div3A_2206 : i32
    %jit3A_2229 = arith.constant 99 : i32
    %jit3A_2230 = arith.constant 2 : i32
    %eq3A_2231 = arith.constant 0 : i32
    %eq3A_2232 = arith.cmpi eq, %jit3A_2230, %eq3A_2231 : i32
    %jit3A_2233 = arith.constant 1 : i32
    %select_n3A_2234 = arith.select %eq3A_2232, %jit3A_2233, %jit3A_2230 : i32
    %rem3A_2235 = arith.remsi %jit3A_2229, %select_n3A_2234 : i32
    %ne3A_2236 = arith.constant 0 : i32
    %ne3A_2237 = arith.cmpi ne, %rem3A_2235, %ne3A_2236 : i32
    %lt3A_2238 = arith.constant 0 : i32
    %lt3A_2239 = arith.cmpi slt, %rem3A_2235, %lt3A_2238 : i32
    %lt3A_2240 = arith.constant 0 : i32
    %lt3A_2241 = arith.cmpi slt, %select_n3A_2234, %lt3A_2240 : i32
    %ne3A_2242 = arith.xori %lt3A_2239, %lt3A_2241 : i1
    %and3A_2243 = arith.andi %ne3A_2242, %ne3A_2237 : i1
    %add3A_2244 = arith.addi %rem3A_2235, %select_n3A_2234 : i32
    %select_n3A_2245 = arith.select %and3A_2243, %add3A_2244, %rem3A_2235 : i32
    %mul3A_2246 = arith.constant 64 : i32
    %mul3A_2247 = arith.muli %select_n3A_2245, %mul3A_2246 : i32
    %add3A_2248 = arith.addi %mul3A_2, %mul3A_2247 : i32
    %dma_wait3A_2249 = arith.constant 128 : i32
    %dma_wait3A_2250 = tpu.memref_slice %arg6[%select_n3A_2228, %add3A_2248, %dma_wait3A_2249] : memref<50x4096x384xf32, #tpu.memory_space<hbm>> -> memref<1x64x128xf32, #tpu.memory_space<hbm>>
    %dma_wait3A_2251 = tpu.memref_squeeze %dma_wait3A_2250 : memref<1x64x128xf32, #tpu.memory_space<hbm>> -> memref<64x128xf32, #tpu.memory_space<hbm>>
    %dma_wait3A_2252 = arith.constant 128 : i32
    %dma_wait3A_2253 = tpu.memref_slice %arg6[%select_n3A_2228, %add3A_2248, %dma_wait3A_2252] : memref<50x4096x384xf32, #tpu.memory_space<hbm>> -> memref<1x64x128xf32, #tpu.memory_space<hbm>>
    %dma_wait3A_2254 = tpu.memref_squeeze %dma_wait3A_2253 : memref<1x64x128xf32, #tpu.memory_space<hbm>> -> memref<64x128xf32, #tpu.memory_space<hbm>>
    tpu.wait_dma2 semaphore(%arg46 : memref<!tpu.dma_semaphore, #tpu.memory_space<semaphore_mem>>) src(%arg22 : memref<64x128xf32, #tpu.memory_space<vmem>>) dst(%dma_wait3A_2254 : memref<64x128xf32, #tpu.memory_space<hbm>>)
    %jit3A_2255 = arith.constant 99 : i32
    %jit3A_2256 = arith.constant 2 : i32
    %div3A_2257 = arith.divsi %jit3A_2255, %jit3A_2256 : i32
    %sign3A_2258 = arith.constant 0 : i32
    %sign3A_2259 = arith.cmpi sgt, %jit3A_2255, %sign3A_2258 : i32
    %sign3A_2260 = arith.extui %sign3A_2259 : i1 to i32
    %sign3A_2261 = arith.constant 0 : i32
    %sign3A_2262 = arith.cmpi slt, %jit3A_2255, %sign3A_2261 : i32
    %sign3A_2263 = arith.extui %sign3A_2262 : i1 to i32
    %sign3A_2264 = arith.subi %sign3A_2260, %sign3A_2263 : i32
    %sign3A_2265 = arith.constant 0 : i32
    %sign3A_2266 = arith.cmpi sgt, %jit3A_2256, %sign3A_2265 : i32
    %sign3A_2267 = arith.extui %sign3A_2266 : i1 to i32
    %sign3A_2268 = arith.constant 0 : i32
    %sign3A_2269 = arith.cmpi slt, %jit3A_2256, %sign3A_2268 : i32
    %sign3A_2270 = arith.extui %sign3A_2269 : i1 to i32
    %sign3A_2271 = arith.subi %sign3A_2267, %sign3A_2270 : i32
    %ne3A_2272 = arith.cmpi ne, %sign3A_2264, %sign3A_2271 : i32
    %rem3A_2273 = arith.remsi %jit3A_2255, %jit3A_2256 : i32
    %ne3A_2274 = arith.constant 0 : i32
    %ne3A_2275 = arith.cmpi ne, %rem3A_2273, %ne3A_2274 : i32
    %and3A_2276 = arith.andi %ne3A_2272, %ne3A_2275 : i1
    %sub3A_2277 = arith.constant 1 : i32
    %sub3A_2278 = arith.subi %div3A_2257, %sub3A_2277 : i32
    %select_n3A_2279 = arith.select %and3A_2276, %sub3A_2278, %div3A_2257 : i32
    %jit3A_2280 = arith.constant 99 : i32
    %jit3A_2281 = arith.constant 2 : i32
    %eq3A_2282 = arith.constant 0 : i32
    %eq3A_2283 = arith.cmpi eq, %jit3A_2281, %eq3A_2282 : i32
    %jit3A_2284 = arith.constant 1 : i32
    %select_n3A_2285 = arith.select %eq3A_2283, %jit3A_2284, %jit3A_2281 : i32
    %rem3A_2286 = arith.remsi %jit3A_2280, %select_n3A_2285 : i32
    %ne3A_2287 = arith.constant 0 : i32
    %ne3A_2288 = arith.cmpi ne, %rem3A_2286, %ne3A_2287 : i32
    %lt3A_2289 = arith.constant 0 : i32
    %lt3A_2290 = arith.cmpi slt, %rem3A_2286, %lt3A_2289 : i32
    %lt3A_2291 = arith.constant 0 : i32
    %lt3A_2292 = arith.cmpi slt, %select_n3A_2285, %lt3A_2291 : i32
    %ne3A_2293 = arith.xori %lt3A_2290, %lt3A_2292 : i1
    %and3A_2294 = arith.andi %ne3A_2293, %ne3A_2288 : i1
    %add3A_2295 = arith.addi %rem3A_2286, %select_n3A_2285 : i32
    %select_n3A_2296 = arith.select %and3A_2294, %add3A_2295, %rem3A_2286 : i32
    %mul3A_2297 = arith.constant 64 : i32
    %mul3A_2298 = arith.muli %select_n3A_2296, %mul3A_2297 : i32
    %add3A_2299 = arith.addi %mul3A_2, %mul3A_2298 : i32
    %dma_wait3A_2300 = arith.constant 256 : i32
    %dma_wait3A_2301 = tpu.memref_slice %arg6[%select_n3A_2279, %add3A_2299, %dma_wait3A_2300] : memref<50x4096x384xf32, #tpu.memory_space<hbm>> -> memref<1x64x128xf32, #tpu.memory_space<hbm>>
    %dma_wait3A_2302 = tpu.memref_squeeze %dma_wait3A_2301 : memref<1x64x128xf32, #tpu.memory_space<hbm>> -> memref<64x128xf32, #tpu.memory_space<hbm>>
    %dma_wait3A_2303 = arith.constant 256 : i32
    %dma_wait3A_2304 = tpu.memref_slice %arg6[%select_n3A_2279, %add3A_2299, %dma_wait3A_2303] : memref<50x4096x384xf32, #tpu.memory_space<hbm>> -> memref<1x64x128xf32, #tpu.memory_space<hbm>>
    %dma_wait3A_2305 = tpu.memref_squeeze %dma_wait3A_2304 : memref<1x64x128xf32, #tpu.memory_space<hbm>> -> memref<64x128xf32, #tpu.memory_space<hbm>>
    tpu.wait_dma2 semaphore(%arg50 : memref<!tpu.dma_semaphore, #tpu.memory_space<semaphore_mem>>) src(%arg26 : memref<64x128xf32, #tpu.memory_space<vmem>>) dst(%dma_wait3A_2305 : memref<64x128xf32, #tpu.memory_space<hbm>>)
    return
  }
}

</mosaic_0001>

<sc_bundles>
// kernel: kernel.3.cloned.1.call-start
scs
__scs_entry_jumppad:
0x0: {  	(pc) =	sbr.rel $0x88, $3  }
0x1: {  	(tag) =	ssettag $0x0;
	lr =	simm.s32 $0x1  }
0x2: {  	[smem:$0x3F9D] =	sst lr;
	_ =	strace $0xD0000000  }
0x3: {  	_ = 	snop  }
0x4: {  	_ = 	snop  }
0x5: {  	_ = 	snop  }
0x6: {  	_ = 	snop  }
0x7: {  	_ = 	snop  }
__scs_overlays_trampoline_lowered:
0x8: {  	[smem:$0x3FAC] =	sst s0  }
0x9: {  	[smem:$0x3FAD] =	sst s1  }
0xa: {  	[smem:$0x3FAE] =	sst s2  }
0xb: {  	[smem:$0x3FAF] =	sst s3  }
0xc: {  	[smem:$0x3FB0] =	sst s4  }
0xd: {  	[smem:$0x3FB1] =	sst s5  }
0xe: {  	[smem:$0x3FB2] =	sst s6  }
0xf: {  	[smem:$0x3FB3] =	sst s7  }
0x10: {  	[smem:$0x3FB4] =	sst s8  }
0x11: {  	[smem:$0x3FB5] =	sst s9;
	s0 =	simm.s32 @!p0 $0x0  }
0x12: {  	s1 =	sld [smem:$0x3F9B];
	s0 =	simm.s32 @p0 $0x1  }
0x13: {  	[smem:$0x3FB6] =	sst s0;
	s0 =	simm.s32 @!p1 $0x0  }
0x14: {  	s2 =	sld [smem:$0x3F9A];
	s0 =	simm.s32 @p1 $0x1  }
0x15: {  	[smem:$0x3FB7] =	sst s0;
	s0 =	simm.s32 @!p2 $0x0  }
0x16: {  	s3 =	sld [smem:$0x3FDB];
	s0 =	simm.s32 @p2 $0x1  }
0x17: {  	s4 =	simm.s32 $0x1BF5;
	[smem:$0x3FB9] =	sst s0  }
0x18: {  	s0 =	sld [smem:$0x3F9C];
	_ =	swait.ge [sflag:s4], $0x0  }
0x19: {  	s7 =	sld [smem:$0x3F9D]  }
0x1a: {  	s8 =	sadd.s32 $0xFFFFE003, lr  }
0x1b: {  	s9 =	sadd.s32 $0xFFFFFEF7, lr;
	s5 =	simm.s32 $0xFFFFFFFF;
	p2 =	slt.u32 s8, $0xFFFFF086  }
0x1c: {  	p1 =	slt.u32 s9, $0xF7A;
	s5 =	simm.s32 @!p2 $0x0  }
0x1d: {  	s5 =	simm.s32 @p1 $0x1;
	p0 =	seq.s32 s7, s2  }
0x1e: {  	s7 =	smul.u32 @!p0 $0xF7A, s2;
	p2 =	seq.s32 @!p0 s5, $0x0  }
0x1f: {  	s9 =	smul.u32 $0xF7A, s1;
	s8 =	simm.s32 @!p0 $0x1BF5;
	p2 =	por !p2, p0  }
0x20: {  	[sflag:s8] =	ssyncset.s32 @!p0 $0xFFFFF086;
	s6 =	sadd.s32 @!p0 s3, s7;
	s7 =	simm.s32 @!p0 $0x108  }
0x21: {  	s3 =	sadd.s32 s3, s9;
	s6 =	sadd.s32 @!p0 $0x88, s6;
	s7 =	simm.s32 @p2 $0x1082  }
0x22: {  	[simem:s7], [sflag:s8] =	dma.local @!p0 [hbm:s6], $0xF7A  }
0x23: {  	s9 =	sor.u32 $0xD0000000, s2;
	s6 =	simm.s32 $0x108;
	_ =	swait.ge @!p0 [sflag:s8], $0x0  }
0x24: {  	s3 =	sadd.s32 $0x88, s3;
	s6 =	simm.s32 @!p1 $0x1082;
	[sflag:s4] =	ssyncset.s32 $0xFFFFF086  }
0x25: {  	[simem:s6], [sflag:s4] =	dma.local [hbm:s3], $0xF7A  }
0x26: {  	[smem:$0x3F9D] =	sst s1;
	(tag) =	ssettag s2;
	_ =	strace s9  }
0x27: {  	s1 =	sld [smem:$0x3FAD]  }
0x28: {  	s2 =	sld [smem:$0x3FAE]  }
0x29: {  	s4 =	sld [smem:$0x3FB0]  }
0x2a: {  	p0 =	seq.s32 s5, $0x0;
	s5 =	sld [smem:$0x3FB1]  }
0x2b: {  	s6 =	sld [smem:$0x3FB2]  }
0x2c: {  	s7 =	sld [smem:$0x3FB3]  }
0x2d: {  	s3 =	simm.s32 $0x108;
	s8 =	sld [smem:$0x3FB4]  }
0x2e: {  	s3 =	simm.s32 @!p0 $0x1082;
	s9 =	sld [smem:$0x3FB5]  }
0x2f: {  	lr =	sadd.s32 s0, s3;
	s0 =	sld [smem:$0x3FAC]  }
0x30: {  	s3 =	sld [smem:$0x3FAF]  }
0x31: {  	[smem:$0x3FB8] =	sst s10  }
0x32: {  	s10 =	sld [smem:$0x3FB6];
	_ =	sdelay $0x3  }
0x33: {  	p0 =	seq.s32 s10, $0x1;
	s10 =	sld [smem:$0x3FB8];
	_ =	sdelay $0x3  }
0x34: {  	[smem:$0x3FB8] =	sst s10  }
0x35: {  	s10 =	sld [smem:$0x3FB7];
	_ =	sdelay $0x3  }
0x36: {  	p1 =	seq.s32 s10, $0x1;
	s10 =	sld [smem:$0x3FB8];
	_ =	sdelay $0x3  }
0x37: {  	[smem:$0x3FB8] =	sst s10  }
0x38: {  	s10 =	sld [smem:$0x3FB9]  }
0x39: {  	_ = 	snop;
	(pc) =	sbr.ind lr, $3  }
0x3a: {  	_ = 	snop  }
0x3b: {  	_ = 	snop  }
0x3c: {  	p2 =	seq.s32 s10, $0x1;
	s10 =	sld [smem:$0x3FB8]  }
0x3d: {  	_ =	shalt  }
0x3e: {  	_ =	shalt  }
0x3f: {  	_ =	shalt  }
0x40: {  	_ =	shalt  }
0x41: {  	_ =	shalt  }
0x42: {  	_ =	shalt  }
0x43: {  	_ =	shalt  }
0x44: {  	_ =	shalt  }
0x45: {  	_ =	shalt  }
0x46: {  	_ =	shalt  }
0x47: {  	_ =	shalt  }
0x48: {  	_ =	shalt  }
0x49: {  	_ =	shalt  }
0x4a: {  	_ =	shalt  }
0x4b: {  	_ =	shalt  }
0x4c: {  	_ =	shalt  }
0x4d: {  	_ =	shalt  }
0x4e: {  	_ =	shalt  }
0x4f: {  	_ =	shalt  }
0x50: {  	_ =	shalt  }
0x51: {  	_ =	shalt  }
0x52: {  	_ =	shalt  }
0x53: {  	_ =	shalt  }
0x54: {  	_ =	shalt  }
0x55: {  	_ =	shalt  }
0x56: {  	_ =	shalt  }
0x57: {  	_ =	shalt  }
0x58: {  	_ =	shalt  }
0x59: {  	_ =	shalt  }
0x5a: {  	_ =	shalt  }
0x5b: {  	_ =	shalt  }
0x5c: {  	_ =	shalt  }
0x5d: {  	_ =	shalt  }
0x5e: {  	_ =	shalt  }
0x5f: {  	_ =	shalt  }
0x60: {  	_ =	shalt  }
0x61: {  	_ =	shalt  }
0x62: {  	_ =	shalt  }
0x63: {  	_ =	shalt  }
0x64: {  	_ =	shalt  }
0x65: {  	_ =	shalt  }
0x66: {  	_ =	shalt  }
0x67: {  	_ =	shalt  }
0x68: {  	_ =	shalt  }
0x69: {  	_ =	shalt  }
0x6a: {  	_ =	shalt  }
0x6b: {  	_ =	shalt  }
0x6c: {  	_ =	shalt  }
0x6d: {  	_ =	shalt  }
0x6e: {  	_ =	shalt  }
0x6f: {  	_ =	shalt  }
0x70: {  	_ =	shalt  }
0x71: {  	_ =	shalt  }
0x72: {  	_ =	shalt  }
0x73: {  	_ =	shalt  }
0x74: {  	_ =	shalt  }
0x75: {  	_ =	shalt  }
0x76: {  	_ =	shalt  }
0x77: {  	_ =	shalt  }
0x78: {  	_ =	shalt  }
0x79: {  	_ =	shalt  }
0x7a: {  	_ =	shalt  }
0x7b: {  	_ =	shalt  }
0x7c: {  	_ =	shalt  }
0x7d: {  	_ =	shalt  }
0x7e: {  	_ =	shalt  }
0x7f: {  	_ =	shalt  }
0x80: {  	_ =	shalt  }
0x81: {  	_ =	shalt  }
0x82: {  	_ =	shalt  }
0x83: {  	_ =	shalt  }
0x84: {  	_ =	shalt  }
0x85: {  	_ =	shalt  }
0x86: {  	_ =	shalt  }
0x87: {  	_ =	shalt  }
.Lfunc_end0:
.L_simem_size_0:
called_computation_lowered:
.L_overlay_start_0:
0x88: {  	s2 =	sld [smem:$0x3FD9]  }
0x89: {  	s3 =	sld [smem:$0x3FFE];
	_ =	sdelay $0x1  }
0x8a: {  	s1 =	srdreg.scid  }
0x8b: {  	s0 =	sand.u32 $0x1, s1  }
0x8c: {  	s18 =	sshll.u32 s0, $0xA;
	s2 =	sadd.s32 s3, s2  }
0x8d: {  	s2 =	sadd.s32 s2, s18  }
0x8e: {  	[smem:$0x3FC4] =	sst s2  }
0x8f: {  	_ = 	snop  }
0x90: {  	s2 =	sld [smem:$0x3FC9]  }
0x91: {  	s19 =	sld [smem:$0x3FC8]  }
0x92: {  	s4 =	sld [smem:$0x3FC7]  }
0x93: {  	s5 =	sld [smem:$0x3FC6]  }
0x94: {  	s6 =	sld [smem:$0x3FD0];
	(tm) =	ssettm $0x1  }
0x95: {  	s7 =	sld [smem:$0x3FFB];
	_ =	sdelay $0x3  }
0x96: {  	_ =	strace s7  }
0x97: {  	s7 =	sld [smem:$0x3FFC];
	_ =	sdelay $0x3  }
0x98: {  	_ =	strace s7  }
0x99: {  	s7 =	sld [smem:$0x3FFD];
	_ =	sdelay $0x3  }
0x9a: {  	_ =	strace s7  }
0x9b: {  	_ =	strace $0x8FFFFFFF  }
0x9c: {  	s20 =	sld [smem:$0x3FDB];
	_ =	sdelay $0x1  }
0x9d: {  	s8 =	simm.s32 $_scs_section_size  }
0x9e: {  	s9 =	simm.s32 $_size__tile_overlayer_lowered;
	s10 =	simm.s32 $_tile_overlayer_lowered  }
0x9f: {  	s23 =	simm.s32 $0x1BFF;
	s22 =	sshll.u32 s10, $0x1;
	s7 =	sadd.s32 s8, s20  }
0xa0: {  	s11 =	simm.s32 $0x0;
	s21 =	sshll.u32 s9, $0x1;
	s9 =	sadd.s32 s22, s7  }
0xa1: {  	[timem:s11], [sflag:s23] =	dma.local [hbm:s9], s21  }
0xa2: {  	_ =	swait.ge [sflag:s23], s21  }
0xa3: {  	s8 =	ssub.s32 $0x0, s21;
	[sflag:s23] =	ssyncset.done $0x0  }
0xa4: {  	[sflag:s23] =	ssyncadd.s32 s8;
	_ =	sdelay $0x1  }
0xa5: {  	s24 =	simm.s32 $0x1B8B  }
0xa6: {  	_ =	swait.ge [sflag:s24], $0x1  }
0xa7: {  	[sflag:s24] =	ssyncset.done $0x0  }
0xa8: {  	s25 =	simm.s32 $0x1B8E;
	[sflag:s24] =	ssyncadd.s32 $0xFFFFFFFF  }
0xa9: {  	s26 =	simm.s32 $execute0_lowered;
	[smem:$0x3FD2] =	sst s25  }
0xaa: {  	s8 =	sshll.u32 s26, $0x1;
	_ =	strace $0x80000046;
	[dreg:$0x1] =	wrdreg $0xFFFFFFFF  }
0xab: {  	s28 =	simm.s32 $_size_execute0_lowered;
	s7 =	sadd.s32 s7, s8;
	[dreg:$0x0] =	wrdreg $0x0  }
0xac: {  	s8 =	sshll.u32 s28, $0x1;
	[dreg:$0x2] =	wrdreg s7  }
0xad: {  	[dreg:$0x3] =	wrdreg s8  }
0xae: {  	[dreg:$0x4] =	wrdreg $0xC0  }
0xaf: {  	_ =	task [dreg:s11], $0x5FFFF  }
0xb0: {  	[dreg:$0x1] =	wrdreg $0xFFFFFFFF  }
0xb1: {  	[dreg:$0x0] =	wrdreg $0x60  }
0xb2: {  	[dreg:$0x2] =	wrdreg s2  }
0xb3: {  	[dreg:$0x3] =	wrdreg s19  }
0xb4: {  	[dreg:$0x4] =	wrdreg s4  }
0xb5: {  	[dreg:$0x5] =	wrdreg s5  }
0xb6: {  	[dreg:$0x6] =	wrdreg s6  }
0xb7: {  	[dreg:$0x7] =	wrdreg $0x0  }
0xb8: {  	[dreg:$0x8] =	wrdreg $0x1F400  }
0xb9: {  	[dreg:$0x9] =	wrdreg $0x3E800  }
0xba: {  	[dreg:$0xa] =	wrdreg $0x9  }
0xbb: {  	_ =	task.clear_ibuf [dreg:s11], $0xBFFFF;
	_ =	strace $0x90000046  }
0xbc: {  	s29 =	simm.s32 $0x9;
	_ =	strace $0x80000048  }
0xbd: {  	_ =	swait.ge [sflag:s29], $0x1  }
0xbe: {  	[sflag:s29] =	ssyncadd.s32 $0xFFFFFFFF  }
0xbf: {  	_ =	strace $0x90000048  }
0xc0: {  	_ =	sfence  }
0xc1: {  	s30 =	sld [smem:$0x0];
	_ =	sdelay $0x2  }
0xc2: {  	s31 =	sshll.u32 s1, $0xD;
	s1 =	sshrl.u32 s1, $0x2  }
0xc3: {  	s3 =	sand.u32 $0x4000, s31;
	s1 =	sadd.s32 s1, s30  }
0xc4: {  	s0 =	sor.u32 s3, s0;
	s1 =	sshll.u32 s1, $0x11  }
0xc5: {  	s0 =	sor.u32 s1, s0  }
0xc6: {  	s0 =	sadd.s32 $0x8F2B, s0  }
0xc7: {  	[sflag:s0] =	ssyncadd.remote.s32 $0x1  }
0xc8: {  	_ =	sfence.sel $0xFFFF  }
0xc9: {  	[dreg:$0x0] =	wrdreg $0xFFFFFFFF;
	(pc) =	sbr.abs _section_cstart, $3  }
0xca: {  	[dreg:$0x1] =	wrdreg $0xFFFFFFFF  }
0xcb: {  	_ =	task.clear_ibuf [dreg:s11], $0x2FFFF;
	_ =	strace $0x9FFFFFFF  }
0xcc: {  	(tm) =	ssettm $0x7FFFFFFF  }
0xcd: {  	_ =	shalt  }
tec
execute0_lowered:
.L_overlay_start_1:
0x0: {  	(tag) =	ssettag $0x1  }
0x1: {  	s0 =	rddreg [dreg:$0x0]  }
0x2: {  	s5 =	rddreg [dreg:$0x1]  }
0x3: {  	s6 =	rddreg [dreg:$0x2]  }
0x4: {  	s8 =	rddreg [dreg:$0x3]  }
0x5: {  	s1 =	rddreg [dreg:$0x4]  }
0x6: {  	s2 =	rddreg [dreg:$0x5]  }
0x7: {  	s3 =	rddreg [dreg:$0x6];
	s11 =	stileid.u32  }
0x8: {  	s4 =	rddreg [dreg:$0x7];
	s10 =	sshll.u32 s11, $0x8;
	s11 =	sshll.u32 s11, $0x6  }
0x9: {  	s9 =	simm.s32 $0x0;
	s7 =	srdreg.scid;
	s11 =	smin.u32 s11, $0x3A8  }
0xa: {  	[smem:$0x7FF] =	sst s9;
	s7 =	sand.u32 $0x1, s7;
	s20 =	sshll.u32 s11, $0x4  }
0xb: {  	_ =	strace $0x80000047;
	s22 =	sshll.u32 s11, $0x7;
	s21 =	sadd.s32 s5, s20  }
0xc: {  	s19 =	ssub.s32 $0x2, s7;
	s13 =	sadd.s32 s22, s2;
	[dreg:$0xb] =	wrdreg s21  }
0xd: {  	s7 =	sshll.u32 s7, $0x7;
	s25 =	sadd.s32 s6, s20;
	[dreg:$0xc] =	wrdreg s13  }
0xe: {  	s10 =	sor.u32 s7, s10;
	s26 =	sadd.s32 s22, s3;
	[dreg:$0xf] =	wrdreg s25  }
0xf: {  	s7 =	sadd.s32 s0, s10;
	s0 =	sadd.s32 s8, s20;
	[dreg:$0x10] =	wrdreg s26  }
0x10: {  	s11 =	sadd.s32 $0x20, s11;
	s18 =	sadd.s32 s22, s4;
	[dreg:$0x13] =	wrdreg s0  }
0x11: {  	s23 =	sshll.u32 s11, $0x4;
	[dreg:$0x18] =	wrdreg s18  }
0x12: {  	s12 =	sshrl.u32 s19, $0x1;
	s5 =	sadd.s32 s5, s23;
	[dreg:$0xa] =	wrdreg s7  }
0x13: {  	s10 =	sshrl.u32 s10, $0x3;
	s6 =	sadd.s32 s6, s23;
	[dreg:$0xd] =	wrdreg s5  }
0x14: {  	s5 =	sshll.u32 s11, $0x7;
	[dreg:$0x11] =	wrdreg s6;
	s11 =	sadd.s32 s8, s23  }
0x15: {  	s24 =	smul.u32 $0xC00, s10;
	s14 =	sadd.s32 s5, s2;
	[dreg:$0x14] =	wrdreg s11  }
0x16: {  	s16 =	smul.u32 $0x180, s10;
	s29 =	sadd.s32 s5, s3;
	[dreg:$0xe] =	wrdreg s14  }
0x17: {  	s9 =	ssub.s32 s19, s12;
	s5 =	sadd.s32 s5, s4;
	[dreg:$0x12] =	wrdreg s29  }
0x18: {  	s28 =	sshrl.u32 s24, $0x3;
	s14 =	sadd.s32 s16, s1;
	[dreg:$0x1e] =	wrdreg s5  }
0x19: {  	s10 =	sadd.s32 s1, s28;
	s28 =	smax.u32 s9, $0x1;
	[dreg:$0x9] =	wrdreg s14  }
0x1a: {  	s29 =	sadd.s32 $0x10, s7;
	[smem:$0x7FC] =	sst s28  }
0x1b: {  	s13 =	sadd.s32 $0x900080, s10;
	[smem:$0x7FD] =	sst s29  }
0x1c: {  	s15 =	sadd.s32 $0x900100, s10;
	[dreg:$0x15] =	wrdreg s13  }
0x1d: {  	s17 =	sadd.s32 $0x900C00, s10;
	[dreg:$0x16] =	wrdreg s15  }
0x1e: {  	s19 =	sadd.s32 $0x900C80, s10;
	[dreg:$0x17] =	wrdreg s17  }
0x1f: {  	s20 =	sadd.s32 $0x900D00, s10;
	[dreg:$0x19] =	wrdreg s19  }
0x20: {  	s21 =	sadd.s32 $0x900000, s10;
	[dreg:$0x1a] =	wrdreg s20  }
0x21: {  	s22 =	sadd.s32 $0x930000, s10;
	[dreg:$0x1b] =	wrdreg s21  }
0x22: {  	s30 =	simm.s32 $0x71C0;
	s23 =	sadd.s32 $0x930080, s10;
	[dreg:$0x1c] =	wrdreg s22  }
0x23: {  	s31 =	simm.s32 $0x400;
	s24 =	sadd.s32 $0x930100, s10;
	[dreg:$0x1d] =	wrdreg s23  }
0x24: {  	s12 =	simm.s32 $0x6DC0;
	s25 =	sadd.s32 $0x930C00, s10;
	[dreg:$0x1f] =	wrdreg s24  }
0x25: {  	s6 =	simm.s32 $0x38000;
	s26 =	sadd.s32 $0x930C80, s10;
	[smem:$0x7F9] =	sst s25  }
0x26: {  	s8 =	simm.s32 $0x0;
	s0 =	sadd.s32 $0x930D00, s10;
	[smem:$0x7FA] =	sst s26  }
0x27: {  	s5 =	simm.s32 $0x80;
	s10 =	simm.s32 $0x7400;
	[smem:$0x7FB] =	sst s0  }
0x28: {  	s0 =	simm.s32 $0x6FC0;
	s22 =	simm.s32 $0x5DC0;
	s23 =	simm.s32 $0x1D  }
0x29: {  	s19 =	simm.s32 $0x40;
	s21 =	simm.s32 $0xD5C0;
	s15 =	simm.s32 $0xC00  }
.LBB2_1:
0x2a: {  	[tilespmem:s12], [sflag:$0x19] =	stream.strided.gather [hbm4b:s7+s5], $0x180, s6, s5, $0x38;
	[tilespmem:$0x1F5C0] =	vst v63  }
0x2b: {  	s26 =	sld [smem:$0x7FD]  }
0x2c: {  	[tilespmem:s0], [sflag:$0x1A] =	stream.strided.gather [hbm4b:s7+s5], $0x180, s6, s5, $0x38;
	[tilespmem:$0x1F5C0] =	vst v63  }
0x2d: {  	_ = 	snop  }
0x2e: {  	[tilespmem:s30], [sflag:$0x1B] =	stream.strided.gather [hbm4b:s26+s5], $0x180, s6, s5, $0x38;
	[tilespmem:$0x1F5C0] =	vst v63  }
0x2f: {  	s9 =	simm.s32 $0x73C0  }
0x30: {  	[tilespmem:s9], [sflag:$0x1C] =	stream.strided.gather [hbm4b:s26+s5], $0x180, s6, s5, $0x38;
	[tilespmem:$0x1F5C0] =	vst v63  }
0x31: {  	s28 =	simm.s32 $0x0;
	s29 =	rddreg [dreg:$0xb]  }
0x32: {  	[tilespmem:s22], [sflag:$0x1D] =	stream.linear.gather [hbm4b:s29+s28], $0x1000, $0x38;
	[tilespmem:$0x1F5C0] =	vst v63  }
0x33: {  	_ =	swait.ge [sflag:s23], $0x1000  }
0x34: {  	[sflag:s23] =	ssyncset.done $0x0  }
0x35: {  	s11 =	simm.s32 $0x0;
	[sflag:s23] =	ssyncadd.s32 $0xFFFFF000  }
0x36: {  	v3 =	vld [tilespmem:s11+$0x5DC0]  }
0x37: {  	v5 =	vld [tilespmem:s11+$0x5DD0]  }
0x38: {  	v4 =	vld [tilespmem:s11+$0x5DE0]  }
0x39: {  	v2 =	vld [tilespmem:s11+$0x5DF0]  }
0x3a: {  	v0 =	vld [tilespmem:s11+$0x5E00]  }
0x3b: {  	v1 =	vld [tilespmem:s11+$0x5E10];
	v6 =	vmul.f32 $1.131370830e+01, v3  }
0x3c: {  	s13 =	simm.s32 $0x200;
	v5 =	vmul.f32 $1.131370830e+01, v5;
	v3 =	vld [tilespmem:s11+$0x5E20]  }
.LBB2_2:
0x3d: {  	s20 =	sshra.s32 s13, $0x2;
	p0 =	sne.s32 s13, $0x3E00;
	[tilespmem:s11+$0x5DC0] =	vst v6;
	v4 =	vmul.f32 $1.131370830e+01, v4;
	v6 =	vld [tilespmem:s11+$0x5E30]  }
0x3e: {  	v7 =	vld [tilespmem:s20+$0x5DC0];
	[tilespmem:s11+$0x5DD0] =	vst v5;
	v2 =	vmul.f32 $1.131370830e+01, v2  }
0x3f: {  	v5 =	vld [tilespmem:s20+$0x5DD0];
	[tilespmem:s11+$0x5DE0] =	vst v4;
	v0 =	vmul.f32 $1.131370830e+01, v0  }
.Ltmp0:
0x40: {  	v4 =	vld [tilespmem:s20+$0x5DE0];
	[tilespmem:s11+$0x5DF0] =	vst v2;
	v1 =	vmul.f32 $1.131370830e+01, v1;
	(pc) =	sbr.rel @p0 .LBB2_2-.Ltmp0, $4  }
0x41: {  	v2 =	vld [tilespmem:s20+$0x5DF0];
	[tilespmem:s11+$0x5E00] =	vst v0;
	v3 =	vmul.f32 $1.131370830e+01, v3  }
0x42: {  	v0 =	vld [tilespmem:s20+$0x5E00];
	[tilespmem:s11+$0x5E10] =	vst v1;
	v8 =	vmul.f32 $1.131370830e+01, v6  }
0x43: {  	v6 =	vmul.f32 $1.131370830e+01, v7;
	v1 =	vld [tilespmem:s20+$0x5E10];
	[tilespmem:s11+$0x5E20] =	vst v3  }
0x44: {  	s13 =	sadd.s32 $0x200, s13;
	v5 =	vmul.f32 $1.131370830e+01, v5;
	v3 =	vld [tilespmem:s20+$0x5E20];
	[tilespmem:s11+$0x5E30] =	vst v8;
	s11 =	smov.u32 s20  }
0x45: {  	[tilespmem:s11+$0x5DC0] =	vst v6;
	v4 =	vmul.f32 $1.131370830e+01, v4;
	v6 =	vld [tilespmem:s11+$0x5E30]  }
0x46: {  	[tilespmem:s11+$0x5DD0] =	vst v5;
	v2 =	vmul.f32 $1.131370830e+01, v2  }
0x47: {  	[tilespmem:s11+$0x5DE0] =	vst v4;
	v0 =	vmul.f32 $1.131370830e+01, v0  }
0x48: {  	[tilespmem:s11+$0x5DF0] =	vst v2;
	v1 =	vmul.f32 $1.131370830e+01, v1  }
0x49: {  	[tilespmem:s11+$0x5E00] =	vst v0;
	v0 =	vmul.f32 $1.131370830e+01, v3  }
0x4a: {  	[tilespmem:s11+$0x5E10] =	vst v1;
	v1 =	vmul.f32 $1.131370830e+01, v6  }
0x4b: {  	[tilespmem:s11+$0x5E20] =	vst v0  }
0x4c: {  	s0 =	rddreg [dreg:$0xc];
	[tilespmem:s11+$0x5E30] =	vst v1  }
0x4d: {  	[spmem:s0] =	stream.linear.scatter [tilespmem:s22], [sflag:$0x1D], $0x1000, $0x38;
	[tilespmem:$0x1F5C0] =	vst v63  }
0x4e: {  	_ =	swait.ge [sflag:s23], $0x1000  }
0x4f: {  	[sflag:s23] =	ssyncset.done $0x0  }
0x50: {  	s28 =	simm.s32 $0x0;
	s29 =	rddreg [dreg:$0xd];
	[sflag:s23] =	ssyncadd.s32 $0xFFFFF000  }
0x51: {  	[tilespmem:s22], [sflag:$0x1D] =	stream.linear.gather [hbm4b:s29+s28], $0x1000, $0x38;
	[tilespmem:$0x1F5C0] =	vst v63  }
0x52: {  	_ =	swait.ge [sflag:s23], $0x1000  }
0x53: {  	[sflag:s23] =	ssyncset.done $0x0  }
0x54: {  	s11 =	simm.s32 $0x0;
	[sflag:s23] =	ssyncadd.s32 $0xFFFFF000  }
0x55: {  	v3 =	vld [tilespmem:s11+$0x5DC0]  }
0x56: {  	v5 =	vld [tilespmem:s11+$0x5DD0]  }
0x57: {  	v4 =	vld [tilespmem:s11+$0x5DE0]  }
0x58: {  	v2 =	vld [tilespmem:s11+$0x5DF0]  }
0x59: {  	v0 =	vld [tilespmem:s11+$0x5E00]  }
0x5a: {  	v1 =	vld [tilespmem:s11+$0x5E10];
	v6 =	vmul.f32 $1.131370830e+01, v3  }
0x5b: {  	s13 =	simm.s32 $0x200;
	v5 =	vmul.f32 $1.131370830e+01, v5;
	v3 =	vld [tilespmem:s11+$0x5E20]  }
.LBB2_4:
0x5c: {  	s20 =	sshra.s32 s13, $0x2;
	p0 =	sne.s32 s13, $0x3E00;
	[tilespmem:s11+$0x5DC0] =	vst v6;
	v4 =	vmul.f32 $1.131370830e+01, v4;
	v6 =	vld [tilespmem:s11+$0x5E30]  }
0x5d: {  	v7 =	vld [tilespmem:s20+$0x5DC0];
	[tilespmem:s11+$0x5DD0] =	vst v5;
	v2 =	vmul.f32 $1.131370830e+01, v2  }
0x5e: {  	v5 =	vld [tilespmem:s20+$0x5DD0];
	[tilespmem:s11+$0x5DE0] =	vst v4;
	v0 =	vmul.f32 $1.131370830e+01, v0  }
.Ltmp1:
0x5f: {  	v4 =	vld [tilespmem:s20+$0x5DE0];
	[tilespmem:s11+$0x5DF0] =	vst v2;
	v1 =	vmul.f32 $1.131370830e+01, v1;
	(pc) =	sbr.rel @p0 .LBB2_4-.Ltmp1, $4  }
0x60: {  	v2 =	vld [tilespmem:s20+$0x5DF0];
	[tilespmem:s11+$0x5E00] =	vst v0;
	v3 =	vmul.f32 $1.131370830e+01, v3  }
0x61: {  	v0 =	vld [tilespmem:s20+$0x5E00];
	[tilespmem:s11+$0x5E10] =	vst v1;
	v8 =	vmul.f32 $1.131370830e+01, v6  }
0x62: {  	v6 =	vmul.f32 $1.131370830e+01, v7;
	v1 =	vld [tilespmem:s20+$0x5E10];
	[tilespmem:s11+$0x5E20] =	vst v3  }
0x63: {  	s13 =	sadd.s32 $0x200, s13;
	v5 =	vmul.f32 $1.131370830e+01, v5;
	v3 =	vld [tilespmem:s20+$0x5E20];
	[tilespmem:s11+$0x5E30] =	vst v8;
	s11 =	smov.u32 s20  }
0x64: {  	[tilespmem:s11+$0x5DC0] =	vst v6;
	v4 =	vmul.f32 $1.131370830e+01, v4;
	v6 =	vld [tilespmem:s11+$0x5E30]  }
0x65: {  	[tilespmem:s11+$0x5DD0] =	vst v5;
	v2 =	vmul.f32 $1.131370830e+01, v2  }
0x66: {  	[tilespmem:s11+$0x5DE0] =	vst v4;
	v0 =	vmul.f32 $1.131370830e+01, v0  }
0x67: {  	[tilespmem:s11+$0x5DF0] =	vst v2;
	v1 =	vmul.f32 $1.131370830e+01, v1  }
0x68: {  	[tilespmem:s11+$0x5E00] =	vst v0;
	v0 =	vmul.f32 $1.131370830e+01, v3  }
0x69: {  	[tilespmem:s11+$0x5E10] =	vst v1;
	v1 =	vmul.f32 $1.131370830e+01, v6  }
0x6a: {  	[tilespmem:s11+$0x5E20] =	vst v0  }
0x6b: {  	s0 =	rddreg [dreg:$0xe];
	[tilespmem:s11+$0x5E30] =	vst v1  }
0x6c: {  	[spmem:s0] =	stream.linear.scatter [tilespmem:s22], [sflag:$0x1D], $0x1000, $0x38;
	[tilespmem:$0x1F5C0] =	vst v63  }
0x6d: {  	_ =	swait.ge [sflag:s23], $0x1000  }
0x6e: {  	[sflag:s23] =	ssyncset.done $0x0  }
0x6f: {  	s28 =	simm.s32 $0x0;
	s29 =	rddreg [dreg:$0xf];
	[sflag:s23] =	ssyncadd.s32 $0xFFFFF000  }
0x70: {  	[tilespmem:s22], [sflag:$0x1D] =	stream.linear.gather [hbm4b:s29+s28], $0x1000, $0x38;
	[tilespmem:$0x1F5C0] =	vst v63  }
0x71: {  	_ =	swait.ge [sflag:s23], $0x1000  }
0x72: {  	[sflag:s23] =	ssyncset.done $0x0  }
0x73: {  	s11 =	simm.s32 $0x0;
	[sflag:s23] =	ssyncadd.s32 $0xFFFFF000  }
0x74: {  	v3 =	vld [tilespmem:s11+$0x5DC0]  }
0x75: {  	v5 =	vld [tilespmem:s11+$0x5DD0]  }
0x76: {  	v4 =	vld [tilespmem:s11+$0x5DE0]  }
0x77: {  	v2 =	vld [tilespmem:s11+$0x5DF0]  }
0x78: {  	v0 =	vld [tilespmem:s11+$0x5E00]  }
0x79: {  	v1 =	vld [tilespmem:s11+$0x5E10];
	v6 =	vmul.f32 $1.131370830e+01, v3  }
0x7a: {  	s13 =	simm.s32 $0x200;
	s5 =	simm.s32 $0x19;
	v5 =	vmul.f32 $1.131370830e+01, v5;
	v3 =	vld [tilespmem:s11+$0x5E20]  }
.LBB2_6:
0x7b: {  	s20 =	sshra.s32 s13, $0x2;
	p0 =	sne.s32 s13, $0x3E00;
	[tilespmem:s11+$0x5DC0] =	vst v6;
	v4 =	vmul.f32 $1.131370830e+01, v4;
	v6 =	vld [tilespmem:s11+$0x5E30]  }
0x7c: {  	v7 =	vld [tilespmem:s20+$0x5DC0];
	[tilespmem:s11+$0x5DD0] =	vst v5;
	v2 =	vmul.f32 $1.131370830e+01, v2  }
0x7d: {  	v5 =	vld [tilespmem:s20+$0x5DD0];
	[tilespmem:s11+$0x5DE0] =	vst v4;
	v0 =	vmul.f32 $1.131370830e+01, v0  }
.Ltmp2:
0x7e: {  	v4 =	vld [tilespmem:s20+$0x5DE0];
	[tilespmem:s11+$0x5DF0] =	vst v2;
	v1 =	vmul.f32 $1.131370830e+01, v1;
	(pc) =	sbr.rel @p0 .LBB2_6-.Ltmp2, $4  }
0x7f: {  	v2 =	vld [tilespmem:s20+$0x5DF0];
	[tilespmem:s11+$0x5E00] =	vst v0;
	v3 =	vmul.f32 $1.131370830e+01, v3  }
0x80: {  	v0 =	vld [tilespmem:s20+$0x5E00];
	[tilespmem:s11+$0x5E10] =	vst v1;
	v8 =	vmul.f32 $1.131370830e+01, v6  }
0x81: {  	v6 =	vmul.f32 $1.131370830e+01, v7;
	v1 =	vld [tilespmem:s20+$0x5E10];
	[tilespmem:s11+$0x5E20] =	vst v3  }
0x82: {  	s13 =	sadd.s32 $0x200, s13;
	v5 =	vmul.f32 $1.131370830e+01, v5;
	v3 =	vld [tilespmem:s20+$0x5E20];
	[tilespmem:s11+$0x5E30] =	vst v8;
	s11 =	smov.u32 s20  }
0x83: {  	[tilespmem:s11+$0x5DC0] =	vst v6;
	v4 =	vmul.f32 $1.131370830e+01, v4;
	v6 =	vld [tilespmem:s11+$0x5E30]  }
0x84: {  	[tilespmem:s11+$0x5DD0] =	vst v5;
	v2 =	vmul.f32 $1.131370830e+01, v2  }
0x85: {  	[tilespmem:s11+$0x5DE0] =	vst v4;
	v0 =	vmul.f32 $1.131370830e+01, v0  }
0x86: {  	[tilespmem:s11+$0x5DF0] =	vst v2;
	v1 =	vmul.f32 $1.131370830e+01, v1  }
0x87: {  	[tilespmem:s11+$0x5E00] =	vst v0;
	v0 =	vmul.f32 $1.131370830e+01, v3  }
0x88: {  	[tilespmem:s11+$0x5E10] =	vst v1;
	v1 =	vmul.f32 $1.131370830e+01, v6  }
0x89: {  	[tilespmem:s11+$0x5E20] =	vst v0  }
0x8a: {  	s0 =	rddreg [dreg:$0x10];
	[tilespmem:s11+$0x5E30] =	vst v1  }
0x8b: {  	[spmem:s0] =	stream.linear.scatter [tilespmem:s22], [sflag:$0x1D], $0x1000, $0x38;
	[tilespmem:$0x1F5C0] =	vst v63  }
0x8c: {  	_ =	swait.ge [sflag:s23], $0x1000  }
0x8d: {  	[sflag:s23] =	ssyncset.done $0x0  }
0x8e: {  	s28 =	simm.s32 $0x0;
	s29 =	rddreg [dreg:$0x11];
	[sflag:s23] =	ssyncadd.s32 $0xFFFFF000  }
0x8f: {  	[tilespmem:s22], [sflag:$0x1D] =	stream.linear.gather [hbm4b:s29+s28], $0x1000, $0x38;
	[tilespmem:$0x1F5C0] =	vst v63  }
0x90: {  	_ =	swait.ge [sflag:s23], $0x1000  }
0x91: {  	[sflag:s23] =	ssyncset.done $0x0  }
0x92: {  	s11 =	simm.s32 $0x0;
	[sflag:s23] =	ssyncadd.s32 $0xFFFFF000  }
0x93: {  	v3 =	vld [tilespmem:s11+$0x5DC0]  }
0x94: {  	v5 =	vld [tilespmem:s11+$0x5DD0]  }
0x95: {  	v4 =	vld [tilespmem:s11+$0x5DE0]  }
0x96: {  	v2 =	vld [tilespmem:s11+$0x5DF0]  }
0x97: {  	v0 =	vld [tilespmem:s11+$0x5E00]  }
0x98: {  	v1 =	vld [tilespmem:s11+$0x5E10];
	v6 =	vmul.f32 $1.131370830e+01, v3  }
0x99: {  	s13 =	simm.s32 $0x200;
	v5 =	vmul.f32 $1.131370830e+01, v5;
	v3 =	vld [tilespmem:s11+$0x5E20]  }
.LBB2_8:
0x9a: {  	s20 =	sshra.s32 s13, $0x2;
	p0 =	sne.s32 s13, $0x3E00;
	[tilespmem:s11+$0x5DC0] =	vst v6;
	v4 =	vmul.f32 $1.131370830e+01, v4;
	v6 =	vld [tilespmem:s11+$0x5E30]  }
0x9b: {  	v7 =	vld [tilespmem:s20+$0x5DC0];
	[tilespmem:s11+$0x5DD0] =	vst v5;
	v2 =	vmul.f32 $1.131370830e+01, v2  }
0x9c: {  	v5 =	vld [tilespmem:s20+$0x5DD0];
	[tilespmem:s11+$0x5DE0] =	vst v4;
	v0 =	vmul.f32 $1.131370830e+01, v0  }
.Ltmp3:
0x9d: {  	v4 =	vld [tilespmem:s20+$0x5DE0];
	[tilespmem:s11+$0x5DF0] =	vst v2;
	v1 =	vmul.f32 $1.131370830e+01, v1;
	(pc) =	sbr.rel @p0 .LBB2_8-.Ltmp3, $4  }
0x9e: {  	v2 =	vld [tilespmem:s20+$0x5DF0];
	[tilespmem:s11+$0x5E00] =	vst v0;
	v3 =	vmul.f32 $1.131370830e+01, v3  }
0x9f: {  	v0 =	vld [tilespmem:s20+$0x5E00];
	[tilespmem:s11+$0x5E10] =	vst v1;
	v8 =	vmul.f32 $1.131370830e+01, v6  }
0xa0: {  	v6 =	vmul.f32 $1.131370830e+01, v7;
	v1 =	vld [tilespmem:s20+$0x5E10];
	[tilespmem:s11+$0x5E20] =	vst v3  }
0xa1: {  	s13 =	sadd.s32 $0x200, s13;
	v5 =	vmul.f32 $1.131370830e+01, v5;
	v3 =	vld [tilespmem:s20+$0x5E20];
	[tilespmem:s11+$0x5E30] =	vst v8;
	s11 =	smov.u32 s20  }
0xa2: {  	[tilespmem:s11+$0x5DC0] =	vst v6;
	v4 =	vmul.f32 $1.131370830e+01, v4;
	v6 =	vld [tilespmem:s11+$0x5E30]  }
0xa3: {  	[tilespmem:s11+$0x5DD0] =	vst v5;
	v2 =	vmul.f32 $1.131370830e+01, v2  }
0xa4: {  	[tilespmem:s11+$0x5DE0] =	vst v4;
	v0 =	vmul.f32 $1.131370830e+01, v0  }
0xa5: {  	[tilespmem:s11+$0x5DF0] =	vst v2;
	v1 =	vmul.f32 $1.131370830e+01, v1  }
0xa6: {  	[tilespmem:s11+$0x5E00] =	vst v0;
	v0 =	vmul.f32 $1.131370830e+01, v3  }
0xa7: {  	[tilespmem:s11+$0x5E10] =	vst v1;
	v1 =	vmul.f32 $1.131370830e+01, v6  }
0xa8: {  	[tilespmem:s11+$0x5E20] =	vst v0  }
0xa9: {  	s0 =	rddreg [dreg:$0x12];
	[tilespmem:s11+$0x5E30] =	vst v1  }
0xaa: {  	[spmem:s0] =	stream.linear.scatter [tilespmem:s22], [sflag:$0x1D], $0x1000, $0x38;
	[tilespmem:$0x1F5C0] =	vst v63  }
0xab: {  	_ =	swait.ge [sflag:s23], $0x1000  }
0xac: {  	[sflag:s23] =	ssyncset.done $0x0  }
0xad: {  	s28 =	simm.s32 $0x0;
	s29 =	rddreg [dreg:$0x13];
	[sflag:s23] =	ssyncadd.s32 $0xFFFFF000  }
0xae: {  	[tilespmem:s22], [sflag:$0x1D] =	stream.linear.gather [hbm4b:s29+s28], $0x1000, $0x38;
	[tilespmem:$0x1F5C0] =	vst v63  }
0xaf: {  	_ =	swait.ge [sflag:s23], $0x1000  }
0xb0: {  	[sflag:s23] =	ssyncset.done $0x0  }
0xb1: {  	s11 =	simm.s32 $0x0;
	[sflag:s23] =	ssyncadd.s32 $0xFFFFF000  }
0xb2: {  	v3 =	vld [tilespmem:s11+$0x5DC0]  }
0xb3: {  	v5 =	vld [tilespmem:s11+$0x5DD0]  }
0xb4: {  	v4 =	vld [tilespmem:s11+$0x5DE0]  }
0xb5: {  	v2 =	vld [tilespmem:s11+$0x5DF0]  }
0xb6: {  	v0 =	vld [tilespmem:s11+$0x5E00]  }
0xb7: {  	v1 =	vld [tilespmem:s11+$0x5E10];
	v6 =	vmul.f32 $1.131370830e+01, v3  }
0xb8: {  	s13 =	simm.s32 $0x200;
	v5 =	vmul.f32 $1.131370830e+01, v5;
	v3 =	vld [tilespmem:s11+$0x5E20]  }
.LBB2_10:
0xb9: {  	s20 =	sshra.s32 s13, $0x2;
	p0 =	sne.s32 s13, $0x3E00;
	[tilespmem:s11+$0x5DC0] =	vst v6;
	v4 =	vmul.f32 $1.131370830e+01, v4;
	v6 =	vld [tilespmem:s11+$0x5E30]  }
0xba: {  	v7 =	vld [tilespmem:s20+$0x5DC0];
	[tilespmem:s11+$0x5DD0] =	vst v5;
	v2 =	vmul.f32 $1.131370830e+01, v2  }
0xbb: {  	v5 =	vld [tilespmem:s20+$0x5DD0];
	[tilespmem:s11+$0x5DE0] =	vst v4;
	v0 =	vmul.f32 $1.131370830e+01, v0  }
.Ltmp4:
0xbc: {  	v4 =	vld [tilespmem:s20+$0x5DE0];
	[tilespmem:s11+$0x5DF0] =	vst v2;
	v1 =	vmul.f32 $1.131370830e+01, v1;
	(pc) =	sbr.rel @p0 .LBB2_10-.Ltmp4, $4  }
0xbd: {  	v2 =	vld [tilespmem:s20+$0x5DF0];
	[tilespmem:s11+$0x5E00] =	vst v0;
	v3 =	vmul.f32 $1.131370830e+01, v3  }
0xbe: {  	v0 =	vld [tilespmem:s20+$0x5E00];
	[tilespmem:s11+$0x5E10] =	vst v1;
	v8 =	vmul.f32 $1.131370830e+01, v6  }
0xbf: {  	v6 =	vmul.f32 $1.131370830e+01, v7;
	v1 =	vld [tilespmem:s20+$0x5E10];
	[tilespmem:s11+$0x5E20] =	vst v3  }
0xc0: {  	s13 =	sadd.s32 $0x200, s13;
	v5 =	vmul.f32 $1.131370830e+01, v5;
	v3 =	vld [tilespmem:s20+$0x5E20];
	[tilespmem:s11+$0x5E30] =	vst v8;
	s11 =	smov.u32 s20  }
0xc1: {  	[tilespmem:s11+$0x5DC0] =	vst v6;
	v4 =	vmul.f32 $1.131370830e+01, v4;
	v6 =	vld [tilespmem:s11+$0x5E30]  }
0xc2: {  	[tilespmem:s11+$0x5DD0] =	vst v5;
	v2 =	vmul.f32 $1.131370830e+01, v2  }
0xc3: {  	[tilespmem:s11+$0x5DE0] =	vst v4;
	v0 =	vmul.f32 $1.131370830e+01, v0  }
0xc4: {  	[tilespmem:s11+$0x5DF0] =	vst v2;
	v1 =	vmul.f32 $1.131370830e+01, v1  }
0xc5: {  	[tilespmem:s11+$0x5E00] =	vst v0;
	v0 =	vmul.f32 $1.131370830e+01, v3  }
0xc6: {  	[tilespmem:s11+$0x5E10] =	vst v1;
	v1 =	vmul.f32 $1.131370830e+01, v6  }
0xc7: {  	[smem:$0x7F8] =	sst s8;
	[tilespmem:s11+$0x5E20] =	vst v0  }
0xc8: {  	s0 =	rddreg [dreg:$0x18];
	[tilespmem:s11+$0x5E30] =	vst v1  }
0xc9: {  	[spmem:s0] =	stream.linear.scatter [tilespmem:s22], [sflag:$0x1D], $0x1000, $0x38;
	[tilespmem:$0x1F5C0] =	vst v63  }
0xca: {  	_ =	swait.ge [sflag:s23], $0x1000  }
0xcb: {  	[sflag:s23] =	ssyncset.done $0x0  }
0xcc: {  	s26 =	simm.s32 $0x0;
	s29 =	rddreg [dreg:$0x14];
	[sflag:s23] =	ssyncadd.s32 $0xFFFFF000  }
0xcd: {  	[tilespmem:s22], [sflag:$0x1D] =	stream.linear.gather [hbm4b:s29+s26], $0x1000, $0x38;
	[tilespmem:$0x1F5C0] =	vst v63  }
0xce: {  	_ =	swait.ge [sflag:s23], $0x1000  }
0xcf: {  	[sflag:s23] =	ssyncset.done $0x0  }
0xd0: {  	s11 =	simm.s32 $0x0;
	[sflag:s23] =	ssyncadd.s32 $0xFFFFF000  }
0xd1: {  	v3 =	vld [tilespmem:s11+$0x5DC0]  }
0xd2: {  	v5 =	vld [tilespmem:s11+$0x5DD0]  }
0xd3: {  	v4 =	vld [tilespmem:s11+$0x5DE0]  }
0xd4: {  	v2 =	vld [tilespmem:s11+$0x5DF0]  }
0xd5: {  	v0 =	vld [tilespmem:s11+$0x5E00]  }
0xd6: {  	v1 =	vld [tilespmem:s11+$0x5E10];
	v6 =	vmul.f32 $1.131370830e+01, v3  }
0xd7: {  	s28 =	smov.u32 s7;
	s13 =	simm.s32 $0x200;
	v5 =	vmul.f32 $1.131370830e+01, v5;
	v3 =	vld [tilespmem:s11+$0x5E20]  }
.LBB2_12:
0xd8: {  	s20 =	sshra.s32 s13, $0x2;
	p0 =	sne.s32 s13, $0x3E00;
	[tilespmem:s11+$0x5DC0] =	vst v6;
	v4 =	vmul.f32 $1.131370830e+01, v4;
	v6 =	vld [tilespmem:s11+$0x5E30]  }
0xd9: {  	v7 =	vld [tilespmem:s20+$0x5DC0];
	[tilespmem:s11+$0x5DD0] =	vst v5;
	v2 =	vmul.f32 $1.131370830e+01, v2  }
0xda: {  	v5 =	vld [tilespmem:s20+$0x5DD0];
	[tilespmem:s11+$0x5DE0] =	vst v4;
	v0 =	vmul.f32 $1.131370830e+01, v0  }
.Ltmp5:
0xdb: {  	v4 =	vld [tilespmem:s20+$0x5DE0];
	[tilespmem:s11+$0x5DF0] =	vst v2;
	v1 =	vmul.f32 $1.131370830e+01, v1;
	(pc) =	sbr.rel @p0 .LBB2_12-.Ltmp5, $4  }
0xdc: {  	v2 =	vld [tilespmem:s20+$0x5DF0];
	[tilespmem:s11+$0x5E00] =	vst v0;
	v3 =	vmul.f32 $1.131370830e+01, v3  }
0xdd: {  	v0 =	vld [tilespmem:s20+$0x5E00];
	[tilespmem:s11+$0x5E10] =	vst v1;
	v8 =	vmul.f32 $1.131370830e+01, v6  }
0xde: {  	v6 =	vmul.f32 $1.131370830e+01, v7;
	v1 =	vld [tilespmem:s20+$0x5E10];
	[tilespmem:s11+$0x5E20] =	vst v3  }
0xdf: {  	s13 =	sadd.s32 $0x200, s13;
	v5 =	vmul.f32 $1.131370830e+01, v5;
	v3 =	vld [tilespmem:s20+$0x5E20];
	[tilespmem:s11+$0x5E30] =	vst v8;
	s11 =	smov.u32 s20  }
0xe0: {  	[tilespmem:s11+$0x5DC0] =	vst v6;
	v4 =	vmul.f32 $1.131370830e+01, v4;
	v61 =	vld [tilespmem:s11+$0x5E30]  }
0xe1: {  	[tilespmem:s11+$0x5DD0] =	vst v5;
	v2 =	vmul.f32 $1.131370830e+01, v2  }
0xe2: {  	[tilespmem:s11+$0x5DE0] =	vst v4;
	v0 =	vmul.f32 $1.131370830e+01, v0  }
0xe3: {  	[tilespmem:s11+$0x5DF0] =	vst v2;
	v1 =	vmul.f32 $1.131370830e+01, v1  }
0xe4: {  	[tilespmem:s11+$0x5E00] =	vst v0;
	v62 =	vmul.f32 $1.131370830e+01, v3  }
0xe5: {  	[tilespmem:s11+$0x5E10] =	vst v1;
	v63 =	vmul.f32 $1.131370830e+01, v61  }
0xe6: {  	[tilespmem:s11+$0x5E20] =	vst v62  }
0xe7: {  	s0 =	rddreg [dreg:$0x1e];
	[tilespmem:s11+$0x5E30] =	vst v63  }
0xe8: {  	[spmem:s0] =	stream.linear.scatter [tilespmem:s22], [sflag:$0x1D], $0x1000, $0x38;
	[tilespmem:$0x1F5C0] =	vst v63  }
0xe9: {  	_ =	swait.ge [sflag:s23], $0x1000  }
0xea: {  	[sflag:s23] =	ssyncset.done $0x0  }
0xeb: {  	[sflag:s23] =	ssyncadd.s32 $0xFFFFF000  }
0xec: {  	[bflag:$0x0] =	sbarrier.arrive $0xFFFF  }
0xed: {  	_ =	swait.ge [sflag:s5], $0x180  }
0xee: {  	[sflag:s5] =	ssyncset.done $0x0  }
0xef: {  	s0 =	simm.s32 $0x75C0;
	[sflag:s5] =	ssyncadd.s32 $0xFFFFFE80  }
0xf0: {  	[tilespmem:s0], [sflag:$0x1] =	stream.indirect.gather [spmem:s2], $0x80, s12, s19, $0xb8;
	[tilespmem:$0x1F5C0] =	vst v63  }
0xf1: {  	s17 =	simm.s32 $0x6E40;
	s25 =	simm.s32 $0xF5C0  }
0xf2: {  	[tilespmem:s25], [sflag:$0x5] =	stream.indirect.gather [spmem:s3], $0x80, s17, s19, $0xb8;
	[tilespmem:$0x1F5C0] =	vst v63  }
0xf3: {  	s18 =	simm.s32 $0x6EC0;
	s26 =	simm.s32 $0x175C0;
	s14 =	simm.s32 $0x1A  }
0xf4: {  	[tilespmem:s26], [sflag:$0x9] =	stream.indirect.gather [spmem:s4], $0x80, s18, s19, $0xb8;
	[tilespmem:$0x1F5C0] =	vst v63  }
0xf5: {  	_ =	swait.ge [sflag:s14], $0x180  }
0xf6: {  	[sflag:s14] =	ssyncset.done $0x0  }
0xf7: {  	s20 =	simm.s32 $0x7000;
	s23 =	simm.s32 $0x95C0;
	[sflag:s14] =	ssyncadd.s32 $0xFFFFFE80  }
0xf8: {  	[tilespmem:s23], [sflag:$0x2] =	stream.indirect.gather [spmem:s2], $0x80, s20, s19, $0xb8;
	[tilespmem:$0x1F5C0] =	vst v63  }
0xf9: {  	s29 =	simm.s32 $0x115C0;
	s22 =	simm.s32 $0x7080  }
0xfa: {  	[tilespmem:s29], [sflag:$0x6] =	stream.indirect.gather [spmem:s3], $0x80, s22, s19, $0xb8;
	[tilespmem:$0x1F5C0] =	vst v63  }
0xfb: {  	s24 =	simm.s32 $0x7100;
	s6 =	simm.s32 $0x195C0;
	s17 =	simm.s32 $0x1B  }
0xfc: {  	[tilespmem:s6], [sflag:$0xA] =	stream.indirect.gather [spmem:s4], $0x80, s24, s19, $0xb8;
	[tilespmem:$0x1F5C0] =	vst v63  }
0xfd: {  	_ =	swait.ge [sflag:s17], $0x180  }
0xfe: {  	[sflag:s17] =	ssyncset.done $0x0  }
0xff: {  	s6 =	simm.s32 $0xB5C0;
	[sflag:s17] =	ssyncadd.s32 $0xFFFFFE80  }
0x100: {  	[tilespmem:s6], [sflag:$0x3] =	stream.indirect.gather [spmem:s2], $0x80, s30, s19, $0xb8;
	[tilespmem:$0x1F5C0] =	vst v63  }
0x101: {  	s7 =	simm.s32 $0x7240;
	s8 =	simm.s32 $0x135C0  }
0x102: {  	[tilespmem:s8], [sflag:$0x7] =	stream.indirect.gather [spmem:s3], $0x80, s7, s19, $0xb8;
	[tilespmem:$0x1F5C0] =	vst v63  }
0x103: {  	s9 =	simm.s32 $0x1B5C0;
	s8 =	simm.s32 $0x72C0  }
0x104: {  	[tilespmem:s9], [sflag:$0xB] =	stream.indirect.gather [spmem:s4], $0x80, s8, s19, $0xb8;
	[tilespmem:$0x1F5C0] =	vst v63  }
0x105: {  	s8 =	simm.s32 $0x1C  }
0x106: {  	_ =	swait.ge [sflag:s8], $0x180  }
0x107: {  	[sflag:s8] =	ssyncset.done $0x0  }
0x108: {  	[sflag:s8] =	ssyncadd.s32 $0xFFFFFE80  }
0x109: {  	[tilespmem:s21], [sflag:$0x4] =	stream.indirect.gather [spmem:s2], $0x80, s10, s19, $0xb8;
	[tilespmem:$0x1F5C0] =	vst v63  }
0x10a: {  	s11 =	simm.s32 $0x7480;
	s18 =	simm.s32 $0x155C0  }
0x10b: {  	[tilespmem:s18], [sflag:$0x8] =	stream.indirect.gather [spmem:s3], $0x80, s11, s19, $0xb8;
	[tilespmem:$0x1F5C0] =	vst v63  }
0x10c: {  	s13 =	simm.s32 $0x7500;
	s24 =	simm.s32 $0x1D5C0;
	s21 =	simm.s32 $0x1  }
0x10d: {  	[tilespmem:s24], [sflag:$0xC] =	stream.indirect.gather [spmem:s4], $0x80, s13, s19, $0xb8;
	[tilespmem:$0x1F5C0] =	vst v63  }
0x10e: {  	_ =	swait.ge [sflag:s21], $0x2000  }
0x10f: {  	[sflag:s21] =	ssyncset.done $0x0  }
0x110: {  	s22 =	simm.s32 $0x5;
	[sflag:s21] =	ssyncadd.s32 $0xFFFFE000  }
0x111: {  	_ =	swait.ge [sflag:s22], $0x2000  }
0x112: {  	[sflag:s22] =	ssyncset.done $0x0  }
0x113: {  	s5 =	simm.s32 $0x9;
	[sflag:s22] =	ssyncadd.s32 $0xFFFFE000  }
0x114: {  	_ =	swait.ge [sflag:s5], $0x2000  }
0x115: {  	s7 =	simm.s32 $0x400;
	s6 =	rddreg [dreg:$0x9];
	[sflag:s5] =	ssyncset.done $0x0  }
0x116: {  	s13 =	simm.s32 $0x20;
	[sflag:s5] =	ssyncadd.s32 $0xFFFFE000;
	s5 =	sadd.s32 $0x0, s6  }
0x117: {  	[hbm4b:s5+s31] =	stream.strided.scatter [tilespmem:s0], [sflag:$0xD], $0x2000, s15, s31, $0x38;
	[tilespmem:$0x1F5C0] =	vst v63  }
0x118: {  	s13 =	sand.u32 $0x60, s13;
	s22 =	sand.u32 $0xF000, s7;
	s11 =	sadd.s32 $0x80, s5  }
0x119: {  	[hbm4b:s11+s31] =	stream.strided.scatter [tilespmem:s25], [sflag:$0x11], $0x2000, s15, s31, $0x38;
	[tilespmem:$0x1F5C0] =	vst v63  }
0x11a: {  	s21 =	sor.u32 s13, s22;
	s22 =	simm.s32 $0x2;
	s10 =	sadd.s32 $0x100, s5  }
0x11b: {  	[hbm4b:s10+s31] =	stream.strided.scatter [tilespmem:s26], [sflag:$0x15], $0x2000, s15, s31, $0x38;
	[tilespmem:$0x1F5C0] =	vst v63  }
0x11c: {  	s6 =	sadd.s32 s21, s28;
	s21 =	simm.s32 $0x38000;
	s10 =	simm.s32 $0x80  }
0x11d: {  	[tilespmem:s12], [sflag:$0x19] =	stream.strided.gather [hbm4b:s6+s10], $0x180, s21, s10, $0x38;
	[tilespmem:$0x1F5C0] =	vst v63  }
0x11e: {  	_ =	swait.ge [sflag:s22], $0x2000  }
0x11f: {  	[sflag:s22] =	ssyncset.done $0x0  }
0x120: {  	s7 =	simm.s32 $0x6;
	[sflag:s22] =	ssyncadd.s32 $0xFFFFE000  }
0x121: {  	_ =	swait.ge [sflag:s7], $0x2000  }
0x122: {  	[sflag:s7] =	ssyncset.done $0x0  }
0x123: {  	s11 =	simm.s32 $0xA;
	[sflag:s7] =	ssyncadd.s32 $0xFFFFE000  }
0x124: {  	s7 =	sadd.s32 $0x0, s16;
	_ =	swait.ge [sflag:s11], $0x2000  }
0x125: {  	s13 =	sadd.s32 $0xC00, s7;
	[sflag:s11] =	ssyncset.done $0x0  }
0x126: {  	s22 =	sadd.s32 $0xC00, s5;
	s0 =	sor.u32 $0x80, s13;
	[sflag:s11] =	ssyncadd.s32 $0xFFFFE000  }
0x127: {  	[hbm4b:s22+s31] =	stream.strided.scatter [tilespmem:s23], [sflag:$0xE], $0x2000, s15, s31, $0x38;
	[tilespmem:$0x1F5C0] =	vst v63  }
0x128: {  	s11 =	sor.u32 $0x100, s13;
	s0 =	sadd.s32 s1, s0  }
0x129: {  	[hbm4b:s0+s31] =	stream.strided.scatter [tilespmem:s29], [sflag:$0x12], $0x2000, s15, s31, $0x38;
	[tilespmem:$0x1F5C0] =	vst v63  }
0x12a: {  	s20 =	simm.s32 $0x195C0;
	s11 =	sadd.s32 s1, s11  }
0x12b: {  	[hbm4b:s11+s31] =	stream.strided.scatter [tilespmem:s20], [sflag:$0x16], $0x2000, s15, s31, $0x38;
	[tilespmem:$0x1F5C0] =	vst v63  }
0x12c: {  	s22 =	simm.s32 $0x3;
	s20 =	simm.s32 $0x6FC0  }
0x12d: {  	[tilespmem:s20], [sflag:$0x1A] =	stream.strided.gather [hbm4b:s6+s10], $0x180, s21, s10, $0x38;
	[tilespmem:$0x1F5C0] =	vst v63  }
0x12e: {  	_ =	swait.ge [sflag:s22], $0x2000  }
0x12f: {  	[sflag:s22] =	ssyncset.done $0x0  }
0x130: {  	s6 =	simm.s32 $0x7;
	[sflag:s22] =	ssyncadd.s32 $0xFFFFE000  }
0x131: {  	_ =	swait.ge [sflag:s6], $0x2000  }
0x132: {  	[sflag:s6] =	ssyncset.done $0x0  }
0x133: {  	s11 =	simm.s32 $0xB;
	[sflag:s6] =	ssyncadd.s32 $0xFFFFE000  }
0x134: {  	s22 =	sadd.s32 $0x30000, s7;
	_ =	swait.ge [sflag:s11], $0x2000  }
0x135: {  	s13 =	sadd.s32 $0x30000, s5;
	s6 =	sor.u32 $0x80, s22;
	[sflag:s11] =	ssyncset.done $0x0  }
0x136: {  	s20 =	simm.s32 $0xB5C0;
	s0 =	sadd.s32 s1, s6;
	[sflag:s11] =	ssyncadd.s32 $0xFFFFE000  }
0x137: {  	[hbm4b:s13+s31] =	stream.strided.scatter [tilespmem:s20], [sflag:$0xF], $0x2000, s15, s31, $0x38;
	[tilespmem:$0x1F5C0] =	vst v63  }
0x138: {  	s6 =	simm.s32 $0x135C0;
	s11 =	simm.s32 $0x30;
	s13 =	simm.s32 $0x600  }
0x139: {  	[hbm4b:s0+s31] =	stream.strided.scatter [tilespmem:s6], [sflag:$0x13], $0x2000, s15, s31, $0x38;
	[tilespmem:$0x1F5C0] =	vst v63  }
0x13a: {  	s20 =	sand.u32 $0x70, s11;
	s0 =	sor.u32 $0x100, s22;
	s6 =	sand.u32 $0xF000, s13  }
0x13b: {  	s20 =	sor.u32 s20, s6;
	s0 =	sadd.s32 s1, s0;
	s6 =	simm.s32 $0x1B5C0  }
0x13c: {  	[hbm4b:s0+s31] =	stream.strided.scatter [tilespmem:s6], [sflag:$0x17], $0x2000, s15, s31, $0x38;
	[tilespmem:$0x1F5C0] =	vst v63  }
0x13d: {  	s6 =	sadd.s32 s20, s28;
	s20 =	simm.s32 $0x4  }
0x13e: {  	[tilespmem:s30], [sflag:$0x1B] =	stream.strided.gather [hbm4b:s6+s10], $0x180, s21, s10, $0x38;
	[tilespmem:$0x1F5C0] =	vst v63  }
0x13f: {  	_ =	swait.ge [sflag:s20], $0x2000  }
0x140: {  	[sflag:s20] =	ssyncset.done $0x0  }
0x141: {  	s22 =	simm.s32 $0x8;
	[sflag:s20] =	ssyncadd.s32 $0xFFFFE000  }
0x142: {  	_ =	swait.ge [sflag:s22], $0x2000  }
0x143: {  	[sflag:s22] =	ssyncset.done $0x0  }
0x144: {  	s28 =	simm.s32 $0xC;
	[sflag:s22] =	ssyncadd.s32 $0xFFFFE000  }
0x145: {  	_ =	swait.ge [sflag:s28], $0x2000  }
0x146: {  	s5 =	sadd.s32 $0x30C00, s5;
	s22 =	sadd.s32 $0x30C00, s7;
	[sflag:s28] =	ssyncset.done $0x0  }
0x147: {  	s7 =	sor.u32 $0x80, s22;
	[sflag:s28] =	ssyncadd.s32 $0xFFFFE000;
	s28 =	simm.s32 $0xD5C0  }
0x148: {  	[hbm4b:s5+s31] =	stream.strided.scatter [tilespmem:s28], [sflag:$0x10], $0x2000, s15, s31, $0x38;
	[tilespmem:$0x1F5C0] =	vst v63  }
0x149: {  	s20 =	sadd.s32 s1, s7  }
0x14a: {  	[hbm4b:s20+s31] =	stream.strided.scatter [tilespmem:s18], [sflag:$0x14], $0x2000, s15, s31, $0x38;
	[tilespmem:$0x1F5C0] =	vst v63  }
0x14b: {  	s18 =	sor.u32 $0x100, s22  }
0x14c: {  	s20 =	sadd.s32 s1, s18  }
0x14d: {  	[hbm4b:s20+s31] =	stream.strided.scatter [tilespmem:s24], [sflag:$0x18], $0x2000, s15, s31, $0x38;
	[tilespmem:$0x1F5C0] =	vst v63  }
0x14e: {  	s9 =	simm.s32 $0x19;
	s20 =	simm.s32 $0x73C0  }
0x14f: {  	[tilespmem:s20], [sflag:$0x1C] =	stream.strided.gather [hbm4b:s6+s10], $0x180, s21, s10, $0x38;
	[tilespmem:$0x1F5C0] =	vst v63  }
0x150: {  	_ =	swait.ge [sflag:s9], $0x180  }
0x151: {  	[sflag:s9] =	ssyncset.done $0x0  }
0x152: {  	s22 =	simm.s32 $0xD;
	[sflag:s9] =	ssyncadd.s32 $0xFFFFFE80  }
0x153: {  	_ =	swait.ge [sflag:s22], $0x2000  }
0x154: {  	[sflag:s22] =	ssyncset.done $0x0  }
0x155: {  	s5 =	simm.s32 $0x75C0;
	s24 =	simm.s32 $0x11;
	[sflag:s22] =	ssyncadd.s32 $0xFFFFE000  }
0x156: {  	[tilespmem:s5], [sflag:$0x1] =	stream.indirect.gather [spmem:s2], $0x80, s12, s19, $0xb8;
	[tilespmem:$0x1F5C0] =	vst v63  }
0x157: {  	_ =	swait.ge [sflag:s24], $0x2000  }
0x158: {  	[sflag:s24] =	ssyncset.done $0x0  }
0x159: {  	s7 =	simm.s32 $0x15;
	s6 =	simm.s32 $0x6E40;
	[sflag:s24] =	ssyncadd.s32 $0xFFFFE000  }
0x15a: {  	[tilespmem:s25], [sflag:$0x5] =	stream.indirect.gather [spmem:s3], $0x80, s6, s19, $0xb8;
	[tilespmem:$0x1F5C0] =	vst v63  }
0x15b: {  	_ =	swait.ge [sflag:s7], $0x2000  }
0x15c: {  	[sflag:s7] =	ssyncset.done $0x0  }
0x15d: {  	s18 =	simm.s32 $0x6EC0;
	[sflag:s7] =	ssyncadd.s32 $0xFFFFE000  }
0x15e: {  	[tilespmem:s26], [sflag:$0x9] =	stream.indirect.gather [spmem:s4], $0x80, s18, s19, $0xb8;
	[tilespmem:$0x1F5C0] =	vst v63  }
0x15f: {  	_ =	swait.ge [sflag:s14], $0x180  }
0x160: {  	[sflag:s14] =	ssyncset.done $0x0  }
0x161: {  	s20 =	simm.s32 $0xE;
	[sflag:s14] =	ssyncadd.s32 $0xFFFFFE80  }
0x162: {  	_ =	swait.ge [sflag:s20], $0x2000  }
0x163: {  	[sflag:s20] =	ssyncset.done $0x0  }
0x164: {  	s22 =	simm.s32 $0x7000;
	[sflag:s20] =	ssyncadd.s32 $0xFFFFE000  }
0x165: {  	[tilespmem:s23], [sflag:$0x2] =	stream.indirect.gather [spmem:s2], $0x80, s22, s19, $0xb8;
	[tilespmem:$0x1F5C0] =	vst v63  }
0x166: {  	s23 =	simm.s32 $0x12  }
0x167: {  	_ =	swait.ge [sflag:s23], $0x2000  }
0x168: {  	[sflag:s23] =	ssyncset.done $0x0  }
0x169: {  	s24 =	simm.s32 $0x7080;
	s25 =	simm.s32 $0x16;
	[sflag:s23] =	ssyncadd.s32 $0xFFFFE000  }
0x16a: {  	[tilespmem:s29], [sflag:$0x6] =	stream.indirect.gather [spmem:s3], $0x80, s24, s19, $0xb8;
	[tilespmem:$0x1F5C0] =	vst v63  }
0x16b: {  	_ =	swait.ge [sflag:s25], $0x2000  }
0x16c: {  	[sflag:s25] =	ssyncset.done $0x0  }
0x16d: {  	s26 =	simm.s32 $0x7100;
	s29 =	simm.s32 $0x195C0;
	[sflag:s25] =	ssyncadd.s32 $0xFFFFE000  }
0x16e: {  	[tilespmem:s29], [sflag:$0xA] =	stream.indirect.gather [spmem:s4], $0x80, s26, s19, $0xb8;
	[tilespmem:$0x1F5C0] =	vst v63  }
0x16f: {  	_ =	swait.ge [sflag:s17], $0x180  }
0x170: {  	[sflag:s17] =	ssyncset.done $0x0  }
0x171: {  	s9 =	simm.s32 $0xF;
	[sflag:s17] =	ssyncadd.s32 $0xFFFFFE80  }
0x172: {  	_ =	swait.ge [sflag:s9], $0x2000  }
0x173: {  	[sflag:s9] =	ssyncset.done $0x0  }
0x174: {  	s14 =	simm.s32 $0xB5C0;
	s17 =	simm.s32 $0x13;
	[sflag:s9] =	ssyncadd.s32 $0xFFFFE000  }
0x175: {  	[tilespmem:s14], [sflag:$0x3] =	stream.indirect.gather [spmem:s2], $0x80, s30, s19, $0xb8;
	[tilespmem:$0x1F5C0] =	vst v63  }
0x176: {  	_ =	swait.ge [sflag:s17], $0x2000  }
0x177: {  	s18 =	simm.s32 $0x7240;
	[sflag:s17] =	ssyncset.done $0x0  }
0x178: {  	s20 =	simm.s32 $0x135C0;
	s22 =	simm.s32 $0x17;
	[sflag:s17] =	ssyncadd.s32 $0xFFFFE000  }
0x179: {  	[tilespmem:s20], [sflag:$0x7] =	stream.indirect.gather [spmem:s3], $0x80, s18, s19, $0xb8;
	[tilespmem:$0x1F5C0] =	vst v63  }
0x17a: {  	_ =	swait.ge [sflag:s22], $0x2000  }
0x17b: {  	[sflag:s22] =	ssyncset.done $0x0  }
0x17c: {  	s23 =	simm.s32 $0x72C0;
	s24 =	simm.s32 $0x1B5C0;
	[sflag:s22] =	ssyncadd.s32 $0xFFFFE000  }
0x17d: {  	[tilespmem:s24], [sflag:$0xB] =	stream.indirect.gather [spmem:s4], $0x80, s23, s19, $0xb8;
	[tilespmem:$0x1F5C0] =	vst v63  }
0x17e: {  	_ =	swait.ge [sflag:s8], $0x180  }
0x17f: {  	[sflag:s8] =	ssyncset.done $0x0  }
0x180: {  	s25 =	simm.s32 $0x10;
	[sflag:s8] =	ssyncadd.s32 $0xFFFFFE80  }
0x181: {  	_ =	swait.ge [sflag:s25], $0x2000  }
0x182: {  	[sflag:s25] =	ssyncset.done $0x0  }
0x183: {  	s26 =	simm.s32 $0x7400;
	s29 =	simm.s32 $0x14;
	[sflag:s25] =	ssyncadd.s32 $0xFFFFE000  }
0x184: {  	[tilespmem:s28], [sflag:$0x4] =	stream.indirect.gather [spmem:s2], $0x80, s26, s19, $0xb8;
	[tilespmem:$0x1F5C0] =	vst v63  }
0x185: {  	_ =	swait.ge [sflag:s29], $0x2000  }
0x186: {  	[sflag:s29] =	ssyncset.done $0x0  }
0x187: {  	s0 =	simm.s32 $0x155C0;
	s30 =	simm.s32 $0x7480;
	[sflag:s29] =	ssyncadd.s32 $0xFFFFE000  }
0x188: {  	[tilespmem:s0], [sflag:$0x8] =	stream.indirect.gather [spmem:s3], $0x80, s30, s19, $0xb8;
	[tilespmem:$0x1F5C0] =	vst v63  }
0x189: {  	s0 =	simm.s32 $0x18  }
0x18a: {  	_ =	swait.ge [sflag:s0], $0x2000  }
0x18b: {  	s20 =	simm.s32 $0x60000;
	[sflag:s0] =	ssyncset.done $0x0  }
.LBB2_14:
0x18c: {  	[sflag:s0] =	ssyncadd.s32 $0xFFFFE000  }
0x18d: {  	s26 =	simm.s32 $0x1D5C0;
	s6 =	simm.s32 $0x7500;
	s7 =	simm.s32 $0x1  }
0x18e: {  	[tilespmem:s26], [sflag:$0xC] =	stream.indirect.gather [spmem:s4], $0x80, s6, s19, $0xb8;
	[tilespmem:$0x1F5C0] =	vst v63  }
0x18f: {  	_ =	swait.ge [sflag:s7], $0x2000  }
0x190: {  	[sflag:s7] =	ssyncset.done $0x0  }
0x191: {  	s8 =	simm.s32 $0x5;
	[sflag:s7] =	ssyncadd.s32 $0xFFFFE000  }
0x192: {  	_ =	swait.ge [sflag:s8], $0x2000  }
0x193: {  	s11 =	sadd.s32 $0x20, s11;
	s13 =	sadd.s32 $0x400, s13;
	[sflag:s8] =	ssyncset.done $0x0  }
0x194: {  	s24 =	smov.u32 s20;
	s9 =	simm.s32 $0x9;
	[sflag:s8] =	ssyncadd.s32 $0xFFFFE000  }
0x195: {  	s18 =	simm.s32 $0xF5C0;
	s30 =	sadd.s32 $0xFFFFFFF0, s11;
	_ =	swait.ge [sflag:s9], $0x2000  }
0x196: {  	s14 =	sadd.s32 $0xFFFFFE00, s13;
	s22 =	rddreg [dreg:$0x9];
	[sflag:s9] =	ssyncset.done $0x0  }
0x197: {  	s30 =	sand.u32 $0x60, s30;
	[sflag:s9] =	ssyncadd.s32 $0xFFFFE000;
	s22 =	sadd.s32 s24, s22  }
0x198: {  	[hbm4b:s22+s31] =	stream.strided.scatter [tilespmem:s5], [sflag:$0xD], $0x2000, s15, s31, $0x38;
	[tilespmem:$0x1F5C0] =	vst v63  }
0x199: {  	s0 =	sand.u32 $0xF000, s14;
	s14 =	simm.s32 $0x175C0;
	s28 =	sadd.s32 $0x80, s22  }
0x19a: {  	[hbm4b:s28+s31] =	stream.strided.scatter [tilespmem:s18], [sflag:$0x11], $0x2000, s15, s31, $0x38;
	[tilespmem:$0x1F5C0] =	vst v63  }
0x19b: {  	s0 =	sor.u32 s30, s0;
	s7 =	rddreg [dreg:$0xa];
	s28 =	sadd.s32 $0x100, s22  }
0x19c: {  	[hbm4b:s28+s31] =	stream.strided.scatter [tilespmem:s14], [sflag:$0x15], $0x2000, s15, s31, $0x38;
	[tilespmem:$0x1F5C0] =	vst v63  }
0x19d: {  	s17 =	simm.s32 $0x2;
	s0 =	sadd.s32 s0, s7  }
0x19e: {  	[tilespmem:s12], [sflag:$0x19] =	stream.strided.gather [hbm4b:s0+s10], $0x180, s21, s10, $0x38;
	[tilespmem:$0x1F5C0] =	vst v63  }
0x19f: {  	_ =	swait.ge [sflag:s17], $0x2000  }
0x1a0: {  	[sflag:s17] =	ssyncset.done $0x0  }
0x1a1: {  	s23 =	simm.s32 $0x6;
	[sflag:s17] =	ssyncadd.s32 $0xFFFFE000  }
0x1a2: {  	_ =	swait.ge [sflag:s23], $0x2000  }
0x1a3: {  	[sflag:s23] =	ssyncset.done $0x0  }
0x1a4: {  	s25 =	simm.s32 $0xA;
	[sflag:s23] =	ssyncadd.s32 $0xFFFFE000  }
0x1a5: {  	s24 =	sadd.s32 s24, s16;
	_ =	swait.ge [sflag:s25], $0x2000  }
0x1a6: {  	s30 =	sadd.s32 $0xC00, s22;
	s28 =	sadd.s32 $0xC00, s24;
	[sflag:s25] =	ssyncset.done $0x0  }
0x1a7: {  	s6 =	sor.u32 $0x80, s28;
	s17 =	simm.s32 $0x95C0;
	[sflag:s25] =	ssyncadd.s32 $0xFFFFE000  }
0x1a8: {  	[hbm4b:s30+s31] =	stream.strided.scatter [tilespmem:s17], [sflag:$0xE], $0x2000, s15, s31, $0x38;
	[tilespmem:$0x1F5C0] =	vst v63  }
0x1a9: {  	s28 =	sor.u32 $0x100, s28;
	s5 =	sadd.s32 s1, s6;
	s23 =	simm.s32 $0x115C0  }
0x1aa: {  	[hbm4b:s5+s31] =	stream.strided.scatter [tilespmem:s23], [sflag:$0x12], $0x2000, s15, s31, $0x38;
	[tilespmem:$0x1F5C0] =	vst v63  }
0x1ab: {  	s28 =	sadd.s32 s1, s28;
	s6 =	simm.s32 $0x195C0  }
0x1ac: {  	[hbm4b:s28+s31] =	stream.strided.scatter [tilespmem:s6], [sflag:$0x16], $0x2000, s15, s31, $0x38;
	[tilespmem:$0x1F5C0] =	vst v63  }
0x1ad: {  	s8 =	simm.s32 $0x6FC0  }
0x1ae: {  	[tilespmem:s8], [sflag:$0x1A] =	stream.strided.gather [hbm4b:s0+s10], $0x180, s21, s10, $0x38;
	[tilespmem:$0x1F5C0] =	vst v63  }
0x1af: {  	s8 =	simm.s32 $0x3  }
0x1b0: {  	_ =	swait.ge [sflag:s8], $0x2000  }
0x1b1: {  	[sflag:s8] =	ssyncset.done $0x0  }
0x1b2: {  	s9 =	simm.s32 $0x7;
	[sflag:s8] =	ssyncadd.s32 $0xFFFFE000  }
0x1b3: {  	_ =	swait.ge [sflag:s9], $0x2000  }
0x1b4: {  	[sflag:s9] =	ssyncset.done $0x0  }
0x1b5: {  	s29 =	simm.s32 $0x135C0;
	s12 =	simm.s32 $0xB;
	[sflag:s9] =	ssyncadd.s32 $0xFFFFE000  }
0x1b6: {  	s25 =	sadd.s32 $0x30000, s22;
	s30 =	sadd.s32 $0x30000, s24;
	_ =	swait.ge [sflag:s12], $0x2000  }
0x1b7: {  	s5 =	sor.u32 $0x80, s30;
	s30 =	sor.u32 $0x100, s30;
	[sflag:s12] =	ssyncset.done $0x0  }
0x1b8: {  	s5 =	sadd.s32 s1, s5;
	s8 =	simm.s32 $0xB5C0;
	[sflag:s12] =	ssyncadd.s32 $0xFFFFE000  }
0x1b9: {  	[hbm4b:s25+s31] =	stream.strided.scatter [tilespmem:s8], [sflag:$0xF], $0x2000, s15, s31, $0x38;
	[tilespmem:$0x1F5C0] =	vst v63  }
0x1ba: {  	s0 =	sadd.s32 s1, s30;
	s30 =	sand.u32 $0x70, s11;
	s9 =	sand.u32 $0xF000, s13  }
0x1bb: {  	[hbm4b:s5+s31] =	stream.strided.scatter [tilespmem:s29], [sflag:$0x13], $0x2000, s15, s31, $0x38;
	[tilespmem:$0x1F5C0] =	vst v63  }
0x1bc: {  	s12 =	smov.u32 s16;
	s16 =	sor.u32 s30, s9;
	s25 =	simm.s32 $0x1B5C0  }
0x1bd: {  	[hbm4b:s0+s31] =	stream.strided.scatter [tilespmem:s25], [sflag:$0x17], $0x2000, s15, s31, $0x38;
	[tilespmem:$0x1F5C0] =	vst v63  }
0x1be: {  	s30 =	simm.s32 $0x71C0;
	s0 =	sadd.s32 s16, s7;
	s7 =	simm.s32 $0x4  }
0x1bf: {  	[tilespmem:s30], [sflag:$0x1B] =	stream.strided.gather [hbm4b:s0+s10], $0x180, s21, s10, $0x38;
	[tilespmem:$0x1F5C0] =	vst v63  }
0x1c0: {  	_ =	swait.ge [sflag:s7], $0x2000  }
0x1c1: {  	[sflag:s7] =	ssyncset.done $0x0  }
0x1c2: {  	s9 =	simm.s32 $0x8;
	[sflag:s7] =	ssyncadd.s32 $0xFFFFE000  }
0x1c3: {  	_ =	swait.ge [sflag:s9], $0x2000  }
0x1c4: {  	[sflag:s9] =	ssyncset.done $0x0  }
0x1c5: {  	s16 =	simm.s32 $0xC;
	[sflag:s9] =	ssyncadd.s32 $0xFFFFE000  }
0x1c6: {  	s24 =	sadd.s32 $0x30C00, s24;
	_ =	swait.ge [sflag:s16], $0x2000  }
0x1c7: {  	s28 =	sor.u32 $0x80, s24;
	[sflag:s16] =	ssyncset.done $0x0  }
0x1c8: {  	s5 =	sadd.s32 $0x30C00, s22;
	s9 =	simm.s32 $0xD5C0;
	[sflag:s16] =	ssyncadd.s32 $0xFFFFE000  }
0x1c9: {  	[hbm4b:s5+s31] =	stream.strided.scatter [tilespmem:s9], [sflag:$0x10], $0x2000, s15, s31, $0x38;
	[tilespmem:$0x1F5C0] =	vst v63  }
0x1ca: {  	s24 =	sor.u32 $0x100, s24;
	s22 =	simm.s32 $0x155C0;
	s16 =	sadd.s32 s1, s28  }
0x1cb: {  	[hbm4b:s16+s31] =	stream.strided.scatter [tilespmem:s22], [sflag:$0x14], $0x2000, s15, s31, $0x38;
	[tilespmem:$0x1F5C0] =	vst v63  }
0x1cc: {  	s5 =	sadd.s32 s1, s24  }
0x1cd: {  	[hbm4b:s5+s31] =	stream.strided.scatter [tilespmem:s26], [sflag:$0x18], $0x2000, s15, s31, $0x38;
	[tilespmem:$0x1F5C0] =	vst v63  }
0x1ce: {  	s7 =	simm.s32 $0x73C0;
	s26 =	simm.s32 $0x19  }
0x1cf: {  	[tilespmem:s7], [sflag:$0x1C] =	stream.strided.gather [hbm4b:s0+s10], $0x180, s21, s10, $0x38;
	[tilespmem:$0x1F5C0] =	vst v63  }
0x1d0: {  	_ =	swait.ge [sflag:s26], $0x180  }
0x1d1: {  	[sflag:s26] =	ssyncset.done $0x0  }
0x1d2: {  	s24 =	simm.s32 $0xD;
	[sflag:s26] =	ssyncadd.s32 $0xFFFFFE80  }
0x1d3: {  	_ =	swait.ge [sflag:s24], $0x2000  }
0x1d4: {  	s16 =	smov.u32 s12;
	s12 =	simm.s32 $0x6DC0;
	[sflag:s24] =	ssyncset.done $0x0  }
0x1d5: {  	s5 =	simm.s32 $0x75C0;
	s26 =	simm.s32 $0x11;
	[sflag:s24] =	ssyncadd.s32 $0xFFFFE000  }
0x1d6: {  	[tilespmem:s5], [sflag:$0x1] =	stream.indirect.gather [spmem:s2], $0x80, s12, s19, $0xb8;
	[tilespmem:$0x1F5C0] =	vst v63  }
0x1d7: {  	_ =	swait.ge [sflag:s26], $0x2000  }
0x1d8: {  	[sflag:s26] =	ssyncset.done $0x0  }
0x1d9: {  	[sflag:s26] =	ssyncadd.s32 $0xFFFFE000;
	s26 =	simm.s32 $0x6E40  }
0x1da: {  	[tilespmem:s18], [sflag:$0x5] =	stream.indirect.gather [spmem:s3], $0x80, s26, s19, $0xb8;
	[tilespmem:$0x1F5C0] =	vst v63  }
0x1db: {  	s26 =	simm.s32 $0x15  }
0x1dc: {  	_ =	swait.ge [sflag:s26], $0x2000  }
0x1dd: {  	[sflag:s26] =	ssyncset.done $0x0  }
0x1de: {  	[sflag:s26] =	ssyncadd.s32 $0xFFFFE000;
	s26 =	simm.s32 $0x6EC0  }
0x1df: {  	[tilespmem:s14], [sflag:$0x9] =	stream.indirect.gather [spmem:s4], $0x80, s26, s19, $0xb8;
	[tilespmem:$0x1F5C0] =	vst v63  }
0x1e0: {  	s26 =	simm.s32 $0x1A  }
0x1e1: {  	_ =	swait.ge [sflag:s26], $0x180  }
0x1e2: {  	[sflag:s26] =	ssyncset.done $0x0  }
0x1e3: {  	s18 =	simm.s32 $0xE;
	[sflag:s26] =	ssyncadd.s32 $0xFFFFFE80  }
0x1e4: {  	_ =	swait.ge [sflag:s18], $0x2000  }
0x1e5: {  	[sflag:s18] =	ssyncset.done $0x0  }
0x1e6: {  	s26 =	simm.s32 $0x7000;
	[sflag:s18] =	ssyncadd.s32 $0xFFFFE000  }
0x1e7: {  	[tilespmem:s17], [sflag:$0x2] =	stream.indirect.gather [spmem:s2], $0x80, s26, s19, $0xb8;
	[tilespmem:$0x1F5C0] =	vst v63  }
0x1e8: {  	s17 =	simm.s32 $0x12  }
0x1e9: {  	_ =	swait.ge [sflag:s17], $0x2000  }
0x1ea: {  	[sflag:s17] =	ssyncset.done $0x0  }
0x1eb: {  	s26 =	simm.s32 $0x7080;
	[sflag:s17] =	ssyncadd.s32 $0xFFFFE000  }
0x1ec: {  	[tilespmem:s23], [sflag:$0x6] =	stream.indirect.gather [spmem:s3], $0x80, s26, s19, $0xb8;
	[tilespmem:$0x1F5C0] =	vst v63  }
0x1ed: {  	s23 =	simm.s32 $0x16  }
0x1ee: {  	_ =	swait.ge [sflag:s23], $0x2000  }
0x1ef: {  	[sflag:s23] =	ssyncset.done $0x0  }
0x1f0: {  	s14 =	simm.s32 $0x1B;
	s26 =	simm.s32 $0x7100;
	[sflag:s23] =	ssyncadd.s32 $0xFFFFE000  }
0x1f1: {  	[tilespmem:s6], [sflag:$0xA] =	stream.indirect.gather [spmem:s4], $0x80, s26, s19, $0xb8;
	[tilespmem:$0x1F5C0] =	vst v63  }
0x1f2: {  	_ =	swait.ge [sflag:s14], $0x180  }
0x1f3: {  	[sflag:s14] =	ssyncset.done $0x0  }
0x1f4: {  	s26 =	simm.s32 $0xF;
	[sflag:s14] =	ssyncadd.s32 $0xFFFFFE80  }
0x1f5: {  	_ =	swait.ge [sflag:s26], $0x2000  }
0x1f6: {  	[sflag:s26] =	ssyncset.done $0x0  }
0x1f7: {  	[sflag:s26] =	ssyncadd.s32 $0xFFFFE000  }
0x1f8: {  	[tilespmem:s8], [sflag:$0x3] =	stream.indirect.gather [spmem:s2], $0x80, s30, s19, $0xb8;
	[tilespmem:$0x1F5C0] =	vst v63  }
0x1f9: {  	s8 =	simm.s32 $0x13  }
0x1fa: {  	_ =	swait.ge [sflag:s8], $0x2000  }
0x1fb: {  	[sflag:s8] =	ssyncset.done $0x0  }
0x1fc: {  	s14 =	simm.s32 $0x7240;
	[sflag:s8] =	ssyncadd.s32 $0xFFFFE000  }
0x1fd: {  	[tilespmem:s29], [sflag:$0x7] =	stream.indirect.gather [spmem:s3], $0x80, s14, s19, $0xb8;
	[tilespmem:$0x1F5C0] =	vst v63  }
0x1fe: {  	s14 =	simm.s32 $0x17  }
0x1ff: {  	_ =	swait.ge [sflag:s14], $0x2000  }
0x200: {  	[sflag:s14] =	ssyncset.done $0x0  }
0x201: {  	[sflag:s14] =	ssyncadd.s32 $0xFFFFE000;
	s14 =	simm.s32 $0x72C0  }
0x202: {  	[tilespmem:s25], [sflag:$0xB] =	stream.indirect.gather [spmem:s4], $0x80, s14, s19, $0xb8;
	[tilespmem:$0x1F5C0] =	vst v63  }
0x203: {  	s25 =	simm.s32 $0x1C  }
0x204: {  	_ =	swait.ge [sflag:s25], $0x180  }
0x205: {  	[sflag:s25] =	ssyncset.done $0x0  }
0x206: {  	s14 =	simm.s32 $0x10;
	[sflag:s25] =	ssyncadd.s32 $0xFFFFFE80  }
0x207: {  	p0 =	sne.s32 s20, $0x8A0000;
	s20 =	sadd.s32 $0x60000, s20;
	_ =	swait.ge [sflag:s14], $0x2000  }
0x208: {  	s28 =	simm.s32 $0x175C0;
	s0 =	simm.s32 $0x18;
	[sflag:s14] =	ssyncset.done $0x0  }
0x209: {  	s25 =	simm.s32 $0x7400;
	[sflag:s14] =	ssyncadd.s32 $0xFFFFE000;
	s14 =	simm.s32 $0x14  }
0x20a: {  	[tilespmem:s9], [sflag:$0x4] =	stream.indirect.gather [spmem:s2], $0x80, s25, s19, $0xb8;
	[tilespmem:$0x1F5C0] =	vst v63  }
0x20b: {  	s7 =	simm.s32 $0xF5C0;
	s18 =	simm.s32 $0x95C0;
	_ =	swait.ge [sflag:s14], $0x2000  }
.Ltmp6:
0x20c: {  	s17 =	simm.s32 $0x115C0;
	[sflag:s14] =	ssyncset.done $0x0;
	(pc) =	sbr.rel @p0 .LBB2_14-.Ltmp6, $4  }
0x20d: {  	s23 =	simm.s32 $0x195C0;
	s25 =	simm.s32 $0x7480;
	[sflag:s14] =	ssyncadd.s32 $0xFFFFE000  }
0x20e: {  	[tilespmem:s22], [sflag:$0x8] =	stream.indirect.gather [spmem:s3], $0x80, s25, s19, $0xb8;
	[tilespmem:$0x1F5C0] =	vst v63  }
0x20f: {  	s6 =	simm.s32 $0xD5C0;
	s26 =	simm.s32 $0xB5C0;
	_ =	swait.ge [sflag:s0], $0x2000  }
0x210: {  	s8 =	simm.s32 $0x135C0;
	s29 =	simm.s32 $0x1B5C0;
	[sflag:s0] =	ssyncset.done $0x0  }
0x211: {  	[sflag:s0] =	ssyncadd.s32 $0xFFFFE000  }
0x212: {  	s11 =	simm.s32 $0x1D5C0;
	s9 =	simm.s32 $0x7500;
	s10 =	simm.s32 $0x1  }
0x213: {  	[tilespmem:s11], [sflag:$0xC] =	stream.indirect.gather [spmem:s4], $0x80, s9, s19, $0xb8;
	[tilespmem:$0x1F5C0] =	vst v63  }
0x214: {  	_ =	swait.ge [sflag:s10], $0x2000  }
0x215: {  	[sflag:s10] =	ssyncset.done $0x0  }
0x216: {  	s13 =	simm.s32 $0x5;
	[sflag:s10] =	ssyncadd.s32 $0xFFFFE000  }
0x217: {  	_ =	swait.ge [sflag:s13], $0x2000  }
0x218: {  	[sflag:s13] =	ssyncset.done $0x0  }
0x219: {  	s14 =	simm.s32 $0x9;
	[sflag:s13] =	ssyncadd.s32 $0xFFFFE000  }
0x21a: {  	_ =	swait.ge [sflag:s14], $0x2000  }
0x21b: {  	[sflag:s14] =	ssyncset.done $0x0  }
0x21c: {  	s20 =	rddreg [dreg:$0x1b];
	[sflag:s14] =	ssyncadd.s32 $0xFFFFE000  }
0x21d: {  	[hbm4b:s20+s31] =	stream.strided.scatter [tilespmem:s5], [sflag:$0xD], $0x2000, s15, s31, $0x38;
	[tilespmem:$0x1F5C0] =	vst v63  }
0x21e: {  	s21 =	rddreg [dreg:$0x15]  }
0x21f: {  	[hbm4b:s21+s31] =	stream.strided.scatter [tilespmem:s7], [sflag:$0x11], $0x2000, s15, s31, $0x38;
	[tilespmem:$0x1F5C0] =	vst v63  }
0x220: {  	s25 =	rddreg [dreg:$0x16];
	s5 =	simm.s32 $0x2  }
0x221: {  	[hbm4b:s25+s31] =	stream.strided.scatter [tilespmem:s28], [sflag:$0x15], $0x2000, s15, s31, $0x38;
	[tilespmem:$0x1F5C0] =	vst v63  }
0x222: {  	_ =	swait.ge [sflag:s5], $0x2000  }
0x223: {  	[sflag:s5] =	ssyncset.done $0x0  }
0x224: {  	s7 =	simm.s32 $0x6;
	[sflag:s5] =	ssyncadd.s32 $0xFFFFE000  }
0x225: {  	_ =	swait.ge [sflag:s7], $0x2000  }
0x226: {  	[sflag:s7] =	ssyncset.done $0x0  }
0x227: {  	s9 =	simm.s32 $0xA;
	[sflag:s7] =	ssyncadd.s32 $0xFFFFE000  }
0x228: {  	_ =	swait.ge [sflag:s9], $0x2000  }
0x229: {  	[sflag:s9] =	ssyncset.done $0x0  }
0x22a: {  	s13 =	rddreg [dreg:$0x17];
	[sflag:s9] =	ssyncadd.s32 $0xFFFFE000  }
0x22b: {  	[hbm4b:s13+s31] =	stream.strided.scatter [tilespmem:s18], [sflag:$0xE], $0x2000, s15, s31, $0x38;
	[tilespmem:$0x1F5C0] =	vst v63  }
0x22c: {  	s14 =	rddreg [dreg:$0x19]  }
0x22d: {  	[hbm4b:s14+s31] =	stream.strided.scatter [tilespmem:s17], [sflag:$0x12], $0x2000, s15, s31, $0x38;
	[tilespmem:$0x1F5C0] =	vst v63  }
0x22e: {  	s18 =	simm.s32 $0x3;
	s17 =	rddreg [dreg:$0x1a]  }
0x22f: {  	[hbm4b:s17+s31] =	stream.strided.scatter [tilespmem:s23], [sflag:$0x16], $0x2000, s15, s31, $0x38;
	[tilespmem:$0x1F5C0] =	vst v63  }
0x230: {  	_ =	swait.ge [sflag:s18], $0x2000  }
0x231: {  	[sflag:s18] =	ssyncset.done $0x0  }
0x232: {  	s20 =	simm.s32 $0x7;
	[sflag:s18] =	ssyncadd.s32 $0xFFFFE000  }
0x233: {  	_ =	swait.ge [sflag:s20], $0x2000  }
0x234: {  	[sflag:s20] =	ssyncset.done $0x0  }
0x235: {  	s21 =	simm.s32 $0xB;
	[sflag:s20] =	ssyncadd.s32 $0xFFFFE000  }
0x236: {  	_ =	swait.ge [sflag:s21], $0x2000  }
0x237: {  	[sflag:s21] =	ssyncset.done $0x0  }
0x238: {  	s23 =	rddreg [dreg:$0x1c];
	[sflag:s21] =	ssyncadd.s32 $0xFFFFE000  }
0x239: {  	[hbm4b:s23+s31] =	stream.strided.scatter [tilespmem:s26], [sflag:$0xF], $0x2000, s15, s31, $0x38;
	[tilespmem:$0x1F5C0] =	vst v63  }
0x23a: {  	s25 =	rddreg [dreg:$0x1d]  }
0x23b: {  	[hbm4b:s25+s31] =	stream.strided.scatter [tilespmem:s8], [sflag:$0x13], $0x2000, s15, s31, $0x38;
	[tilespmem:$0x1F5C0] =	vst v63  }
0x23c: {  	s28 =	simm.s32 $0x4;
	s26 =	rddreg [dreg:$0x1f]  }
0x23d: {  	[hbm4b:s26+s31] =	stream.strided.scatter [tilespmem:s29], [sflag:$0x17], $0x2000, s15, s31, $0x38;
	[tilespmem:$0x1F5C0] =	vst v63  }
0x23e: {  	_ =	swait.ge [sflag:s28], $0x2000  }
0x23f: {  	[sflag:s28] =	ssyncset.done $0x0  }
0x240: {  	s29 =	simm.s32 $0x8;
	[sflag:s28] =	ssyncadd.s32 $0xFFFFE000  }
0x241: {  	_ =	swait.ge [sflag:s29], $0x2000  }
0x242: {  	[sflag:s29] =	ssyncset.done $0x0  }
0x243: {  	s5 =	simm.s32 $0xC;
	[sflag:s29] =	ssyncadd.s32 $0xFFFFE000  }
0x244: {  	_ =	swait.ge [sflag:s5], $0x2000  }
0x245: {  	s7 =	sld [smem:$0x7F9]  }
0x246: {  	[sflag:s5] =	ssyncset.done $0x0  }
0x247: {  	s8 =	sld [smem:$0x7FA];
	[sflag:s5] =	ssyncadd.s32 $0xFFFFE000  }
0x248: {  	[hbm4b:s7+s31] =	stream.strided.scatter [tilespmem:s6], [sflag:$0x10], $0x2000, s15, s31, $0x38;
	[tilespmem:$0x1F5C0] =	vst v63  }
0x249: {  	s9 =	sld [smem:$0x7FB]  }
0x24a: {  	[hbm4b:s8+s31] =	stream.strided.scatter [tilespmem:s22], [sflag:$0x14], $0x2000, s15, s31, $0x38;
	[tilespmem:$0x1F5C0] =	vst v63  }
0x24b: {  	_ = 	snop  }
0x24c: {  	[hbm4b:s9+s31] =	stream.strided.scatter [tilespmem:s11], [sflag:$0x18], $0x2000, s15, s31, $0x38;
	[tilespmem:$0x1F5C0] =	vst v63  }
0x24d: {  	_ =	swait.ge [sflag:s24], $0x2000  }
0x24e: {  	[sflag:s24] =	ssyncset.done $0x0  }
0x24f: {  	s13 =	simm.s32 $0x11;
	[sflag:s24] =	ssyncadd.s32 $0xFFFFE000  }
0x250: {  	_ =	swait.ge [sflag:s13], $0x2000  }
0x251: {  	[sflag:s13] =	ssyncset.done $0x0  }
0x252: {  	s14 =	simm.s32 $0x15;
	[sflag:s13] =	ssyncadd.s32 $0xFFFFE000  }
0x253: {  	_ =	swait.ge [sflag:s14], $0x2000  }
0x254: {  	[sflag:s14] =	ssyncset.done $0x0  }
0x255: {  	s17 =	simm.s32 $0xE;
	[sflag:s14] =	ssyncadd.s32 $0xFFFFE000  }
0x256: {  	_ =	swait.ge [sflag:s17], $0x2000  }
0x257: {  	[sflag:s17] =	ssyncset.done $0x0  }
0x258: {  	s18 =	simm.s32 $0x12;
	[sflag:s17] =	ssyncadd.s32 $0xFFFFE000  }
0x259: {  	_ =	swait.ge [sflag:s18], $0x2000  }
0x25a: {  	[sflag:s18] =	ssyncset.done $0x0  }
0x25b: {  	s20 =	simm.s32 $0x16;
	[sflag:s18] =	ssyncadd.s32 $0xFFFFE000  }
0x25c: {  	_ =	swait.ge [sflag:s20], $0x2000  }
0x25d: {  	[sflag:s20] =	ssyncset.done $0x0  }
0x25e: {  	s21 =	simm.s32 $0xF;
	[sflag:s20] =	ssyncadd.s32 $0xFFFFE000  }
0x25f: {  	_ =	swait.ge [sflag:s21], $0x2000  }
0x260: {  	[sflag:s21] =	ssyncset.done $0x0  }
0x261: {  	s22 =	simm.s32 $0x13;
	[sflag:s21] =	ssyncadd.s32 $0xFFFFE000  }
0x262: {  	_ =	swait.ge [sflag:s22], $0x2000  }
0x263: {  	[sflag:s22] =	ssyncset.done $0x0  }
0x264: {  	s23 =	simm.s32 $0x17;
	[sflag:s22] =	ssyncadd.s32 $0xFFFFE000  }
0x265: {  	_ =	swait.ge [sflag:s23], $0x2000  }
0x266: {  	[sflag:s23] =	ssyncset.done $0x0  }
0x267: {  	s24 =	simm.s32 $0x10;
	[sflag:s23] =	ssyncadd.s32 $0xFFFFE000  }
0x268: {  	_ =	swait.ge [sflag:s24], $0x2000  }
0x269: {  	[sflag:s24] =	ssyncset.done $0x0  }
0x26a: {  	s25 =	simm.s32 $0x14;
	[sflag:s24] =	ssyncadd.s32 $0xFFFFE000  }
0x26b: {  	_ =	swait.ge [sflag:s25], $0x2000  }
0x26c: {  	[sflag:s25] =	ssyncset.done $0x0  }
0x26d: {  	s10 =	simm.s32 $0x18;
	[sflag:s25] =	ssyncadd.s32 $0xFFFFE000  }
0x26e: {  	_ =	swait.ge [sflag:s10], $0x2000  }
0x26f: {  	s26 =	sld [smem:$0x7F8]  }
0x270: {  	s28 =	sld [smem:$0x7FC];
	_ =	sdelay $0x1  }
0x271: {  	s8 =	sadd.s32 $0x1, s26  }
0x272: {  	p0 =	sne.s32 s8, s28  }
.Ltmp7:
0x273: {  	_ = 	snop;
	(pc) =	sbr.rel @p0 .LBB2_1-.Ltmp7, $4  }
0x274: {  	s0 =	simm.s32 $0x6FC0;
	s29 =	simm.s32 $0x18  }
0x275: {  	s5 =	simm.s32 $0x80;
	s6 =	simm.s32 $0x38000;
	s21 =	simm.s32 $0xD5C0  }
0x276: {  	s22 =	simm.s32 $0x5DC0;
	s23 =	simm.s32 $0x1D;
	[sflag:s10] =	ssyncset.done $0x0  }
0x277: {  	s7 =	rddreg [dreg:$0xa];
	s10 =	simm.s32 $0x7400;
	[sflag:s29] =	ssyncadd.s32 $0xFFFFE000  }
0x278: {  	_ =	sfence.sel $0x180000  }
0x279: {  	[bflag:$0x0] =	sbarrier.arrive $0xFFFF  }
0x27a: {  	_ =	strace $0x90000047  }
0x27b: {  	s0 =	stileid.u32;
	[bflag:$0x2] =	sbarrier.arrive $0xFFFF  }
0x27c: {  	p0 =	sne.s32 s0, $0x0;
	s0 =	rddreg [dreg:$0x8]  }
0x27d: {  	s0 =	sadd.s32 @!p0 $0x100000, s0  }
0x27e: {  	[sflag:s0] =	ssyncadd.tile.s32 @!p0 $0x1;
	_ =	shalt  }
.Lfunc_end2:
_tile_overlayer_lowered:
.L_overlay_start_2:
0x27f: {  	(tag) =	ssettag $0x2  }
0x280: {  	s0 =	rddreg [dreg:$0x0];
	s2 =	stileid.u32  }
0x281: {  	s1 =	rddreg [dreg:$0x1];
	p0 =	sne.s32 s2, $0x0  }
0x282: {  	s3 =	rddreg [dreg:$0x2];
	[bflag:$0x3] =	sbarrier.arrive $0xFFFF;
	s2 =	simm.s32 @!p0 $0x1C1D  }
0x283: {  	[timem:s3], [sflag:s2] =	dma.local @!p0 [hbm:s0], s1  }
0x284: {  	s0 =	simm.s32 @!p0 $0x1D  }
0x285: {  	_ =	swait.ge @!p0 [sflag:s0], s1  }
0x286: {  	s1 =	ssub.s32 @!p0 $0x0, s1;
	[sflag:s0] =	ssyncset.done @!p0 $0x0  }
0x287: {  	[sflag:s0] =	ssyncadd.s32 @!p0 s1  }
0x288: {  	[bflag:$0x3] =	sbarrier.arrive $0xFFFF  }
0x289: {  	_ =	shalt  }

</sc_bundles>
